<compile_context>
chip_gen: v7x
topology: tpu7x:2x2x1
jax: 0.10.2.dev20260603
libtpu: 0.0.44.dev20260713+nightly
codegen_flags: <defaults>
</compile_context>

<pallas_src>
import functools

import jax
import jax.numpy as jnp
from jax import lax
from jax.experimental import pallas as pl
from jax.experimental.pallas import tpu as pltpu
from jax.experimental.pallas import tpu_sc as plsc

DIM = 32
NROW = 16384
SEQ = 50

_info = plsc.get_sparse_core_info()
_NC, _NS = _info.num_cores, _info.num_subcores
NW = _NC * _NS
ROWS_PER_W = NROW // NW
NBUF = 4
CROWS = 16
NCHUNK = ROWS_PER_W // CROWS

_mesh = plsc.VectorSubcoreMesh(core_axis_name="c", subcore_axis_name="s")


@functools.partial(
    pl.kernel,
    mesh=_mesh,
    out_type=jax.ShapeDtypeStruct((NROW, SEQ, DIM), jnp.float32),
    scratch_types=[
        pltpu.VMEM((ROWS_PER_W, SEQ), jnp.int32),
        *[pltpu.VMEM((CROWS, SEQ, DIM), jnp.float32) for _ in range(NBUF)],
        *[pltpu.SemaphoreType.DMA for _ in range(2 * NBUF)],
    ],
    compiler_params=pltpu.CompilerParams(use_tc_tiling_on_sc=False),
)
def _gather_kernel(idx_hbm, table_hbm, out_hbm, idx_v, *bufs_and_sems):
    rows = bufs_and_sems[:NBUF]
    sem_g = bufs_and_sems[NBUF:2 * NBUF]
    sem_o = bufs_and_sems[2 * NBUF:]
    wid = lax.axis_index("s") * _NC + lax.axis_index("c")
    base_row = wid * ROWS_PER_W

    pltpu.sync_copy(idx_hbm.at[pl.ds(base_row, ROWS_PER_W)], idx_v)

    def fire_gathers(i, b):
        def body(k, carry):
            pltpu.make_async_copy(
                table_hbm.at[idx_v.at[i * CROWS + k]], rows[b].at[k], sem_g[b]
            ).start()
            return carry
        lax.fori_loop(0, CROWS, body, 0)

    def wait_gathers(b):
        def body(k, carry):
            pltpu.make_async_copy(
                table_hbm.at[idx_v.at[k]], rows[b].at[k], sem_g[b]).wait()
            return carry
        lax.fori_loop(0, CROWS, body, 0)

    sd = [None] * NCHUNK

    for i in range(NBUF):
        fire_gathers(i, i)

    for i in range(NCHUNK):
        b = i % NBUF
        wait_gathers(b)
        sd[i] = pltpu.async_copy(
            rows[b], out_hbm.at[pl.ds(base_row + i * CROWS, CROWS)], sem_o[b])
        ni = i + NBUF - 1
        if i >= 1 and ni < NCHUNK:
            sd[i - 1].wait()
            fire_gathers(ni, (i - 1) % NBUF)

    for i in range(NCHUNK - NBUF, NCHUNK):
        sd[i].wait()


def kernel(substructure_indices, embedding_table):
    return _gather_kernel(substructure_indices.astype(jnp.int32), embedding_table)

# --- scband reference (transcript-rebuilt; emitter-appended) ---
"""Pipeline reference for scband-substructure-embedding-layer-42073499631970 (READ-ONLY COPY).

The authoritative reference and input builder live on the scoring server;
editing this copy changes nothing except your own understanding.
"""

import jax, jax.numpy as jnp
import numpy as np

NUM_SUBSTRUCTURES = 1000000
EMBEDDING_DIM = 32

def setup_inputs(seed: int = 0) -> dict:
    key = jax.random.key(seed)
    k_idx, k_tab = jax.random.split(key)
    substructure_indices = jax.random.randint(k_idx, (16384, 50), 0, NUM_SUBSTRUCTURES, dtype=jnp.int64 if jax.config.jax_enable_x64 else jnp.int32)
    embedding_table = jax.random.normal(k_tab, (NUM_SUBSTRUCTURES, EMBEDDING_DIM), dtype=jnp.float32)
    return {"substructure_indices": substructure_indices, "embedding_table": embedding_table}

def reference(substructure_indices, embedding_table):
    # nn.Embedding forward == row gather from the table
    return jnp.take(embedding_table, substructure_indices, axis=0)

if __name__ == "__main__":
    import jax
    _d = setup_inputs()
    print(jax.jit(kernel)(*tuple(_d.values())))

</pallas_src>

<mosaic_0001>
#map = affine_map<(d0, d1) -> (0, 0)>
#map1 = affine_map<(d0, d1) -> (0, 0, 0)>
module attributes {stable_mosaic.version = 14 : i64} {
  func.func @_gather_kernel(%arg0: i32, %arg1: i32, %arg2: memref<16384x50xi32, #tpu.memory_space<hbm>>, %arg3: memref<1000000x32xf32, #tpu.memory_space<hbm>>, %arg4: memref<16384x50x32xf32, #tpu.memory_space<hbm>>, %arg5: memref<512x50xi32, #tpu.memory_space<vmem>>, %arg6: memref<16x50x32xf32, #tpu.memory_space<vmem>>, %arg7: memref<16x50x32xf32, #tpu.memory_space<vmem>>, %arg8: memref<16x50x32xf32, #tpu.memory_space<vmem>>, %arg9: memref<16x50x32xf32, #tpu.memory_space<vmem>>, %arg10: memref<!tpu.dma_semaphore, #tpu.memory_space<semaphore_mem>>, %arg11: memref<!tpu.dma_semaphore, #tpu.memory_space<semaphore_mem>>, %arg12: memref<!tpu.dma_semaphore, #tpu.memory_space<semaphore_mem>>, %arg13: memref<!tpu.dma_semaphore, #tpu.memory_space<semaphore_mem>>, %arg14: memref<!tpu.dma_semaphore, #tpu.memory_space<semaphore_mem>>, %arg15: memref<!tpu.dma_semaphore, #tpu.memory_space<semaphore_mem>>, %arg16: memref<!tpu.dma_semaphore, #tpu.memory_space<semaphore_mem>>, %arg17: memref<!tpu.dma_semaphore, #tpu.memory_space<semaphore_mem>>) attributes {dimension_semantics = [#tpu.dimension_semantics<core_parallel>, #tpu.dimension_semantics<subcore_parallel>], iteration_bounds = array<i64: 2, 16>, scalar_prefetch = 0 : i64, scratch_operands = 13 : i64, tpu.core_type = #tpu.core_type<sc_vector_subcore>, window_params = [{transform_indices = #map}, {transform_indices = #map}, {transform_indices = #map1}]} {
    %mul3A = arith.constant 2 : i32
    %mul3A_0 = arith.muli %arg1, %mul3A : i32
    %add3A = arith.addi %mul3A_0, %arg0 : i32
    %mul3A_1 = arith.constant 512 : i32
    %mul3A_2 = arith.muli %add3A, %mul3A_1 : i32
    "tpu.region"() ({
      %run_scoped3A = tpu.sem_alloc : memref<!tpu.dma_semaphore, #tpu.memory_space<semaphore_mem>>
      %dma_start3A_832 = arith.constant 0 : i32
      %dma_start3A_833 = tpu.memref_slice %arg2[%mul3A_2, %dma_start3A_832] : memref<16384x50xi32, #tpu.memory_space<hbm>> -> memref<512x50xi32, #tpu.memory_space<hbm>>
      %dma_start3A_834 = arith.constant 0 : i32
      %dma_start3A_835 = tpu.memref_slice %arg2[%mul3A_2, %dma_start3A_834] : memref<16384x50xi32, #tpu.memory_space<hbm>> -> memref<512x50xi32, #tpu.memory_space<hbm>>
      tpu.enqueue_dma source(%dma_start3A_835 : memref<512x50xi32, #tpu.memory_space<hbm>>) target(%arg5 : memref<512x50xi32, #tpu.memory_space<vmem>>) target_semaphore(%run_scoped3A : memref<!tpu.dma_semaphore, #tpu.memory_space<semaphore_mem>>)
      %dma_wait3A_836 = arith.constant 0 : i32
      %dma_wait3A_837 = tpu.memref_slice %arg2[%mul3A_2, %dma_wait3A_836] : memref<16384x50xi32, #tpu.memory_space<hbm>> -> memref<512x50xi32, #tpu.memory_space<hbm>>
      %dma_wait3A_838 = arith.constant 0 : i32
      %dma_wait3A_839 = tpu.memref_slice %arg2[%mul3A_2, %dma_wait3A_838] : memref<16384x50xi32, #tpu.memory_space<hbm>> -> memref<512x50xi32, #tpu.memory_space<hbm>>
      tpu.wait_dma2 semaphore(%run_scoped3A : memref<!tpu.dma_semaphore, #tpu.memory_space<semaphore_mem>>) src(%dma_wait3A_839 : memref<512x50xi32, #tpu.memory_space<hbm>>) dst(%arg5 : memref<512x50xi32, #tpu.memory_space<vmem>>)
      tpu.yield
    }) : () -> ()
    %scan3A = arith.constant 0 : i32
    %scan3A_3 = arith.constant 0 : i32
    %scan3A_4 = arith.constant 16 : i32
    %scan3A_5 = arith.addi %scan3A_3, %scan3A_4 : i32
    %scan3A_6 = arith.constant 1 : i32
    scf.for %scan3A_832 = %scan3A_3 to %scan3A_5 step %scan3A_6  : i32 {
      %add3A_833 = arith.constant 0 : i32
      %add3A_834 = arith.addi %add3A_833, %scan3A_832 : i32
      %dma_start3A_835 = arith.constant 0 : i32
      %dma_start3A_836 = arith.constant 0 : i32
      %dma_start3A_837 = tpu.memref_slice %arg6[%scan3A_832, %dma_start3A_835, %dma_start3A_836] : memref<16x50x32xf32, #tpu.memory_space<vmem>> -> memref<1x50x32xf32, #tpu.memory_space<vmem>>
      %dma_start3A_838 = tpu.memref_squeeze %dma_start3A_837 : memref<1x50x32xf32, #tpu.memory_space<vmem>> -> memref<50x32xf32, #tpu.memory_space<vmem>>
      %dma_start3A_839 = arith.constant 0 : i32
      %dma_start3A_840 = tpu.memref_slice %arg5[%add3A_834, %dma_start3A_839] : memref<512x50xi32, #tpu.memory_space<vmem>> -> memref<1x50xi32, #tpu.memory_space<vmem>>
      %dma_start3A_841 = tpu.memref_squeeze %dma_start3A_840 : memref<1x50xi32, #tpu.memory_space<vmem>> -> memref<50xi32, #tpu.memory_space<vmem>>
      %dma_start3A_842 = arith.constant 0 : i32
      %dma_start3A_843 = arith.constant 0 : i32
      %dma_start3A_844 = tpu.memref_slice %arg3[%dma_start3A_842, %dma_start3A_843] : memref<1000000x32xf32, #tpu.memory_space<hbm>> -> memref<1000000x32xf32, #tpu.memory_space<hbm>>
      tpu.enqueue_indirect_dma source(%dma_start3A_844 : memref<1000000x32xf32, #tpu.memory_space<hbm>>) target(%dma_start3A_838 : memref<50x32xf32, #tpu.memory_space<vmem>>) offsets(%dma_start3A_841 : memref<50xi32, #tpu.memory_space<vmem>>) semaphore(%arg10 : memref<!tpu.dma_semaphore, #tpu.memory_space<semaphore_mem>>)
    }
    %scan3A_7 = arith.constant 16 : i32
    %scan3A_8 = arith.constant 0 : i32
    %scan3A_9 = arith.constant 0 : i32
    %scan3A_10 = arith.constant 16 : i32
    %scan3A_11 = arith.addi %scan3A_9, %scan3A_10 : i32
    %scan3A_12 = arith.constant 1 : i32
    scf.for %scan3A_832 = %scan3A_9 to %scan3A_11 step %scan3A_12  : i32 {
      %add3A_833 = arith.constant 16 : i32
      %add3A_834 = arith.addi %add3A_833, %scan3A_832 : i32
      %dma_start3A_835 = arith.constant 0 : i32
      %dma_start3A_836 = arith.constant 0 : i32
      %dma_start3A_837 = tpu.memref_slice %arg7[%scan3A_832, %dma_start3A_835, %dma_start3A_836] : memref<16x50x32xf32, #tpu.memory_space<vmem>> -> memref<1x50x32xf32, #tpu.memory_space<vmem>>
      %dma_start3A_838 = tpu.memref_squeeze %dma_start3A_837 : memref<1x50x32xf32, #tpu.memory_space<vmem>> -> memref<50x32xf32, #tpu.memory_space<vmem>>
      %dma_start3A_839 = arith.constant 0 : i32
      %dma_start3A_840 = tpu.memref_slice %arg5[%add3A_834, %dma_start3A_839] : memref<512x50xi32, #tpu.memory_space<vmem>> -> memref<1x50xi32, #tpu.memory_space<vmem>>
      %dma_start3A_841 = tpu.memref_squeeze %dma_start3A_840 : memref<1x50xi32, #tpu.memory_space<vmem>> -> memref<50xi32, #tpu.memory_space<vmem>>
      %dma_start3A_842 = arith.constant 0 : i32
      %dma_start3A_843 = arith.constant 0 : i32
      %dma_start3A_844 = tpu.memref_slice %arg3[%dma_start3A_842, %dma_start3A_843] : memref<1000000x32xf32, #tpu.memory_space<hbm>> -> memref<1000000x32xf32, #tpu.memory_space<hbm>>
      tpu.enqueue_indirect_dma source(%dma_start3A_844 : memref<1000000x32xf32, #tpu.memory_space<hbm>>) target(%dma_start3A_838 : memref<50x32xf32, #tpu.memory_space<vmem>>) offsets(%dma_start3A_841 : memref<50xi32, #tpu.memory_space<vmem>>) semaphore(%arg11 : memref<!tpu.dma_semaphore, #tpu.memory_space<semaphore_mem>>)
    }
    %scan3A_13 = arith.constant 16 : i32
    %scan3A_14 = arith.constant 0 : i32
    %scan3A_15 = arith.constant 0 : i32
    %scan3A_16 = arith.constant 16 : i32
    %scan3A_17 = arith.addi %scan3A_15, %scan3A_16 : i32
    %scan3A_18 = arith.constant 1 : i32
    scf.for %scan3A_832 = %scan3A_15 to %scan3A_17 step %scan3A_18  : i32 {
      %add3A_833 = arith.constant 32 : i32
      %add3A_834 = arith.addi %add3A_833, %scan3A_832 : i32
      %dma_start3A_835 = arith.constant 0 : i32
      %dma_start3A_836 = arith.constant 0 : i32
      %dma_start3A_837 = tpu.memref_slice %arg8[%scan3A_832, %dma_start3A_835, %dma_start3A_836] : memref<16x50x32xf32, #tpu.memory_space<vmem>> -> memref<1x50x32xf32, #tpu.memory_space<vmem>>
      %dma_start3A_838 = tpu.memref_squeeze %dma_start3A_837 : memref<1x50x32xf32, #tpu.memory_space<vmem>> -> memref<50x32xf32, #tpu.memory_space<vmem>>
      %dma_start3A_839 = arith.constant 0 : i32
      %dma_start3A_840 = tpu.memref_slice %arg5[%add3A_834, %dma_start3A_839] : memref<512x50xi32, #tpu.memory_space<vmem>> -> memref<1x50xi32, #tpu.memory_space<vmem>>
      %dma_start3A_841 = tpu.memref_squeeze %dma_start3A_840 : memref<1x50xi32, #tpu.memory_space<vmem>> -> memref<50xi32, #tpu.memory_space<vmem>>
      %dma_start3A_842 = arith.constant 0 : i32
      %dma_start3A_843 = arith.constant 0 : i32
      %dma_start3A_844 = tpu.memref_slice %arg3[%dma_start3A_842, %dma_start3A_843] : memref<1000000x32xf32, #tpu.memory_space<hbm>> -> memref<1000000x32xf32, #tpu.memory_space<hbm>>
      tpu.enqueue_indirect_dma source(%dma_start3A_844 : memref<1000000x32xf32, #tpu.memory_space<hbm>>) target(%dma_start3A_838 : memref<50x32xf32, #tpu.memory_space<vmem>>) offsets(%dma_start3A_841 : memref<50xi32, #tpu.memory_space<vmem>>) semaphore(%arg12 : memref<!tpu.dma_semaphore, #tpu.memory_space<semaphore_mem>>)
    }
    %scan3A_19 = arith.constant 16 : i32
    %scan3A_20 = arith.constant 0 : i32
    %scan3A_21 = arith.constant 0 : i32
    %scan3A_22 = arith.constant 16 : i32
    %scan3A_23 = arith.addi %scan3A_21, %scan3A_22 : i32
    %scan3A_24 = arith.constant 1 : i32
    scf.for %scan3A_832 = %scan3A_21 to %scan3A_23 step %scan3A_24  : i32 {
      %add3A_833 = arith.constant 48 : i32
      %add3A_834 = arith.addi %add3A_833, %scan3A_832 : i32
      %dma_start3A_835 = arith.constant 0 : i32
      %dma_start3A_836 = arith.constant 0 : i32
      %dma_start3A_837 = tpu.memref_slice %arg9[%scan3A_832, %dma_start3A_835, %dma_start3A_836] : memref<16x50x32xf32, #tpu.memory_space<vmem>> -> memref<1x50x32xf32, #tpu.memory_space<vmem>>
      %dma_start3A_838 = tpu.memref_squeeze %dma_start3A_837 : memref<1x50x32xf32, #tpu.memory_space<vmem>> -> memref<50x32xf32, #tpu.memory_space<vmem>>
      %dma_start3A_839 = arith.constant 0 : i32
      %dma_start3A_840 = tpu.memref_slice %arg5[%add3A_834, %dma_start3A_839] : memref<512x50xi32, #tpu.memory_space<vmem>> -> memref<1x50xi32, #tpu.memory_space<vmem>>
      %dma_start3A_841 = tpu.memref_squeeze %dma_start3A_840 : memref<1x50xi32, #tpu.memory_space<vmem>> -> memref<50xi32, #tpu.memory_space<vmem>>
      %dma_start3A_842 = arith.constant 0 : i32
      %dma_start3A_843 = arith.constant 0 : i32
      %dma_start3A_844 = tpu.memref_slice %arg3[%dma_start3A_842, %dma_start3A_843] : memref<1000000x32xf32, #tpu.memory_space<hbm>> -> memref<1000000x32xf32, #tpu.memory_space<hbm>>
      tpu.enqueue_indirect_dma source(%dma_start3A_844 : memref<1000000x32xf32, #tpu.memory_space<hbm>>) target(%dma_start3A_838 : memref<50x32xf32, #tpu.memory_space<vmem>>) offsets(%dma_start3A_841 : memref<50xi32, #tpu.memory_space<vmem>>) semaphore(%arg13 : memref<!tpu.dma_semaphore, #tpu.memory_space<semaphore_mem>>)
    }
    %scan3A_25 = arith.constant 16 : i32
    %scan3A_26 = arith.constant 0 : i32
    %scan3A_27 = arith.constant 0 : i32
    %scan3A_28 = arith.constant 16 : i32
    %scan3A_29 = arith.addi %scan3A_27, %scan3A_28 : i32
    %scan3A_30 = arith.constant 1 : i32
    scf.for %scan3A_832 = %scan3A_27 to %scan3A_29 step %scan3A_30  : i32 {
      %dma_wait3A_833 = arith.constant 0 : i32
      %dma_wait3A_834 = arith.constant 0 : i32
      %dma_wait3A_835 = tpu.memref_slice %arg6[%scan3A_832, %dma_wait3A_833, %dma_wait3A_834] : memref<16x50x32xf32, #tpu.memory_space<vmem>> -> memref<1x50x32xf32, #tpu.memory_space<vmem>>
      %dma_wait3A_836 = tpu.memref_squeeze %dma_wait3A_835 : memref<1x50x32xf32, #tpu.memory_space<vmem>> -> memref<50x32xf32, #tpu.memory_space<vmem>>
      %dma_wait3A_837 = arith.constant 0 : i32
      %dma_wait3A_838 = tpu.memref_slice %arg5[%scan3A_832, %dma_wait3A_837] : memref<512x50xi32, #tpu.memory_space<vmem>> -> memref<1x50xi32, #tpu.memory_space<vmem>>
      %dma_wait3A_839 = tpu.memref_squeeze %dma_wait3A_838 : memref<1x50xi32, #tpu.memory_space<vmem>> -> memref<50xi32, #tpu.memory_space<vmem>>
      %dma_wait3A_840 = arith.constant 0 : i32
      %dma_wait3A_841 = arith.constant 0 : i32
      %dma_wait3A_842 = tpu.memref_slice %arg3[%dma_wait3A_840, %dma_wait3A_841] : memref<1000000x32xf32, #tpu.memory_space<hbm>> -> memref<1000000x32xf32, #tpu.memory_space<hbm>>
      tpu.wait_indirect_dma semaphore(%arg10 : memref<!tpu.dma_semaphore, #tpu.memory_space<semaphore_mem>>) src(%dma_wait3A_842 : memref<1000000x32xf32, #tpu.memory_space<hbm>>) dst(%dma_wait3A_836 : memref<50x32xf32, #tpu.memory_space<vmem>>)
    }
    %scan3A_31 = arith.constant 16 : i32
    %add3A_32 = arith.constant 0 : i32
    %add3A_33 = arith.addi %mul3A_2, %add3A_32 : i32
    %dma_start3A = arith.constant 0 : i32
    %dma_start3A_34 = arith.constant 0 : i32
    %dma_start3A_35 = tpu.memref_slice %arg4[%add3A_33, %dma_start3A, %dma_start3A_34] : memref<16384x50x32xf32, #tpu.memory_space<hbm>> -> memref<16x50x32xf32, #tpu.memory_space<hbm>>
    %dma_start3A_36 = arith.constant 0 : i32
    %dma_start3A_37 = arith.constant 0 : i32
    %dma_start3A_38 = tpu.memref_slice %arg4[%add3A_33, %dma_start3A_36, %dma_start3A_37] : memref<16384x50x32xf32, #tpu.memory_space<hbm>> -> memref<16x50x32xf32, #tpu.memory_space<hbm>>
    tpu.enqueue_dma source(%arg6 : memref<16x50x32xf32, #tpu.memory_space<vmem>>) target(%dma_start3A_38 : memref<16x50x32xf32, #tpu.memory_space<hbm>>) target_semaphore(%arg14 : memref<!tpu.dma_semaphore, #tpu.memory_space<semaphore_mem>>)
    %scan3A_39 = arith.constant 0 : i32
    %scan3A_40 = arith.constant 0 : i32
    %scan3A_41 = arith.constant 16 : i32
    %scan3A_42 = arith.addi %scan3A_40, %scan3A_41 : i32
    %scan3A_43 = arith.constant 1 : i32
    scf.for %scan3A_832 = %scan3A_40 to %scan3A_42 step %scan3A_43  : i32 {
      %dma_wait3A_833 = arith.constant 0 : i32
      %dma_wait3A_834 = arith.constant 0 : i32
      %dma_wait3A_835 = tpu.memref_slice %arg7[%scan3A_832, %dma_wait3A_833, %dma_wait3A_834] : memref<16x50x32xf32, #tpu.memory_space<vmem>> -> memref<1x50x32xf32, #tpu.memory_space<vmem>>
      %dma_wait3A_836 = tpu.memref_squeeze %dma_wait3A_835 : memref<1x50x32xf32, #tpu.memory_space<vmem>> -> memref<50x32xf32, #tpu.memory_space<vmem>>
      %dma_wait3A_837 = arith.constant 0 : i32
      %dma_wait3A_838 = tpu.memref_slice %arg5[%scan3A_832, %dma_wait3A_837] : memref<512x50xi32, #tpu.memory_space<vmem>> -> memref<1x50xi32, #tpu.memory_space<vmem>>
      %dma_wait3A_839 = tpu.memref_squeeze %dma_wait3A_838 : memref<1x50xi32, #tpu.memory_space<vmem>> -> memref<50xi32, #tpu.memory_space<vmem>>
      %dma_wait3A_840 = arith.constant 0 : i32
      %dma_wait3A_841 = arith.constant 0 : i32
      %dma_wait3A_842 = tpu.memref_slice %arg3[%dma_wait3A_840, %dma_wait3A_841] : memref<1000000x32xf32, #tpu.memory_space<hbm>> -> memref<1000000x32xf32, #tpu.memory_space<hbm>>
      tpu.wait_indirect_dma semaphore(%arg11 : memref<!tpu.dma_semaphore, #tpu.memory_space<semaphore_mem>>) src(%dma_wait3A_842 : memref<1000000x32xf32, #tpu.memory_space<hbm>>) dst(%dma_wait3A_836 : memref<50x32xf32, #tpu.memory_space<vmem>>)
    }
    %scan3A_44 = arith.constant 16 : i32
    %add3A_45 = arith.constant 16 : i32
    %add3A_46 = arith.addi %mul3A_2, %add3A_45 : i32
    %dma_start3A_47 = arith.constant 0 : i32
    %dma_start3A_48 = arith.constant 0 : i32
    %dma_start3A_49 = tpu.memref_slice %arg4[%add3A_46, %dma_start3A_47, %dma_start3A_48] : memref<16384x50x32xf32, #tpu.memory_space<hbm>> -> memref<16x50x32xf32, #tpu.memory_space<hbm>>
    %dma_start3A_50 = arith.constant 0 : i32
    %dma_start3A_51 = arith.constant 0 : i32
    %dma_start3A_52 = tpu.memref_slice %arg4[%add3A_46, %dma_start3A_50, %dma_start3A_51] : memref<16384x50x32xf32, #tpu.memory_space<hbm>> -> memref<16x50x32xf32, #tpu.memory_space<hbm>>
    tpu.enqueue_dma source(%arg7 : memref<16x50x32xf32, #tpu.memory_space<vmem>>) target(%dma_start3A_52 : memref<16x50x32xf32, #tpu.memory_space<hbm>>) target_semaphore(%arg15 : memref<!tpu.dma_semaphore, #tpu.memory_space<semaphore_mem>>)
    %dma_wait3A = arith.constant 0 : i32
    %dma_wait3A_53 = arith.constant 0 : i32
    %dma_wait3A_54 = tpu.memref_slice %arg4[%add3A_33, %dma_wait3A, %dma_wait3A_53] : memref<16384x50x32xf32, #tpu.memory_space<hbm>> -> memref<16x50x32xf32, #tpu.memory_space<hbm>>
    %dma_wait3A_55 = arith.constant 0 : i32
    %dma_wait3A_56 = arith.constant 0 : i32
    %dma_wait3A_57 = tpu.memref_slice %arg4[%add3A_33, %dma_wait3A_55, %dma_wait3A_56] : memref<16384x50x32xf32, #tpu.memory_space<hbm>> -> memref<16x50x32xf32, #tpu.memory_space<hbm>>
    tpu.wait_dma2 semaphore(%arg14 : memref<!tpu.dma_semaphore, #tpu.memory_space<semaphore_mem>>) src(%arg6 : memref<16x50x32xf32, #tpu.memory_space<vmem>>) dst(%dma_wait3A_57 : memref<16x50x32xf32, #tpu.memory_space<hbm>>)
    %scan3A_58 = arith.constant 0 : i32
    %scan3A_59 = arith.constant 0 : i32
    %scan3A_60 = arith.constant 16 : i32
    %scan3A_61 = arith.addi %scan3A_59, %scan3A_60 : i32
    %scan3A_62 = arith.constant 1 : i32
    scf.for %scan3A_832 = %scan3A_59 to %scan3A_61 step %scan3A_62  : i32 {
      %add3A_833 = arith.constant 64 : i32
      %add3A_834 = arith.addi %add3A_833, %scan3A_832 : i32
      %dma_start3A_835 = arith.constant 0 : i32
      %dma_start3A_836 = arith.constant 0 : i32
      %dma_start3A_837 = tpu.memref_slice %arg6[%scan3A_832, %dma_start3A_835, %dma_start3A_836] : memref<16x50x32xf32, #tpu.memory_space<vmem>> -> memref<1x50x32xf32, #tpu.memory_space<vmem>>
      %dma_start3A_838 = tpu.memref_squeeze %dma_start3A_837 : memref<1x50x32xf32, #tpu.memory_space<vmem>> -> memref<50x32xf32, #tpu.memory_space<vmem>>
      %dma_start3A_839 = arith.constant 0 : i32
      %dma_start3A_840 = tpu.memref_slice %arg5[%add3A_834, %dma_start3A_839] : memref<512x50xi32, #tpu.memory_space<vmem>> -> memref<1x50xi32, #tpu.memory_space<vmem>>
      %dma_start3A_841 = tpu.memref_squeeze %dma_start3A_840 : memref<1x50xi32, #tpu.memory_space<vmem>> -> memref<50xi32, #tpu.memory_space<vmem>>
      %dma_start3A_842 = arith.constant 0 : i32
      %dma_start3A_843 = arith.constant 0 : i32
      %dma_start3A_844 = tpu.memref_slice %arg3[%dma_start3A_842, %dma_start3A_843] : memref<1000000x32xf32, #tpu.memory_space<hbm>> -> memref<1000000x32xf32, #tpu.memory_space<hbm>>
      tpu.enqueue_indirect_dma source(%dma_start3A_844 : memref<1000000x32xf32, #tpu.memory_space<hbm>>) target(%dma_start3A_838 : memref<50x32xf32, #tpu.memory_space<vmem>>) offsets(%dma_start3A_841 : memref<50xi32, #tpu.memory_space<vmem>>) semaphore(%arg10 : memref<!tpu.dma_semaphore, #tpu.memory_space<semaphore_mem>>)
    }
    %scan3A_63 = arith.constant 16 : i32
    %scan3A_64 = arith.constant 0 : i32
    %scan3A_65 = arith.constant 0 : i32
    %scan3A_66 = arith.constant 16 : i32
    %scan3A_67 = arith.addi %scan3A_65, %scan3A_66 : i32
    %scan3A_68 = arith.constant 1 : i32
    scf.for %scan3A_832 = %scan3A_65 to %scan3A_67 step %scan3A_68  : i32 {
      %dma_wait3A_833 = arith.constant 0 : i32
      %dma_wait3A_834 = arith.constant 0 : i32
      %dma_wait3A_835 = tpu.memref_slice %arg8[%scan3A_832, %dma_wait3A_833, %dma_wait3A_834] : memref<16x50x32xf32, #tpu.memory_space<vmem>> -> memref<1x50x32xf32, #tpu.memory_space<vmem>>
      %dma_wait3A_836 = tpu.memref_squeeze %dma_wait3A_835 : memref<1x50x32xf32, #tpu.memory_space<vmem>> -> memref<50x32xf32, #tpu.memory_space<vmem>>
      %dma_wait3A_837 = arith.constant 0 : i32
      %dma_wait3A_838 = tpu.memref_slice %arg5[%scan3A_832, %dma_wait3A_837] : memref<512x50xi32, #tpu.memory_space<vmem>> -> memref<1x50xi32, #tpu.memory_space<vmem>>
      %dma_wait3A_839 = tpu.memref_squeeze %dma_wait3A_838 : memref<1x50xi32, #tpu.memory_space<vmem>> -> memref<50xi32, #tpu.memory_space<vmem>>
      %dma_wait3A_840 = arith.constant 0 : i32
      %dma_wait3A_841 = arith.constant 0 : i32
      %dma_wait3A_842 = tpu.memref_slice %arg3[%dma_wait3A_840, %dma_wait3A_841] : memref<1000000x32xf32, #tpu.memory_space<hbm>> -> memref<1000000x32xf32, #tpu.memory_space<hbm>>
      tpu.wait_indirect_dma semaphore(%arg12 : memref<!tpu.dma_semaphore, #tpu.memory_space<semaphore_mem>>) src(%dma_wait3A_842 : memref<1000000x32xf32, #tpu.memory_space<hbm>>) dst(%dma_wait3A_836 : memref<50x32xf32, #tpu.memory_space<vmem>>)
    }
    %scan3A_69 = arith.constant 16 : i32
    %add3A_70 = arith.constant 32 : i32
    %add3A_71 = arith.addi %mul3A_2, %add3A_70 : i32
    %dma_start3A_72 = arith.constant 0 : i32
    %dma_start3A_73 = arith.constant 0 : i32
    %dma_start3A_74 = tpu.memref_slice %arg4[%add3A_71, %dma_start3A_72, %dma_start3A_73] : memref<16384x50x32xf32, #tpu.memory_space<hbm>> -> memref<16x50x32xf32, #tpu.memory_space<hbm>>
    %dma_start3A_75 = arith.constant 0 : i32
    %dma_start3A_76 = arith.constant 0 : i32
    %dma_start3A_77 = tpu.memref_slice %arg4[%add3A_71, %dma_start3A_75, %dma_start3A_76] : memref<16384x50x32xf32, #tpu.memory_space<hbm>> -> memref<16x50x32xf32, #tpu.memory_space<hbm>>
    tpu.enqueue_dma source(%arg8 : memref<16x50x32xf32, #tpu.memory_space<vmem>>) target(%dma_start3A_77 : memref<16x50x32xf32, #tpu.memory_space<hbm>>) target_semaphore(%arg16 : memref<!tpu.dma_semaphore, #tpu.memory_space<semaphore_mem>>)
    %dma_wait3A_78 = arith.constant 0 : i32
    %dma_wait3A_79 = arith.constant 0 : i32
    %dma_wait3A_80 = tpu.memref_slice %arg4[%add3A_46, %dma_wait3A_78, %dma_wait3A_79] : memref<16384x50x32xf32, #tpu.memory_space<hbm>> -> memref<16x50x32xf32, #tpu.memory_space<hbm>>
    %dma_wait3A_81 = arith.constant 0 : i32
    %dma_wait3A_82 = arith.constant 0 : i32
    %dma_wait3A_83 = tpu.memref_slice %arg4[%add3A_46, %dma_wait3A_81, %dma_wait3A_82] : memref<16384x50x32xf32, #tpu.memory_space<hbm>> -> memref<16x50x32xf32, #tpu.memory_space<hbm>>
    tpu.wait_dma2 semaphore(%arg15 : memref<!tpu.dma_semaphore, #tpu.memory_space<semaphore_mem>>) src(%arg7 : memref<16x50x32xf32, #tpu.memory_space<vmem>>) dst(%dma_wait3A_83 : memref<16x50x32xf32, #tpu.memory_space<hbm>>)
    %scan3A_84 = arith.constant 0 : i32
    %scan3A_85 = arith.constant 0 : i32
    %scan3A_86 = arith.constant 16 : i32
    %scan3A_87 = arith.addi %scan3A_85, %scan3A_86 : i32
    %scan3A_88 = arith.constant 1 : i32
    scf.for %scan3A_832 = %scan3A_85 to %scan3A_87 step %scan3A_88  : i32 {
      %add3A_833 = arith.constant 80 : i32
      %add3A_834 = arith.addi %add3A_833, %scan3A_832 : i32
      %dma_start3A_835 = arith.constant 0 : i32
      %dma_start3A_836 = arith.constant 0 : i32
      %dma_start3A_837 = tpu.memref_slice %arg7[%scan3A_832, %dma_start3A_835, %dma_start3A_836] : memref<16x50x32xf32, #tpu.memory_space<vmem>> -> memref<1x50x32xf32, #tpu.memory_space<vmem>>
      %dma_start3A_838 = tpu.memref_squeeze %dma_start3A_837 : memref<1x50x32xf32, #tpu.memory_space<vmem>> -> memref<50x32xf32, #tpu.memory_space<vmem>>
      %dma_start3A_839 = arith.constant 0 : i32
      %dma_start3A_840 = tpu.memref_slice %arg5[%add3A_834, %dma_start3A_839] : memref<512x50xi32, #tpu.memory_space<vmem>> -> memref<1x50xi32, #tpu.memory_space<vmem>>
      %dma_start3A_841 = tpu.memref_squeeze %dma_start3A_840 : memref<1x50xi32, #tpu.memory_space<vmem>> -> memref<50xi32, #tpu.memory_space<vmem>>
      %dma_start3A_842 = arith.constant 0 : i32
      %dma_start3A_843 = arith.constant 0 : i32
      %dma_start3A_844 = tpu.memref_slice %arg3[%dma_start3A_842, %dma_start3A_843] : memref<1000000x32xf32, #tpu.memory_space<hbm>> -> memref<1000000x32xf32, #tpu.memory_space<hbm>>
      tpu.enqueue_indirect_dma source(%dma_start3A_844 : memref<1000000x32xf32, #tpu.memory_space<hbm>>) target(%dma_start3A_838 : memref<50x32xf32, #tpu.memory_space<vmem>>) offsets(%dma_start3A_841 : memref<50xi32, #tpu.memory_space<vmem>>) semaphore(%arg11 : memref<!tpu.dma_semaphore, #tpu.memory_space<semaphore_mem>>)
    }
    %scan3A_89 = arith.constant 16 : i32
    %scan3A_90 = arith.constant 0 : i32
    %scan3A_91 = arith.constant 0 : i32
    %scan3A_92 = arith.constant 16 : i32
    %scan3A_93 = arith.addi %scan3A_91, %scan3A_92 : i32
    %scan3A_94 = arith.constant 1 : i32
    scf.for %scan3A_832 = %scan3A_91 to %scan3A_93 step %scan3A_94  : i32 {
      %dma_wait3A_833 = arith.constant 0 : i32
      %dma_wait3A_834 = arith.constant 0 : i32
      %dma_wait3A_835 = tpu.memref_slice %arg9[%scan3A_832, %dma_wait3A_833, %dma_wait3A_834] : memref<16x50x32xf32, #tpu.memory_space<vmem>> -> memref<1x50x32xf32, #tpu.memory_space<vmem>>
      %dma_wait3A_836 = tpu.memref_squeeze %dma_wait3A_835 : memref<1x50x32xf32, #tpu.memory_space<vmem>> -> memref<50x32xf32, #tpu.memory_space<vmem>>
      %dma_wait3A_837 = arith.constant 0 : i32
      %dma_wait3A_838 = tpu.memref_slice %arg5[%scan3A_832, %dma_wait3A_837] : memref<512x50xi32, #tpu.memory_space<vmem>> -> memref<1x50xi32, #tpu.memory_space<vmem>>
      %dma_wait3A_839 = tpu.memref_squeeze %dma_wait3A_838 : memref<1x50xi32, #tpu.memory_space<vmem>> -> memref<50xi32, #tpu.memory_space<vmem>>
      %dma_wait3A_840 = arith.constant 0 : i32
      %dma_wait3A_841 = arith.constant 0 : i32
      %dma_wait3A_842 = tpu.memref_slice %arg3[%dma_wait3A_840, %dma_wait3A_841] : memref<1000000x32xf32, #tpu.memory_space<hbm>> -> memref<1000000x32xf32, #tpu.memory_space<hbm>>
      tpu.wait_indirect_dma semaphore(%arg13 : memref<!tpu.dma_semaphore, #tpu.memory_space<semaphore_mem>>) src(%dma_wait3A_842 : memref<1000000x32xf32, #tpu.memory_space<hbm>>) dst(%dma_wait3A_836 : memref<50x32xf32, #tpu.memory_space<vmem>>)
    }
    %scan3A_95 = arith.constant 16 : i32
    %add3A_96 = arith.constant 48 : i32
    %add3A_97 = arith.addi %mul3A_2, %add3A_96 : i32
    %dma_start3A_98 = arith.constant 0 : i32
    %dma_start3A_99 = arith.constant 0 : i32
    %dma_start3A_100 = tpu.memref_slice %arg4[%add3A_97, %dma_start3A_98, %dma_start3A_99] : memref<16384x50x32xf32, #tpu.memory_space<hbm>> -> memref<16x50x32xf32, #tpu.memory_space<hbm>>
    %dma_start3A_101 = arith.constant 0 : i32
    %dma_start3A_102 = arith.constant 0 : i32
    %dma_start3A_103 = tpu.memref_slice %arg4[%add3A_97, %dma_start3A_101, %dma_start3A_102] : memref<16384x50x32xf32, #tpu.memory_space<hbm>> -> memref<16x50x32xf32, #tpu.memory_space<hbm>>
    tpu.enqueue_dma source(%arg9 : memref<16x50x32xf32, #tpu.memory_space<vmem>>) target(%dma_start3A_103 : memref<16x50x32xf32, #tpu.memory_space<hbm>>) target_semaphore(%arg17 : memref<!tpu.dma_semaphore, #tpu.memory_space<semaphore_mem>>)
    %dma_wait3A_104 = arith.constant 0 : i32
    %dma_wait3A_105 = arith.constant 0 : i32
    %dma_wait3A_106 = tpu.memref_slice %arg4[%add3A_71, %dma_wait3A_104, %dma_wait3A_105] : memref<16384x50x32xf32, #tpu.memory_space<hbm>> -> memref<16x50x32xf32, #tpu.memory_space<hbm>>
    %dma_wait3A_107 = arith.constant 0 : i32
    %dma_wait3A_108 = arith.constant 0 : i32
    %dma_wait3A_109 = tpu.memref_slice %arg4[%add3A_71, %dma_wait3A_107, %dma_wait3A_108] : memref<16384x50x32xf32, #tpu.memory_space<hbm>> -> memref<16x50x32xf32, #tpu.memory_space<hbm>>
    tpu.wait_dma2 semaphore(%arg16 : memref<!tpu.dma_semaphore, #tpu.memory_space<semaphore_mem>>) src(%arg8 : memref<16x50x32xf32, #tpu.memory_space<vmem>>) dst(%dma_wait3A_109 : memref<16x50x32xf32, #tpu.memory_space<hbm>>)
    %scan3A_110 = arith.constant 0 : i32
    %scan3A_111 = arith.constant 0 : i32
    %scan3A_112 = arith.constant 16 : i32
    %scan3A_113 = arith.addi %scan3A_111, %scan3A_112 : i32
    %scan3A_114 = arith.constant 1 : i32
    scf.for %scan3A_832 = %scan3A_111 to %scan3A_113 step %scan3A_114  : i32 {
      %add3A_833 = arith.constant 96 : i32
      %add3A_834 = arith.addi %add3A_833, %scan3A_832 : i32
      %dma_start3A_835 = arith.constant 0 : i32
      %dma_start3A_836 = arith.constant 0 : i32
      %dma_start3A_837 = tpu.memref_slice %arg8[%scan3A_832, %dma_start3A_835, %dma_start3A_836] : memref<16x50x32xf32, #tpu.memory_space<vmem>> -> memref<1x50x32xf32, #tpu.memory_space<vmem>>
      %dma_start3A_838 = tpu.memref_squeeze %dma_start3A_837 : memref<1x50x32xf32, #tpu.memory_space<vmem>> -> memref<50x32xf32, #tpu.memory_space<vmem>>
      %dma_start3A_839 = arith.constant 0 : i32
      %dma_start3A_840 = tpu.memref_slice %arg5[%add3A_834, %dma_start3A_839] : memref<512x50xi32, #tpu.memory_space<vmem>> -> memref<1x50xi32, #tpu.memory_space<vmem>>
      %dma_start3A_841 = tpu.memref_squeeze %dma_start3A_840 : memref<1x50xi32, #tpu.memory_space<vmem>> -> memref<50xi32, #tpu.memory_space<vmem>>
      %dma_start3A_842 = arith.constant 0 : i32
      %dma_start3A_843 = arith.constant 0 : i32
      %dma_start3A_844 = tpu.memref_slice %arg3[%dma_start3A_842, %dma_start3A_843] : memref<1000000x32xf32, #tpu.memory_space<hbm>> -> memref<1000000x32xf32, #tpu.memory_space<hbm>>
      tpu.enqueue_indirect_dma source(%dma_start3A_844 : memref<1000000x32xf32, #tpu.memory_space<hbm>>) target(%dma_start3A_838 : memref<50x32xf32, #tpu.memory_space<vmem>>) offsets(%dma_start3A_841 : memref<50xi32, #tpu.memory_space<vmem>>) semaphore(%arg12 : memref<!tpu.dma_semaphore, #tpu.memory_space<semaphore_mem>>)
    }
    %scan3A_115 = arith.constant 16 : i32
    %scan3A_116 = arith.constant 0 : i32
    %scan3A_117 = arith.constant 0 : i32
    %scan3A_118 = arith.constant 16 : i32
    %scan3A_119 = arith.addi %scan3A_117, %scan3A_118 : i32
    %scan3A_120 = arith.constant 1 : i32
    scf.for %scan3A_832 = %scan3A_117 to %scan3A_119 step %scan3A_120  : i32 {
      %dma_wait3A_833 = arith.constant 0 : i32
      %dma_wait3A_834 = arith.constant 0 : i32
      %dma_wait3A_835 = tpu.memref_slice %arg6[%scan3A_832, %dma_wait3A_833, %dma_wait3A_834] : memref<16x50x32xf32, #tpu.memory_space<vmem>> -> memref<1x50x32xf32, #tpu.memory_space<vmem>>
      %dma_wait3A_836 = tpu.memref_squeeze %dma_wait3A_835 : memref<1x50x32xf32, #tpu.memory_space<vmem>> -> memref<50x32xf32, #tpu.memory_space<vmem>>
      %dma_wait3A_837 = arith.constant 0 : i32
      %dma_wait3A_838 = tpu.memref_slice %arg5[%scan3A_832, %dma_wait3A_837] : memref<512x50xi32, #tpu.memory_space<vmem>> -> memref<1x50xi32, #tpu.memory_space<vmem>>
      %dma_wait3A_839 = tpu.memref_squeeze %dma_wait3A_838 : memref<1x50xi32, #tpu.memory_space<vmem>> -> memref<50xi32, #tpu.memory_space<vmem>>
      %dma_wait3A_840 = arith.constant 0 : i32
      %dma_wait3A_841 = arith.constant 0 : i32
      %dma_wait3A_842 = tpu.memref_slice %arg3[%dma_wait3A_840, %dma_wait3A_841] : memref<1000000x32xf32, #tpu.memory_space<hbm>> -> memref<1000000x32xf32, #tpu.memory_space<hbm>>
      tpu.wait_indirect_dma semaphore(%arg10 : memref<!tpu.dma_semaphore, #tpu.memory_space<semaphore_mem>>) src(%dma_wait3A_842 : memref<1000000x32xf32, #tpu.memory_space<hbm>>) dst(%dma_wait3A_836 : memref<50x32xf32, #tpu.memory_space<vmem>>)
    }
    %scan3A_121 = arith.constant 16 : i32
    %add3A_122 = arith.constant 64 : i32
    %add3A_123 = arith.addi %mul3A_2, %add3A_122 : i32
    %dma_start3A_124 = arith.constant 0 : i32
    %dma_start3A_125 = arith.constant 0 : i32
    %dma_start3A_126 = tpu.memref_slice %arg4[%add3A_123, %dma_start3A_124, %dma_start3A_125] : memref<16384x50x32xf32, #tpu.memory_space<hbm>> -> memref<16x50x32xf32, #tpu.memory_space<hbm>>
    %dma_start3A_127 = arith.constant 0 : i32
    %dma_start3A_128 = arith.constant 0 : i32
    %dma_start3A_129 = tpu.memref_slice %arg4[%add3A_123, %dma_start3A_127, %dma_start3A_128] : memref<16384x50x32xf32, #tpu.memory_space<hbm>> -> memref<16x50x32xf32, #tpu.memory_space<hbm>>
    tpu.enqueue_dma source(%arg6 : memref<16x50x32xf32, #tpu.memory_space<vmem>>) target(%dma_start3A_129 : memref<16x50x32xf32, #tpu.memory_space<hbm>>) target_semaphore(%arg14 : memref<!tpu.dma_semaphore, #tpu.memory_space<semaphore_mem>>)
    %dma_wait3A_130 = arith.constant 0 : i32
    %dma_wait3A_131 = arith.constant 0 : i32
    %dma_wait3A_132 = tpu.memref_slice %arg4[%add3A_97, %dma_wait3A_130, %dma_wait3A_131] : memref<16384x50x32xf32, #tpu.memory_space<hbm>> -> memref<16x50x32xf32, #tpu.memory_space<hbm>>
    %dma_wait3A_133 = arith.constant 0 : i32
    %dma_wait3A_134 = arith.constant 0 : i32
    %dma_wait3A_135 = tpu.memref_slice %arg4[%add3A_97, %dma_wait3A_133, %dma_wait3A_134] : memref<16384x50x32xf32, #tpu.memory_space<hbm>> -> memref<16x50x32xf32, #tpu.memory_space<hbm>>
    tpu.wait_dma2 semaphore(%arg17 : memref<!tpu.dma_semaphore, #tpu.memory_space<semaphore_mem>>) src(%arg9 : memref<16x50x32xf32, #tpu.memory_space<vmem>>) dst(%dma_wait3A_135 : memref<16x50x32xf32, #tpu.memory_space<hbm>>)
    %scan3A_136 = arith.constant 0 : i32
    %scan3A_137 = arith.constant 0 : i32
    %scan3A_138 = arith.constant 16 : i32
    %scan3A_139 = arith.addi %scan3A_137, %scan3A_138 : i32
    %scan3A_140 = arith.constant 1 : i32
    scf.for %scan3A_832 = %scan3A_137 to %scan3A_139 step %scan3A_140  : i32 {
      %add3A_833 = arith.constant 112 : i32
      %add3A_834 = arith.addi %add3A_833, %scan3A_832 : i32
      %dma_start3A_835 = arith.constant 0 : i32
      %dma_start3A_836 = arith.constant 0 : i32
      %dma_start3A_837 = tpu.memref_slice %arg9[%scan3A_832, %dma_start3A_835, %dma_start3A_836] : memref<16x50x32xf32, #tpu.memory_space<vmem>> -> memref<1x50x32xf32, #tpu.memory_space<vmem>>
      %dma_start3A_838 = tpu.memref_squeeze %dma_start3A_837 : memref<1x50x32xf32, #tpu.memory_space<vmem>> -> memref<50x32xf32, #tpu.memory_space<vmem>>
      %dma_start3A_839 = arith.constant 0 : i32
      %dma_start3A_840 = tpu.memref_slice %arg5[%add3A_834, %dma_start3A_839] : memref<512x50xi32, #tpu.memory_space<vmem>> -> memref<1x50xi32, #tpu.memory_space<vmem>>
      %dma_start3A_841 = tpu.memref_squeeze %dma_start3A_840 : memref<1x50xi32, #tpu.memory_space<vmem>> -> memref<50xi32, #tpu.memory_space<vmem>>
      %dma_start3A_842 = arith.constant 0 : i32
      %dma_start3A_843 = arith.constant 0 : i32
      %dma_start3A_844 = tpu.memref_slice %arg3[%dma_start3A_842, %dma_start3A_843] : memref<1000000x32xf32, #tpu.memory_space<hbm>> -> memref<1000000x32xf32, #tpu.memory_space<hbm>>
      tpu.enqueue_indirect_dma source(%dma_start3A_844 : memref<1000000x32xf32, #tpu.memory_space<hbm>>) target(%dma_start3A_838 : memref<50x32xf32, #tpu.memory_space<vmem>>) offsets(%dma_start3A_841 : memref<50xi32, #tpu.memory_space<vmem>>) semaphore(%arg13 : memref<!tpu.dma_semaphore, #tpu.memory_space<semaphore_mem>>)
    }
    %scan3A_141 = arith.constant 16 : i32
    %scan3A_142 = arith.constant 0 : i32
    %scan3A_143 = arith.constant 0 : i32
    %scan3A_144 = arith.constant 16 : i32
    %scan3A_145 = arith.addi %scan3A_143, %scan3A_144 : i32
    %scan3A_146 = arith.constant 1 : i32
    scf.for %scan3A_832 = %scan3A_143 to %scan3A_145 step %scan3A_146  : i32 {
      %dma_wait3A_833 = arith.constant 0 : i32
      %dma_wait3A_834 = arith.constant 0 : i32
      %dma_wait3A_835 = tpu.memref_slice %arg7[%scan3A_832, %dma_wait3A_833, %dma_wait3A_834] : memref<16x50x32xf32, #tpu.memory_space<vmem>> -> memref<1x50x32xf32, #tpu.memory_space<vmem>>
      %dma_wait3A_836 = tpu.memref_squeeze %dma_wait3A_835 : memref<1x50x32xf32, #tpu.memory_space<vmem>> -> memref<50x32xf32, #tpu.memory_space<vmem>>
      %dma_wait3A_837 = arith.constant 0 : i32
      %dma_wait3A_838 = tpu.memref_slice %arg5[%scan3A_832, %dma_wait3A_837] : memref<512x50xi32, #tpu.memory_space<vmem>> -> memref<1x50xi32, #tpu.memory_space<vmem>>
      %dma_wait3A_839 = tpu.memref_squeeze %dma_wait3A_838 : memref<1x50xi32, #tpu.memory_space<vmem>> -> memref<50xi32, #tpu.memory_space<vmem>>
      %dma_wait3A_840 = arith.constant 0 : i32
      %dma_wait3A_841 = arith.constant 0 : i32
      %dma_wait3A_842 = tpu.memref_slice %arg3[%dma_wait3A_840, %dma_wait3A_841] : memref<1000000x32xf32, #tpu.memory_space<hbm>> -> memref<1000000x32xf32, #tpu.memory_space<hbm>>
      tpu.wait_indirect_dma semaphore(%arg11 : memref<!tpu.dma_semaphore, #tpu.memory_space<semaphore_mem>>) src(%dma_wait3A_842 : memref<1000000x32xf32, #tpu.memory_space<hbm>>) dst(%dma_wait3A_836 : memref<50x32xf32, #tpu.memory_space<vmem>>)
    }
    %scan3A_147 = arith.constant 16 : i32
    %add3A_148 = arith.constant 80 : i32
    %add3A_149 = arith.addi %mul3A_2, %add3A_148 : i32
    %dma_start3A_150 = arith.constant 0 : i32
    %dma_start3A_151 = arith.constant 0 : i32
    %dma_start3A_152 = tpu.memref_slice %arg4[%add3A_149, %dma_start3A_150, %dma_start3A_151] : memref<16384x50x32xf32, #tpu.memory_space<hbm>> -> memref<16x50x32xf32, #tpu.memory_space<hbm>>
    %dma_start3A_153 = arith.constant 0 : i32
    %dma_start3A_154 = arith.constant 0 : i32
    %dma_start3A_155 = tpu.memref_slice %arg4[%add3A_149, %dma_start3A_153, %dma_start3A_154] : memref<16384x50x32xf32, #tpu.memory_space<hbm>> -> memref<16x50x32xf32, #tpu.memory_space<hbm>>
    tpu.enqueue_dma source(%arg7 : memref<16x50x32xf32, #tpu.memory_space<vmem>>) target(%dma_start3A_155 : memref<16x50x32xf32, #tpu.memory_space<hbm>>) target_semaphore(%arg15 : memref<!tpu.dma_semaphore, #tpu.memory_space<semaphore_mem>>)
    %dma_wait3A_156 = arith.constant 0 : i32
    %dma_wait3A_157 = arith.constant 0 : i32
    %dma_wait3A_158 = tpu.memref_slice %arg4[%add3A_123, %dma_wait3A_156, %dma_wait3A_157] : memref<16384x50x32xf32, #tpu.memory_space<hbm>> -> memref<16x50x32xf32, #tpu.memory_space<hbm>>
    %dma_wait3A_159 = arith.constant 0 : i32
    %dma_wait3A_160 = arith.constant 0 : i32
    %dma_wait3A_161 = tpu.memref_slice %arg4[%add3A_123, %dma_wait3A_159, %dma_wait3A_160] : memref<16384x50x32xf32, #tpu.memory_space<hbm>> -> memref<16x50x32xf32, #tpu.memory_space<hbm>>
    tpu.wait_dma2 semaphore(%arg14 : memref<!tpu.dma_semaphore, #tpu.memory_space<semaphore_mem>>) src(%arg6 : memref<16x50x32xf32, #tpu.memory_space<vmem>>) dst(%dma_wait3A_161 : memref<16x50x32xf32, #tpu.memory_space<hbm>>)
    %scan3A_162 = arith.constant 0 : i32
    %scan3A_163 = arith.constant 0 : i32
    %scan3A_164 = arith.constant 16 : i32
    %scan3A_165 = arith.addi %scan3A_163, %scan3A_164 : i32
    %scan3A_166 = arith.constant 1 : i32
    scf.for %scan3A_832 = %scan3A_163 to %scan3A_165 step %scan3A_166  : i32 {
      %add3A_833 = arith.constant 128 : i32
      %add3A_834 = arith.addi %add3A_833, %scan3A_832 : i32
      %dma_start3A_835 = arith.constant 0 : i32
      %dma_start3A_836 = arith.constant 0 : i32
      %dma_start3A_837 = tpu.memref_slice %arg6[%scan3A_832, %dma_start3A_835, %dma_start3A_836] : memref<16x50x32xf32, #tpu.memory_space<vmem>> -> memref<1x50x32xf32, #tpu.memory_space<vmem>>
      %dma_start3A_838 = tpu.memref_squeeze %dma_start3A_837 : memref<1x50x32xf32, #tpu.memory_space<vmem>> -> memref<50x32xf32, #tpu.memory_space<vmem>>
      %dma_start3A_839 = arith.constant 0 : i32
      %dma_start3A_840 = tpu.memref_slice %arg5[%add3A_834, %dma_start3A_839] : memref<512x50xi32, #tpu.memory_space<vmem>> -> memref<1x50xi32, #tpu.memory_space<vmem>>
      %dma_start3A_841 = tpu.memref_squeeze %dma_start3A_840 : memref<1x50xi32, #tpu.memory_space<vmem>> -> memref<50xi32, #tpu.memory_space<vmem>>
      %dma_start3A_842 = arith.constant 0 : i32
      %dma_start3A_843 = arith.constant 0 : i32
      %dma_start3A_844 = tpu.memref_slice %arg3[%dma_start3A_842, %dma_start3A_843] : memref<1000000x32xf32, #tpu.memory_space<hbm>> -> memref<1000000x32xf32, #tpu.memory_space<hbm>>
      tpu.enqueue_indirect_dma source(%dma_start3A_844 : memref<1000000x32xf32, #tpu.memory_space<hbm>>) target(%dma_start3A_838 : memref<50x32xf32, #tpu.memory_space<vmem>>) offsets(%dma_start3A_841 : memref<50xi32, #tpu.memory_space<vmem>>) semaphore(%arg10 : memref<!tpu.dma_semaphore, #tpu.memory_space<semaphore_mem>>)
    }
    %scan3A_167 = arith.constant 16 : i32
    %scan3A_168 = arith.constant 0 : i32
    %scan3A_169 = arith.constant 0 : i32
    %scan3A_170 = arith.constant 16 : i32
    %scan3A_171 = arith.addi %scan3A_169, %scan3A_170 : i32
    %scan3A_172 = arith.constant 1 : i32
    scf.for %scan3A_832 = %scan3A_169 to %scan3A_171 step %scan3A_172  : i32 {
      %dma_wait3A_833 = arith.constant 0 : i32
      %dma_wait3A_834 = arith.constant 0 : i32
      %dma_wait3A_835 = tpu.memref_slice %arg8[%scan3A_832, %dma_wait3A_833, %dma_wait3A_834] : memref<16x50x32xf32, #tpu.memory_space<vmem>> -> memref<1x50x32xf32, #tpu.memory_space<vmem>>
      %dma_wait3A_836 = tpu.memref_squeeze %dma_wait3A_835 : memref<1x50x32xf32, #tpu.memory_space<vmem>> -> memref<50x32xf32, #tpu.memory_space<vmem>>
      %dma_wait3A_837 = arith.constant 0 : i32
      %dma_wait3A_838 = tpu.memref_slice %arg5[%scan3A_832, %dma_wait3A_837] : memref<512x50xi32, #tpu.memory_space<vmem>> -> memref<1x50xi32, #tpu.memory_space<vmem>>
      %dma_wait3A_839 = tpu.memref_squeeze %dma_wait3A_838 : memref<1x50xi32, #tpu.memory_space<vmem>> -> memref<50xi32, #tpu.memory_space<vmem>>
      %dma_wait3A_840 = arith.constant 0 : i32
      %dma_wait3A_841 = arith.constant 0 : i32
      %dma_wait3A_842 = tpu.memref_slice %arg3[%dma_wait3A_840, %dma_wait3A_841] : memref<1000000x32xf32, #tpu.memory_space<hbm>> -> memref<1000000x32xf32, #tpu.memory_space<hbm>>
      tpu.wait_indirect_dma semaphore(%arg12 : memref<!tpu.dma_semaphore, #tpu.memory_space<semaphore_mem>>) src(%dma_wait3A_842 : memref<1000000x32xf32, #tpu.memory_space<hbm>>) dst(%dma_wait3A_836 : memref<50x32xf32, #tpu.memory_space<vmem>>)
    }
    %scan3A_173 = arith.constant 16 : i32
    %add3A_174 = arith.constant 96 : i32
    %add3A_175 = arith.addi %mul3A_2, %add3A_174 : i32
    %dma_start3A_176 = arith.constant 0 : i32
    %dma_start3A_177 = arith.constant 0 : i32
    %dma_start3A_178 = tpu.memref_slice %arg4[%add3A_175, %dma_start3A_176, %dma_start3A_177] : memref<16384x50x32xf32, #tpu.memory_space<hbm>> -> memref<16x50x32xf32, #tpu.memory_space<hbm>>
    %dma_start3A_179 = arith.constant 0 : i32
    %dma_start3A_180 = arith.constant 0 : i32
    %dma_start3A_181 = tpu.memref_slice %arg4[%add3A_175, %dma_start3A_179, %dma_start3A_180] : memref<16384x50x32xf32, #tpu.memory_space<hbm>> -> memref<16x50x32xf32, #tpu.memory_space<hbm>>
    tpu.enqueue_dma source(%arg8 : memref<16x50x32xf32, #tpu.memory_space<vmem>>) target(%dma_start3A_181 : memref<16x50x32xf32, #tpu.memory_space<hbm>>) target_semaphore(%arg16 : memref<!tpu.dma_semaphore, #tpu.memory_space<semaphore_mem>>)
    %dma_wait3A_182 = arith.constant 0 : i32
    %dma_wait3A_183 = arith.constant 0 : i32
    %dma_wait3A_184 = tpu.memref_slice %arg4[%add3A_149, %dma_wait3A_182, %dma_wait3A_183] : memref<16384x50x32xf32, #tpu.memory_space<hbm>> -> memref<16x50x32xf32, #tpu.memory_space<hbm>>
    %dma_wait3A_185 = arith.constant 0 : i32
    %dma_wait3A_186 = arith.constant 0 : i32
    %dma_wait3A_187 = tpu.memref_slice %arg4[%add3A_149, %dma_wait3A_185, %dma_wait3A_186] : memref<16384x50x32xf32, #tpu.memory_space<hbm>> -> memref<16x50x32xf32, #tpu.memory_space<hbm>>
    tpu.wait_dma2 semaphore(%arg15 : memref<!tpu.dma_semaphore, #tpu.memory_space<semaphore_mem>>) src(%arg7 : memref<16x50x32xf32, #tpu.memory_space<vmem>>) dst(%dma_wait3A_187 : memref<16x50x32xf32, #tpu.memory_space<hbm>>)
    %scan3A_188 = arith.constant 0 : i32
    %scan3A_189 = arith.constant 0 : i32
    %scan3A_190 = arith.constant 16 : i32
    %scan3A_191 = arith.addi %scan3A_189, %scan3A_190 : i32
    %scan3A_192 = arith.constant 1 : i32
    scf.for %scan3A_832 = %scan3A_189 to %scan3A_191 step %scan3A_192  : i32 {
      %add3A_833 = arith.constant 144 : i32
      %add3A_834 = arith.addi %add3A_833, %scan3A_832 : i32
      %dma_start3A_835 = arith.constant 0 : i32
      %dma_start3A_836 = arith.constant 0 : i32
      %dma_start3A_837 = tpu.memref_slice %arg7[%scan3A_832, %dma_start3A_835, %dma_start3A_836] : memref<16x50x32xf32, #tpu.memory_space<vmem>> -> memref<1x50x32xf32, #tpu.memory_space<vmem>>
      %dma_start3A_838 = tpu.memref_squeeze %dma_start3A_837 : memref<1x50x32xf32, #tpu.memory_space<vmem>> -> memref<50x32xf32, #tpu.memory_space<vmem>>
      %dma_start3A_839 = arith.constant 0 : i32
      %dma_start3A_840 = tpu.memref_slice %arg5[%add3A_834, %dma_start3A_839] : memref<512x50xi32, #tpu.memory_space<vmem>> -> memref<1x50xi32, #tpu.memory_space<vmem>>
      %dma_start3A_841 = tpu.memref_squeeze %dma_start3A_840 : memref<1x50xi32, #tpu.memory_space<vmem>> -> memref<50xi32, #tpu.memory_space<vmem>>
      %dma_start3A_842 = arith.constant 0 : i32
      %dma_start3A_843 = arith.constant 0 : i32
      %dma_start3A_844 = tpu.memref_slice %arg3[%dma_start3A_842, %dma_start3A_843] : memref<1000000x32xf32, #tpu.memory_space<hbm>> -> memref<1000000x32xf32, #tpu.memory_space<hbm>>
      tpu.enqueue_indirect_dma source(%dma_start3A_844 : memref<1000000x32xf32, #tpu.memory_space<hbm>>) target(%dma_start3A_838 : memref<50x32xf32, #tpu.memory_space<vmem>>) offsets(%dma_start3A_841 : memref<50xi32, #tpu.memory_space<vmem>>) semaphore(%arg11 : memref<!tpu.dma_semaphore, #tpu.memory_space<semaphore_mem>>)
    }
    %scan3A_193 = arith.constant 16 : i32
    %scan3A_194 = arith.constant 0 : i32
    %scan3A_195 = arith.constant 0 : i32
    %scan3A_196 = arith.constant 16 : i32
    %scan3A_197 = arith.addi %scan3A_195, %scan3A_196 : i32
    %scan3A_198 = arith.constant 1 : i32
    scf.for %scan3A_832 = %scan3A_195 to %scan3A_197 step %scan3A_198  : i32 {
      %dma_wait3A_833 = arith.constant 0 : i32
      %dma_wait3A_834 = arith.constant 0 : i32
      %dma_wait3A_835 = tpu.memref_slice %arg9[%scan3A_832, %dma_wait3A_833, %dma_wait3A_834] : memref<16x50x32xf32, #tpu.memory_space<vmem>> -> memref<1x50x32xf32, #tpu.memory_space<vmem>>
      %dma_wait3A_836 = tpu.memref_squeeze %dma_wait3A_835 : memref<1x50x32xf32, #tpu.memory_space<vmem>> -> memref<50x32xf32, #tpu.memory_space<vmem>>
      %dma_wait3A_837 = arith.constant 0 : i32
      %dma_wait3A_838 = tpu.memref_slice %arg5[%scan3A_832, %dma_wait3A_837] : memref<512x50xi32, #tpu.memory_space<vmem>> -> memref<1x50xi32, #tpu.memory_space<vmem>>
      %dma_wait3A_839 = tpu.memref_squeeze %dma_wait3A_838 : memref<1x50xi32, #tpu.memory_space<vmem>> -> memref<50xi32, #tpu.memory_space<vmem>>
      %dma_wait3A_840 = arith.constant 0 : i32
      %dma_wait3A_841 = arith.constant 0 : i32
      %dma_wait3A_842 = tpu.memref_slice %arg3[%dma_wait3A_840, %dma_wait3A_841] : memref<1000000x32xf32, #tpu.memory_space<hbm>> -> memref<1000000x32xf32, #tpu.memory_space<hbm>>
      tpu.wait_indirect_dma semaphore(%arg13 : memref<!tpu.dma_semaphore, #tpu.memory_space<semaphore_mem>>) src(%dma_wait3A_842 : memref<1000000x32xf32, #tpu.memory_space<hbm>>) dst(%dma_wait3A_836 : memref<50x32xf32, #tpu.memory_space<vmem>>)
    }
    %scan3A_199 = arith.constant 16 : i32
    %add3A_200 = arith.constant 112 : i32
    %add3A_201 = arith.addi %mul3A_2, %add3A_200 : i32
    %dma_start3A_202 = arith.constant 0 : i32
    %dma_start3A_203 = arith.constant 0 : i32
    %dma_start3A_204 = tpu.memref_slice %arg4[%add3A_201, %dma_start3A_202, %dma_start3A_203] : memref<16384x50x32xf32, #tpu.memory_space<hbm>> -> memref<16x50x32xf32, #tpu.memory_space<hbm>>
    %dma_start3A_205 = arith.constant 0 : i32
    %dma_start3A_206 = arith.constant 0 : i32
    %dma_start3A_207 = tpu.memref_slice %arg4[%add3A_201, %dma_start3A_205, %dma_start3A_206] : memref<16384x50x32xf32, #tpu.memory_space<hbm>> -> memref<16x50x32xf32, #tpu.memory_space<hbm>>
    tpu.enqueue_dma source(%arg9 : memref<16x50x32xf32, #tpu.memory_space<vmem>>) target(%dma_start3A_207 : memref<16x50x32xf32, #tpu.memory_space<hbm>>) target_semaphore(%arg17 : memref<!tpu.dma_semaphore, #tpu.memory_space<semaphore_mem>>)
    %dma_wait3A_208 = arith.constant 0 : i32
    %dma_wait3A_209 = arith.constant 0 : i32
    %dma_wait3A_210 = tpu.memref_slice %arg4[%add3A_175, %dma_wait3A_208, %dma_wait3A_209] : memref<16384x50x32xf32, #tpu.memory_space<hbm>> -> memref<16x50x32xf32, #tpu.memory_space<hbm>>
    %dma_wait3A_211 = arith.constant 0 : i32
    %dma_wait3A_212 = arith.constant 0 : i32
    %dma_wait3A_213 = tpu.memref_slice %arg4[%add3A_175, %dma_wait3A_211, %dma_wait3A_212] : memref<16384x50x32xf32, #tpu.memory_space<hbm>> -> memref<16x50x32xf32, #tpu.memory_space<hbm>>
    tpu.wait_dma2 semaphore(%arg16 : memref<!tpu.dma_semaphore, #tpu.memory_space<semaphore_mem>>) src(%arg8 : memref<16x50x32xf32, #tpu.memory_space<vmem>>) dst(%dma_wait3A_213 : memref<16x50x32xf32, #tpu.memory_space<hbm>>)
    %scan3A_214 = arith.constant 0 : i32
    %scan3A_215 = arith.constant 0 : i32
    %scan3A_216 = arith.constant 16 : i32
    %scan3A_217 = arith.addi %scan3A_215, %scan3A_216 : i32
    %scan3A_218 = arith.constant 1 : i32
    scf.for %scan3A_832 = %scan3A_215 to %scan3A_217 step %scan3A_218  : i32 {
      %add3A_833 = arith.constant 160 : i32
      %add3A_834 = arith.addi %add3A_833, %scan3A_832 : i32
      %dma_start3A_835 = arith.constant 0 : i32
      %dma_start3A_836 = arith.constant 0 : i32
      %dma_start3A_837 = tpu.memref_slice %arg8[%scan3A_832, %dma_start3A_835, %dma_start3A_836] : memref<16x50x32xf32, #tpu.memory_space<vmem>> -> memref<1x50x32xf32, #tpu.memory_space<vmem>>
      %dma_start3A_838 = tpu.memref_squeeze %dma_start3A_837 : memref<1x50x32xf32, #tpu.memory_space<vmem>> -> memref<50x32xf32, #tpu.memory_space<vmem>>
      %dma_start3A_839 = arith.constant 0 : i32
      %dma_start3A_840 = tpu.memref_slice %arg5[%add3A_834, %dma_start3A_839] : memref<512x50xi32, #tpu.memory_space<vmem>> -> memref<1x50xi32, #tpu.memory_space<vmem>>
      %dma_start3A_841 = tpu.memref_squeeze %dma_start3A_840 : memref<1x50xi32, #tpu.memory_space<vmem>> -> memref<50xi32, #tpu.memory_space<vmem>>
      %dma_start3A_842 = arith.constant 0 : i32
      %dma_start3A_843 = arith.constant 0 : i32
      %dma_start3A_844 = tpu.memref_slice %arg3[%dma_start3A_842, %dma_start3A_843] : memref<1000000x32xf32, #tpu.memory_space<hbm>> -> memref<1000000x32xf32, #tpu.memory_space<hbm>>
      tpu.enqueue_indirect_dma source(%dma_start3A_844 : memref<1000000x32xf32, #tpu.memory_space<hbm>>) target(%dma_start3A_838 : memref<50x32xf32, #tpu.memory_space<vmem>>) offsets(%dma_start3A_841 : memref<50xi32, #tpu.memory_space<vmem>>) semaphore(%arg12 : memref<!tpu.dma_semaphore, #tpu.memory_space<semaphore_mem>>)
    }
    %scan3A_219 = arith.constant 16 : i32
    %scan3A_220 = arith.constant 0 : i32
    %scan3A_221 = arith.constant 0 : i32
    %scan3A_222 = arith.constant 16 : i32
    %scan3A_223 = arith.addi %scan3A_221, %scan3A_222 : i32
    %scan3A_224 = arith.constant 1 : i32
    scf.for %scan3A_832 = %scan3A_221 to %scan3A_223 step %scan3A_224  : i32 {
      %dma_wait3A_833 = arith.constant 0 : i32
      %dma_wait3A_834 = arith.constant 0 : i32
      %dma_wait3A_835 = tpu.memref_slice %arg6[%scan3A_832, %dma_wait3A_833, %dma_wait3A_834] : memref<16x50x32xf32, #tpu.memory_space<vmem>> -> memref<1x50x32xf32, #tpu.memory_space<vmem>>
      %dma_wait3A_836 = tpu.memref_squeeze %dma_wait3A_835 : memref<1x50x32xf32, #tpu.memory_space<vmem>> -> memref<50x32xf32, #tpu.memory_space<vmem>>
      %dma_wait3A_837 = arith.constant 0 : i32
      %dma_wait3A_838 = tpu.memref_slice %arg5[%scan3A_832, %dma_wait3A_837] : memref<512x50xi32, #tpu.memory_space<vmem>> -> memref<1x50xi32, #tpu.memory_space<vmem>>
      %dma_wait3A_839 = tpu.memref_squeeze %dma_wait3A_838 : memref<1x50xi32, #tpu.memory_space<vmem>> -> memref<50xi32, #tpu.memory_space<vmem>>
      %dma_wait3A_840 = arith.constant 0 : i32
      %dma_wait3A_841 = arith.constant 0 : i32
      %dma_wait3A_842 = tpu.memref_slice %arg3[%dma_wait3A_840, %dma_wait3A_841] : memref<1000000x32xf32, #tpu.memory_space<hbm>> -> memref<1000000x32xf32, #tpu.memory_space<hbm>>
      tpu.wait_indirect_dma semaphore(%arg10 : memref<!tpu.dma_semaphore, #tpu.memory_space<semaphore_mem>>) src(%dma_wait3A_842 : memref<1000000x32xf32, #tpu.memory_space<hbm>>) dst(%dma_wait3A_836 : memref<50x32xf32, #tpu.memory_space<vmem>>)
    }
    %scan3A_225 = arith.constant 16 : i32
    %add3A_226 = arith.constant 128 : i32
    %add3A_227 = arith.addi %mul3A_2, %add3A_226 : i32
    %dma_start3A_228 = arith.constant 0 : i32
    %dma_start3A_229 = arith.constant 0 : i32
    %dma_start3A_230 = tpu.memref_slice %arg4[%add3A_227, %dma_start3A_228, %dma_start3A_229] : memref<16384x50x32xf32, #tpu.memory_space<hbm>> -> memref<16x50x32xf32, #tpu.memory_space<hbm>>
    %dma_start3A_231 = arith.constant 0 : i32
    %dma_start3A_232 = arith.constant 0 : i32
    %dma_start3A_233 = tpu.memref_slice %arg4[%add3A_227, %dma_start3A_231, %dma_start3A_232] : memref<16384x50x32xf32, #tpu.memory_space<hbm>> -> memref<16x50x32xf32, #tpu.memory_space<hbm>>
    tpu.enqueue_dma source(%arg6 : memref<16x50x32xf32, #tpu.memory_space<vmem>>) target(%dma_start3A_233 : memref<16x50x32xf32, #tpu.memory_space<hbm>>) target_semaphore(%arg14 : memref<!tpu.dma_semaphore, #tpu.memory_space<semaphore_mem>>)
    %dma_wait3A_234 = arith.constant 0 : i32
    %dma_wait3A_235 = arith.constant 0 : i32
    %dma_wait3A_236 = tpu.memref_slice %arg4[%add3A_201, %dma_wait3A_234, %dma_wait3A_235] : memref<16384x50x32xf32, #tpu.memory_space<hbm>> -> memref<16x50x32xf32, #tpu.memory_space<hbm>>
    %dma_wait3A_237 = arith.constant 0 : i32
    %dma_wait3A_238 = arith.constant 0 : i32
    %dma_wait3A_239 = tpu.memref_slice %arg4[%add3A_201, %dma_wait3A_237, %dma_wait3A_238] : memref<16384x50x32xf32, #tpu.memory_space<hbm>> -> memref<16x50x32xf32, #tpu.memory_space<hbm>>
    tpu.wait_dma2 semaphore(%arg17 : memref<!tpu.dma_semaphore, #tpu.memory_space<semaphore_mem>>) src(%arg9 : memref<16x50x32xf32, #tpu.memory_space<vmem>>) dst(%dma_wait3A_239 : memref<16x50x32xf32, #tpu.memory_space<hbm>>)
    %scan3A_240 = arith.constant 0 : i32
    %scan3A_241 = arith.constant 0 : i32
    %scan3A_242 = arith.constant 16 : i32
    %scan3A_243 = arith.addi %scan3A_241, %scan3A_242 : i32
    %scan3A_244 = arith.constant 1 : i32
    scf.for %scan3A_832 = %scan3A_241 to %scan3A_243 step %scan3A_244  : i32 {
      %add3A_833 = arith.constant 176 : i32
      %add3A_834 = arith.addi %add3A_833, %scan3A_832 : i32
      %dma_start3A_835 = arith.constant 0 : i32
      %dma_start3A_836 = arith.constant 0 : i32
      %dma_start3A_837 = tpu.memref_slice %arg9[%scan3A_832, %dma_start3A_835, %dma_start3A_836] : memref<16x50x32xf32, #tpu.memory_space<vmem>> -> memref<1x50x32xf32, #tpu.memory_space<vmem>>
      %dma_start3A_838 = tpu.memref_squeeze %dma_start3A_837 : memref<1x50x32xf32, #tpu.memory_space<vmem>> -> memref<50x32xf32, #tpu.memory_space<vmem>>
      %dma_start3A_839 = arith.constant 0 : i32
      %dma_start3A_840 = tpu.memref_slice %arg5[%add3A_834, %dma_start3A_839] : memref<512x50xi32, #tpu.memory_space<vmem>> -> memref<1x50xi32, #tpu.memory_space<vmem>>
      %dma_start3A_841 = tpu.memref_squeeze %dma_start3A_840 : memref<1x50xi32, #tpu.memory_space<vmem>> -> memref<50xi32, #tpu.memory_space<vmem>>
      %dma_start3A_842 = arith.constant 0 : i32
      %dma_start3A_843 = arith.constant 0 : i32
      %dma_start3A_844 = tpu.memref_slice %arg3[%dma_start3A_842, %dma_start3A_843] : memref<1000000x32xf32, #tpu.memory_space<hbm>> -> memref<1000000x32xf32, #tpu.memory_space<hbm>>
      tpu.enqueue_indirect_dma source(%dma_start3A_844 : memref<1000000x32xf32, #tpu.memory_space<hbm>>) target(%dma_start3A_838 : memref<50x32xf32, #tpu.memory_space<vmem>>) offsets(%dma_start3A_841 : memref<50xi32, #tpu.memory_space<vmem>>) semaphore(%arg13 : memref<!tpu.dma_semaphore, #tpu.memory_space<semaphore_mem>>)
    }
    %scan3A_245 = arith.constant 16 : i32
    %scan3A_246 = arith.constant 0 : i32
    %scan3A_247 = arith.constant 0 : i32
    %scan3A_248 = arith.constant 16 : i32
    %scan3A_249 = arith.addi %scan3A_247, %scan3A_248 : i32
    %scan3A_250 = arith.constant 1 : i32
    scf.for %scan3A_832 = %scan3A_247 to %scan3A_249 step %scan3A_250  : i32 {
      %dma_wait3A_833 = arith.constant 0 : i32
      %dma_wait3A_834 = arith.constant 0 : i32
      %dma_wait3A_835 = tpu.memref_slice %arg7[%scan3A_832, %dma_wait3A_833, %dma_wait3A_834] : memref<16x50x32xf32, #tpu.memory_space<vmem>> -> memref<1x50x32xf32, #tpu.memory_space<vmem>>
      %dma_wait3A_836 = tpu.memref_squeeze %dma_wait3A_835 : memref<1x50x32xf32, #tpu.memory_space<vmem>> -> memref<50x32xf32, #tpu.memory_space<vmem>>
      %dma_wait3A_837 = arith.constant 0 : i32
      %dma_wait3A_838 = tpu.memref_slice %arg5[%scan3A_832, %dma_wait3A_837] : memref<512x50xi32, #tpu.memory_space<vmem>> -> memref<1x50xi32, #tpu.memory_space<vmem>>
      %dma_wait3A_839 = tpu.memref_squeeze %dma_wait3A_838 : memref<1x50xi32, #tpu.memory_space<vmem>> -> memref<50xi32, #tpu.memory_space<vmem>>
      %dma_wait3A_840 = arith.constant 0 : i32
      %dma_wait3A_841 = arith.constant 0 : i32
      %dma_wait3A_842 = tpu.memref_slice %arg3[%dma_wait3A_840, %dma_wait3A_841] : memref<1000000x32xf32, #tpu.memory_space<hbm>> -> memref<1000000x32xf32, #tpu.memory_space<hbm>>
      tpu.wait_indirect_dma semaphore(%arg11 : memref<!tpu.dma_semaphore, #tpu.memory_space<semaphore_mem>>) src(%dma_wait3A_842 : memref<1000000x32xf32, #tpu.memory_space<hbm>>) dst(%dma_wait3A_836 : memref<50x32xf32, #tpu.memory_space<vmem>>)
    }
    %scan3A_251 = arith.constant 16 : i32
    %add3A_252 = arith.constant 144 : i32
    %add3A_253 = arith.addi %mul3A_2, %add3A_252 : i32
    %dma_start3A_254 = arith.constant 0 : i32
    %dma_start3A_255 = arith.constant 0 : i32
    %dma_start3A_256 = tpu.memref_slice %arg4[%add3A_253, %dma_start3A_254, %dma_start3A_255] : memref<16384x50x32xf32, #tpu.memory_space<hbm>> -> memref<16x50x32xf32, #tpu.memory_space<hbm>>
    %dma_start3A_257 = arith.constant 0 : i32
    %dma_start3A_258 = arith.constant 0 : i32
    %dma_start3A_259 = tpu.memref_slice %arg4[%add3A_253, %dma_start3A_257, %dma_start3A_258] : memref<16384x50x32xf32, #tpu.memory_space<hbm>> -> memref<16x50x32xf32, #tpu.memory_space<hbm>>
    tpu.enqueue_dma source(%arg7 : memref<16x50x32xf32, #tpu.memory_space<vmem>>) target(%dma_start3A_259 : memref<16x50x32xf32, #tpu.memory_space<hbm>>) target_semaphore(%arg15 : memref<!tpu.dma_semaphore, #tpu.memory_space<semaphore_mem>>)
    %dma_wait3A_260 = arith.constant 0 : i32
    %dma_wait3A_261 = arith.constant 0 : i32
    %dma_wait3A_262 = tpu.memref_slice %arg4[%add3A_227, %dma_wait3A_260, %dma_wait3A_261] : memref<16384x50x32xf32, #tpu.memory_space<hbm>> -> memref<16x50x32xf32, #tpu.memory_space<hbm>>
    %dma_wait3A_263 = arith.constant 0 : i32
    %dma_wait3A_264 = arith.constant 0 : i32
    %dma_wait3A_265 = tpu.memref_slice %arg4[%add3A_227, %dma_wait3A_263, %dma_wait3A_264] : memref<16384x50x32xf32, #tpu.memory_space<hbm>> -> memref<16x50x32xf32, #tpu.memory_space<hbm>>
    tpu.wait_dma2 semaphore(%arg14 : memref<!tpu.dma_semaphore, #tpu.memory_space<semaphore_mem>>) src(%arg6 : memref<16x50x32xf32, #tpu.memory_space<vmem>>) dst(%dma_wait3A_265 : memref<16x50x32xf32, #tpu.memory_space<hbm>>)
    %scan3A_266 = arith.constant 0 : i32
    %scan3A_267 = arith.constant 0 : i32
    %scan3A_268 = arith.constant 16 : i32
    %scan3A_269 = arith.addi %scan3A_267, %scan3A_268 : i32
    %scan3A_270 = arith.constant 1 : i32
    scf.for %scan3A_832 = %scan3A_267 to %scan3A_269 step %scan3A_270  : i32 {
      %add3A_833 = arith.constant 192 : i32
      %add3A_834 = arith.addi %add3A_833, %scan3A_832 : i32
      %dma_start3A_835 = arith.constant 0 : i32
      %dma_start3A_836 = arith.constant 0 : i32
      %dma_start3A_837 = tpu.memref_slice %arg6[%scan3A_832, %dma_start3A_835, %dma_start3A_836] : memref<16x50x32xf32, #tpu.memory_space<vmem>> -> memref<1x50x32xf32, #tpu.memory_space<vmem>>
      %dma_start3A_838 = tpu.memref_squeeze %dma_start3A_837 : memref<1x50x32xf32, #tpu.memory_space<vmem>> -> memref<50x32xf32, #tpu.memory_space<vmem>>
      %dma_start3A_839 = arith.constant 0 : i32
      %dma_start3A_840 = tpu.memref_slice %arg5[%add3A_834, %dma_start3A_839] : memref<512x50xi32, #tpu.memory_space<vmem>> -> memref<1x50xi32, #tpu.memory_space<vmem>>
      %dma_start3A_841 = tpu.memref_squeeze %dma_start3A_840 : memref<1x50xi32, #tpu.memory_space<vmem>> -> memref<50xi32, #tpu.memory_space<vmem>>
      %dma_start3A_842 = arith.constant 0 : i32
      %dma_start3A_843 = arith.constant 0 : i32
      %dma_start3A_844 = tpu.memref_slice %arg3[%dma_start3A_842, %dma_start3A_843] : memref<1000000x32xf32, #tpu.memory_space<hbm>> -> memref<1000000x32xf32, #tpu.memory_space<hbm>>
      tpu.enqueue_indirect_dma source(%dma_start3A_844 : memref<1000000x32xf32, #tpu.memory_space<hbm>>) target(%dma_start3A_838 : memref<50x32xf32, #tpu.memory_space<vmem>>) offsets(%dma_start3A_841 : memref<50xi32, #tpu.memory_space<vmem>>) semaphore(%arg10 : memref<!tpu.dma_semaphore, #tpu.memory_space<semaphore_mem>>)
    }
    %scan3A_271 = arith.constant 16 : i32
    %scan3A_272 = arith.constant 0 : i32
    %scan3A_273 = arith.constant 0 : i32
    %scan3A_274 = arith.constant 16 : i32
    %scan3A_275 = arith.addi %scan3A_273, %scan3A_274 : i32
    %scan3A_276 = arith.constant 1 : i32
    scf.for %scan3A_832 = %scan3A_273 to %scan3A_275 step %scan3A_276  : i32 {
      %dma_wait3A_833 = arith.constant 0 : i32
      %dma_wait3A_834 = arith.constant 0 : i32
      %dma_wait3A_835 = tpu.memref_slice %arg8[%scan3A_832, %dma_wait3A_833, %dma_wait3A_834] : memref<16x50x32xf32, #tpu.memory_space<vmem>> -> memref<1x50x32xf32, #tpu.memory_space<vmem>>
      %dma_wait3A_836 = tpu.memref_squeeze %dma_wait3A_835 : memref<1x50x32xf32, #tpu.memory_space<vmem>> -> memref<50x32xf32, #tpu.memory_space<vmem>>
      %dma_wait3A_837 = arith.constant 0 : i32
      %dma_wait3A_838 = tpu.memref_slice %arg5[%scan3A_832, %dma_wait3A_837] : memref<512x50xi32, #tpu.memory_space<vmem>> -> memref<1x50xi32, #tpu.memory_space<vmem>>
      %dma_wait3A_839 = tpu.memref_squeeze %dma_wait3A_838 : memref<1x50xi32, #tpu.memory_space<vmem>> -> memref<50xi32, #tpu.memory_space<vmem>>
      %dma_wait3A_840 = arith.constant 0 : i32
      %dma_wait3A_841 = arith.constant 0 : i32
      %dma_wait3A_842 = tpu.memref_slice %arg3[%dma_wait3A_840, %dma_wait3A_841] : memref<1000000x32xf32, #tpu.memory_space<hbm>> -> memref<1000000x32xf32, #tpu.memory_space<hbm>>
      tpu.wait_indirect_dma semaphore(%arg12 : memref<!tpu.dma_semaphore, #tpu.memory_space<semaphore_mem>>) src(%dma_wait3A_842 : memref<1000000x32xf32, #tpu.memory_space<hbm>>) dst(%dma_wait3A_836 : memref<50x32xf32, #tpu.memory_space<vmem>>)
    }
    %scan3A_277 = arith.constant 16 : i32
    %add3A_278 = arith.constant 160 : i32
    %add3A_279 = arith.addi %mul3A_2, %add3A_278 : i32
    %dma_start3A_280 = arith.constant 0 : i32
    %dma_start3A_281 = arith.constant 0 : i32
    %dma_start3A_282 = tpu.memref_slice %arg4[%add3A_279, %dma_start3A_280, %dma_start3A_281] : memref<16384x50x32xf32, #tpu.memory_space<hbm>> -> memref<16x50x32xf32, #tpu.memory_space<hbm>>
    %dma_start3A_283 = arith.constant 0 : i32
    %dma_start3A_284 = arith.constant 0 : i32
    %dma_start3A_285 = tpu.memref_slice %arg4[%add3A_279, %dma_start3A_283, %dma_start3A_284] : memref<16384x50x32xf32, #tpu.memory_space<hbm>> -> memref<16x50x32xf32, #tpu.memory_space<hbm>>
    tpu.enqueue_dma source(%arg8 : memref<16x50x32xf32, #tpu.memory_space<vmem>>) target(%dma_start3A_285 : memref<16x50x32xf32, #tpu.memory_space<hbm>>) target_semaphore(%arg16 : memref<!tpu.dma_semaphore, #tpu.memory_space<semaphore_mem>>)
    %dma_wait3A_286 = arith.constant 0 : i32
    %dma_wait3A_287 = arith.constant 0 : i32
    %dma_wait3A_288 = tpu.memref_slice %arg4[%add3A_253, %dma_wait3A_286, %dma_wait3A_287] : memref<16384x50x32xf32, #tpu.memory_space<hbm>> -> memref<16x50x32xf32, #tpu.memory_space<hbm>>
    %dma_wait3A_289 = arith.constant 0 : i32
    %dma_wait3A_290 = arith.constant 0 : i32
    %dma_wait3A_291 = tpu.memref_slice %arg4[%add3A_253, %dma_wait3A_289, %dma_wait3A_290] : memref<16384x50x32xf32, #tpu.memory_space<hbm>> -> memref<16x50x32xf32, #tpu.memory_space<hbm>>
    tpu.wait_dma2 semaphore(%arg15 : memref<!tpu.dma_semaphore, #tpu.memory_space<semaphore_mem>>) src(%arg7 : memref<16x50x32xf32, #tpu.memory_space<vmem>>) dst(%dma_wait3A_291 : memref<16x50x32xf32, #tpu.memory_space<hbm>>)
    %scan3A_292 = arith.constant 0 : i32
    %scan3A_293 = arith.constant 0 : i32
    %scan3A_294 = arith.constant 16 : i32
    %scan3A_295 = arith.addi %scan3A_293, %scan3A_294 : i32
    %scan3A_296 = arith.constant 1 : i32
    scf.for %scan3A_832 = %scan3A_293 to %scan3A_295 step %scan3A_296  : i32 {
      %add3A_833 = arith.constant 208 : i32
      %add3A_834 = arith.addi %add3A_833, %scan3A_832 : i32
      %dma_start3A_835 = arith.constant 0 : i32
      %dma_start3A_836 = arith.constant 0 : i32
      %dma_start3A_837 = tpu.memref_slice %arg7[%scan3A_832, %dma_start3A_835, %dma_start3A_836] : memref<16x50x32xf32, #tpu.memory_space<vmem>> -> memref<1x50x32xf32, #tpu.memory_space<vmem>>
      %dma_start3A_838 = tpu.memref_squeeze %dma_start3A_837 : memref<1x50x32xf32, #tpu.memory_space<vmem>> -> memref<50x32xf32, #tpu.memory_space<vmem>>
      %dma_start3A_839 = arith.constant 0 : i32
      %dma_start3A_840 = tpu.memref_slice %arg5[%add3A_834, %dma_start3A_839] : memref<512x50xi32, #tpu.memory_space<vmem>> -> memref<1x50xi32, #tpu.memory_space<vmem>>
      %dma_start3A_841 = tpu.memref_squeeze %dma_start3A_840 : memref<1x50xi32, #tpu.memory_space<vmem>> -> memref<50xi32, #tpu.memory_space<vmem>>
      %dma_start3A_842 = arith.constant 0 : i32
      %dma_start3A_843 = arith.constant 0 : i32
      %dma_start3A_844 = tpu.memref_slice %arg3[%dma_start3A_842, %dma_start3A_843] : memref<1000000x32xf32, #tpu.memory_space<hbm>> -> memref<1000000x32xf32, #tpu.memory_space<hbm>>
      tpu.enqueue_indirect_dma source(%dma_start3A_844 : memref<1000000x32xf32, #tpu.memory_space<hbm>>) target(%dma_start3A_838 : memref<50x32xf32, #tpu.memory_space<vmem>>) offsets(%dma_start3A_841 : memref<50xi32, #tpu.memory_space<vmem>>) semaphore(%arg11 : memref<!tpu.dma_semaphore, #tpu.memory_space<semaphore_mem>>)
    }
    %scan3A_297 = arith.constant 16 : i32
    %scan3A_298 = arith.constant 0 : i32
    %scan3A_299 = arith.constant 0 : i32
    %scan3A_300 = arith.constant 16 : i32
    %scan3A_301 = arith.addi %scan3A_299, %scan3A_300 : i32
    %scan3A_302 = arith.constant 1 : i32
    scf.for %scan3A_832 = %scan3A_299 to %scan3A_301 step %scan3A_302  : i32 {
      %dma_wait3A_833 = arith.constant 0 : i32
      %dma_wait3A_834 = arith.constant 0 : i32
      %dma_wait3A_835 = tpu.memref_slice %arg9[%scan3A_832, %dma_wait3A_833, %dma_wait3A_834] : memref<16x50x32xf32, #tpu.memory_space<vmem>> -> memref<1x50x32xf32, #tpu.memory_space<vmem>>
      %dma_wait3A_836 = tpu.memref_squeeze %dma_wait3A_835 : memref<1x50x32xf32, #tpu.memory_space<vmem>> -> memref<50x32xf32, #tpu.memory_space<vmem>>
      %dma_wait3A_837 = arith.constant 0 : i32
      %dma_wait3A_838 = tpu.memref_slice %arg5[%scan3A_832, %dma_wait3A_837] : memref<512x50xi32, #tpu.memory_space<vmem>> -> memref<1x50xi32, #tpu.memory_space<vmem>>
      %dma_wait3A_839 = tpu.memref_squeeze %dma_wait3A_838 : memref<1x50xi32, #tpu.memory_space<vmem>> -> memref<50xi32, #tpu.memory_space<vmem>>
      %dma_wait3A_840 = arith.constant 0 : i32
      %dma_wait3A_841 = arith.constant 0 : i32
      %dma_wait3A_842 = tpu.memref_slice %arg3[%dma_wait3A_840, %dma_wait3A_841] : memref<1000000x32xf32, #tpu.memory_space<hbm>> -> memref<1000000x32xf32, #tpu.memory_space<hbm>>
      tpu.wait_indirect_dma semaphore(%arg13 : memref<!tpu.dma_semaphore, #tpu.memory_space<semaphore_mem>>) src(%dma_wait3A_842 : memref<1000000x32xf32, #tpu.memory_space<hbm>>) dst(%dma_wait3A_836 : memref<50x32xf32, #tpu.memory_space<vmem>>)
    }
    %scan3A_303 = arith.constant 16 : i32
    %add3A_304 = arith.constant 176 : i32
    %add3A_305 = arith.addi %mul3A_2, %add3A_304 : i32
    %dma_start3A_306 = arith.constant 0 : i32
    %dma_start3A_307 = arith.constant 0 : i32
    %dma_start3A_308 = tpu.memref_slice %arg4[%add3A_305, %dma_start3A_306, %dma_start3A_307] : memref<16384x50x32xf32, #tpu.memory_space<hbm>> -> memref<16x50x32xf32, #tpu.memory_space<hbm>>
    %dma_start3A_309 = arith.constant 0 : i32
    %dma_start3A_310 = arith.constant 0 : i32
    %dma_start3A_311 = tpu.memref_slice %arg4[%add3A_305, %dma_start3A_309, %dma_start3A_310] : memref<16384x50x32xf32, #tpu.memory_space<hbm>> -> memref<16x50x32xf32, #tpu.memory_space<hbm>>
    tpu.enqueue_dma source(%arg9 : memref<16x50x32xf32, #tpu.memory_space<vmem>>) target(%dma_start3A_311 : memref<16x50x32xf32, #tpu.memory_space<hbm>>) target_semaphore(%arg17 : memref<!tpu.dma_semaphore, #tpu.memory_space<semaphore_mem>>)
    %dma_wait3A_312 = arith.constant 0 : i32
    %dma_wait3A_313 = arith.constant 0 : i32
    %dma_wait3A_314 = tpu.memref_slice %arg4[%add3A_279, %dma_wait3A_312, %dma_wait3A_313] : memref<16384x50x32xf32, #tpu.memory_space<hbm>> -> memref<16x50x32xf32, #tpu.memory_space<hbm>>
    %dma_wait3A_315 = arith.constant 0 : i32
    %dma_wait3A_316 = arith.constant 0 : i32
    %dma_wait3A_317 = tpu.memref_slice %arg4[%add3A_279, %dma_wait3A_315, %dma_wait3A_316] : memref<16384x50x32xf32, #tpu.memory_space<hbm>> -> memref<16x50x32xf32, #tpu.memory_space<hbm>>
    tpu.wait_dma2 semaphore(%arg16 : memref<!tpu.dma_semaphore, #tpu.memory_space<semaphore_mem>>) src(%arg8 : memref<16x50x32xf32, #tpu.memory_space<vmem>>) dst(%dma_wait3A_317 : memref<16x50x32xf32, #tpu.memory_space<hbm>>)
    %scan3A_318 = arith.constant 0 : i32
    %scan3A_319 = arith.constant 0 : i32
    %scan3A_320 = arith.constant 16 : i32
    %scan3A_321 = arith.addi %scan3A_319, %scan3A_320 : i32
    %scan3A_322 = arith.constant 1 : i32
    scf.for %scan3A_832 = %scan3A_319 to %scan3A_321 step %scan3A_322  : i32 {
      %add3A_833 = arith.constant 224 : i32
      %add3A_834 = arith.addi %add3A_833, %scan3A_832 : i32
      %dma_start3A_835 = arith.constant 0 : i32
      %dma_start3A_836 = arith.constant 0 : i32
      %dma_start3A_837 = tpu.memref_slice %arg8[%scan3A_832, %dma_start3A_835, %dma_start3A_836] : memref<16x50x32xf32, #tpu.memory_space<vmem>> -> memref<1x50x32xf32, #tpu.memory_space<vmem>>
      %dma_start3A_838 = tpu.memref_squeeze %dma_start3A_837 : memref<1x50x32xf32, #tpu.memory_space<vmem>> -> memref<50x32xf32, #tpu.memory_space<vmem>>
      %dma_start3A_839 = arith.constant 0 : i32
      %dma_start3A_840 = tpu.memref_slice %arg5[%add3A_834, %dma_start3A_839] : memref<512x50xi32, #tpu.memory_space<vmem>> -> memref<1x50xi32, #tpu.memory_space<vmem>>
      %dma_start3A_841 = tpu.memref_squeeze %dma_start3A_840 : memref<1x50xi32, #tpu.memory_space<vmem>> -> memref<50xi32, #tpu.memory_space<vmem>>
      %dma_start3A_842 = arith.constant 0 : i32
      %dma_start3A_843 = arith.constant 0 : i32
      %dma_start3A_844 = tpu.memref_slice %arg3[%dma_start3A_842, %dma_start3A_843] : memref<1000000x32xf32, #tpu.memory_space<hbm>> -> memref<1000000x32xf32, #tpu.memory_space<hbm>>
      tpu.enqueue_indirect_dma source(%dma_start3A_844 : memref<1000000x32xf32, #tpu.memory_space<hbm>>) target(%dma_start3A_838 : memref<50x32xf32, #tpu.memory_space<vmem>>) offsets(%dma_start3A_841 : memref<50xi32, #tpu.memory_space<vmem>>) semaphore(%arg12 : memref<!tpu.dma_semaphore, #tpu.memory_space<semaphore_mem>>)
    }
    %scan3A_323 = arith.constant 16 : i32
    %scan3A_324 = arith.constant 0 : i32
    %scan3A_325 = arith.constant 0 : i32
    %scan3A_326 = arith.constant 16 : i32
    %scan3A_327 = arith.addi %scan3A_325, %scan3A_326 : i32
    %scan3A_328 = arith.constant 1 : i32
    scf.for %scan3A_832 = %scan3A_325 to %scan3A_327 step %scan3A_328  : i32 {
      %dma_wait3A_833 = arith.constant 0 : i32
      %dma_wait3A_834 = arith.constant 0 : i32
      %dma_wait3A_835 = tpu.memref_slice %arg6[%scan3A_832, %dma_wait3A_833, %dma_wait3A_834] : memref<16x50x32xf32, #tpu.memory_space<vmem>> -> memref<1x50x32xf32, #tpu.memory_space<vmem>>
      %dma_wait3A_836 = tpu.memref_squeeze %dma_wait3A_835 : memref<1x50x32xf32, #tpu.memory_space<vmem>> -> memref<50x32xf32, #tpu.memory_space<vmem>>
      %dma_wait3A_837 = arith.constant 0 : i32
      %dma_wait3A_838 = tpu.memref_slice %arg5[%scan3A_832, %dma_wait3A_837] : memref<512x50xi32, #tpu.memory_space<vmem>> -> memref<1x50xi32, #tpu.memory_space<vmem>>
      %dma_wait3A_839 = tpu.memref_squeeze %dma_wait3A_838 : memref<1x50xi32, #tpu.memory_space<vmem>> -> memref<50xi32, #tpu.memory_space<vmem>>
      %dma_wait3A_840 = arith.constant 0 : i32
      %dma_wait3A_841 = arith.constant 0 : i32
      %dma_wait3A_842 = tpu.memref_slice %arg3[%dma_wait3A_840, %dma_wait3A_841] : memref<1000000x32xf32, #tpu.memory_space<hbm>> -> memref<1000000x32xf32, #tpu.memory_space<hbm>>
      tpu.wait_indirect_dma semaphore(%arg10 : memref<!tpu.dma_semaphore, #tpu.memory_space<semaphore_mem>>) src(%dma_wait3A_842 : memref<1000000x32xf32, #tpu.memory_space<hbm>>) dst(%dma_wait3A_836 : memref<50x32xf32, #tpu.memory_space<vmem>>)
    }
    %scan3A_329 = arith.constant 16 : i32
    %add3A_330 = arith.constant 192 : i32
    %add3A_331 = arith.addi %mul3A_2, %add3A_330 : i32
    %dma_start3A_332 = arith.constant 0 : i32
    %dma_start3A_333 = arith.constant 0 : i32
    %dma_start3A_334 = tpu.memref_slice %arg4[%add3A_331, %dma_start3A_332, %dma_start3A_333] : memref<16384x50x32xf32, #tpu.memory_space<hbm>> -> memref<16x50x32xf32, #tpu.memory_space<hbm>>
    %dma_start3A_335 = arith.constant 0 : i32
    %dma_start3A_336 = arith.constant 0 : i32
    %dma_start3A_337 = tpu.memref_slice %arg4[%add3A_331, %dma_start3A_335, %dma_start3A_336] : memref<16384x50x32xf32, #tpu.memory_space<hbm>> -> memref<16x50x32xf32, #tpu.memory_space<hbm>>
    tpu.enqueue_dma source(%arg6 : memref<16x50x32xf32, #tpu.memory_space<vmem>>) target(%dma_start3A_337 : memref<16x50x32xf32, #tpu.memory_space<hbm>>) target_semaphore(%arg14 : memref<!tpu.dma_semaphore, #tpu.memory_space<semaphore_mem>>)
    %dma_wait3A_338 = arith.constant 0 : i32
    %dma_wait3A_339 = arith.constant 0 : i32
    %dma_wait3A_340 = tpu.memref_slice %arg4[%add3A_305, %dma_wait3A_338, %dma_wait3A_339] : memref<16384x50x32xf32, #tpu.memory_space<hbm>> -> memref<16x50x32xf32, #tpu.memory_space<hbm>>
    %dma_wait3A_341 = arith.constant 0 : i32
    %dma_wait3A_342 = arith.constant 0 : i32
    %dma_wait3A_343 = tpu.memref_slice %arg4[%add3A_305, %dma_wait3A_341, %dma_wait3A_342] : memref<16384x50x32xf32, #tpu.memory_space<hbm>> -> memref<16x50x32xf32, #tpu.memory_space<hbm>>
    tpu.wait_dma2 semaphore(%arg17 : memref<!tpu.dma_semaphore, #tpu.memory_space<semaphore_mem>>) src(%arg9 : memref<16x50x32xf32, #tpu.memory_space<vmem>>) dst(%dma_wait3A_343 : memref<16x50x32xf32, #tpu.memory_space<hbm>>)
    %scan3A_344 = arith.constant 0 : i32
    %scan3A_345 = arith.constant 0 : i32
    %scan3A_346 = arith.constant 16 : i32
    %scan3A_347 = arith.addi %scan3A_345, %scan3A_346 : i32
    %scan3A_348 = arith.constant 1 : i32
    scf.for %scan3A_832 = %scan3A_345 to %scan3A_347 step %scan3A_348  : i32 {
      %add3A_833 = arith.constant 240 : i32
      %add3A_834 = arith.addi %add3A_833, %scan3A_832 : i32
      %dma_start3A_835 = arith.constant 0 : i32
      %dma_start3A_836 = arith.constant 0 : i32
      %dma_start3A_837 = tpu.memref_slice %arg9[%scan3A_832, %dma_start3A_835, %dma_start3A_836] : memref<16x50x32xf32, #tpu.memory_space<vmem>> -> memref<1x50x32xf32, #tpu.memory_space<vmem>>
      %dma_start3A_838 = tpu.memref_squeeze %dma_start3A_837 : memref<1x50x32xf32, #tpu.memory_space<vmem>> -> memref<50x32xf32, #tpu.memory_space<vmem>>
      %dma_start3A_839 = arith.constant 0 : i32
      %dma_start3A_840 = tpu.memref_slice %arg5[%add3A_834, %dma_start3A_839] : memref<512x50xi32, #tpu.memory_space<vmem>> -> memref<1x50xi32, #tpu.memory_space<vmem>>
      %dma_start3A_841 = tpu.memref_squeeze %dma_start3A_840 : memref<1x50xi32, #tpu.memory_space<vmem>> -> memref<50xi32, #tpu.memory_space<vmem>>
      %dma_start3A_842 = arith.constant 0 : i32
      %dma_start3A_843 = arith.constant 0 : i32
      %dma_start3A_844 = tpu.memref_slice %arg3[%dma_start3A_842, %dma_start3A_843] : memref<1000000x32xf32, #tpu.memory_space<hbm>> -> memref<1000000x32xf32, #tpu.memory_space<hbm>>
      tpu.enqueue_indirect_dma source(%dma_start3A_844 : memref<1000000x32xf32, #tpu.memory_space<hbm>>) target(%dma_start3A_838 : memref<50x32xf32, #tpu.memory_space<vmem>>) offsets(%dma_start3A_841 : memref<50xi32, #tpu.memory_space<vmem>>) semaphore(%arg13 : memref<!tpu.dma_semaphore, #tpu.memory_space<semaphore_mem>>)
    }
    %scan3A_349 = arith.constant 16 : i32
    %scan3A_350 = arith.constant 0 : i32
    %scan3A_351 = arith.constant 0 : i32
    %scan3A_352 = arith.constant 16 : i32
    %scan3A_353 = arith.addi %scan3A_351, %scan3A_352 : i32
    %scan3A_354 = arith.constant 1 : i32
    scf.for %scan3A_832 = %scan3A_351 to %scan3A_353 step %scan3A_354  : i32 {
      %dma_wait3A_833 = arith.constant 0 : i32
      %dma_wait3A_834 = arith.constant 0 : i32
      %dma_wait3A_835 = tpu.memref_slice %arg7[%scan3A_832, %dma_wait3A_833, %dma_wait3A_834] : memref<16x50x32xf32, #tpu.memory_space<vmem>> -> memref<1x50x32xf32, #tpu.memory_space<vmem>>
      %dma_wait3A_836 = tpu.memref_squeeze %dma_wait3A_835 : memref<1x50x32xf32, #tpu.memory_space<vmem>> -> memref<50x32xf32, #tpu.memory_space<vmem>>
      %dma_wait3A_837 = arith.constant 0 : i32
      %dma_wait3A_838 = tpu.memref_slice %arg5[%scan3A_832, %dma_wait3A_837] : memref<512x50xi32, #tpu.memory_space<vmem>> -> memref<1x50xi32, #tpu.memory_space<vmem>>
      %dma_wait3A_839 = tpu.memref_squeeze %dma_wait3A_838 : memref<1x50xi32, #tpu.memory_space<vmem>> -> memref<50xi32, #tpu.memory_space<vmem>>
      %dma_wait3A_840 = arith.constant 0 : i32
      %dma_wait3A_841 = arith.constant 0 : i32
      %dma_wait3A_842 = tpu.memref_slice %arg3[%dma_wait3A_840, %dma_wait3A_841] : memref<1000000x32xf32, #tpu.memory_space<hbm>> -> memref<1000000x32xf32, #tpu.memory_space<hbm>>
      tpu.wait_indirect_dma semaphore(%arg11 : memref<!tpu.dma_semaphore, #tpu.memory_space<semaphore_mem>>) src(%dma_wait3A_842 : memref<1000000x32xf32, #tpu.memory_space<hbm>>) dst(%dma_wait3A_836 : memref<50x32xf32, #tpu.memory_space<vmem>>)
    }
    %scan3A_355 = arith.constant 16 : i32
    %add3A_356 = arith.constant 208 : i32
    %add3A_357 = arith.addi %mul3A_2, %add3A_356 : i32
    %dma_start3A_358 = arith.constant 0 : i32
    %dma_start3A_359 = arith.constant 0 : i32
    %dma_start3A_360 = tpu.memref_slice %arg4[%add3A_357, %dma_start3A_358, %dma_start3A_359] : memref<16384x50x32xf32, #tpu.memory_space<hbm>> -> memref<16x50x32xf32, #tpu.memory_space<hbm>>
    %dma_start3A_361 = arith.constant 0 : i32
    %dma_start3A_362 = arith.constant 0 : i32
    %dma_start3A_363 = tpu.memref_slice %arg4[%add3A_357, %dma_start3A_361, %dma_start3A_362] : memref<16384x50x32xf32, #tpu.memory_space<hbm>> -> memref<16x50x32xf32, #tpu.memory_space<hbm>>
    tpu.enqueue_dma source(%arg7 : memref<16x50x32xf32, #tpu.memory_space<vmem>>) target(%dma_start3A_363 : memref<16x50x32xf32, #tpu.memory_space<hbm>>) target_semaphore(%arg15 : memref<!tpu.dma_semaphore, #tpu.memory_space<semaphore_mem>>)
    %dma_wait3A_364 = arith.constant 0 : i32
    %dma_wait3A_365 = arith.constant 0 : i32
    %dma_wait3A_366 = tpu.memref_slice %arg4[%add3A_331, %dma_wait3A_364, %dma_wait3A_365] : memref<16384x50x32xf32, #tpu.memory_space<hbm>> -> memref<16x50x32xf32, #tpu.memory_space<hbm>>
    %dma_wait3A_367 = arith.constant 0 : i32
    %dma_wait3A_368 = arith.constant 0 : i32
    %dma_wait3A_369 = tpu.memref_slice %arg4[%add3A_331, %dma_wait3A_367, %dma_wait3A_368] : memref<16384x50x32xf32, #tpu.memory_space<hbm>> -> memref<16x50x32xf32, #tpu.memory_space<hbm>>
    tpu.wait_dma2 semaphore(%arg14 : memref<!tpu.dma_semaphore, #tpu.memory_space<semaphore_mem>>) src(%arg6 : memref<16x50x32xf32, #tpu.memory_space<vmem>>) dst(%dma_wait3A_369 : memref<16x50x32xf32, #tpu.memory_space<hbm>>)
    %scan3A_370 = arith.constant 0 : i32
    %scan3A_371 = arith.constant 0 : i32
    %scan3A_372 = arith.constant 16 : i32
    %scan3A_373 = arith.addi %scan3A_371, %scan3A_372 : i32
    %scan3A_374 = arith.constant 1 : i32
    scf.for %scan3A_832 = %scan3A_371 to %scan3A_373 step %scan3A_374  : i32 {
      %add3A_833 = arith.constant 256 : i32
      %add3A_834 = arith.addi %add3A_833, %scan3A_832 : i32
      %dma_start3A_835 = arith.constant 0 : i32
      %dma_start3A_836 = arith.constant 0 : i32
      %dma_start3A_837 = tpu.memref_slice %arg6[%scan3A_832, %dma_start3A_835, %dma_start3A_836] : memref<16x50x32xf32, #tpu.memory_space<vmem>> -> memref<1x50x32xf32, #tpu.memory_space<vmem>>
      %dma_start3A_838 = tpu.memref_squeeze %dma_start3A_837 : memref<1x50x32xf32, #tpu.memory_space<vmem>> -> memref<50x32xf32, #tpu.memory_space<vmem>>
      %dma_start3A_839 = arith.constant 0 : i32
      %dma_start3A_840 = tpu.memref_slice %arg5[%add3A_834, %dma_start3A_839] : memref<512x50xi32, #tpu.memory_space<vmem>> -> memref<1x50xi32, #tpu.memory_space<vmem>>
      %dma_start3A_841 = tpu.memref_squeeze %dma_start3A_840 : memref<1x50xi32, #tpu.memory_space<vmem>> -> memref<50xi32, #tpu.memory_space<vmem>>
      %dma_start3A_842 = arith.constant 0 : i32
      %dma_start3A_843 = arith.constant 0 : i32
      %dma_start3A_844 = tpu.memref_slice %arg3[%dma_start3A_842, %dma_start3A_843] : memref<1000000x32xf32, #tpu.memory_space<hbm>> -> memref<1000000x32xf32, #tpu.memory_space<hbm>>
      tpu.enqueue_indirect_dma source(%dma_start3A_844 : memref<1000000x32xf32, #tpu.memory_space<hbm>>) target(%dma_start3A_838 : memref<50x32xf32, #tpu.memory_space<vmem>>) offsets(%dma_start3A_841 : memref<50xi32, #tpu.memory_space<vmem>>) semaphore(%arg10 : memref<!tpu.dma_semaphore, #tpu.memory_space<semaphore_mem>>)
    }
    %scan3A_375 = arith.constant 16 : i32
    %scan3A_376 = arith.constant 0 : i32
    %scan3A_377 = arith.constant 0 : i32
    %scan3A_378 = arith.constant 16 : i32
    %scan3A_379 = arith.addi %scan3A_377, %scan3A_378 : i32
    %scan3A_380 = arith.constant 1 : i32
    scf.for %scan3A_832 = %scan3A_377 to %scan3A_379 step %scan3A_380  : i32 {
      %dma_wait3A_833 = arith.constant 0 : i32
      %dma_wait3A_834 = arith.constant 0 : i32
      %dma_wait3A_835 = tpu.memref_slice %arg8[%scan3A_832, %dma_wait3A_833, %dma_wait3A_834] : memref<16x50x32xf32, #tpu.memory_space<vmem>> -> memref<1x50x32xf32, #tpu.memory_space<vmem>>
      %dma_wait3A_836 = tpu.memref_squeeze %dma_wait3A_835 : memref<1x50x32xf32, #tpu.memory_space<vmem>> -> memref<50x32xf32, #tpu.memory_space<vmem>>
      %dma_wait3A_837 = arith.constant 0 : i32
      %dma_wait3A_838 = tpu.memref_slice %arg5[%scan3A_832, %dma_wait3A_837] : memref<512x50xi32, #tpu.memory_space<vmem>> -> memref<1x50xi32, #tpu.memory_space<vmem>>
      %dma_wait3A_839 = tpu.memref_squeeze %dma_wait3A_838 : memref<1x50xi32, #tpu.memory_space<vmem>> -> memref<50xi32, #tpu.memory_space<vmem>>
      %dma_wait3A_840 = arith.constant 0 : i32
      %dma_wait3A_841 = arith.constant 0 : i32
      %dma_wait3A_842 = tpu.memref_slice %arg3[%dma_wait3A_840, %dma_wait3A_841] : memref<1000000x32xf32, #tpu.memory_space<hbm>> -> memref<1000000x32xf32, #tpu.memory_space<hbm>>
      tpu.wait_indirect_dma semaphore(%arg12 : memref<!tpu.dma_semaphore, #tpu.memory_space<semaphore_mem>>) src(%dma_wait3A_842 : memref<1000000x32xf32, #tpu.memory_space<hbm>>) dst(%dma_wait3A_836 : memref<50x32xf32, #tpu.memory_space<vmem>>)
    }
    %scan3A_381 = arith.constant 16 : i32
    %add3A_382 = arith.constant 224 : i32
    %add3A_383 = arith.addi %mul3A_2, %add3A_382 : i32
    %dma_start3A_384 = arith.constant 0 : i32
    %dma_start3A_385 = arith.constant 0 : i32
    %dma_start3A_386 = tpu.memref_slice %arg4[%add3A_383, %dma_start3A_384, %dma_start3A_385] : memref<16384x50x32xf32, #tpu.memory_space<hbm>> -> memref<16x50x32xf32, #tpu.memory_space<hbm>>
    %dma_start3A_387 = arith.constant 0 : i32
    %dma_start3A_388 = arith.constant 0 : i32
    %dma_start3A_389 = tpu.memref_slice %arg4[%add3A_383, %dma_start3A_387, %dma_start3A_388] : memref<16384x50x32xf32, #tpu.memory_space<hbm>> -> memref<16x50x32xf32, #tpu.memory_space<hbm>>
    tpu.enqueue_dma source(%arg8 : memref<16x50x32xf32, #tpu.memory_space<vmem>>) target(%dma_start3A_389 : memref<16x50x32xf32, #tpu.memory_space<hbm>>) target_semaphore(%arg16 : memref<!tpu.dma_semaphore, #tpu.memory_space<semaphore_mem>>)
    %dma_wait3A_390 = arith.constant 0 : i32
    %dma_wait3A_391 = arith.constant 0 : i32
    %dma_wait3A_392 = tpu.memref_slice %arg4[%add3A_357, %dma_wait3A_390, %dma_wait3A_391] : memref<16384x50x32xf32, #tpu.memory_space<hbm>> -> memref<16x50x32xf32, #tpu.memory_space<hbm>>
    %dma_wait3A_393 = arith.constant 0 : i32
    %dma_wait3A_394 = arith.constant 0 : i32
    %dma_wait3A_395 = tpu.memref_slice %arg4[%add3A_357, %dma_wait3A_393, %dma_wait3A_394] : memref<16384x50x32xf32, #tpu.memory_space<hbm>> -> memref<16x50x32xf32, #tpu.memory_space<hbm>>
    tpu.wait_dma2 semaphore(%arg15 : memref<!tpu.dma_semaphore, #tpu.memory_space<semaphore_mem>>) src(%arg7 : memref<16x50x32xf32, #tpu.memory_space<vmem>>) dst(%dma_wait3A_395 : memref<16x50x32xf32, #tpu.memory_space<hbm>>)
    %scan3A_396 = arith.constant 0 : i32
    %scan3A_397 = arith.constant 0 : i32
    %scan3A_398 = arith.constant 16 : i32
    %scan3A_399 = arith.addi %scan3A_397, %scan3A_398 : i32
    %scan3A_400 = arith.constant 1 : i32
    scf.for %scan3A_832 = %scan3A_397 to %scan3A_399 step %scan3A_400  : i32 {
      %add3A_833 = arith.constant 272 : i32
      %add3A_834 = arith.addi %add3A_833, %scan3A_832 : i32
      %dma_start3A_835 = arith.constant 0 : i32
      %dma_start3A_836 = arith.constant 0 : i32
      %dma_start3A_837 = tpu.memref_slice %arg7[%scan3A_832, %dma_start3A_835, %dma_start3A_836] : memref<16x50x32xf32, #tpu.memory_space<vmem>> -> memref<1x50x32xf32, #tpu.memory_space<vmem>>
      %dma_start3A_838 = tpu.memref_squeeze %dma_start3A_837 : memref<1x50x32xf32, #tpu.memory_space<vmem>> -> memref<50x32xf32, #tpu.memory_space<vmem>>
      %dma_start3A_839 = arith.constant 0 : i32
      %dma_start3A_840 = tpu.memref_slice %arg5[%add3A_834, %dma_start3A_839] : memref<512x50xi32, #tpu.memory_space<vmem>> -> memref<1x50xi32, #tpu.memory_space<vmem>>
      %dma_start3A_841 = tpu.memref_squeeze %dma_start3A_840 : memref<1x50xi32, #tpu.memory_space<vmem>> -> memref<50xi32, #tpu.memory_space<vmem>>
      %dma_start3A_842 = arith.constant 0 : i32
      %dma_start3A_843 = arith.constant 0 : i32
      %dma_start3A_844 = tpu.memref_slice %arg3[%dma_start3A_842, %dma_start3A_843] : memref<1000000x32xf32, #tpu.memory_space<hbm>> -> memref<1000000x32xf32, #tpu.memory_space<hbm>>
      tpu.enqueue_indirect_dma source(%dma_start3A_844 : memref<1000000x32xf32, #tpu.memory_space<hbm>>) target(%dma_start3A_838 : memref<50x32xf32, #tpu.memory_space<vmem>>) offsets(%dma_start3A_841 : memref<50xi32, #tpu.memory_space<vmem>>) semaphore(%arg11 : memref<!tpu.dma_semaphore, #tpu.memory_space<semaphore_mem>>)
    }
    %scan3A_401 = arith.constant 16 : i32
    %scan3A_402 = arith.constant 0 : i32
    %scan3A_403 = arith.constant 0 : i32
    %scan3A_404 = arith.constant 16 : i32
    %scan3A_405 = arith.addi %scan3A_403, %scan3A_404 : i32
    %scan3A_406 = arith.constant 1 : i32
    scf.for %scan3A_832 = %scan3A_403 to %scan3A_405 step %scan3A_406  : i32 {
      %dma_wait3A_833 = arith.constant 0 : i32
      %dma_wait3A_834 = arith.constant 0 : i32
      %dma_wait3A_835 = tpu.memref_slice %arg9[%scan3A_832, %dma_wait3A_833, %dma_wait3A_834] : memref<16x50x32xf32, #tpu.memory_space<vmem>> -> memref<1x50x32xf32, #tpu.memory_space<vmem>>
      %dma_wait3A_836 = tpu.memref_squeeze %dma_wait3A_835 : memref<1x50x32xf32, #tpu.memory_space<vmem>> -> memref<50x32xf32, #tpu.memory_space<vmem>>
      %dma_wait3A_837 = arith.constant 0 : i32
      %dma_wait3A_838 = tpu.memref_slice %arg5[%scan3A_832, %dma_wait3A_837] : memref<512x50xi32, #tpu.memory_space<vmem>> -> memref<1x50xi32, #tpu.memory_space<vmem>>
      %dma_wait3A_839 = tpu.memref_squeeze %dma_wait3A_838 : memref<1x50xi32, #tpu.memory_space<vmem>> -> memref<50xi32, #tpu.memory_space<vmem>>
      %dma_wait3A_840 = arith.constant 0 : i32
      %dma_wait3A_841 = arith.constant 0 : i32
      %dma_wait3A_842 = tpu.memref_slice %arg3[%dma_wait3A_840, %dma_wait3A_841] : memref<1000000x32xf32, #tpu.memory_space<hbm>> -> memref<1000000x32xf32, #tpu.memory_space<hbm>>
      tpu.wait_indirect_dma semaphore(%arg13 : memref<!tpu.dma_semaphore, #tpu.memory_space<semaphore_mem>>) src(%dma_wait3A_842 : memref<1000000x32xf32, #tpu.memory_space<hbm>>) dst(%dma_wait3A_836 : memref<50x32xf32, #tpu.memory_space<vmem>>)
    }
    %scan3A_407 = arith.constant 16 : i32
    %add3A_408 = arith.constant 240 : i32
    %add3A_409 = arith.addi %mul3A_2, %add3A_408 : i32
    %dma_start3A_410 = arith.constant 0 : i32
    %dma_start3A_411 = arith.constant 0 : i32
    %dma_start3A_412 = tpu.memref_slice %arg4[%add3A_409, %dma_start3A_410, %dma_start3A_411] : memref<16384x50x32xf32, #tpu.memory_space<hbm>> -> memref<16x50x32xf32, #tpu.memory_space<hbm>>
    %dma_start3A_413 = arith.constant 0 : i32
    %dma_start3A_414 = arith.constant 0 : i32
    %dma_start3A_415 = tpu.memref_slice %arg4[%add3A_409, %dma_start3A_413, %dma_start3A_414] : memref<16384x50x32xf32, #tpu.memory_space<hbm>> -> memref<16x50x32xf32, #tpu.memory_space<hbm>>
    tpu.enqueue_dma source(%arg9 : memref<16x50x32xf32, #tpu.memory_space<vmem>>) target(%dma_start3A_415 : memref<16x50x32xf32, #tpu.memory_space<hbm>>) target_semaphore(%arg17 : memref<!tpu.dma_semaphore, #tpu.memory_space<semaphore_mem>>)
    %dma_wait3A_416 = arith.constant 0 : i32
    %dma_wait3A_417 = arith.constant 0 : i32
    %dma_wait3A_418 = tpu.memref_slice %arg4[%add3A_383, %dma_wait3A_416, %dma_wait3A_417] : memref<16384x50x32xf32, #tpu.memory_space<hbm>> -> memref<16x50x32xf32, #tpu.memory_space<hbm>>
    %dma_wait3A_419 = arith.constant 0 : i32
    %dma_wait3A_420 = arith.constant 0 : i32
    %dma_wait3A_421 = tpu.memref_slice %arg4[%add3A_383, %dma_wait3A_419, %dma_wait3A_420] : memref<16384x50x32xf32, #tpu.memory_space<hbm>> -> memref<16x50x32xf32, #tpu.memory_space<hbm>>
    tpu.wait_dma2 semaphore(%arg16 : memref<!tpu.dma_semaphore, #tpu.memory_space<semaphore_mem>>) src(%arg8 : memref<16x50x32xf32, #tpu.memory_space<vmem>>) dst(%dma_wait3A_421 : memref<16x50x32xf32, #tpu.memory_space<hbm>>)
    %scan3A_422 = arith.constant 0 : i32
    %scan3A_423 = arith.constant 0 : i32
    %scan3A_424 = arith.constant 16 : i32
    %scan3A_425 = arith.addi %scan3A_423, %scan3A_424 : i32
    %scan3A_426 = arith.constant 1 : i32
    scf.for %scan3A_832 = %scan3A_423 to %scan3A_425 step %scan3A_426  : i32 {
      %add3A_833 = arith.constant 288 : i32
      %add3A_834 = arith.addi %add3A_833, %scan3A_832 : i32
      %dma_start3A_835 = arith.constant 0 : i32
      %dma_start3A_836 = arith.constant 0 : i32
      %dma_start3A_837 = tpu.memref_slice %arg8[%scan3A_832, %dma_start3A_835, %dma_start3A_836] : memref<16x50x32xf32, #tpu.memory_space<vmem>> -> memref<1x50x32xf32, #tpu.memory_space<vmem>>
      %dma_start3A_838 = tpu.memref_squeeze %dma_start3A_837 : memref<1x50x32xf32, #tpu.memory_space<vmem>> -> memref<50x32xf32, #tpu.memory_space<vmem>>
      %dma_start3A_839 = arith.constant 0 : i32
      %dma_start3A_840 = tpu.memref_slice %arg5[%add3A_834, %dma_start3A_839] : memref<512x50xi32, #tpu.memory_space<vmem>> -> memref<1x50xi32, #tpu.memory_space<vmem>>
      %dma_start3A_841 = tpu.memref_squeeze %dma_start3A_840 : memref<1x50xi32, #tpu.memory_space<vmem>> -> memref<50xi32, #tpu.memory_space<vmem>>
      %dma_start3A_842 = arith.constant 0 : i32
      %dma_start3A_843 = arith.constant 0 : i32
      %dma_start3A_844 = tpu.memref_slice %arg3[%dma_start3A_842, %dma_start3A_843] : memref<1000000x32xf32, #tpu.memory_space<hbm>> -> memref<1000000x32xf32, #tpu.memory_space<hbm>>
      tpu.enqueue_indirect_dma source(%dma_start3A_844 : memref<1000000x32xf32, #tpu.memory_space<hbm>>) target(%dma_start3A_838 : memref<50x32xf32, #tpu.memory_space<vmem>>) offsets(%dma_start3A_841 : memref<50xi32, #tpu.memory_space<vmem>>) semaphore(%arg12 : memref<!tpu.dma_semaphore, #tpu.memory_space<semaphore_mem>>)
    }
    %scan3A_427 = arith.constant 16 : i32
    %scan3A_428 = arith.constant 0 : i32
    %scan3A_429 = arith.constant 0 : i32
    %scan3A_430 = arith.constant 16 : i32
    %scan3A_431 = arith.addi %scan3A_429, %scan3A_430 : i32
    %scan3A_432 = arith.constant 1 : i32
    scf.for %scan3A_832 = %scan3A_429 to %scan3A_431 step %scan3A_432  : i32 {
      %dma_wait3A_833 = arith.constant 0 : i32
      %dma_wait3A_834 = arith.constant 0 : i32
      %dma_wait3A_835 = tpu.memref_slice %arg6[%scan3A_832, %dma_wait3A_833, %dma_wait3A_834] : memref<16x50x32xf32, #tpu.memory_space<vmem>> -> memref<1x50x32xf32, #tpu.memory_space<vmem>>
      %dma_wait3A_836 = tpu.memref_squeeze %dma_wait3A_835 : memref<1x50x32xf32, #tpu.memory_space<vmem>> -> memref<50x32xf32, #tpu.memory_space<vmem>>
      %dma_wait3A_837 = arith.constant 0 : i32
      %dma_wait3A_838 = tpu.memref_slice %arg5[%scan3A_832, %dma_wait3A_837] : memref<512x50xi32, #tpu.memory_space<vmem>> -> memref<1x50xi32, #tpu.memory_space<vmem>>
      %dma_wait3A_839 = tpu.memref_squeeze %dma_wait3A_838 : memref<1x50xi32, #tpu.memory_space<vmem>> -> memref<50xi32, #tpu.memory_space<vmem>>
      %dma_wait3A_840 = arith.constant 0 : i32
      %dma_wait3A_841 = arith.constant 0 : i32
      %dma_wait3A_842 = tpu.memref_slice %arg3[%dma_wait3A_840, %dma_wait3A_841] : memref<1000000x32xf32, #tpu.memory_space<hbm>> -> memref<1000000x32xf32, #tpu.memory_space<hbm>>
      tpu.wait_indirect_dma semaphore(%arg10 : memref<!tpu.dma_semaphore, #tpu.memory_space<semaphore_mem>>) src(%dma_wait3A_842 : memref<1000000x32xf32, #tpu.memory_space<hbm>>) dst(%dma_wait3A_836 : memref<50x32xf32, #tpu.memory_space<vmem>>)
    }
    %scan3A_433 = arith.constant 16 : i32
    %add3A_434 = arith.constant 256 : i32
    %add3A_435 = arith.addi %mul3A_2, %add3A_434 : i32
    %dma_start3A_436 = arith.constant 0 : i32
    %dma_start3A_437 = arith.constant 0 : i32
    %dma_start3A_438 = tpu.memref_slice %arg4[%add3A_435, %dma_start3A_436, %dma_start3A_437] : memref<16384x50x32xf32, #tpu.memory_space<hbm>> -> memref<16x50x32xf32, #tpu.memory_space<hbm>>
    %dma_start3A_439 = arith.constant 0 : i32
    %dma_start3A_440 = arith.constant 0 : i32
    %dma_start3A_441 = tpu.memref_slice %arg4[%add3A_435, %dma_start3A_439, %dma_start3A_440] : memref<16384x50x32xf32, #tpu.memory_space<hbm>> -> memref<16x50x32xf32, #tpu.memory_space<hbm>>
    tpu.enqueue_dma source(%arg6 : memref<16x50x32xf32, #tpu.memory_space<vmem>>) target(%dma_start3A_441 : memref<16x50x32xf32, #tpu.memory_space<hbm>>) target_semaphore(%arg14 : memref<!tpu.dma_semaphore, #tpu.memory_space<semaphore_mem>>)
    %dma_wait3A_442 = arith.constant 0 : i32
    %dma_wait3A_443 = arith.constant 0 : i32
    %dma_wait3A_444 = tpu.memref_slice %arg4[%add3A_409, %dma_wait3A_442, %dma_wait3A_443] : memref<16384x50x32xf32, #tpu.memory_space<hbm>> -> memref<16x50x32xf32, #tpu.memory_space<hbm>>
    %dma_wait3A_445 = arith.constant 0 : i32
    %dma_wait3A_446 = arith.constant 0 : i32
    %dma_wait3A_447 = tpu.memref_slice %arg4[%add3A_409, %dma_wait3A_445, %dma_wait3A_446] : memref<16384x50x32xf32, #tpu.memory_space<hbm>> -> memref<16x50x32xf32, #tpu.memory_space<hbm>>
    tpu.wait_dma2 semaphore(%arg17 : memref<!tpu.dma_semaphore, #tpu.memory_space<semaphore_mem>>) src(%arg9 : memref<16x50x32xf32, #tpu.memory_space<vmem>>) dst(%dma_wait3A_447 : memref<16x50x32xf32, #tpu.memory_space<hbm>>)
    %scan3A_448 = arith.constant 0 : i32
    %scan3A_449 = arith.constant 0 : i32
    %scan3A_450 = arith.constant 16 : i32
    %scan3A_451 = arith.addi %scan3A_449, %scan3A_450 : i32
    %scan3A_452 = arith.constant 1 : i32
    scf.for %scan3A_832 = %scan3A_449 to %scan3A_451 step %scan3A_452  : i32 {
      %add3A_833 = arith.constant 304 : i32
      %add3A_834 = arith.addi %add3A_833, %scan3A_832 : i32
      %dma_start3A_835 = arith.constant 0 : i32
      %dma_start3A_836 = arith.constant 0 : i32
      %dma_start3A_837 = tpu.memref_slice %arg9[%scan3A_832, %dma_start3A_835, %dma_start3A_836] : memref<16x50x32xf32, #tpu.memory_space<vmem>> -> memref<1x50x32xf32, #tpu.memory_space<vmem>>
      %dma_start3A_838 = tpu.memref_squeeze %dma_start3A_837 : memref<1x50x32xf32, #tpu.memory_space<vmem>> -> memref<50x32xf32, #tpu.memory_space<vmem>>
      %dma_start3A_839 = arith.constant 0 : i32
      %dma_start3A_840 = tpu.memref_slice %arg5[%add3A_834, %dma_start3A_839] : memref<512x50xi32, #tpu.memory_space<vmem>> -> memref<1x50xi32, #tpu.memory_space<vmem>>
      %dma_start3A_841 = tpu.memref_squeeze %dma_start3A_840 : memref<1x50xi32, #tpu.memory_space<vmem>> -> memref<50xi32, #tpu.memory_space<vmem>>
      %dma_start3A_842 = arith.constant 0 : i32
      %dma_start3A_843 = arith.constant 0 : i32
      %dma_start3A_844 = tpu.memref_slice %arg3[%dma_start3A_842, %dma_start3A_843] : memref<1000000x32xf32, #tpu.memory_space<hbm>> -> memref<1000000x32xf32, #tpu.memory_space<hbm>>
      tpu.enqueue_indirect_dma source(%dma_start3A_844 : memref<1000000x32xf32, #tpu.memory_space<hbm>>) target(%dma_start3A_838 : memref<50x32xf32, #tpu.memory_space<vmem>>) offsets(%dma_start3A_841 : memref<50xi32, #tpu.memory_space<vmem>>) semaphore(%arg13 : memref<!tpu.dma_semaphore, #tpu.memory_space<semaphore_mem>>)
    }
    %scan3A_453 = arith.constant 16 : i32
    %scan3A_454 = arith.constant 0 : i32
    %scan3A_455 = arith.constant 0 : i32
    %scan3A_456 = arith.constant 16 : i32
    %scan3A_457 = arith.addi %scan3A_455, %scan3A_456 : i32
    %scan3A_458 = arith.constant 1 : i32
    scf.for %scan3A_832 = %scan3A_455 to %scan3A_457 step %scan3A_458  : i32 {
      %dma_wait3A_833 = arith.constant 0 : i32
      %dma_wait3A_834 = arith.constant 0 : i32
      %dma_wait3A_835 = tpu.memref_slice %arg7[%scan3A_832, %dma_wait3A_833, %dma_wait3A_834] : memref<16x50x32xf32, #tpu.memory_space<vmem>> -> memref<1x50x32xf32, #tpu.memory_space<vmem>>
      %dma_wait3A_836 = tpu.memref_squeeze %dma_wait3A_835 : memref<1x50x32xf32, #tpu.memory_space<vmem>> -> memref<50x32xf32, #tpu.memory_space<vmem>>
      %dma_wait3A_837 = arith.constant 0 : i32
      %dma_wait3A_838 = tpu.memref_slice %arg5[%scan3A_832, %dma_wait3A_837] : memref<512x50xi32, #tpu.memory_space<vmem>> -> memref<1x50xi32, #tpu.memory_space<vmem>>
      %dma_wait3A_839 = tpu.memref_squeeze %dma_wait3A_838 : memref<1x50xi32, #tpu.memory_space<vmem>> -> memref<50xi32, #tpu.memory_space<vmem>>
      %dma_wait3A_840 = arith.constant 0 : i32
      %dma_wait3A_841 = arith.constant 0 : i32
      %dma_wait3A_842 = tpu.memref_slice %arg3[%dma_wait3A_840, %dma_wait3A_841] : memref<1000000x32xf32, #tpu.memory_space<hbm>> -> memref<1000000x32xf32, #tpu.memory_space<hbm>>
      tpu.wait_indirect_dma semaphore(%arg11 : memref<!tpu.dma_semaphore, #tpu.memory_space<semaphore_mem>>) src(%dma_wait3A_842 : memref<1000000x32xf32, #tpu.memory_space<hbm>>) dst(%dma_wait3A_836 : memref<50x32xf32, #tpu.memory_space<vmem>>)
    }
    %scan3A_459 = arith.constant 16 : i32
    %add3A_460 = arith.constant 272 : i32
    %add3A_461 = arith.addi %mul3A_2, %add3A_460 : i32
    %dma_start3A_462 = arith.constant 0 : i32
    %dma_start3A_463 = arith.constant 0 : i32
    %dma_start3A_464 = tpu.memref_slice %arg4[%add3A_461, %dma_start3A_462, %dma_start3A_463] : memref<16384x50x32xf32, #tpu.memory_space<hbm>> -> memref<16x50x32xf32, #tpu.memory_space<hbm>>
    %dma_start3A_465 = arith.constant 0 : i32
    %dma_start3A_466 = arith.constant 0 : i32
    %dma_start3A_467 = tpu.memref_slice %arg4[%add3A_461, %dma_start3A_465, %dma_start3A_466] : memref<16384x50x32xf32, #tpu.memory_space<hbm>> -> memref<16x50x32xf32, #tpu.memory_space<hbm>>
    tpu.enqueue_dma source(%arg7 : memref<16x50x32xf32, #tpu.memory_space<vmem>>) target(%dma_start3A_467 : memref<16x50x32xf32, #tpu.memory_space<hbm>>) target_semaphore(%arg15 : memref<!tpu.dma_semaphore, #tpu.memory_space<semaphore_mem>>)
    %dma_wait3A_468 = arith.constant 0 : i32
    %dma_wait3A_469 = arith.constant 0 : i32
    %dma_wait3A_470 = tpu.memref_slice %arg4[%add3A_435, %dma_wait3A_468, %dma_wait3A_469] : memref<16384x50x32xf32, #tpu.memory_space<hbm>> -> memref<16x50x32xf32, #tpu.memory_space<hbm>>
    %dma_wait3A_471 = arith.constant 0 : i32
    %dma_wait3A_472 = arith.constant 0 : i32
    %dma_wait3A_473 = tpu.memref_slice %arg4[%add3A_435, %dma_wait3A_471, %dma_wait3A_472] : memref<16384x50x32xf32, #tpu.memory_space<hbm>> -> memref<16x50x32xf32, #tpu.memory_space<hbm>>
    tpu.wait_dma2 semaphore(%arg14 : memref<!tpu.dma_semaphore, #tpu.memory_space<semaphore_mem>>) src(%arg6 : memref<16x50x32xf32, #tpu.memory_space<vmem>>) dst(%dma_wait3A_473 : memref<16x50x32xf32, #tpu.memory_space<hbm>>)
    %scan3A_474 = arith.constant 0 : i32
    %scan3A_475 = arith.constant 0 : i32
    %scan3A_476 = arith.constant 16 : i32
    %scan3A_477 = arith.addi %scan3A_475, %scan3A_476 : i32
    %scan3A_478 = arith.constant 1 : i32
    scf.for %scan3A_832 = %scan3A_475 to %scan3A_477 step %scan3A_478  : i32 {
      %add3A_833 = arith.constant 320 : i32
      %add3A_834 = arith.addi %add3A_833, %scan3A_832 : i32
      %dma_start3A_835 = arith.constant 0 : i32
      %dma_start3A_836 = arith.constant 0 : i32
      %dma_start3A_837 = tpu.memref_slice %arg6[%scan3A_832, %dma_start3A_835, %dma_start3A_836] : memref<16x50x32xf32, #tpu.memory_space<vmem>> -> memref<1x50x32xf32, #tpu.memory_space<vmem>>
      %dma_start3A_838 = tpu.memref_squeeze %dma_start3A_837 : memref<1x50x32xf32, #tpu.memory_space<vmem>> -> memref<50x32xf32, #tpu.memory_space<vmem>>
      %dma_start3A_839 = arith.constant 0 : i32
      %dma_start3A_840 = tpu.memref_slice %arg5[%add3A_834, %dma_start3A_839] : memref<512x50xi32, #tpu.memory_space<vmem>> -> memref<1x50xi32, #tpu.memory_space<vmem>>
      %dma_start3A_841 = tpu.memref_squeeze %dma_start3A_840 : memref<1x50xi32, #tpu.memory_space<vmem>> -> memref<50xi32, #tpu.memory_space<vmem>>
      %dma_start3A_842 = arith.constant 0 : i32
      %dma_start3A_843 = arith.constant 0 : i32
      %dma_start3A_844 = tpu.memref_slice %arg3[%dma_start3A_842, %dma_start3A_843] : memref<1000000x32xf32, #tpu.memory_space<hbm>> -> memref<1000000x32xf32, #tpu.memory_space<hbm>>
      tpu.enqueue_indirect_dma source(%dma_start3A_844 : memref<1000000x32xf32, #tpu.memory_space<hbm>>) target(%dma_start3A_838 : memref<50x32xf32, #tpu.memory_space<vmem>>) offsets(%dma_start3A_841 : memref<50xi32, #tpu.memory_space<vmem>>) semaphore(%arg10 : memref<!tpu.dma_semaphore, #tpu.memory_space<semaphore_mem>>)
    }
    %scan3A_479 = arith.constant 16 : i32
    %scan3A_480 = arith.constant 0 : i32
    %scan3A_481 = arith.constant 0 : i32
    %scan3A_482 = arith.constant 16 : i32
    %scan3A_483 = arith.addi %scan3A_481, %scan3A_482 : i32
    %scan3A_484 = arith.constant 1 : i32
    scf.for %scan3A_832 = %scan3A_481 to %scan3A_483 step %scan3A_484  : i32 {
      %dma_wait3A_833 = arith.constant 0 : i32
      %dma_wait3A_834 = arith.constant 0 : i32
      %dma_wait3A_835 = tpu.memref_slice %arg8[%scan3A_832, %dma_wait3A_833, %dma_wait3A_834] : memref<16x50x32xf32, #tpu.memory_space<vmem>> -> memref<1x50x32xf32, #tpu.memory_space<vmem>>
      %dma_wait3A_836 = tpu.memref_squeeze %dma_wait3A_835 : memref<1x50x32xf32, #tpu.memory_space<vmem>> -> memref<50x32xf32, #tpu.memory_space<vmem>>
      %dma_wait3A_837 = arith.constant 0 : i32
      %dma_wait3A_838 = tpu.memref_slice %arg5[%scan3A_832, %dma_wait3A_837] : memref<512x50xi32, #tpu.memory_space<vmem>> -> memref<1x50xi32, #tpu.memory_space<vmem>>
      %dma_wait3A_839 = tpu.memref_squeeze %dma_wait3A_838 : memref<1x50xi32, #tpu.memory_space<vmem>> -> memref<50xi32, #tpu.memory_space<vmem>>
      %dma_wait3A_840 = arith.constant 0 : i32
      %dma_wait3A_841 = arith.constant 0 : i32
      %dma_wait3A_842 = tpu.memref_slice %arg3[%dma_wait3A_840, %dma_wait3A_841] : memref<1000000x32xf32, #tpu.memory_space<hbm>> -> memref<1000000x32xf32, #tpu.memory_space<hbm>>
      tpu.wait_indirect_dma semaphore(%arg12 : memref<!tpu.dma_semaphore, #tpu.memory_space<semaphore_mem>>) src(%dma_wait3A_842 : memref<1000000x32xf32, #tpu.memory_space<hbm>>) dst(%dma_wait3A_836 : memref<50x32xf32, #tpu.memory_space<vmem>>)
    }
    %scan3A_485 = arith.constant 16 : i32
    %add3A_486 = arith.constant 288 : i32
    %add3A_487 = arith.addi %mul3A_2, %add3A_486 : i32
    %dma_start3A_488 = arith.constant 0 : i32
    %dma_start3A_489 = arith.constant 0 : i32
    %dma_start3A_490 = tpu.memref_slice %arg4[%add3A_487, %dma_start3A_488, %dma_start3A_489] : memref<16384x50x32xf32, #tpu.memory_space<hbm>> -> memref<16x50x32xf32, #tpu.memory_space<hbm>>
    %dma_start3A_491 = arith.constant 0 : i32
    %dma_start3A_492 = arith.constant 0 : i32
    %dma_start3A_493 = tpu.memref_slice %arg4[%add3A_487, %dma_start3A_491, %dma_start3A_492] : memref<16384x50x32xf32, #tpu.memory_space<hbm>> -> memref<16x50x32xf32, #tpu.memory_space<hbm>>
    tpu.enqueue_dma source(%arg8 : memref<16x50x32xf32, #tpu.memory_space<vmem>>) target(%dma_start3A_493 : memref<16x50x32xf32, #tpu.memory_space<hbm>>) target_semaphore(%arg16 : memref<!tpu.dma_semaphore, #tpu.memory_space<semaphore_mem>>)
    %dma_wait3A_494 = arith.constant 0 : i32
    %dma_wait3A_495 = arith.constant 0 : i32
    %dma_wait3A_496 = tpu.memref_slice %arg4[%add3A_461, %dma_wait3A_494, %dma_wait3A_495] : memref<16384x50x32xf32, #tpu.memory_space<hbm>> -> memref<16x50x32xf32, #tpu.memory_space<hbm>>
    %dma_wait3A_497 = arith.constant 0 : i32
    %dma_wait3A_498 = arith.constant 0 : i32
    %dma_wait3A_499 = tpu.memref_slice %arg4[%add3A_461, %dma_wait3A_497, %dma_wait3A_498] : memref<16384x50x32xf32, #tpu.memory_space<hbm>> -> memref<16x50x32xf32, #tpu.memory_space<hbm>>
    tpu.wait_dma2 semaphore(%arg15 : memref<!tpu.dma_semaphore, #tpu.memory_space<semaphore_mem>>) src(%arg7 : memref<16x50x32xf32, #tpu.memory_space<vmem>>) dst(%dma_wait3A_499 : memref<16x50x32xf32, #tpu.memory_space<hbm>>)
    %scan3A_500 = arith.constant 0 : i32
    %scan3A_501 = arith.constant 0 : i32
    %scan3A_502 = arith.constant 16 : i32
    %scan3A_503 = arith.addi %scan3A_501, %scan3A_502 : i32
    %scan3A_504 = arith.constant 1 : i32
    scf.for %scan3A_832 = %scan3A_501 to %scan3A_503 step %scan3A_504  : i32 {
      %add3A_833 = arith.constant 336 : i32
      %add3A_834 = arith.addi %add3A_833, %scan3A_832 : i32
      %dma_start3A_835 = arith.constant 0 : i32
      %dma_start3A_836 = arith.constant 0 : i32
      %dma_start3A_837 = tpu.memref_slice %arg7[%scan3A_832, %dma_start3A_835, %dma_start3A_836] : memref<16x50x32xf32, #tpu.memory_space<vmem>> -> memref<1x50x32xf32, #tpu.memory_space<vmem>>
      %dma_start3A_838 = tpu.memref_squeeze %dma_start3A_837 : memref<1x50x32xf32, #tpu.memory_space<vmem>> -> memref<50x32xf32, #tpu.memory_space<vmem>>
      %dma_start3A_839 = arith.constant 0 : i32
      %dma_start3A_840 = tpu.memref_slice %arg5[%add3A_834, %dma_start3A_839] : memref<512x50xi32, #tpu.memory_space<vmem>> -> memref<1x50xi32, #tpu.memory_space<vmem>>
      %dma_start3A_841 = tpu.memref_squeeze %dma_start3A_840 : memref<1x50xi32, #tpu.memory_space<vmem>> -> memref<50xi32, #tpu.memory_space<vmem>>
      %dma_start3A_842 = arith.constant 0 : i32
      %dma_start3A_843 = arith.constant 0 : i32
      %dma_start3A_844 = tpu.memref_slice %arg3[%dma_start3A_842, %dma_start3A_843] : memref<1000000x32xf32, #tpu.memory_space<hbm>> -> memref<1000000x32xf32, #tpu.memory_space<hbm>>
      tpu.enqueue_indirect_dma source(%dma_start3A_844 : memref<1000000x32xf32, #tpu.memory_space<hbm>>) target(%dma_start3A_838 : memref<50x32xf32, #tpu.memory_space<vmem>>) offsets(%dma_start3A_841 : memref<50xi32, #tpu.memory_space<vmem>>) semaphore(%arg11 : memref<!tpu.dma_semaphore, #tpu.memory_space<semaphore_mem>>)
    }
    %scan3A_505 = arith.constant 16 : i32
    %scan3A_506 = arith.constant 0 : i32
    %scan3A_507 = arith.constant 0 : i32
    %scan3A_508 = arith.constant 16 : i32
    %scan3A_509 = arith.addi %scan3A_507, %scan3A_508 : i32
    %scan3A_510 = arith.constant 1 : i32
    scf.for %scan3A_832 = %scan3A_507 to %scan3A_509 step %scan3A_510  : i32 {
      %dma_wait3A_833 = arith.constant 0 : i32
      %dma_wait3A_834 = arith.constant 0 : i32
      %dma_wait3A_835 = tpu.memref_slice %arg9[%scan3A_832, %dma_wait3A_833, %dma_wait3A_834] : memref<16x50x32xf32, #tpu.memory_space<vmem>> -> memref<1x50x32xf32, #tpu.memory_space<vmem>>
      %dma_wait3A_836 = tpu.memref_squeeze %dma_wait3A_835 : memref<1x50x32xf32, #tpu.memory_space<vmem>> -> memref<50x32xf32, #tpu.memory_space<vmem>>
      %dma_wait3A_837 = arith.constant 0 : i32
      %dma_wait3A_838 = tpu.memref_slice %arg5[%scan3A_832, %dma_wait3A_837] : memref<512x50xi32, #tpu.memory_space<vmem>> -> memref<1x50xi32, #tpu.memory_space<vmem>>
      %dma_wait3A_839 = tpu.memref_squeeze %dma_wait3A_838 : memref<1x50xi32, #tpu.memory_space<vmem>> -> memref<50xi32, #tpu.memory_space<vmem>>
      %dma_wait3A_840 = arith.constant 0 : i32
      %dma_wait3A_841 = arith.constant 0 : i32
      %dma_wait3A_842 = tpu.memref_slice %arg3[%dma_wait3A_840, %dma_wait3A_841] : memref<1000000x32xf32, #tpu.memory_space<hbm>> -> memref<1000000x32xf32, #tpu.memory_space<hbm>>
      tpu.wait_indirect_dma semaphore(%arg13 : memref<!tpu.dma_semaphore, #tpu.memory_space<semaphore_mem>>) src(%dma_wait3A_842 : memref<1000000x32xf32, #tpu.memory_space<hbm>>) dst(%dma_wait3A_836 : memref<50x32xf32, #tpu.memory_space<vmem>>)
    }
    %scan3A_511 = arith.constant 16 : i32
    %add3A_512 = arith.constant 304 : i32
    %add3A_513 = arith.addi %mul3A_2, %add3A_512 : i32
    %dma_start3A_514 = arith.constant 0 : i32
    %dma_start3A_515 = arith.constant 0 : i32
    %dma_start3A_516 = tpu.memref_slice %arg4[%add3A_513, %dma_start3A_514, %dma_start3A_515] : memref<16384x50x32xf32, #tpu.memory_space<hbm>> -> memref<16x50x32xf32, #tpu.memory_space<hbm>>
    %dma_start3A_517 = arith.constant 0 : i32
    %dma_start3A_518 = arith.constant 0 : i32
    %dma_start3A_519 = tpu.memref_slice %arg4[%add3A_513, %dma_start3A_517, %dma_start3A_518] : memref<16384x50x32xf32, #tpu.memory_space<hbm>> -> memref<16x50x32xf32, #tpu.memory_space<hbm>>
    tpu.enqueue_dma source(%arg9 : memref<16x50x32xf32, #tpu.memory_space<vmem>>) target(%dma_start3A_519 : memref<16x50x32xf32, #tpu.memory_space<hbm>>) target_semaphore(%arg17 : memref<!tpu.dma_semaphore, #tpu.memory_space<semaphore_mem>>)
    %dma_wait3A_520 = arith.constant 0 : i32
    %dma_wait3A_521 = arith.constant 0 : i32
    %dma_wait3A_522 = tpu.memref_slice %arg4[%add3A_487, %dma_wait3A_520, %dma_wait3A_521] : memref<16384x50x32xf32, #tpu.memory_space<hbm>> -> memref<16x50x32xf32, #tpu.memory_space<hbm>>
    %dma_wait3A_523 = arith.constant 0 : i32
    %dma_wait3A_524 = arith.constant 0 : i32
    %dma_wait3A_525 = tpu.memref_slice %arg4[%add3A_487, %dma_wait3A_523, %dma_wait3A_524] : memref<16384x50x32xf32, #tpu.memory_space<hbm>> -> memref<16x50x32xf32, #tpu.memory_space<hbm>>
    tpu.wait_dma2 semaphore(%arg16 : memref<!tpu.dma_semaphore, #tpu.memory_space<semaphore_mem>>) src(%arg8 : memref<16x50x32xf32, #tpu.memory_space<vmem>>) dst(%dma_wait3A_525 : memref<16x50x32xf32, #tpu.memory_space<hbm>>)
    %scan3A_526 = arith.constant 0 : i32
    %scan3A_527 = arith.constant 0 : i32
    %scan3A_528 = arith.constant 16 : i32
    %scan3A_529 = arith.addi %scan3A_527, %scan3A_528 : i32
    %scan3A_530 = arith.constant 1 : i32
    scf.for %scan3A_832 = %scan3A_527 to %scan3A_529 step %scan3A_530  : i32 {
      %add3A_833 = arith.constant 352 : i32
      %add3A_834 = arith.addi %add3A_833, %scan3A_832 : i32
      %dma_start3A_835 = arith.constant 0 : i32
      %dma_start3A_836 = arith.constant 0 : i32
      %dma_start3A_837 = tpu.memref_slice %arg8[%scan3A_832, %dma_start3A_835, %dma_start3A_836] : memref<16x50x32xf32, #tpu.memory_space<vmem>> -> memref<1x50x32xf32, #tpu.memory_space<vmem>>
      %dma_start3A_838 = tpu.memref_squeeze %dma_start3A_837 : memref<1x50x32xf32, #tpu.memory_space<vmem>> -> memref<50x32xf32, #tpu.memory_space<vmem>>
      %dma_start3A_839 = arith.constant 0 : i32
      %dma_start3A_840 = tpu.memref_slice %arg5[%add3A_834, %dma_start3A_839] : memref<512x50xi32, #tpu.memory_space<vmem>> -> memref<1x50xi32, #tpu.memory_space<vmem>>
      %dma_start3A_841 = tpu.memref_squeeze %dma_start3A_840 : memref<1x50xi32, #tpu.memory_space<vmem>> -> memref<50xi32, #tpu.memory_space<vmem>>
      %dma_start3A_842 = arith.constant 0 : i32
      %dma_start3A_843 = arith.constant 0 : i32
      %dma_start3A_844 = tpu.memref_slice %arg3[%dma_start3A_842, %dma_start3A_843] : memref<1000000x32xf32, #tpu.memory_space<hbm>> -> memref<1000000x32xf32, #tpu.memory_space<hbm>>
      tpu.enqueue_indirect_dma source(%dma_start3A_844 : memref<1000000x32xf32, #tpu.memory_space<hbm>>) target(%dma_start3A_838 : memref<50x32xf32, #tpu.memory_space<vmem>>) offsets(%dma_start3A_841 : memref<50xi32, #tpu.memory_space<vmem>>) semaphore(%arg12 : memref<!tpu.dma_semaphore, #tpu.memory_space<semaphore_mem>>)
    }
    %scan3A_531 = arith.constant 16 : i32
    %scan3A_532 = arith.constant 0 : i32
    %scan3A_533 = arith.constant 0 : i32
    %scan3A_534 = arith.constant 16 : i32
    %scan3A_535 = arith.addi %scan3A_533, %scan3A_534 : i32
    %scan3A_536 = arith.constant 1 : i32
    scf.for %scan3A_832 = %scan3A_533 to %scan3A_535 step %scan3A_536  : i32 {
      %dma_wait3A_833 = arith.constant 0 : i32
      %dma_wait3A_834 = arith.constant 0 : i32
      %dma_wait3A_835 = tpu.memref_slice %arg6[%scan3A_832, %dma_wait3A_833, %dma_wait3A_834] : memref<16x50x32xf32, #tpu.memory_space<vmem>> -> memref<1x50x32xf32, #tpu.memory_space<vmem>>
      %dma_wait3A_836 = tpu.memref_squeeze %dma_wait3A_835 : memref<1x50x32xf32, #tpu.memory_space<vmem>> -> memref<50x32xf32, #tpu.memory_space<vmem>>
      %dma_wait3A_837 = arith.constant 0 : i32
      %dma_wait3A_838 = tpu.memref_slice %arg5[%scan3A_832, %dma_wait3A_837] : memref<512x50xi32, #tpu.memory_space<vmem>> -> memref<1x50xi32, #tpu.memory_space<vmem>>
      %dma_wait3A_839 = tpu.memref_squeeze %dma_wait3A_838 : memref<1x50xi32, #tpu.memory_space<vmem>> -> memref<50xi32, #tpu.memory_space<vmem>>
      %dma_wait3A_840 = arith.constant 0 : i32
      %dma_wait3A_841 = arith.constant 0 : i32
      %dma_wait3A_842 = tpu.memref_slice %arg3[%dma_wait3A_840, %dma_wait3A_841] : memref<1000000x32xf32, #tpu.memory_space<hbm>> -> memref<1000000x32xf32, #tpu.memory_space<hbm>>
      tpu.wait_indirect_dma semaphore(%arg10 : memref<!tpu.dma_semaphore, #tpu.memory_space<semaphore_mem>>) src(%dma_wait3A_842 : memref<1000000x32xf32, #tpu.memory_space<hbm>>) dst(%dma_wait3A_836 : memref<50x32xf32, #tpu.memory_space<vmem>>)
    }
    %scan3A_537 = arith.constant 16 : i32
    %add3A_538 = arith.constant 320 : i32
    %add3A_539 = arith.addi %mul3A_2, %add3A_538 : i32
    %dma_start3A_540 = arith.constant 0 : i32
    %dma_start3A_541 = arith.constant 0 : i32
    %dma_start3A_542 = tpu.memref_slice %arg4[%add3A_539, %dma_start3A_540, %dma_start3A_541] : memref<16384x50x32xf32, #tpu.memory_space<hbm>> -> memref<16x50x32xf32, #tpu.memory_space<hbm>>
    %dma_start3A_543 = arith.constant 0 : i32
    %dma_start3A_544 = arith.constant 0 : i32
    %dma_start3A_545 = tpu.memref_slice %arg4[%add3A_539, %dma_start3A_543, %dma_start3A_544] : memref<16384x50x32xf32, #tpu.memory_space<hbm>> -> memref<16x50x32xf32, #tpu.memory_space<hbm>>
    tpu.enqueue_dma source(%arg6 : memref<16x50x32xf32, #tpu.memory_space<vmem>>) target(%dma_start3A_545 : memref<16x50x32xf32, #tpu.memory_space<hbm>>) target_semaphore(%arg14 : memref<!tpu.dma_semaphore, #tpu.memory_space<semaphore_mem>>)
    %dma_wait3A_546 = arith.constant 0 : i32
    %dma_wait3A_547 = arith.constant 0 : i32
    %dma_wait3A_548 = tpu.memref_slice %arg4[%add3A_513, %dma_wait3A_546, %dma_wait3A_547] : memref<16384x50x32xf32, #tpu.memory_space<hbm>> -> memref<16x50x32xf32, #tpu.memory_space<hbm>>
    %dma_wait3A_549 = arith.constant 0 : i32
    %dma_wait3A_550 = arith.constant 0 : i32
    %dma_wait3A_551 = tpu.memref_slice %arg4[%add3A_513, %dma_wait3A_549, %dma_wait3A_550] : memref<16384x50x32xf32, #tpu.memory_space<hbm>> -> memref<16x50x32xf32, #tpu.memory_space<hbm>>
    tpu.wait_dma2 semaphore(%arg17 : memref<!tpu.dma_semaphore, #tpu.memory_space<semaphore_mem>>) src(%arg9 : memref<16x50x32xf32, #tpu.memory_space<vmem>>) dst(%dma_wait3A_551 : memref<16x50x32xf32, #tpu.memory_space<hbm>>)
    %scan3A_552 = arith.constant 0 : i32
    %scan3A_553 = arith.constant 0 : i32
    %scan3A_554 = arith.constant 16 : i32
    %scan3A_555 = arith.addi %scan3A_553, %scan3A_554 : i32
    %scan3A_556 = arith.constant 1 : i32
    scf.for %scan3A_832 = %scan3A_553 to %scan3A_555 step %scan3A_556  : i32 {
      %add3A_833 = arith.constant 368 : i32
      %add3A_834 = arith.addi %add3A_833, %scan3A_832 : i32
      %dma_start3A_835 = arith.constant 0 : i32
      %dma_start3A_836 = arith.constant 0 : i32
      %dma_start3A_837 = tpu.memref_slice %arg9[%scan3A_832, %dma_start3A_835, %dma_start3A_836] : memref<16x50x32xf32, #tpu.memory_space<vmem>> -> memref<1x50x32xf32, #tpu.memory_space<vmem>>
      %dma_start3A_838 = tpu.memref_squeeze %dma_start3A_837 : memref<1x50x32xf32, #tpu.memory_space<vmem>> -> memref<50x32xf32, #tpu.memory_space<vmem>>
      %dma_start3A_839 = arith.constant 0 : i32
      %dma_start3A_840 = tpu.memref_slice %arg5[%add3A_834, %dma_start3A_839] : memref<512x50xi32, #tpu.memory_space<vmem>> -> memref<1x50xi32, #tpu.memory_space<vmem>>
      %dma_start3A_841 = tpu.memref_squeeze %dma_start3A_840 : memref<1x50xi32, #tpu.memory_space<vmem>> -> memref<50xi32, #tpu.memory_space<vmem>>
      %dma_start3A_842 = arith.constant 0 : i32
      %dma_start3A_843 = arith.constant 0 : i32
      %dma_start3A_844 = tpu.memref_slice %arg3[%dma_start3A_842, %dma_start3A_843] : memref<1000000x32xf32, #tpu.memory_space<hbm>> -> memref<1000000x32xf32, #tpu.memory_space<hbm>>
      tpu.enqueue_indirect_dma source(%dma_start3A_844 : memref<1000000x32xf32, #tpu.memory_space<hbm>>) target(%dma_start3A_838 : memref<50x32xf32, #tpu.memory_space<vmem>>) offsets(%dma_start3A_841 : memref<50xi32, #tpu.memory_space<vmem>>) semaphore(%arg13 : memref<!tpu.dma_semaphore, #tpu.memory_space<semaphore_mem>>)
    }
    %scan3A_557 = arith.constant 16 : i32
    %scan3A_558 = arith.constant 0 : i32
    %scan3A_559 = arith.constant 0 : i32
    %scan3A_560 = arith.constant 16 : i32
    %scan3A_561 = arith.addi %scan3A_559, %scan3A_560 : i32
    %scan3A_562 = arith.constant 1 : i32
    scf.for %scan3A_832 = %scan3A_559 to %scan3A_561 step %scan3A_562  : i32 {
      %dma_wait3A_833 = arith.constant 0 : i32
      %dma_wait3A_834 = arith.constant 0 : i32
      %dma_wait3A_835 = tpu.memref_slice %arg7[%scan3A_832, %dma_wait3A_833, %dma_wait3A_834] : memref<16x50x32xf32, #tpu.memory_space<vmem>> -> memref<1x50x32xf32, #tpu.memory_space<vmem>>
      %dma_wait3A_836 = tpu.memref_squeeze %dma_wait3A_835 : memref<1x50x32xf32, #tpu.memory_space<vmem>> -> memref<50x32xf32, #tpu.memory_space<vmem>>
      %dma_wait3A_837 = arith.constant 0 : i32
      %dma_wait3A_838 = tpu.memref_slice %arg5[%scan3A_832, %dma_wait3A_837] : memref<512x50xi32, #tpu.memory_space<vmem>> -> memref<1x50xi32, #tpu.memory_space<vmem>>
      %dma_wait3A_839 = tpu.memref_squeeze %dma_wait3A_838 : memref<1x50xi32, #tpu.memory_space<vmem>> -> memref<50xi32, #tpu.memory_space<vmem>>
      %dma_wait3A_840 = arith.constant 0 : i32
      %dma_wait3A_841 = arith.constant 0 : i32
      %dma_wait3A_842 = tpu.memref_slice %arg3[%dma_wait3A_840, %dma_wait3A_841] : memref<1000000x32xf32, #tpu.memory_space<hbm>> -> memref<1000000x32xf32, #tpu.memory_space<hbm>>
      tpu.wait_indirect_dma semaphore(%arg11 : memref<!tpu.dma_semaphore, #tpu.memory_space<semaphore_mem>>) src(%dma_wait3A_842 : memref<1000000x32xf32, #tpu.memory_space<hbm>>) dst(%dma_wait3A_836 : memref<50x32xf32, #tpu.memory_space<vmem>>)
    }
    %scan3A_563 = arith.constant 16 : i32
    %add3A_564 = arith.constant 336 : i32
    %add3A_565 = arith.addi %mul3A_2, %add3A_564 : i32
    %dma_start3A_566 = arith.constant 0 : i32
    %dma_start3A_567 = arith.constant 0 : i32
    %dma_start3A_568 = tpu.memref_slice %arg4[%add3A_565, %dma_start3A_566, %dma_start3A_567] : memref<16384x50x32xf32, #tpu.memory_space<hbm>> -> memref<16x50x32xf32, #tpu.memory_space<hbm>>
    %dma_start3A_569 = arith.constant 0 : i32
    %dma_start3A_570 = arith.constant 0 : i32
    %dma_start3A_571 = tpu.memref_slice %arg4[%add3A_565, %dma_start3A_569, %dma_start3A_570] : memref<16384x50x32xf32, #tpu.memory_space<hbm>> -> memref<16x50x32xf32, #tpu.memory_space<hbm>>
    tpu.enqueue_dma source(%arg7 : memref<16x50x32xf32, #tpu.memory_space<vmem>>) target(%dma_start3A_571 : memref<16x50x32xf32, #tpu.memory_space<hbm>>) target_semaphore(%arg15 : memref<!tpu.dma_semaphore, #tpu.memory_space<semaphore_mem>>)
    %dma_wait3A_572 = arith.constant 0 : i32
    %dma_wait3A_573 = arith.constant 0 : i32
    %dma_wait3A_574 = tpu.memref_slice %arg4[%add3A_539, %dma_wait3A_572, %dma_wait3A_573] : memref<16384x50x32xf32, #tpu.memory_space<hbm>> -> memref<16x50x32xf32, #tpu.memory_space<hbm>>
    %dma_wait3A_575 = arith.constant 0 : i32
    %dma_wait3A_576 = arith.constant 0 : i32
    %dma_wait3A_577 = tpu.memref_slice %arg4[%add3A_539, %dma_wait3A_575, %dma_wait3A_576] : memref<16384x50x32xf32, #tpu.memory_space<hbm>> -> memref<16x50x32xf32, #tpu.memory_space<hbm>>
    tpu.wait_dma2 semaphore(%arg14 : memref<!tpu.dma_semaphore, #tpu.memory_space<semaphore_mem>>) src(%arg6 : memref<16x50x32xf32, #tpu.memory_space<vmem>>) dst(%dma_wait3A_577 : memref<16x50x32xf32, #tpu.memory_space<hbm>>)
    %scan3A_578 = arith.constant 0 : i32
    %scan3A_579 = arith.constant 0 : i32
    %scan3A_580 = arith.constant 16 : i32
    %scan3A_581 = arith.addi %scan3A_579, %scan3A_580 : i32
    %scan3A_582 = arith.constant 1 : i32
    scf.for %scan3A_832 = %scan3A_579 to %scan3A_581 step %scan3A_582  : i32 {
      %add3A_833 = arith.constant 384 : i32
      %add3A_834 = arith.addi %add3A_833, %scan3A_832 : i32
      %dma_start3A_835 = arith.constant 0 : i32
      %dma_start3A_836 = arith.constant 0 : i32
      %dma_start3A_837 = tpu.memref_slice %arg6[%scan3A_832, %dma_start3A_835, %dma_start3A_836] : memref<16x50x32xf32, #tpu.memory_space<vmem>> -> memref<1x50x32xf32, #tpu.memory_space<vmem>>
      %dma_start3A_838 = tpu.memref_squeeze %dma_start3A_837 : memref<1x50x32xf32, #tpu.memory_space<vmem>> -> memref<50x32xf32, #tpu.memory_space<vmem>>
      %dma_start3A_839 = arith.constant 0 : i32
      %dma_start3A_840 = tpu.memref_slice %arg5[%add3A_834, %dma_start3A_839] : memref<512x50xi32, #tpu.memory_space<vmem>> -> memref<1x50xi32, #tpu.memory_space<vmem>>
      %dma_start3A_841 = tpu.memref_squeeze %dma_start3A_840 : memref<1x50xi32, #tpu.memory_space<vmem>> -> memref<50xi32, #tpu.memory_space<vmem>>
      %dma_start3A_842 = arith.constant 0 : i32
      %dma_start3A_843 = arith.constant 0 : i32
      %dma_start3A_844 = tpu.memref_slice %arg3[%dma_start3A_842, %dma_start3A_843] : memref<1000000x32xf32, #tpu.memory_space<hbm>> -> memref<1000000x32xf32, #tpu.memory_space<hbm>>
      tpu.enqueue_indirect_dma source(%dma_start3A_844 : memref<1000000x32xf32, #tpu.memory_space<hbm>>) target(%dma_start3A_838 : memref<50x32xf32, #tpu.memory_space<vmem>>) offsets(%dma_start3A_841 : memref<50xi32, #tpu.memory_space<vmem>>) semaphore(%arg10 : memref<!tpu.dma_semaphore, #tpu.memory_space<semaphore_mem>>)
    }
    %scan3A_583 = arith.constant 16 : i32
    %scan3A_584 = arith.constant 0 : i32
    %scan3A_585 = arith.constant 0 : i32
    %scan3A_586 = arith.constant 16 : i32
    %scan3A_587 = arith.addi %scan3A_585, %scan3A_586 : i32
    %scan3A_588 = arith.constant 1 : i32
    scf.for %scan3A_832 = %scan3A_585 to %scan3A_587 step %scan3A_588  : i32 {
      %dma_wait3A_833 = arith.constant 0 : i32
      %dma_wait3A_834 = arith.constant 0 : i32
      %dma_wait3A_835 = tpu.memref_slice %arg8[%scan3A_832, %dma_wait3A_833, %dma_wait3A_834] : memref<16x50x32xf32, #tpu.memory_space<vmem>> -> memref<1x50x32xf32, #tpu.memory_space<vmem>>
      %dma_wait3A_836 = tpu.memref_squeeze %dma_wait3A_835 : memref<1x50x32xf32, #tpu.memory_space<vmem>> -> memref<50x32xf32, #tpu.memory_space<vmem>>
      %dma_wait3A_837 = arith.constant 0 : i32
      %dma_wait3A_838 = tpu.memref_slice %arg5[%scan3A_832, %dma_wait3A_837] : memref<512x50xi32, #tpu.memory_space<vmem>> -> memref<1x50xi32, #tpu.memory_space<vmem>>
      %dma_wait3A_839 = tpu.memref_squeeze %dma_wait3A_838 : memref<1x50xi32, #tpu.memory_space<vmem>> -> memref<50xi32, #tpu.memory_space<vmem>>
      %dma_wait3A_840 = arith.constant 0 : i32
      %dma_wait3A_841 = arith.constant 0 : i32
      %dma_wait3A_842 = tpu.memref_slice %arg3[%dma_wait3A_840, %dma_wait3A_841] : memref<1000000x32xf32, #tpu.memory_space<hbm>> -> memref<1000000x32xf32, #tpu.memory_space<hbm>>
      tpu.wait_indirect_dma semaphore(%arg12 : memref<!tpu.dma_semaphore, #tpu.memory_space<semaphore_mem>>) src(%dma_wait3A_842 : memref<1000000x32xf32, #tpu.memory_space<hbm>>) dst(%dma_wait3A_836 : memref<50x32xf32, #tpu.memory_space<vmem>>)
    }
    %scan3A_589 = arith.constant 16 : i32
    %add3A_590 = arith.constant 352 : i32
    %add3A_591 = arith.addi %mul3A_2, %add3A_590 : i32
    %dma_start3A_592 = arith.constant 0 : i32
    %dma_start3A_593 = arith.constant 0 : i32
    %dma_start3A_594 = tpu.memref_slice %arg4[%add3A_591, %dma_start3A_592, %dma_start3A_593] : memref<16384x50x32xf32, #tpu.memory_space<hbm>> -> memref<16x50x32xf32, #tpu.memory_space<hbm>>
    %dma_start3A_595 = arith.constant 0 : i32
    %dma_start3A_596 = arith.constant 0 : i32
    %dma_start3A_597 = tpu.memref_slice %arg4[%add3A_591, %dma_start3A_595, %dma_start3A_596] : memref<16384x50x32xf32, #tpu.memory_space<hbm>> -> memref<16x50x32xf32, #tpu.memory_space<hbm>>
    tpu.enqueue_dma source(%arg8 : memref<16x50x32xf32, #tpu.memory_space<vmem>>) target(%dma_start3A_597 : memref<16x50x32xf32, #tpu.memory_space<hbm>>) target_semaphore(%arg16 : memref<!tpu.dma_semaphore, #tpu.memory_space<semaphore_mem>>)
    %dma_wait3A_598 = arith.constant 0 : i32
    %dma_wait3A_599 = arith.constant 0 : i32
    %dma_wait3A_600 = tpu.memref_slice %arg4[%add3A_565, %dma_wait3A_598, %dma_wait3A_599] : memref<16384x50x32xf32, #tpu.memory_space<hbm>> -> memref<16x50x32xf32, #tpu.memory_space<hbm>>
    %dma_wait3A_601 = arith.constant 0 : i32
    %dma_wait3A_602 = arith.constant 0 : i32
    %dma_wait3A_603 = tpu.memref_slice %arg4[%add3A_565, %dma_wait3A_601, %dma_wait3A_602] : memref<16384x50x32xf32, #tpu.memory_space<hbm>> -> memref<16x50x32xf32, #tpu.memory_space<hbm>>
    tpu.wait_dma2 semaphore(%arg15 : memref<!tpu.dma_semaphore, #tpu.memory_space<semaphore_mem>>) src(%arg7 : memref<16x50x32xf32, #tpu.memory_space<vmem>>) dst(%dma_wait3A_603 : memref<16x50x32xf32, #tpu.memory_space<hbm>>)
    %scan3A_604 = arith.constant 0 : i32
    %scan3A_605 = arith.constant 0 : i32
    %scan3A_606 = arith.constant 16 : i32
    %scan3A_607 = arith.addi %scan3A_605, %scan3A_606 : i32
    %scan3A_608 = arith.constant 1 : i32
    scf.for %scan3A_832 = %scan3A_605 to %scan3A_607 step %scan3A_608  : i32 {
      %add3A_833 = arith.constant 400 : i32
      %add3A_834 = arith.addi %add3A_833, %scan3A_832 : i32
      %dma_start3A_835 = arith.constant 0 : i32
      %dma_start3A_836 = arith.constant 0 : i32
      %dma_start3A_837 = tpu.memref_slice %arg7[%scan3A_832, %dma_start3A_835, %dma_start3A_836] : memref<16x50x32xf32, #tpu.memory_space<vmem>> -> memref<1x50x32xf32, #tpu.memory_space<vmem>>
      %dma_start3A_838 = tpu.memref_squeeze %dma_start3A_837 : memref<1x50x32xf32, #tpu.memory_space<vmem>> -> memref<50x32xf32, #tpu.memory_space<vmem>>
      %dma_start3A_839 = arith.constant 0 : i32
      %dma_start3A_840 = tpu.memref_slice %arg5[%add3A_834, %dma_start3A_839] : memref<512x50xi32, #tpu.memory_space<vmem>> -> memref<1x50xi32, #tpu.memory_space<vmem>>
      %dma_start3A_841 = tpu.memref_squeeze %dma_start3A_840 : memref<1x50xi32, #tpu.memory_space<vmem>> -> memref<50xi32, #tpu.memory_space<vmem>>
      %dma_start3A_842 = arith.constant 0 : i32
      %dma_start3A_843 = arith.constant 0 : i32
      %dma_start3A_844 = tpu.memref_slice %arg3[%dma_start3A_842, %dma_start3A_843] : memref<1000000x32xf32, #tpu.memory_space<hbm>> -> memref<1000000x32xf32, #tpu.memory_space<hbm>>
      tpu.enqueue_indirect_dma source(%dma_start3A_844 : memref<1000000x32xf32, #tpu.memory_space<hbm>>) target(%dma_start3A_838 : memref<50x32xf32, #tpu.memory_space<vmem>>) offsets(%dma_start3A_841 : memref<50xi32, #tpu.memory_space<vmem>>) semaphore(%arg11 : memref<!tpu.dma_semaphore, #tpu.memory_space<semaphore_mem>>)
    }
    %scan3A_609 = arith.constant 16 : i32
    %scan3A_610 = arith.constant 0 : i32
    %scan3A_611 = arith.constant 0 : i32
    %scan3A_612 = arith.constant 16 : i32
    %scan3A_613 = arith.addi %scan3A_611, %scan3A_612 : i32
    %scan3A_614 = arith.constant 1 : i32
    scf.for %scan3A_832 = %scan3A_611 to %scan3A_613 step %scan3A_614  : i32 {
      %dma_wait3A_833 = arith.constant 0 : i32
      %dma_wait3A_834 = arith.constant 0 : i32
      %dma_wait3A_835 = tpu.memref_slice %arg9[%scan3A_832, %dma_wait3A_833, %dma_wait3A_834] : memref<16x50x32xf32, #tpu.memory_space<vmem>> -> memref<1x50x32xf32, #tpu.memory_space<vmem>>
      %dma_wait3A_836 = tpu.memref_squeeze %dma_wait3A_835 : memref<1x50x32xf32, #tpu.memory_space<vmem>> -> memref<50x32xf32, #tpu.memory_space<vmem>>
      %dma_wait3A_837 = arith.constant 0 : i32
      %dma_wait3A_838 = tpu.memref_slice %arg5[%scan3A_832, %dma_wait3A_837] : memref<512x50xi32, #tpu.memory_space<vmem>> -> memref<1x50xi32, #tpu.memory_space<vmem>>
      %dma_wait3A_839 = tpu.memref_squeeze %dma_wait3A_838 : memref<1x50xi32, #tpu.memory_space<vmem>> -> memref<50xi32, #tpu.memory_space<vmem>>
      %dma_wait3A_840 = arith.constant 0 : i32
      %dma_wait3A_841 = arith.constant 0 : i32
      %dma_wait3A_842 = tpu.memref_slice %arg3[%dma_wait3A_840, %dma_wait3A_841] : memref<1000000x32xf32, #tpu.memory_space<hbm>> -> memref<1000000x32xf32, #tpu.memory_space<hbm>>
      tpu.wait_indirect_dma semaphore(%arg13 : memref<!tpu.dma_semaphore, #tpu.memory_space<semaphore_mem>>) src(%dma_wait3A_842 : memref<1000000x32xf32, #tpu.memory_space<hbm>>) dst(%dma_wait3A_836 : memref<50x32xf32, #tpu.memory_space<vmem>>)
    }
    %scan3A_615 = arith.constant 16 : i32
    %add3A_616 = arith.constant 368 : i32
    %add3A_617 = arith.addi %mul3A_2, %add3A_616 : i32
    %dma_start3A_618 = arith.constant 0 : i32
    %dma_start3A_619 = arith.constant 0 : i32
    %dma_start3A_620 = tpu.memref_slice %arg4[%add3A_617, %dma_start3A_618, %dma_start3A_619] : memref<16384x50x32xf32, #tpu.memory_space<hbm>> -> memref<16x50x32xf32, #tpu.memory_space<hbm>>
    %dma_start3A_621 = arith.constant 0 : i32
    %dma_start3A_622 = arith.constant 0 : i32
    %dma_start3A_623 = tpu.memref_slice %arg4[%add3A_617, %dma_start3A_621, %dma_start3A_622] : memref<16384x50x32xf32, #tpu.memory_space<hbm>> -> memref<16x50x32xf32, #tpu.memory_space<hbm>>
    tpu.enqueue_dma source(%arg9 : memref<16x50x32xf32, #tpu.memory_space<vmem>>) target(%dma_start3A_623 : memref<16x50x32xf32, #tpu.memory_space<hbm>>) target_semaphore(%arg17 : memref<!tpu.dma_semaphore, #tpu.memory_space<semaphore_mem>>)
    %dma_wait3A_624 = arith.constant 0 : i32
    %dma_wait3A_625 = arith.constant 0 : i32
    %dma_wait3A_626 = tpu.memref_slice %arg4[%add3A_591, %dma_wait3A_624, %dma_wait3A_625] : memref<16384x50x32xf32, #tpu.memory_space<hbm>> -> memref<16x50x32xf32, #tpu.memory_space<hbm>>
    %dma_wait3A_627 = arith.constant 0 : i32
    %dma_wait3A_628 = arith.constant 0 : i32
    %dma_wait3A_629 = tpu.memref_slice %arg4[%add3A_591, %dma_wait3A_627, %dma_wait3A_628] : memref<16384x50x32xf32, #tpu.memory_space<hbm>> -> memref<16x50x32xf32, #tpu.memory_space<hbm>>
    tpu.wait_dma2 semaphore(%arg16 : memref<!tpu.dma_semaphore, #tpu.memory_space<semaphore_mem>>) src(%arg8 : memref<16x50x32xf32, #tpu.memory_space<vmem>>) dst(%dma_wait3A_629 : memref<16x50x32xf32, #tpu.memory_space<hbm>>)
    %scan3A_630 = arith.constant 0 : i32
    %scan3A_631 = arith.constant 0 : i32
    %scan3A_632 = arith.constant 16 : i32
    %scan3A_633 = arith.addi %scan3A_631, %scan3A_632 : i32
    %scan3A_634 = arith.constant 1 : i32
    scf.for %scan3A_832 = %scan3A_631 to %scan3A_633 step %scan3A_634  : i32 {
      %add3A_833 = arith.constant 416 : i32
      %add3A_834 = arith.addi %add3A_833, %scan3A_832 : i32
      %dma_start3A_835 = arith.constant 0 : i32
      %dma_start3A_836 = arith.constant 0 : i32
      %dma_start3A_837 = tpu.memref_slice %arg8[%scan3A_832, %dma_start3A_835, %dma_start3A_836] : memref<16x50x32xf32, #tpu.memory_space<vmem>> -> memref<1x50x32xf32, #tpu.memory_space<vmem>>
      %dma_start3A_838 = tpu.memref_squeeze %dma_start3A_837 : memref<1x50x32xf32, #tpu.memory_space<vmem>> -> memref<50x32xf32, #tpu.memory_space<vmem>>
      %dma_start3A_839 = arith.constant 0 : i32
      %dma_start3A_840 = tpu.memref_slice %arg5[%add3A_834, %dma_start3A_839] : memref<512x50xi32, #tpu.memory_space<vmem>> -> memref<1x50xi32, #tpu.memory_space<vmem>>
      %dma_start3A_841 = tpu.memref_squeeze %dma_start3A_840 : memref<1x50xi32, #tpu.memory_space<vmem>> -> memref<50xi32, #tpu.memory_space<vmem>>
      %dma_start3A_842 = arith.constant 0 : i32
      %dma_start3A_843 = arith.constant 0 : i32
      %dma_start3A_844 = tpu.memref_slice %arg3[%dma_start3A_842, %dma_start3A_843] : memref<1000000x32xf32, #tpu.memory_space<hbm>> -> memref<1000000x32xf32, #tpu.memory_space<hbm>>
      tpu.enqueue_indirect_dma source(%dma_start3A_844 : memref<1000000x32xf32, #tpu.memory_space<hbm>>) target(%dma_start3A_838 : memref<50x32xf32, #tpu.memory_space<vmem>>) offsets(%dma_start3A_841 : memref<50xi32, #tpu.memory_space<vmem>>) semaphore(%arg12 : memref<!tpu.dma_semaphore, #tpu.memory_space<semaphore_mem>>)
    }
    %scan3A_635 = arith.constant 16 : i32
    %scan3A_636 = arith.constant 0 : i32
    %scan3A_637 = arith.constant 0 : i32
    %scan3A_638 = arith.constant 16 : i32
    %scan3A_639 = arith.addi %scan3A_637, %scan3A_638 : i32
    %scan3A_640 = arith.constant 1 : i32
    scf.for %scan3A_832 = %scan3A_637 to %scan3A_639 step %scan3A_640  : i32 {
      %dma_wait3A_833 = arith.constant 0 : i32
      %dma_wait3A_834 = arith.constant 0 : i32
      %dma_wait3A_835 = tpu.memref_slice %arg6[%scan3A_832, %dma_wait3A_833, %dma_wait3A_834] : memref<16x50x32xf32, #tpu.memory_space<vmem>> -> memref<1x50x32xf32, #tpu.memory_space<vmem>>
      %dma_wait3A_836 = tpu.memref_squeeze %dma_wait3A_835 : memref<1x50x32xf32, #tpu.memory_space<vmem>> -> memref<50x32xf32, #tpu.memory_space<vmem>>
      %dma_wait3A_837 = arith.constant 0 : i32
      %dma_wait3A_838 = tpu.memref_slice %arg5[%scan3A_832, %dma_wait3A_837] : memref<512x50xi32, #tpu.memory_space<vmem>> -> memref<1x50xi32, #tpu.memory_space<vmem>>
      %dma_wait3A_839 = tpu.memref_squeeze %dma_wait3A_838 : memref<1x50xi32, #tpu.memory_space<vmem>> -> memref<50xi32, #tpu.memory_space<vmem>>
      %dma_wait3A_840 = arith.constant 0 : i32
      %dma_wait3A_841 = arith.constant 0 : i32
      %dma_wait3A_842 = tpu.memref_slice %arg3[%dma_wait3A_840, %dma_wait3A_841] : memref<1000000x32xf32, #tpu.memory_space<hbm>> -> memref<1000000x32xf32, #tpu.memory_space<hbm>>
      tpu.wait_indirect_dma semaphore(%arg10 : memref<!tpu.dma_semaphore, #tpu.memory_space<semaphore_mem>>) src(%dma_wait3A_842 : memref<1000000x32xf32, #tpu.memory_space<hbm>>) dst(%dma_wait3A_836 : memref<50x32xf32, #tpu.memory_space<vmem>>)
    }
    %scan3A_641 = arith.constant 16 : i32
    %add3A_642 = arith.constant 384 : i32
    %add3A_643 = arith.addi %mul3A_2, %add3A_642 : i32
    %dma_start3A_644 = arith.constant 0 : i32
    %dma_start3A_645 = arith.constant 0 : i32
    %dma_start3A_646 = tpu.memref_slice %arg4[%add3A_643, %dma_start3A_644, %dma_start3A_645] : memref<16384x50x32xf32, #tpu.memory_space<hbm>> -> memref<16x50x32xf32, #tpu.memory_space<hbm>>
    %dma_start3A_647 = arith.constant 0 : i32
    %dma_start3A_648 = arith.constant 0 : i32
    %dma_start3A_649 = tpu.memref_slice %arg4[%add3A_643, %dma_start3A_647, %dma_start3A_648] : memref<16384x50x32xf32, #tpu.memory_space<hbm>> -> memref<16x50x32xf32, #tpu.memory_space<hbm>>
    tpu.enqueue_dma source(%arg6 : memref<16x50x32xf32, #tpu.memory_space<vmem>>) target(%dma_start3A_649 : memref<16x50x32xf32, #tpu.memory_space<hbm>>) target_semaphore(%arg14 : memref<!tpu.dma_semaphore, #tpu.memory_space<semaphore_mem>>)
    %dma_wait3A_650 = arith.constant 0 : i32
    %dma_wait3A_651 = arith.constant 0 : i32
    %dma_wait3A_652 = tpu.memref_slice %arg4[%add3A_617, %dma_wait3A_650, %dma_wait3A_651] : memref<16384x50x32xf32, #tpu.memory_space<hbm>> -> memref<16x50x32xf32, #tpu.memory_space<hbm>>
    %dma_wait3A_653 = arith.constant 0 : i32
    %dma_wait3A_654 = arith.constant 0 : i32
    %dma_wait3A_655 = tpu.memref_slice %arg4[%add3A_617, %dma_wait3A_653, %dma_wait3A_654] : memref<16384x50x32xf32, #tpu.memory_space<hbm>> -> memref<16x50x32xf32, #tpu.memory_space<hbm>>
    tpu.wait_dma2 semaphore(%arg17 : memref<!tpu.dma_semaphore, #tpu.memory_space<semaphore_mem>>) src(%arg9 : memref<16x50x32xf32, #tpu.memory_space<vmem>>) dst(%dma_wait3A_655 : memref<16x50x32xf32, #tpu.memory_space<hbm>>)
    %scan3A_656 = arith.constant 0 : i32
    %scan3A_657 = arith.constant 0 : i32
    %scan3A_658 = arith.constant 16 : i32
    %scan3A_659 = arith.addi %scan3A_657, %scan3A_658 : i32
    %scan3A_660 = arith.constant 1 : i32
    scf.for %scan3A_832 = %scan3A_657 to %scan3A_659 step %scan3A_660  : i32 {
      %add3A_833 = arith.constant 432 : i32
      %add3A_834 = arith.addi %add3A_833, %scan3A_832 : i32
      %dma_start3A_835 = arith.constant 0 : i32
      %dma_start3A_836 = arith.constant 0 : i32
      %dma_start3A_837 = tpu.memref_slice %arg9[%scan3A_832, %dma_start3A_835, %dma_start3A_836] : memref<16x50x32xf32, #tpu.memory_space<vmem>> -> memref<1x50x32xf32, #tpu.memory_space<vmem>>
      %dma_start3A_838 = tpu.memref_squeeze %dma_start3A_837 : memref<1x50x32xf32, #tpu.memory_space<vmem>> -> memref<50x32xf32, #tpu.memory_space<vmem>>
      %dma_start3A_839 = arith.constant 0 : i32
      %dma_start3A_840 = tpu.memref_slice %arg5[%add3A_834, %dma_start3A_839] : memref<512x50xi32, #tpu.memory_space<vmem>> -> memref<1x50xi32, #tpu.memory_space<vmem>>
      %dma_start3A_841 = tpu.memref_squeeze %dma_start3A_840 : memref<1x50xi32, #tpu.memory_space<vmem>> -> memref<50xi32, #tpu.memory_space<vmem>>
      %dma_start3A_842 = arith.constant 0 : i32
      %dma_start3A_843 = arith.constant 0 : i32
      %dma_start3A_844 = tpu.memref_slice %arg3[%dma_start3A_842, %dma_start3A_843] : memref<1000000x32xf32, #tpu.memory_space<hbm>> -> memref<1000000x32xf32, #tpu.memory_space<hbm>>
      tpu.enqueue_indirect_dma source(%dma_start3A_844 : memref<1000000x32xf32, #tpu.memory_space<hbm>>) target(%dma_start3A_838 : memref<50x32xf32, #tpu.memory_space<vmem>>) offsets(%dma_start3A_841 : memref<50xi32, #tpu.memory_space<vmem>>) semaphore(%arg13 : memref<!tpu.dma_semaphore, #tpu.memory_space<semaphore_mem>>)
    }
    %scan3A_661 = arith.constant 16 : i32
    %scan3A_662 = arith.constant 0 : i32
    %scan3A_663 = arith.constant 0 : i32
    %scan3A_664 = arith.constant 16 : i32
    %scan3A_665 = arith.addi %scan3A_663, %scan3A_664 : i32
    %scan3A_666 = arith.constant 1 : i32
    scf.for %scan3A_832 = %scan3A_663 to %scan3A_665 step %scan3A_666  : i32 {
      %dma_wait3A_833 = arith.constant 0 : i32
      %dma_wait3A_834 = arith.constant 0 : i32
      %dma_wait3A_835 = tpu.memref_slice %arg7[%scan3A_832, %dma_wait3A_833, %dma_wait3A_834] : memref<16x50x32xf32, #tpu.memory_space<vmem>> -> memref<1x50x32xf32, #tpu.memory_space<vmem>>
      %dma_wait3A_836 = tpu.memref_squeeze %dma_wait3A_835 : memref<1x50x32xf32, #tpu.memory_space<vmem>> -> memref<50x32xf32, #tpu.memory_space<vmem>>
      %dma_wait3A_837 = arith.constant 0 : i32
      %dma_wait3A_838 = tpu.memref_slice %arg5[%scan3A_832, %dma_wait3A_837] : memref<512x50xi32, #tpu.memory_space<vmem>> -> memref<1x50xi32, #tpu.memory_space<vmem>>
      %dma_wait3A_839 = tpu.memref_squeeze %dma_wait3A_838 : memref<1x50xi32, #tpu.memory_space<vmem>> -> memref<50xi32, #tpu.memory_space<vmem>>
      %dma_wait3A_840 = arith.constant 0 : i32
      %dma_wait3A_841 = arith.constant 0 : i32
      %dma_wait3A_842 = tpu.memref_slice %arg3[%dma_wait3A_840, %dma_wait3A_841] : memref<1000000x32xf32, #tpu.memory_space<hbm>> -> memref<1000000x32xf32, #tpu.memory_space<hbm>>
      tpu.wait_indirect_dma semaphore(%arg11 : memref<!tpu.dma_semaphore, #tpu.memory_space<semaphore_mem>>) src(%dma_wait3A_842 : memref<1000000x32xf32, #tpu.memory_space<hbm>>) dst(%dma_wait3A_836 : memref<50x32xf32, #tpu.memory_space<vmem>>)
    }
    %scan3A_667 = arith.constant 16 : i32
    %add3A_668 = arith.constant 400 : i32
    %add3A_669 = arith.addi %mul3A_2, %add3A_668 : i32
    %dma_start3A_670 = arith.constant 0 : i32
    %dma_start3A_671 = arith.constant 0 : i32
    %dma_start3A_672 = tpu.memref_slice %arg4[%add3A_669, %dma_start3A_670, %dma_start3A_671] : memref<16384x50x32xf32, #tpu.memory_space<hbm>> -> memref<16x50x32xf32, #tpu.memory_space<hbm>>
    %dma_start3A_673 = arith.constant 0 : i32
    %dma_start3A_674 = arith.constant 0 : i32
    %dma_start3A_675 = tpu.memref_slice %arg4[%add3A_669, %dma_start3A_673, %dma_start3A_674] : memref<16384x50x32xf32, #tpu.memory_space<hbm>> -> memref<16x50x32xf32, #tpu.memory_space<hbm>>
    tpu.enqueue_dma source(%arg7 : memref<16x50x32xf32, #tpu.memory_space<vmem>>) target(%dma_start3A_675 : memref<16x50x32xf32, #tpu.memory_space<hbm>>) target_semaphore(%arg15 : memref<!tpu.dma_semaphore, #tpu.memory_space<semaphore_mem>>)
    %dma_wait3A_676 = arith.constant 0 : i32
    %dma_wait3A_677 = arith.constant 0 : i32
    %dma_wait3A_678 = tpu.memref_slice %arg4[%add3A_643, %dma_wait3A_676, %dma_wait3A_677] : memref<16384x50x32xf32, #tpu.memory_space<hbm>> -> memref<16x50x32xf32, #tpu.memory_space<hbm>>
    %dma_wait3A_679 = arith.constant 0 : i32
    %dma_wait3A_680 = arith.constant 0 : i32
    %dma_wait3A_681 = tpu.memref_slice %arg4[%add3A_643, %dma_wait3A_679, %dma_wait3A_680] : memref<16384x50x32xf32, #tpu.memory_space<hbm>> -> memref<16x50x32xf32, #tpu.memory_space<hbm>>
    tpu.wait_dma2 semaphore(%arg14 : memref<!tpu.dma_semaphore, #tpu.memory_space<semaphore_mem>>) src(%arg6 : memref<16x50x32xf32, #tpu.memory_space<vmem>>) dst(%dma_wait3A_681 : memref<16x50x32xf32, #tpu.memory_space<hbm>>)
    %scan3A_682 = arith.constant 0 : i32
    %scan3A_683 = arith.constant 0 : i32
    %scan3A_684 = arith.constant 16 : i32
    %scan3A_685 = arith.addi %scan3A_683, %scan3A_684 : i32
    %scan3A_686 = arith.constant 1 : i32
    scf.for %scan3A_832 = %scan3A_683 to %scan3A_685 step %scan3A_686  : i32 {
      %add3A_833 = arith.constant 448 : i32
      %add3A_834 = arith.addi %add3A_833, %scan3A_832 : i32
      %dma_start3A_835 = arith.constant 0 : i32
      %dma_start3A_836 = arith.constant 0 : i32
      %dma_start3A_837 = tpu.memref_slice %arg6[%scan3A_832, %dma_start3A_835, %dma_start3A_836] : memref<16x50x32xf32, #tpu.memory_space<vmem>> -> memref<1x50x32xf32, #tpu.memory_space<vmem>>
      %dma_start3A_838 = tpu.memref_squeeze %dma_start3A_837 : memref<1x50x32xf32, #tpu.memory_space<vmem>> -> memref<50x32xf32, #tpu.memory_space<vmem>>
      %dma_start3A_839 = arith.constant 0 : i32
      %dma_start3A_840 = tpu.memref_slice %arg5[%add3A_834, %dma_start3A_839] : memref<512x50xi32, #tpu.memory_space<vmem>> -> memref<1x50xi32, #tpu.memory_space<vmem>>
      %dma_start3A_841 = tpu.memref_squeeze %dma_start3A_840 : memref<1x50xi32, #tpu.memory_space<vmem>> -> memref<50xi32, #tpu.memory_space<vmem>>
      %dma_start3A_842 = arith.constant 0 : i32
      %dma_start3A_843 = arith.constant 0 : i32
      %dma_start3A_844 = tpu.memref_slice %arg3[%dma_start3A_842, %dma_start3A_843] : memref<1000000x32xf32, #tpu.memory_space<hbm>> -> memref<1000000x32xf32, #tpu.memory_space<hbm>>
      tpu.enqueue_indirect_dma source(%dma_start3A_844 : memref<1000000x32xf32, #tpu.memory_space<hbm>>) target(%dma_start3A_838 : memref<50x32xf32, #tpu.memory_space<vmem>>) offsets(%dma_start3A_841 : memref<50xi32, #tpu.memory_space<vmem>>) semaphore(%arg10 : memref<!tpu.dma_semaphore, #tpu.memory_space<semaphore_mem>>)
    }
    %scan3A_687 = arith.constant 16 : i32
    %scan3A_688 = arith.constant 0 : i32
    %scan3A_689 = arith.constant 0 : i32
    %scan3A_690 = arith.constant 16 : i32
    %scan3A_691 = arith.addi %scan3A_689, %scan3A_690 : i32
    %scan3A_692 = arith.constant 1 : i32
    scf.for %scan3A_832 = %scan3A_689 to %scan3A_691 step %scan3A_692  : i32 {
      %dma_wait3A_833 = arith.constant 0 : i32
      %dma_wait3A_834 = arith.constant 0 : i32
      %dma_wait3A_835 = tpu.memref_slice %arg8[%scan3A_832, %dma_wait3A_833, %dma_wait3A_834] : memref<16x50x32xf32, #tpu.memory_space<vmem>> -> memref<1x50x32xf32, #tpu.memory_space<vmem>>
      %dma_wait3A_836 = tpu.memref_squeeze %dma_wait3A_835 : memref<1x50x32xf32, #tpu.memory_space<vmem>> -> memref<50x32xf32, #tpu.memory_space<vmem>>
      %dma_wait3A_837 = arith.constant 0 : i32
      %dma_wait3A_838 = tpu.memref_slice %arg5[%scan3A_832, %dma_wait3A_837] : memref<512x50xi32, #tpu.memory_space<vmem>> -> memref<1x50xi32, #tpu.memory_space<vmem>>
      %dma_wait3A_839 = tpu.memref_squeeze %dma_wait3A_838 : memref<1x50xi32, #tpu.memory_space<vmem>> -> memref<50xi32, #tpu.memory_space<vmem>>
      %dma_wait3A_840 = arith.constant 0 : i32
      %dma_wait3A_841 = arith.constant 0 : i32
      %dma_wait3A_842 = tpu.memref_slice %arg3[%dma_wait3A_840, %dma_wait3A_841] : memref<1000000x32xf32, #tpu.memory_space<hbm>> -> memref<1000000x32xf32, #tpu.memory_space<hbm>>
      tpu.wait_indirect_dma semaphore(%arg12 : memref<!tpu.dma_semaphore, #tpu.memory_space<semaphore_mem>>) src(%dma_wait3A_842 : memref<1000000x32xf32, #tpu.memory_space<hbm>>) dst(%dma_wait3A_836 : memref<50x32xf32, #tpu.memory_space<vmem>>)
    }
    %scan3A_693 = arith.constant 16 : i32
    %add3A_694 = arith.constant 416 : i32
    %add3A_695 = arith.addi %mul3A_2, %add3A_694 : i32
    %dma_start3A_696 = arith.constant 0 : i32
    %dma_start3A_697 = arith.constant 0 : i32
    %dma_start3A_698 = tpu.memref_slice %arg4[%add3A_695, %dma_start3A_696, %dma_start3A_697] : memref<16384x50x32xf32, #tpu.memory_space<hbm>> -> memref<16x50x32xf32, #tpu.memory_space<hbm>>
    %dma_start3A_699 = arith.constant 0 : i32
    %dma_start3A_700 = arith.constant 0 : i32
    %dma_start3A_701 = tpu.memref_slice %arg4[%add3A_695, %dma_start3A_699, %dma_start3A_700] : memref<16384x50x32xf32, #tpu.memory_space<hbm>> -> memref<16x50x32xf32, #tpu.memory_space<hbm>>
    tpu.enqueue_dma source(%arg8 : memref<16x50x32xf32, #tpu.memory_space<vmem>>) target(%dma_start3A_701 : memref<16x50x32xf32, #tpu.memory_space<hbm>>) target_semaphore(%arg16 : memref<!tpu.dma_semaphore, #tpu.memory_space<semaphore_mem>>)
    %dma_wait3A_702 = arith.constant 0 : i32
    %dma_wait3A_703 = arith.constant 0 : i32
    %dma_wait3A_704 = tpu.memref_slice %arg4[%add3A_669, %dma_wait3A_702, %dma_wait3A_703] : memref<16384x50x32xf32, #tpu.memory_space<hbm>> -> memref<16x50x32xf32, #tpu.memory_space<hbm>>
    %dma_wait3A_705 = arith.constant 0 : i32
    %dma_wait3A_706 = arith.constant 0 : i32
    %dma_wait3A_707 = tpu.memref_slice %arg4[%add3A_669, %dma_wait3A_705, %dma_wait3A_706] : memref<16384x50x32xf32, #tpu.memory_space<hbm>> -> memref<16x50x32xf32, #tpu.memory_space<hbm>>
    tpu.wait_dma2 semaphore(%arg15 : memref<!tpu.dma_semaphore, #tpu.memory_space<semaphore_mem>>) src(%arg7 : memref<16x50x32xf32, #tpu.memory_space<vmem>>) dst(%dma_wait3A_707 : memref<16x50x32xf32, #tpu.memory_space<hbm>>)
    %scan3A_708 = arith.constant 0 : i32
    %scan3A_709 = arith.constant 0 : i32
    %scan3A_710 = arith.constant 16 : i32
    %scan3A_711 = arith.addi %scan3A_709, %scan3A_710 : i32
    %scan3A_712 = arith.constant 1 : i32
    scf.for %scan3A_832 = %scan3A_709 to %scan3A_711 step %scan3A_712  : i32 {
      %add3A_833 = arith.constant 464 : i32
      %add3A_834 = arith.addi %add3A_833, %scan3A_832 : i32
      %dma_start3A_835 = arith.constant 0 : i32
      %dma_start3A_836 = arith.constant 0 : i32
      %dma_start3A_837 = tpu.memref_slice %arg7[%scan3A_832, %dma_start3A_835, %dma_start3A_836] : memref<16x50x32xf32, #tpu.memory_space<vmem>> -> memref<1x50x32xf32, #tpu.memory_space<vmem>>
      %dma_start3A_838 = tpu.memref_squeeze %dma_start3A_837 : memref<1x50x32xf32, #tpu.memory_space<vmem>> -> memref<50x32xf32, #tpu.memory_space<vmem>>
      %dma_start3A_839 = arith.constant 0 : i32
      %dma_start3A_840 = tpu.memref_slice %arg5[%add3A_834, %dma_start3A_839] : memref<512x50xi32, #tpu.memory_space<vmem>> -> memref<1x50xi32, #tpu.memory_space<vmem>>
      %dma_start3A_841 = tpu.memref_squeeze %dma_start3A_840 : memref<1x50xi32, #tpu.memory_space<vmem>> -> memref<50xi32, #tpu.memory_space<vmem>>
      %dma_start3A_842 = arith.constant 0 : i32
      %dma_start3A_843 = arith.constant 0 : i32
      %dma_start3A_844 = tpu.memref_slice %arg3[%dma_start3A_842, %dma_start3A_843] : memref<1000000x32xf32, #tpu.memory_space<hbm>> -> memref<1000000x32xf32, #tpu.memory_space<hbm>>
      tpu.enqueue_indirect_dma source(%dma_start3A_844 : memref<1000000x32xf32, #tpu.memory_space<hbm>>) target(%dma_start3A_838 : memref<50x32xf32, #tpu.memory_space<vmem>>) offsets(%dma_start3A_841 : memref<50xi32, #tpu.memory_space<vmem>>) semaphore(%arg11 : memref<!tpu.dma_semaphore, #tpu.memory_space<semaphore_mem>>)
    }
    %scan3A_713 = arith.constant 16 : i32
    %scan3A_714 = arith.constant 0 : i32
    %scan3A_715 = arith.constant 0 : i32
    %scan3A_716 = arith.constant 16 : i32
    %scan3A_717 = arith.addi %scan3A_715, %scan3A_716 : i32
    %scan3A_718 = arith.constant 1 : i32
    scf.for %scan3A_832 = %scan3A_715 to %scan3A_717 step %scan3A_718  : i32 {
      %dma_wait3A_833 = arith.constant 0 : i32
      %dma_wait3A_834 = arith.constant 0 : i32
      %dma_wait3A_835 = tpu.memref_slice %arg9[%scan3A_832, %dma_wait3A_833, %dma_wait3A_834] : memref<16x50x32xf32, #tpu.memory_space<vmem>> -> memref<1x50x32xf32, #tpu.memory_space<vmem>>
      %dma_wait3A_836 = tpu.memref_squeeze %dma_wait3A_835 : memref<1x50x32xf32, #tpu.memory_space<vmem>> -> memref<50x32xf32, #tpu.memory_space<vmem>>
      %dma_wait3A_837 = arith.constant 0 : i32
      %dma_wait3A_838 = tpu.memref_slice %arg5[%scan3A_832, %dma_wait3A_837] : memref<512x50xi32, #tpu.memory_space<vmem>> -> memref<1x50xi32, #tpu.memory_space<vmem>>
      %dma_wait3A_839 = tpu.memref_squeeze %dma_wait3A_838 : memref<1x50xi32, #tpu.memory_space<vmem>> -> memref<50xi32, #tpu.memory_space<vmem>>
      %dma_wait3A_840 = arith.constant 0 : i32
      %dma_wait3A_841 = arith.constant 0 : i32
      %dma_wait3A_842 = tpu.memref_slice %arg3[%dma_wait3A_840, %dma_wait3A_841] : memref<1000000x32xf32, #tpu.memory_space<hbm>> -> memref<1000000x32xf32, #tpu.memory_space<hbm>>
      tpu.wait_indirect_dma semaphore(%arg13 : memref<!tpu.dma_semaphore, #tpu.memory_space<semaphore_mem>>) src(%dma_wait3A_842 : memref<1000000x32xf32, #tpu.memory_space<hbm>>) dst(%dma_wait3A_836 : memref<50x32xf32, #tpu.memory_space<vmem>>)
    }
    %scan3A_719 = arith.constant 16 : i32
    %add3A_720 = arith.constant 432 : i32
    %add3A_721 = arith.addi %mul3A_2, %add3A_720 : i32
    %dma_start3A_722 = arith.constant 0 : i32
    %dma_start3A_723 = arith.constant 0 : i32
    %dma_start3A_724 = tpu.memref_slice %arg4[%add3A_721, %dma_start3A_722, %dma_start3A_723] : memref<16384x50x32xf32, #tpu.memory_space<hbm>> -> memref<16x50x32xf32, #tpu.memory_space<hbm>>
    %dma_start3A_725 = arith.constant 0 : i32
    %dma_start3A_726 = arith.constant 0 : i32
    %dma_start3A_727 = tpu.memref_slice %arg4[%add3A_721, %dma_start3A_725, %dma_start3A_726] : memref<16384x50x32xf32, #tpu.memory_space<hbm>> -> memref<16x50x32xf32, #tpu.memory_space<hbm>>
    tpu.enqueue_dma source(%arg9 : memref<16x50x32xf32, #tpu.memory_space<vmem>>) target(%dma_start3A_727 : memref<16x50x32xf32, #tpu.memory_space<hbm>>) target_semaphore(%arg17 : memref<!tpu.dma_semaphore, #tpu.memory_space<semaphore_mem>>)
    %dma_wait3A_728 = arith.constant 0 : i32
    %dma_wait3A_729 = arith.constant 0 : i32
    %dma_wait3A_730 = tpu.memref_slice %arg4[%add3A_695, %dma_wait3A_728, %dma_wait3A_729] : memref<16384x50x32xf32, #tpu.memory_space<hbm>> -> memref<16x50x32xf32, #tpu.memory_space<hbm>>
    %dma_wait3A_731 = arith.constant 0 : i32
    %dma_wait3A_732 = arith.constant 0 : i32
    %dma_wait3A_733 = tpu.memref_slice %arg4[%add3A_695, %dma_wait3A_731, %dma_wait3A_732] : memref<16384x50x32xf32, #tpu.memory_space<hbm>> -> memref<16x50x32xf32, #tpu.memory_space<hbm>>
    tpu.wait_dma2 semaphore(%arg16 : memref<!tpu.dma_semaphore, #tpu.memory_space<semaphore_mem>>) src(%arg8 : memref<16x50x32xf32, #tpu.memory_space<vmem>>) dst(%dma_wait3A_733 : memref<16x50x32xf32, #tpu.memory_space<hbm>>)
    %scan3A_734 = arith.constant 0 : i32
    %scan3A_735 = arith.constant 0 : i32
    %scan3A_736 = arith.constant 16 : i32
    %scan3A_737 = arith.addi %scan3A_735, %scan3A_736 : i32
    %scan3A_738 = arith.constant 1 : i32
    scf.for %scan3A_832 = %scan3A_735 to %scan3A_737 step %scan3A_738  : i32 {
      %add3A_833 = arith.constant 480 : i32
      %add3A_834 = arith.addi %add3A_833, %scan3A_832 : i32
      %dma_start3A_835 = arith.constant 0 : i32
      %dma_start3A_836 = arith.constant 0 : i32
      %dma_start3A_837 = tpu.memref_slice %arg8[%scan3A_832, %dma_start3A_835, %dma_start3A_836] : memref<16x50x32xf32, #tpu.memory_space<vmem>> -> memref<1x50x32xf32, #tpu.memory_space<vmem>>
      %dma_start3A_838 = tpu.memref_squeeze %dma_start3A_837 : memref<1x50x32xf32, #tpu.memory_space<vmem>> -> memref<50x32xf32, #tpu.memory_space<vmem>>
      %dma_start3A_839 = arith.constant 0 : i32
      %dma_start3A_840 = tpu.memref_slice %arg5[%add3A_834, %dma_start3A_839] : memref<512x50xi32, #tpu.memory_space<vmem>> -> memref<1x50xi32, #tpu.memory_space<vmem>>
      %dma_start3A_841 = tpu.memref_squeeze %dma_start3A_840 : memref<1x50xi32, #tpu.memory_space<vmem>> -> memref<50xi32, #tpu.memory_space<vmem>>
      %dma_start3A_842 = arith.constant 0 : i32
      %dma_start3A_843 = arith.constant 0 : i32
      %dma_start3A_844 = tpu.memref_slice %arg3[%dma_start3A_842, %dma_start3A_843] : memref<1000000x32xf32, #tpu.memory_space<hbm>> -> memref<1000000x32xf32, #tpu.memory_space<hbm>>
      tpu.enqueue_indirect_dma source(%dma_start3A_844 : memref<1000000x32xf32, #tpu.memory_space<hbm>>) target(%dma_start3A_838 : memref<50x32xf32, #tpu.memory_space<vmem>>) offsets(%dma_start3A_841 : memref<50xi32, #tpu.memory_space<vmem>>) semaphore(%arg12 : memref<!tpu.dma_semaphore, #tpu.memory_space<semaphore_mem>>)
    }
    %scan3A_739 = arith.constant 16 : i32
    %scan3A_740 = arith.constant 0 : i32
    %scan3A_741 = arith.constant 0 : i32
    %scan3A_742 = arith.constant 16 : i32
    %scan3A_743 = arith.addi %scan3A_741, %scan3A_742 : i32
    %scan3A_744 = arith.constant 1 : i32
    scf.for %scan3A_832 = %scan3A_741 to %scan3A_743 step %scan3A_744  : i32 {
      %dma_wait3A_833 = arith.constant 0 : i32
      %dma_wait3A_834 = arith.constant 0 : i32
      %dma_wait3A_835 = tpu.memref_slice %arg6[%scan3A_832, %dma_wait3A_833, %dma_wait3A_834] : memref<16x50x32xf32, #tpu.memory_space<vmem>> -> memref<1x50x32xf32, #tpu.memory_space<vmem>>
      %dma_wait3A_836 = tpu.memref_squeeze %dma_wait3A_835 : memref<1x50x32xf32, #tpu.memory_space<vmem>> -> memref<50x32xf32, #tpu.memory_space<vmem>>
      %dma_wait3A_837 = arith.constant 0 : i32
      %dma_wait3A_838 = tpu.memref_slice %arg5[%scan3A_832, %dma_wait3A_837] : memref<512x50xi32, #tpu.memory_space<vmem>> -> memref<1x50xi32, #tpu.memory_space<vmem>>
      %dma_wait3A_839 = tpu.memref_squeeze %dma_wait3A_838 : memref<1x50xi32, #tpu.memory_space<vmem>> -> memref<50xi32, #tpu.memory_space<vmem>>
      %dma_wait3A_840 = arith.constant 0 : i32
      %dma_wait3A_841 = arith.constant 0 : i32
      %dma_wait3A_842 = tpu.memref_slice %arg3[%dma_wait3A_840, %dma_wait3A_841] : memref<1000000x32xf32, #tpu.memory_space<hbm>> -> memref<1000000x32xf32, #tpu.memory_space<hbm>>
      tpu.wait_indirect_dma semaphore(%arg10 : memref<!tpu.dma_semaphore, #tpu.memory_space<semaphore_mem>>) src(%dma_wait3A_842 : memref<1000000x32xf32, #tpu.memory_space<hbm>>) dst(%dma_wait3A_836 : memref<50x32xf32, #tpu.memory_space<vmem>>)
    }
    %scan3A_745 = arith.constant 16 : i32
    %add3A_746 = arith.constant 448 : i32
    %add3A_747 = arith.addi %mul3A_2, %add3A_746 : i32
    %dma_start3A_748 = arith.constant 0 : i32
    %dma_start3A_749 = arith.constant 0 : i32
    %dma_start3A_750 = tpu.memref_slice %arg4[%add3A_747, %dma_start3A_748, %dma_start3A_749] : memref<16384x50x32xf32, #tpu.memory_space<hbm>> -> memref<16x50x32xf32, #tpu.memory_space<hbm>>
    %dma_start3A_751 = arith.constant 0 : i32
    %dma_start3A_752 = arith.constant 0 : i32
    %dma_start3A_753 = tpu.memref_slice %arg4[%add3A_747, %dma_start3A_751, %dma_start3A_752] : memref<16384x50x32xf32, #tpu.memory_space<hbm>> -> memref<16x50x32xf32, #tpu.memory_space<hbm>>
    tpu.enqueue_dma source(%arg6 : memref<16x50x32xf32, #tpu.memory_space<vmem>>) target(%dma_start3A_753 : memref<16x50x32xf32, #tpu.memory_space<hbm>>) target_semaphore(%arg14 : memref<!tpu.dma_semaphore, #tpu.memory_space<semaphore_mem>>)
    %dma_wait3A_754 = arith.constant 0 : i32
    %dma_wait3A_755 = arith.constant 0 : i32
    %dma_wait3A_756 = tpu.memref_slice %arg4[%add3A_721, %dma_wait3A_754, %dma_wait3A_755] : memref<16384x50x32xf32, #tpu.memory_space<hbm>> -> memref<16x50x32xf32, #tpu.memory_space<hbm>>
    %dma_wait3A_757 = arith.constant 0 : i32
    %dma_wait3A_758 = arith.constant 0 : i32
    %dma_wait3A_759 = tpu.memref_slice %arg4[%add3A_721, %dma_wait3A_757, %dma_wait3A_758] : memref<16384x50x32xf32, #tpu.memory_space<hbm>> -> memref<16x50x32xf32, #tpu.memory_space<hbm>>
    tpu.wait_dma2 semaphore(%arg17 : memref<!tpu.dma_semaphore, #tpu.memory_space<semaphore_mem>>) src(%arg9 : memref<16x50x32xf32, #tpu.memory_space<vmem>>) dst(%dma_wait3A_759 : memref<16x50x32xf32, #tpu.memory_space<hbm>>)
    %scan3A_760 = arith.constant 0 : i32
    %scan3A_761 = arith.constant 0 : i32
    %scan3A_762 = arith.constant 16 : i32
    %scan3A_763 = arith.addi %scan3A_761, %scan3A_762 : i32
    %scan3A_764 = arith.constant 1 : i32
    scf.for %scan3A_832 = %scan3A_761 to %scan3A_763 step %scan3A_764  : i32 {
      %add3A_833 = arith.constant 496 : i32
      %add3A_834 = arith.addi %add3A_833, %scan3A_832 : i32
      %dma_start3A_835 = arith.constant 0 : i32
      %dma_start3A_836 = arith.constant 0 : i32
      %dma_start3A_837 = tpu.memref_slice %arg9[%scan3A_832, %dma_start3A_835, %dma_start3A_836] : memref<16x50x32xf32, #tpu.memory_space<vmem>> -> memref<1x50x32xf32, #tpu.memory_space<vmem>>
      %dma_start3A_838 = tpu.memref_squeeze %dma_start3A_837 : memref<1x50x32xf32, #tpu.memory_space<vmem>> -> memref<50x32xf32, #tpu.memory_space<vmem>>
      %dma_start3A_839 = arith.constant 0 : i32
      %dma_start3A_840 = tpu.memref_slice %arg5[%add3A_834, %dma_start3A_839] : memref<512x50xi32, #tpu.memory_space<vmem>> -> memref<1x50xi32, #tpu.memory_space<vmem>>
      %dma_start3A_841 = tpu.memref_squeeze %dma_start3A_840 : memref<1x50xi32, #tpu.memory_space<vmem>> -> memref<50xi32, #tpu.memory_space<vmem>>
      %dma_start3A_842 = arith.constant 0 : i32
      %dma_start3A_843 = arith.constant 0 : i32
      %dma_start3A_844 = tpu.memref_slice %arg3[%dma_start3A_842, %dma_start3A_843] : memref<1000000x32xf32, #tpu.memory_space<hbm>> -> memref<1000000x32xf32, #tpu.memory_space<hbm>>
      tpu.enqueue_indirect_dma source(%dma_start3A_844 : memref<1000000x32xf32, #tpu.memory_space<hbm>>) target(%dma_start3A_838 : memref<50x32xf32, #tpu.memory_space<vmem>>) offsets(%dma_start3A_841 : memref<50xi32, #tpu.memory_space<vmem>>) semaphore(%arg13 : memref<!tpu.dma_semaphore, #tpu.memory_space<semaphore_mem>>)
    }
    %scan3A_765 = arith.constant 16 : i32
    %scan3A_766 = arith.constant 0 : i32
    %scan3A_767 = arith.constant 0 : i32
    %scan3A_768 = arith.constant 16 : i32
    %scan3A_769 = arith.addi %scan3A_767, %scan3A_768 : i32
    %scan3A_770 = arith.constant 1 : i32
    scf.for %scan3A_832 = %scan3A_767 to %scan3A_769 step %scan3A_770  : i32 {
      %dma_wait3A_833 = arith.constant 0 : i32
      %dma_wait3A_834 = arith.constant 0 : i32
      %dma_wait3A_835 = tpu.memref_slice %arg7[%scan3A_832, %dma_wait3A_833, %dma_wait3A_834] : memref<16x50x32xf32, #tpu.memory_space<vmem>> -> memref<1x50x32xf32, #tpu.memory_space<vmem>>
      %dma_wait3A_836 = tpu.memref_squeeze %dma_wait3A_835 : memref<1x50x32xf32, #tpu.memory_space<vmem>> -> memref<50x32xf32, #tpu.memory_space<vmem>>
      %dma_wait3A_837 = arith.constant 0 : i32
      %dma_wait3A_838 = tpu.memref_slice %arg5[%scan3A_832, %dma_wait3A_837] : memref<512x50xi32, #tpu.memory_space<vmem>> -> memref<1x50xi32, #tpu.memory_space<vmem>>
      %dma_wait3A_839 = tpu.memref_squeeze %dma_wait3A_838 : memref<1x50xi32, #tpu.memory_space<vmem>> -> memref<50xi32, #tpu.memory_space<vmem>>
      %dma_wait3A_840 = arith.constant 0 : i32
      %dma_wait3A_841 = arith.constant 0 : i32
      %dma_wait3A_842 = tpu.memref_slice %arg3[%dma_wait3A_840, %dma_wait3A_841] : memref<1000000x32xf32, #tpu.memory_space<hbm>> -> memref<1000000x32xf32, #tpu.memory_space<hbm>>
      tpu.wait_indirect_dma semaphore(%arg11 : memref<!tpu.dma_semaphore, #tpu.memory_space<semaphore_mem>>) src(%dma_wait3A_842 : memref<1000000x32xf32, #tpu.memory_space<hbm>>) dst(%dma_wait3A_836 : memref<50x32xf32, #tpu.memory_space<vmem>>)
    }
    %scan3A_771 = arith.constant 16 : i32
    %add3A_772 = arith.constant 464 : i32
    %add3A_773 = arith.addi %mul3A_2, %add3A_772 : i32
    %dma_start3A_774 = arith.constant 0 : i32
    %dma_start3A_775 = arith.constant 0 : i32
    %dma_start3A_776 = tpu.memref_slice %arg4[%add3A_773, %dma_start3A_774, %dma_start3A_775] : memref<16384x50x32xf32, #tpu.memory_space<hbm>> -> memref<16x50x32xf32, #tpu.memory_space<hbm>>
    %dma_start3A_777 = arith.constant 0 : i32
    %dma_start3A_778 = arith.constant 0 : i32
    %dma_start3A_779 = tpu.memref_slice %arg4[%add3A_773, %dma_start3A_777, %dma_start3A_778] : memref<16384x50x32xf32, #tpu.memory_space<hbm>> -> memref<16x50x32xf32, #tpu.memory_space<hbm>>
    tpu.enqueue_dma source(%arg7 : memref<16x50x32xf32, #tpu.memory_space<vmem>>) target(%dma_start3A_779 : memref<16x50x32xf32, #tpu.memory_space<hbm>>) target_semaphore(%arg15 : memref<!tpu.dma_semaphore, #tpu.memory_space<semaphore_mem>>)
    %scan3A_780 = arith.constant 0 : i32
    %scan3A_781 = arith.constant 0 : i32
    %scan3A_782 = arith.constant 16 : i32
    %scan3A_783 = arith.addi %scan3A_781, %scan3A_782 : i32
    %scan3A_784 = arith.constant 1 : i32
    scf.for %scan3A_832 = %scan3A_781 to %scan3A_783 step %scan3A_784  : i32 {
      %dma_wait3A_833 = arith.constant 0 : i32
      %dma_wait3A_834 = arith.constant 0 : i32
      %dma_wait3A_835 = tpu.memref_slice %arg8[%scan3A_832, %dma_wait3A_833, %dma_wait3A_834] : memref<16x50x32xf32, #tpu.memory_space<vmem>> -> memref<1x50x32xf32, #tpu.memory_space<vmem>>
      %dma_wait3A_836 = tpu.memref_squeeze %dma_wait3A_835 : memref<1x50x32xf32, #tpu.memory_space<vmem>> -> memref<50x32xf32, #tpu.memory_space<vmem>>
      %dma_wait3A_837 = arith.constant 0 : i32
      %dma_wait3A_838 = tpu.memref_slice %arg5[%scan3A_832, %dma_wait3A_837] : memref<512x50xi32, #tpu.memory_space<vmem>> -> memref<1x50xi32, #tpu.memory_space<vmem>>
      %dma_wait3A_839 = tpu.memref_squeeze %dma_wait3A_838 : memref<1x50xi32, #tpu.memory_space<vmem>> -> memref<50xi32, #tpu.memory_space<vmem>>
      %dma_wait3A_840 = arith.constant 0 : i32
      %dma_wait3A_841 = arith.constant 0 : i32
      %dma_wait3A_842 = tpu.memref_slice %arg3[%dma_wait3A_840, %dma_wait3A_841] : memref<1000000x32xf32, #tpu.memory_space<hbm>> -> memref<1000000x32xf32, #tpu.memory_space<hbm>>
      tpu.wait_indirect_dma semaphore(%arg12 : memref<!tpu.dma_semaphore, #tpu.memory_space<semaphore_mem>>) src(%dma_wait3A_842 : memref<1000000x32xf32, #tpu.memory_space<hbm>>) dst(%dma_wait3A_836 : memref<50x32xf32, #tpu.memory_space<vmem>>)
    }
    %scan3A_785 = arith.constant 16 : i32
    %add3A_786 = arith.constant 480 : i32
    %add3A_787 = arith.addi %mul3A_2, %add3A_786 : i32
    %dma_start3A_788 = arith.constant 0 : i32
    %dma_start3A_789 = arith.constant 0 : i32
    %dma_start3A_790 = tpu.memref_slice %arg4[%add3A_787, %dma_start3A_788, %dma_start3A_789] : memref<16384x50x32xf32, #tpu.memory_space<hbm>> -> memref<16x50x32xf32, #tpu.memory_space<hbm>>
    %dma_start3A_791 = arith.constant 0 : i32
    %dma_start3A_792 = arith.constant 0 : i32
    %dma_start3A_793 = tpu.memref_slice %arg4[%add3A_787, %dma_start3A_791, %dma_start3A_792] : memref<16384x50x32xf32, #tpu.memory_space<hbm>> -> memref<16x50x32xf32, #tpu.memory_space<hbm>>
    tpu.enqueue_dma source(%arg8 : memref<16x50x32xf32, #tpu.memory_space<vmem>>) target(%dma_start3A_793 : memref<16x50x32xf32, #tpu.memory_space<hbm>>) target_semaphore(%arg16 : memref<!tpu.dma_semaphore, #tpu.memory_space<semaphore_mem>>)
    %scan3A_794 = arith.constant 0 : i32
    %scan3A_795 = arith.constant 0 : i32
    %scan3A_796 = arith.constant 16 : i32
    %scan3A_797 = arith.addi %scan3A_795, %scan3A_796 : i32
    %scan3A_798 = arith.constant 1 : i32
    scf.for %scan3A_832 = %scan3A_795 to %scan3A_797 step %scan3A_798  : i32 {
      %dma_wait3A_833 = arith.constant 0 : i32
      %dma_wait3A_834 = arith.constant 0 : i32
      %dma_wait3A_835 = tpu.memref_slice %arg9[%scan3A_832, %dma_wait3A_833, %dma_wait3A_834] : memref<16x50x32xf32, #tpu.memory_space<vmem>> -> memref<1x50x32xf32, #tpu.memory_space<vmem>>
      %dma_wait3A_836 = tpu.memref_squeeze %dma_wait3A_835 : memref<1x50x32xf32, #tpu.memory_space<vmem>> -> memref<50x32xf32, #tpu.memory_space<vmem>>
      %dma_wait3A_837 = arith.constant 0 : i32
      %dma_wait3A_838 = tpu.memref_slice %arg5[%scan3A_832, %dma_wait3A_837] : memref<512x50xi32, #tpu.memory_space<vmem>> -> memref<1x50xi32, #tpu.memory_space<vmem>>
      %dma_wait3A_839 = tpu.memref_squeeze %dma_wait3A_838 : memref<1x50xi32, #tpu.memory_space<vmem>> -> memref<50xi32, #tpu.memory_space<vmem>>
      %dma_wait3A_840 = arith.constant 0 : i32
      %dma_wait3A_841 = arith.constant 0 : i32
      %dma_wait3A_842 = tpu.memref_slice %arg3[%dma_wait3A_840, %dma_wait3A_841] : memref<1000000x32xf32, #tpu.memory_space<hbm>> -> memref<1000000x32xf32, #tpu.memory_space<hbm>>
      tpu.wait_indirect_dma semaphore(%arg13 : memref<!tpu.dma_semaphore, #tpu.memory_space<semaphore_mem>>) src(%dma_wait3A_842 : memref<1000000x32xf32, #tpu.memory_space<hbm>>) dst(%dma_wait3A_836 : memref<50x32xf32, #tpu.memory_space<vmem>>)
    }
    %scan3A_799 = arith.constant 16 : i32
    %add3A_800 = arith.constant 496 : i32
    %add3A_801 = arith.addi %mul3A_2, %add3A_800 : i32
    %dma_start3A_802 = arith.constant 0 : i32
    %dma_start3A_803 = arith.constant 0 : i32
    %dma_start3A_804 = tpu.memref_slice %arg4[%add3A_801, %dma_start3A_802, %dma_start3A_803] : memref<16384x50x32xf32, #tpu.memory_space<hbm>> -> memref<16x50x32xf32, #tpu.memory_space<hbm>>
    %dma_start3A_805 = arith.constant 0 : i32
    %dma_start3A_806 = arith.constant 0 : i32
    %dma_start3A_807 = tpu.memref_slice %arg4[%add3A_801, %dma_start3A_805, %dma_start3A_806] : memref<16384x50x32xf32, #tpu.memory_space<hbm>> -> memref<16x50x32xf32, #tpu.memory_space<hbm>>
    tpu.enqueue_dma source(%arg9 : memref<16x50x32xf32, #tpu.memory_space<vmem>>) target(%dma_start3A_807 : memref<16x50x32xf32, #tpu.memory_space<hbm>>) target_semaphore(%arg17 : memref<!tpu.dma_semaphore, #tpu.memory_space<semaphore_mem>>)
    %dma_wait3A_808 = arith.constant 0 : i32
    %dma_wait3A_809 = arith.constant 0 : i32
    %dma_wait3A_810 = tpu.memref_slice %arg4[%add3A_747, %dma_wait3A_808, %dma_wait3A_809] : memref<16384x50x32xf32, #tpu.memory_space<hbm>> -> memref<16x50x32xf32, #tpu.memory_space<hbm>>
    %dma_wait3A_811 = arith.constant 0 : i32
    %dma_wait3A_812 = arith.constant 0 : i32
    %dma_wait3A_813 = tpu.memref_slice %arg4[%add3A_747, %dma_wait3A_811, %dma_wait3A_812] : memref<16384x50x32xf32, #tpu.memory_space<hbm>> -> memref<16x50x32xf32, #tpu.memory_space<hbm>>
    tpu.wait_dma2 semaphore(%arg14 : memref<!tpu.dma_semaphore, #tpu.memory_space<semaphore_mem>>) src(%arg6 : memref<16x50x32xf32, #tpu.memory_space<vmem>>) dst(%dma_wait3A_813 : memref<16x50x32xf32, #tpu.memory_space<hbm>>)
    %dma_wait3A_814 = arith.constant 0 : i32
    %dma_wait3A_815 = arith.constant 0 : i32
    %dma_wait3A_816 = tpu.memref_slice %arg4[%add3A_773, %dma_wait3A_814, %dma_wait3A_815] : memref<16384x50x32xf32, #tpu.memory_space<hbm>> -> memref<16x50x32xf32, #tpu.memory_space<hbm>>
    %dma_wait3A_817 = arith.constant 0 : i32
    %dma_wait3A_818 = arith.constant 0 : i32
    %dma_wait3A_819 = tpu.memref_slice %arg4[%add3A_773, %dma_wait3A_817, %dma_wait3A_818] : memref<16384x50x32xf32, #tpu.memory_space<hbm>> -> memref<16x50x32xf32, #tpu.memory_space<hbm>>
    tpu.wait_dma2 semaphore(%arg15 : memref<!tpu.dma_semaphore, #tpu.memory_space<semaphore_mem>>) src(%arg7 : memref<16x50x32xf32, #tpu.memory_space<vmem>>) dst(%dma_wait3A_819 : memref<16x50x32xf32, #tpu.memory_space<hbm>>)
    %dma_wait3A_820 = arith.constant 0 : i32
    %dma_wait3A_821 = arith.constant 0 : i32
    %dma_wait3A_822 = tpu.memref_slice %arg4[%add3A_787, %dma_wait3A_820, %dma_wait3A_821] : memref<16384x50x32xf32, #tpu.memory_space<hbm>> -> memref<16x50x32xf32, #tpu.memory_space<hbm>>
    %dma_wait3A_823 = arith.constant 0 : i32
    %dma_wait3A_824 = arith.constant 0 : i32
    %dma_wait3A_825 = tpu.memref_slice %arg4[%add3A_787, %dma_wait3A_823, %dma_wait3A_824] : memref<16384x50x32xf32, #tpu.memory_space<hbm>> -> memref<16x50x32xf32, #tpu.memory_space<hbm>>
    tpu.wait_dma2 semaphore(%arg16 : memref<!tpu.dma_semaphore, #tpu.memory_space<semaphore_mem>>) src(%arg8 : memref<16x50x32xf32, #tpu.memory_space<vmem>>) dst(%dma_wait3A_825 : memref<16x50x32xf32, #tpu.memory_space<hbm>>)
    %dma_wait3A_826 = arith.constant 0 : i32
    %dma_wait3A_827 = arith.constant 0 : i32
    %dma_wait3A_828 = tpu.memref_slice %arg4[%add3A_801, %dma_wait3A_826, %dma_wait3A_827] : memref<16384x50x32xf32, #tpu.memory_space<hbm>> -> memref<16x50x32xf32, #tpu.memory_space<hbm>>
    %dma_wait3A_829 = arith.constant 0 : i32
    %dma_wait3A_830 = arith.constant 0 : i32
    %dma_wait3A_831 = tpu.memref_slice %arg4[%add3A_801, %dma_wait3A_829, %dma_wait3A_830] : memref<16384x50x32xf32, #tpu.memory_space<hbm>> -> memref<16x50x32xf32, #tpu.memory_space<hbm>>
    tpu.wait_dma2 semaphore(%arg17 : memref<!tpu.dma_semaphore, #tpu.memory_space<semaphore_mem>>) src(%arg9 : memref<16x50x32xf32, #tpu.memory_space<vmem>>) dst(%dma_wait3A_831 : memref<16x50x32xf32, #tpu.memory_space<hbm>>)
    return
  }
}

</mosaic_0001>

<sc_bundles>
// kernel: kernel.3.cloned.1.call-start
scs
__scs_entry_jumppad:
0x0: {  	(pc) =	sbr.rel $0x88, $3  }
0x1: {  	(tag) =	ssettag $0x0;
	lr =	simm.s32 $0x1  }
0x2: {  	[smem:$0x3F9F] =	sst lr;
	_ =	strace $0xD0000000  }
0x3: {  	_ = 	snop  }
0x4: {  	_ = 	snop  }
0x5: {  	_ = 	snop  }
0x6: {  	_ = 	snop  }
0x7: {  	_ = 	snop  }
__scs_overlays_trampoline_lowered:
0x8: {  	[smem:$0x3FAE] =	sst s0  }
0x9: {  	[smem:$0x3FAF] =	sst s1  }
0xa: {  	[smem:$0x3FB0] =	sst s2  }
0xb: {  	[smem:$0x3FB1] =	sst s3  }
0xc: {  	[smem:$0x3FB2] =	sst s4  }
0xd: {  	[smem:$0x3FB3] =	sst s5  }
0xe: {  	[smem:$0x3FB4] =	sst s6  }
0xf: {  	[smem:$0x3FB5] =	sst s7  }
0x10: {  	[smem:$0x3FB6] =	sst s8  }
0x11: {  	[smem:$0x3FB7] =	sst s9;
	s0 =	simm.s32 @!p0 $0x0  }
0x12: {  	s1 =	sld [smem:$0x3F9D];
	s0 =	simm.s32 @p0 $0x1  }
0x13: {  	[smem:$0x3FB8] =	sst s0;
	s0 =	simm.s32 @!p1 $0x0  }
0x14: {  	s2 =	sld [smem:$0x3F9C];
	s0 =	simm.s32 @p1 $0x1  }
0x15: {  	[smem:$0x3FB9] =	sst s0;
	s0 =	simm.s32 @!p2 $0x0  }
0x16: {  	s3 =	sld [smem:$0x3FDB];
	s0 =	simm.s32 @p2 $0x1  }
0x17: {  	s4 =	simm.s32 $0x1BF5;
	[smem:$0x3FBB] =	sst s0  }
0x18: {  	s0 =	sld [smem:$0x3F9E];
	_ =	swait.ge [sflag:s4], $0x0  }
0x19: {  	s7 =	sld [smem:$0x3F9F]  }
0x1a: {  	s8 =	sadd.s32 $0xFFFFE003, lr  }
0x1b: {  	s9 =	sadd.s32 $0xFFFFFEF7, lr;
	s5 =	simm.s32 $0xFFFFFFFF;
	p2 =	slt.u32 s8, $0xFFFFF086  }
0x1c: {  	p1 =	slt.u32 s9, $0xF7A;
	s5 =	simm.s32 @!p2 $0x0  }
0x1d: {  	s5 =	simm.s32 @p1 $0x1;
	p0 =	seq.s32 s7, s2  }
0x1e: {  	s7 =	smul.u32 @!p0 $0xF7A, s2;
	p2 =	seq.s32 @!p0 s5, $0x0  }
0x1f: {  	s9 =	smul.u32 $0xF7A, s1;
	s8 =	simm.s32 @!p0 $0x1BF5;
	p2 =	por !p2, p0  }
0x20: {  	[sflag:s8] =	ssyncset.s32 @!p0 $0xFFFFF086;
	s6 =	sadd.s32 @!p0 s3, s7;
	s7 =	simm.s32 @!p0 $0x108  }
0x21: {  	s3 =	sadd.s32 s3, s9;
	s6 =	sadd.s32 @!p0 $0x88, s6;
	s7 =	simm.s32 @p2 $0x1082  }
0x22: {  	[simem:s7], [sflag:s8] =	dma.local @!p0 [hbm:s6], $0xF7A  }
0x23: {  	s9 =	sor.u32 $0xD0000000, s2;
	s6 =	simm.s32 $0x108;
	_ =	swait.ge @!p0 [sflag:s8], $0x0  }
0x24: {  	s3 =	sadd.s32 $0x88, s3;
	s6 =	simm.s32 @!p1 $0x1082;
	[sflag:s4] =	ssyncset.s32 $0xFFFFF086  }
0x25: {  	[simem:s6], [sflag:s4] =	dma.local [hbm:s3], $0xF7A  }
0x26: {  	[smem:$0x3F9F] =	sst s1;
	(tag) =	ssettag s2;
	_ =	strace s9  }
0x27: {  	s1 =	sld [smem:$0x3FAF]  }
0x28: {  	s2 =	sld [smem:$0x3FB0]  }
0x29: {  	s4 =	sld [smem:$0x3FB2]  }
0x2a: {  	p0 =	seq.s32 s5, $0x0;
	s5 =	sld [smem:$0x3FB3]  }
0x2b: {  	s6 =	sld [smem:$0x3FB4]  }
0x2c: {  	s7 =	sld [smem:$0x3FB5]  }
0x2d: {  	s3 =	simm.s32 $0x108;
	s8 =	sld [smem:$0x3FB6]  }
0x2e: {  	s3 =	simm.s32 @!p0 $0x1082;
	s9 =	sld [smem:$0x3FB7]  }
0x2f: {  	lr =	sadd.s32 s0, s3;
	s0 =	sld [smem:$0x3FAE]  }
0x30: {  	s3 =	sld [smem:$0x3FB1]  }
0x31: {  	[smem:$0x3FBA] =	sst s10  }
0x32: {  	s10 =	sld [smem:$0x3FB8];
	_ =	sdelay $0x3  }
0x33: {  	p0 =	seq.s32 s10, $0x1;
	s10 =	sld [smem:$0x3FBA];
	_ =	sdelay $0x3  }
0x34: {  	[smem:$0x3FBA] =	sst s10  }
0x35: {  	s10 =	sld [smem:$0x3FB9];
	_ =	sdelay $0x3  }
0x36: {  	p1 =	seq.s32 s10, $0x1;
	s10 =	sld [smem:$0x3FBA];
	_ =	sdelay $0x3  }
0x37: {  	[smem:$0x3FBA] =	sst s10  }
0x38: {  	s10 =	sld [smem:$0x3FBB]  }
0x39: {  	_ = 	snop;
	(pc) =	sbr.ind lr, $3  }
0x3a: {  	_ = 	snop  }
0x3b: {  	_ = 	snop  }
0x3c: {  	p2 =	seq.s32 s10, $0x1;
	s10 =	sld [smem:$0x3FBA]  }
0x3d: {  	_ =	shalt  }
0x3e: {  	_ =	shalt  }
0x3f: {  	_ =	shalt  }
0x40: {  	_ =	shalt  }
0x41: {  	_ =	shalt  }
0x42: {  	_ =	shalt  }
0x43: {  	_ =	shalt  }
0x44: {  	_ =	shalt  }
0x45: {  	_ =	shalt  }
0x46: {  	_ =	shalt  }
0x47: {  	_ =	shalt  }
0x48: {  	_ =	shalt  }
0x49: {  	_ =	shalt  }
0x4a: {  	_ =	shalt  }
0x4b: {  	_ =	shalt  }
0x4c: {  	_ =	shalt  }
0x4d: {  	_ =	shalt  }
0x4e: {  	_ =	shalt  }
0x4f: {  	_ =	shalt  }
0x50: {  	_ =	shalt  }
0x51: {  	_ =	shalt  }
0x52: {  	_ =	shalt  }
0x53: {  	_ =	shalt  }
0x54: {  	_ =	shalt  }
0x55: {  	_ =	shalt  }
0x56: {  	_ =	shalt  }
0x57: {  	_ =	shalt  }
0x58: {  	_ =	shalt  }
0x59: {  	_ =	shalt  }
0x5a: {  	_ =	shalt  }
0x5b: {  	_ =	shalt  }
0x5c: {  	_ =	shalt  }
0x5d: {  	_ =	shalt  }
0x5e: {  	_ =	shalt  }
0x5f: {  	_ =	shalt  }
0x60: {  	_ =	shalt  }
0x61: {  	_ =	shalt  }
0x62: {  	_ =	shalt  }
0x63: {  	_ =	shalt  }
0x64: {  	_ =	shalt  }
0x65: {  	_ =	shalt  }
0x66: {  	_ =	shalt  }
0x67: {  	_ =	shalt  }
0x68: {  	_ =	shalt  }
0x69: {  	_ =	shalt  }
0x6a: {  	_ =	shalt  }
0x6b: {  	_ =	shalt  }
0x6c: {  	_ =	shalt  }
0x6d: {  	_ =	shalt  }
0x6e: {  	_ =	shalt  }
0x6f: {  	_ =	shalt  }
0x70: {  	_ =	shalt  }
0x71: {  	_ =	shalt  }
0x72: {  	_ =	shalt  }
0x73: {  	_ =	shalt  }
0x74: {  	_ =	shalt  }
0x75: {  	_ =	shalt  }
0x76: {  	_ =	shalt  }
0x77: {  	_ =	shalt  }
0x78: {  	_ =	shalt  }
0x79: {  	_ =	shalt  }
0x7a: {  	_ =	shalt  }
0x7b: {  	_ =	shalt  }
0x7c: {  	_ =	shalt  }
0x7d: {  	_ =	shalt  }
0x7e: {  	_ =	shalt  }
0x7f: {  	_ =	shalt  }
0x80: {  	_ =	shalt  }
0x81: {  	_ =	shalt  }
0x82: {  	_ =	shalt  }
0x83: {  	_ =	shalt  }
0x84: {  	_ =	shalt  }
0x85: {  	_ =	shalt  }
0x86: {  	_ =	shalt  }
0x87: {  	_ =	shalt  }
.Lfunc_end0:
.L_simem_size_0:
called_computation.1_lowered:
.L_overlay_start_0:
0x88: {  	s2 =	sld [smem:$0x3FD9]  }
0x89: {  	s3 =	sld [smem:$0x3FFE];
	_ =	sdelay $0x1  }
0x8a: {  	s1 =	srdreg.scid  }
0x8b: {  	s0 =	sand.u32 $0x1, s1  }
0x8c: {  	s17 =	sshll.u32 s0, $0xA;
	s2 =	sadd.s32 s3, s2  }
0x8d: {  	s2 =	sadd.s32 s2, s17  }
0x8e: {  	[smem:$0x3FC6] =	sst s2  }
0x8f: {  	_ = 	snop  }
0x90: {  	s2 =	sld [smem:$0x3FD0];
	(tm) =	ssettm $0x1  }
0x91: {  	s18 =	sld [smem:$0x3FFB];
	_ =	sdelay $0x3  }
0x92: {  	_ =	strace s18  }
0x93: {  	s3 =	sld [smem:$0x3FFC];
	_ =	sdelay $0x3  }
0x94: {  	_ =	strace s3  }
0x95: {  	s3 =	sld [smem:$0x3FFD];
	_ =	sdelay $0x3  }
0x96: {  	_ =	strace s3  }
0x97: {  	_ =	strace $0x8FFFFFFF  }
0x98: {  	s19 =	sld [smem:$0x3FDB];
	_ =	sdelay $0x1  }
0x99: {  	s4 =	simm.s32 $_scs_section_size  }
0x9a: {  	s5 =	simm.s32 $_size__tile_overlayer_lowered;
	s6 =	simm.s32 $_tile_overlayer_lowered  }
0x9b: {  	s22 =	simm.s32 $0x1BFF;
	s21 =	sshll.u32 s6, $0x1;
	s3 =	sadd.s32 s4, s19  }
0x9c: {  	s7 =	simm.s32 $0x0;
	s20 =	sshll.u32 s5, $0x1;
	s5 =	sadd.s32 s21, s3  }
0x9d: {  	[timem:s7], [sflag:s22] =	dma.local [hbm:s5], s20  }
0x9e: {  	_ =	swait.ge [sflag:s22], s20  }
0x9f: {  	s4 =	ssub.s32 $0x0, s20;
	[sflag:s22] =	ssyncset.done $0x0  }
0xa0: {  	[sflag:s22] =	ssyncadd.s32 s4;
	_ =	sdelay $0x1  }
0xa1: {  	s23 =	simm.s32 $0x1B8B  }
0xa2: {  	_ =	swait.ge [sflag:s23], $0x1  }
0xa3: {  	[sflag:s23] =	ssyncset.done $0x0  }
0xa4: {  	s25 =	simm.s32 $0x1B8E;
	s24 =	sld [smem:$0x3FFE];
	[sflag:s23] =	ssyncadd.s32 $0xFFFFFFFF  }
0xa5: {  	s26 =	simm.s32 $execute0_lowered;
	[smem:$0x3FD2] =	sst s25  }
0xa6: {  	s5 =	sshll.u32 s26, $0x1;
	_ =	strace $0x80000046;
	[dreg:$0x1] =	wrdreg $0xFFFFFFFF  }
0xa7: {  	s28 =	simm.s32 $_size_execute0_lowered;
	s3 =	sadd.s32 s3, s5;
	[dreg:$0x0] =	wrdreg $0x0  }
0xa8: {  	s5 =	sshll.u32 s28, $0x1;
	[dreg:$0x2] =	wrdreg s3  }
0xa9: {  	[dreg:$0x3] =	wrdreg s5  }
0xaa: {  	[dreg:$0x4] =	wrdreg $0xC0  }
0xab: {  	_ =	task [dreg:s7], $0x5FFFF  }
0xac: {  	[dreg:$0x1] =	wrdreg $0xFFFFFFFF  }
0xad: {  	[dreg:$0x0] =	wrdreg $0x60  }
0xae: {  	[dreg:$0x2] =	wrdreg s24  }
0xaf: {  	[dreg:$0x3] =	wrdreg s2  }
0xb0: {  	[dreg:$0x4] =	wrdreg $0x9  }
0xb1: {  	_ =	task.clear_ibuf [dreg:s7], $0x5FFFF;
	_ =	strace $0x90000046  }
0xb2: {  	s29 =	simm.s32 $0x9;
	_ =	strace $0x80000048  }
0xb3: {  	_ =	swait.ge [sflag:s29], $0x1  }
0xb4: {  	[sflag:s29] =	ssyncadd.s32 $0xFFFFFFFF  }
0xb5: {  	_ =	strace $0x90000048  }
0xb6: {  	_ =	sfence  }
0xb7: {  	s30 =	sld [smem:$0x0];
	_ =	sdelay $0x2  }
0xb8: {  	s31 =	sshll.u32 s1, $0xD;
	s1 =	sshrl.u32 s1, $0x2  }
0xb9: {  	s3 =	sand.u32 $0x4000, s31;
	s1 =	sadd.s32 s1, s30  }
0xba: {  	s0 =	sor.u32 s3, s0;
	s1 =	sshll.u32 s1, $0x11  }
0xbb: {  	s0 =	sor.u32 s1, s0  }
0xbc: {  	s0 =	sadd.s32 $0x8F2B, s0  }
0xbd: {  	[sflag:s0] =	ssyncadd.remote.s32 $0x1  }
0xbe: {  	_ =	sfence.sel $0xFFFF  }
0xbf: {  	[dreg:$0x0] =	wrdreg $0xFFFFFFFF;
	(pc) =	sbr.abs _section_cstart, $3  }
0xc0: {  	[dreg:$0x1] =	wrdreg $0xFFFFFFFF  }
0xc1: {  	_ =	task.clear_ibuf [dreg:s7], $0x2FFFF;
	_ =	strace $0x9FFFFFFF  }
0xc2: {  	(tm) =	ssettm $0x7FFFFFFF  }
0xc3: {  	_ =	shalt  }
tec
execute0_lowered:
.L_overlay_start_1:
0x0: {  	(tag) =	ssettag $0x1  }
0x1: {  	s0 =	srdreg.scid  }
0x2: {  	s1 =	stileid.u32;
	s0 =	sand.u32 $0x1, s0  }
0x3: {  	s2 =	sshll.u32 s1, $0xA;
	s3 =	sshll.u32 s0, $0x9  }
0x4: {  	s3 =	sor.u32 s3, s2  }
0x5: {  	s4 =	rddreg [dreg:$0x1];
	s5 =	smul.u32 $0x7, s3  }
0x6: {  	s6 =	simm.s32 $0x0;
	s1 =	rddreg [dreg:$0x0];
	s2 =	smul.u32 $0xC8, s3  }
0x7: {  	[smem:$0x7FF] =	sst s6;
	s3 =	smul.u32 $0x640, s3  }
0x8: {  	_ =	strace $0x80000047;
	s5 =	sadd.s32 s5, s1;
	s2 =	sadd.s32 s4, s2  }
0x9: {  	s3 =	sshrl.u32 s3, $0x3;
	s5 =	sadd.s32 $0xA00, s5;
	[smem:$0x5FB] =	sst s2  }
0xa: {  	s22 =	sadd.s32 $0xC80, s2;
	s3 =	sadd.s32 s4, s3;
	[dreg:$0x3] =	wrdreg s5  }
0xb: {  	[dreg:$0x4] =	wrdreg s22;
	s4 =	sadd.s32 $0x1900, s3  }
0xc: {  	s23 =	sadd.s32 $0x2580, s3;
	[dreg:$0x5] =	wrdreg s4  }
0xd: {  	s24 =	sadd.s32 $0x3200, s3;
	[dreg:$0x6] =	wrdreg s23  }
0xe: {  	s25 =	sadd.s32 $0x3E80, s3;
	[dreg:$0x7] =	wrdreg s24  }
0xf: {  	s26 =	sadd.s32 $0x4B00, s3;
	[dreg:$0x8] =	wrdreg s25  }
0x10: {  	s2 =	sadd.s32 $0x5780, s3;
	[dreg:$0x9] =	wrdreg s26  }
0x11: {  	s5 =	sadd.s32 $0x6400, s3;
	[dreg:$0xa] =	wrdreg s2  }
0x12: {  	s7 =	sadd.s32 $0x7080, s3;
	[dreg:$0xb] =	wrdreg s5  }
0x13: {  	s8 =	sadd.s32 $0x7D00, s3;
	[dreg:$0xc] =	wrdreg s7  }
0x14: {  	s9 =	sadd.s32 $0x8980, s3;
	[dreg:$0xd] =	wrdreg s8  }
0x15: {  	s10 =	sadd.s32 $0x9600, s3;
	[dreg:$0xe] =	wrdreg s9  }
0x16: {  	s11 =	sadd.s32 $0xA280, s3;
	[dreg:$0xf] =	wrdreg s10  }
0x17: {  	s12 =	sadd.s32 $0xAF00, s3;
	[dreg:$0x10] =	wrdreg s11  }
0x18: {  	s13 =	sadd.s32 $0xBB80, s3;
	[dreg:$0x11] =	wrdreg s12  }
0x19: {  	s14 =	sadd.s32 $0xC800, s3;
	[dreg:$0x12] =	wrdreg s13  }
0x1a: {  	s15 =	sadd.s32 $0xD480, s3;
	[dreg:$0x13] =	wrdreg s14  }
0x1b: {  	s16 =	sadd.s32 $0xE100, s3;
	[dreg:$0x14] =	wrdreg s15  }
0x1c: {  	s17 =	sadd.s32 $0xED80, s3;
	[dreg:$0x15] =	wrdreg s16  }
0x1d: {  	s18 =	sadd.s32 $0xFA00, s3;
	[dreg:$0x16] =	wrdreg s17  }
0x1e: {  	s19 =	sadd.s32 $0x10680, s3;
	[dreg:$0x17] =	wrdreg s18  }
0x1f: {  	s20 =	sadd.s32 $0x11300, s3;
	[dreg:$0x18] =	wrdreg s19  }
0x20: {  	s21 =	sadd.s32 $0x11F80, s3;
	[dreg:$0x19] =	wrdreg s20  }
0x21: {  	s22 =	sadd.s32 $0x12C00, s3;
	[dreg:$0x1a] =	wrdreg s21  }
0x22: {  	[dreg:$0x1b] =	wrdreg s22;
	s23 =	sadd.s32 $0x13880, s3  }
0x23: {  	s24 =	sadd.s32 $0x14500, s3;
	[dreg:$0x1c] =	wrdreg s23  }
0x24: {  	s25 =	sadd.s32 $0x15180, s3;
	[dreg:$0x1d] =	wrdreg s24  }
0x25: {  	s26 =	sadd.s32 $0x15E00, s3;
	[dreg:$0x1e] =	wrdreg s25  }
0x26: {  	s2 =	sadd.s32 $0x16A80, s3;
	[dreg:$0x1f] =	wrdreg s26  }
0x27: {  	s5 =	sadd.s32 $0x17700, s3;
	[smem:$0x5FC] =	sst s2  }
0x28: {  	s3 =	sadd.s32 $0x18380, s3;
	[smem:$0x5FD] =	sst s5  }
0x29: {  	s7 =	simm.s32 $0x38;
	[smem:$0x5FE] =	sst s3  }
0x2a: {  	s8 =	simm.s32 $0x70;
	[smem:$0x5FF] =	sst s7  }
0x2b: {  	s9 =	simm.s32 $0xA8;
	[smem:$0x600] =	sst s8  }
0x2c: {  	s10 =	simm.s32 $0xE0;
	[smem:$0x601] =	sst s9  }
0x2d: {  	s11 =	simm.s32 $0x118;
	[smem:$0x602] =	sst s10  }
0x2e: {  	s12 =	simm.s32 $0x150;
	[smem:$0x603] =	sst s11  }
0x2f: {  	s13 =	simm.s32 $0x188;
	[smem:$0x604] =	sst s12  }
0x30: {  	s14 =	simm.s32 $0x1C0;
	[smem:$0x605] =	sst s13  }
0x31: {  	s15 =	simm.s32 $0x1F8;
	[smem:$0x606] =	sst s14  }
0x32: {  	s16 =	simm.s32 $0x230;
	[smem:$0x607] =	sst s15  }
0x33: {  	s17 =	simm.s32 $0x268;
	[smem:$0x608] =	sst s16  }
0x34: {  	s18 =	simm.s32 $0x2A0;
	[smem:$0x609] =	sst s17  }
0x35: {  	s19 =	simm.s32 $0x2D8;
	[smem:$0x60A] =	sst s18  }
0x36: {  	s20 =	simm.s32 $0x310;
	[smem:$0x60B] =	sst s19  }
0x37: {  	s21 =	simm.s32 $0x348;
	[smem:$0x60C] =	sst s20  }
0x38: {  	s22 =	simm.s32 $0x380;
	[smem:$0x60D] =	sst s21  }
0x39: {  	s4 =	simm.s32 $0x4D0;
	[smem:$0x60E] =	sst s22  }
0x3a: {  	s23 =	simm.s32 $0x3B8;
	[smem:$0x614] =	sst s4  }
0x3b: {  	s24 =	simm.s32 $0x3F0;
	[smem:$0x60F] =	sst s23  }
0x3c: {  	s25 =	simm.s32 $0x428;
	[smem:$0x610] =	sst s24  }
0x3d: {  	s26 =	simm.s32 $0x460;
	[smem:$0x611] =	sst s25  }
0x3e: {  	s2 =	simm.s32 $0x498;
	[smem:$0x612] =	sst s26  }
0x3f: {  	s5 =	simm.s32 $0x508;
	[smem:$0x613] =	sst s2  }
0x40: {  	s7 =	simm.s32 $0x540;
	[smem:$0x615] =	sst s5  }
0x41: {  	s8 =	simm.s32 $0x578;
	[smem:$0x616] =	sst s7  }
0x42: {  	s9 =	simm.s32 $0x5B0;
	[smem:$0x617] =	sst s8  }
0x43: {  	s10 =	simm.s32 $0x5E8;
	[smem:$0x618] =	sst s9  }
0x44: {  	s11 =	simm.s32 $0x620;
	[smem:$0x619] =	sst s10  }
0x45: {  	s12 =	simm.s32 $0x658;
	[smem:$0x61A] =	sst s11  }
0x46: {  	s13 =	simm.s32 $0x690;
	[smem:$0x61B] =	sst s12  }
0x47: {  	s14 =	simm.s32 $0x6C8;
	[smem:$0x61C] =	sst s13  }
0x48: {  	s15 =	simm.s32 $0x700;
	[smem:$0x61D] =	sst s14  }
0x49: {  	s16 =	simm.s32 $0x738;
	[smem:$0x61E] =	sst s15  }
0x4a: {  	s17 =	simm.s32 $0x770;
	[smem:$0x61F] =	sst s16  }
0x4b: {  	s18 =	simm.s32 $0x7A8;
	[smem:$0x620] =	sst s17  }
0x4c: {  	s19 =	simm.s32 $0x7E0;
	[smem:$0x621] =	sst s18  }
0x4d: {  	s20 =	simm.s32 $0x818;
	[smem:$0x622] =	sst s19  }
0x4e: {  	s21 =	simm.s32 $0x850;
	[smem:$0x623] =	sst s20  }
0x4f: {  	s22 =	simm.s32 $0x888;
	[smem:$0x624] =	sst s21  }
0x50: {  	s4 =	simm.s32 $0x9D8;
	[smem:$0x625] =	sst s22  }
0x51: {  	s23 =	simm.s32 $0x8C0;
	[smem:$0x62B] =	sst s4  }
0x52: {  	s24 =	simm.s32 $0x8F8;
	[smem:$0x626] =	sst s23  }
0x53: {  	s25 =	simm.s32 $0x930;
	[smem:$0x627] =	sst s24  }
0x54: {  	s26 =	simm.s32 $0x968;
	[smem:$0x628] =	sst s25  }
0x55: {  	s2 =	simm.s32 $0x9A0;
	[smem:$0x629] =	sst s26  }
0x56: {  	s5 =	simm.s32 $0xA10;
	[smem:$0x62A] =	sst s2  }
0x57: {  	s7 =	simm.s32 $0xA48;
	[smem:$0x62C] =	sst s5  }
0x58: {  	s8 =	simm.s32 $0xA80;
	[smem:$0x62D] =	sst s7  }
0x59: {  	s9 =	simm.s32 $0xAB8;
	[smem:$0x62E] =	sst s8  }
0x5a: {  	s10 =	simm.s32 $0xAF0;
	[smem:$0x62F] =	sst s9  }
0x5b: {  	s11 =	simm.s32 $0xB28;
	[smem:$0x630] =	sst s10  }
0x5c: {  	s12 =	simm.s32 $0xB60;
	[smem:$0x631] =	sst s11  }
0x5d: {  	s13 =	simm.s32 $0xB98;
	[smem:$0x632] =	sst s12  }
0x5e: {  	s14 =	simm.s32 $0xBD0;
	[smem:$0x633] =	sst s13  }
0x5f: {  	s15 =	simm.s32 $0xC08;
	[smem:$0x634] =	sst s14  }
0x60: {  	s16 =	simm.s32 $0xC40;
	[smem:$0x635] =	sst s15  }
0x61: {  	s17 =	simm.s32 $0xC78;
	[smem:$0x636] =	sst s16  }
0x62: {  	s18 =	simm.s32 $0xCB0;
	[smem:$0x637] =	sst s17  }
0x63: {  	s19 =	simm.s32 $0xCE8;
	[smem:$0x638] =	sst s18  }
0x64: {  	s20 =	simm.s32 $0xD20;
	[smem:$0x639] =	sst s19  }
0x65: {  	s21 =	simm.s32 $0xD58;
	[smem:$0x63A] =	sst s20  }
0x66: {  	s22 =	simm.s32 $0xD90;
	[smem:$0x63B] =	sst s21  }
0x67: {  	s4 =	simm.s32 $0xEE0;
	[smem:$0x63C] =	sst s22  }
0x68: {  	s23 =	simm.s32 $0xDC8;
	[smem:$0x642] =	sst s4  }
0x69: {  	s24 =	simm.s32 $0xE00;
	[smem:$0x63D] =	sst s23  }
0x6a: {  	s25 =	simm.s32 $0xE38;
	[smem:$0x63E] =	sst s24  }
0x6b: {  	s26 =	simm.s32 $0xE70;
	[smem:$0x63F] =	sst s25  }
0x6c: {  	s2 =	simm.s32 $0xEA8;
	[smem:$0x640] =	sst s26  }
0x6d: {  	s5 =	simm.s32 $0xF18;
	[smem:$0x641] =	sst s2  }
0x6e: {  	s7 =	simm.s32 $0xF50;
	[smem:$0x643] =	sst s5  }
0x6f: {  	s8 =	simm.s32 $0xF88;
	[smem:$0x644] =	sst s7  }
0x70: {  	s9 =	simm.s32 $0xFC0;
	[smem:$0x645] =	sst s8  }
0x71: {  	s10 =	simm.s32 $0xFF8;
	[smem:$0x646] =	sst s9  }
0x72: {  	s11 =	simm.s32 $0x1030;
	[smem:$0x647] =	sst s10  }
0x73: {  	s12 =	simm.s32 $0x1068;
	[smem:$0x648] =	sst s11  }
0x74: {  	s13 =	simm.s32 $0x10A0;
	[smem:$0x649] =	sst s12  }
0x75: {  	s14 =	simm.s32 $0x10D8;
	[smem:$0x64A] =	sst s13  }
0x76: {  	s15 =	simm.s32 $0x1110;
	[smem:$0x64B] =	sst s14  }
0x77: {  	s16 =	simm.s32 $0x1148;
	[smem:$0x64C] =	sst s15  }
0x78: {  	s17 =	simm.s32 $0x1180;
	[smem:$0x64D] =	sst s16  }
0x79: {  	s18 =	simm.s32 $0x11B8;
	[smem:$0x64E] =	sst s17  }
0x7a: {  	s19 =	simm.s32 $0x11F0;
	[smem:$0x64F] =	sst s18  }
0x7b: {  	s20 =	simm.s32 $0x1228;
	[smem:$0x650] =	sst s19  }
0x7c: {  	s21 =	simm.s32 $0x1260;
	[smem:$0x651] =	sst s20  }
0x7d: {  	s22 =	simm.s32 $0x1298;
	[smem:$0x652] =	sst s21  }
0x7e: {  	s4 =	simm.s32 $0x13E8;
	[smem:$0x653] =	sst s22  }
0x7f: {  	s23 =	simm.s32 $0x12D0;
	[smem:$0x659] =	sst s4  }
0x80: {  	s24 =	simm.s32 $0x1308;
	[smem:$0x654] =	sst s23  }
0x81: {  	s25 =	simm.s32 $0x1340;
	[smem:$0x655] =	sst s24  }
0x82: {  	s26 =	simm.s32 $0x1378;
	[smem:$0x656] =	sst s25  }
0x83: {  	s2 =	simm.s32 $0x13B0;
	[smem:$0x657] =	sst s26  }
0x84: {  	s5 =	simm.s32 $0x1420;
	[smem:$0x658] =	sst s2  }
0x85: {  	s7 =	simm.s32 $0x1458;
	[smem:$0x65A] =	sst s5  }
0x86: {  	s8 =	simm.s32 $0x1490;
	[smem:$0x65B] =	sst s7  }
0x87: {  	s9 =	simm.s32 $0x14C8;
	[smem:$0x65C] =	sst s8  }
0x88: {  	s10 =	simm.s32 $0x1500;
	[smem:$0x65D] =	sst s9  }
0x89: {  	s11 =	simm.s32 $0x1538;
	[smem:$0x65E] =	sst s10  }
0x8a: {  	s12 =	simm.s32 $0x1570;
	[smem:$0x65F] =	sst s11  }
0x8b: {  	s13 =	simm.s32 $0x15A8;
	[smem:$0x660] =	sst s12  }
0x8c: {  	s14 =	simm.s32 $0x15E0;
	[smem:$0x661] =	sst s13  }
0x8d: {  	s15 =	simm.s32 $0x1618;
	[smem:$0x662] =	sst s14  }
0x8e: {  	s16 =	simm.s32 $0x1650;
	[smem:$0x663] =	sst s15  }
0x8f: {  	s17 =	simm.s32 $0x1688;
	[smem:$0x664] =	sst s16  }
0x90: {  	s18 =	simm.s32 $0x16C0;
	[smem:$0x665] =	sst s17  }
0x91: {  	s19 =	simm.s32 $0x16F8;
	[smem:$0x666] =	sst s18  }
0x92: {  	s20 =	simm.s32 $0x1730;
	[smem:$0x667] =	sst s19  }
0x93: {  	s21 =	simm.s32 $0x1768;
	[smem:$0x668] =	sst s20  }
0x94: {  	s22 =	simm.s32 $0x17A0;
	[smem:$0x669] =	sst s21  }
0x95: {  	s4 =	simm.s32 $0x18F0;
	[smem:$0x66A] =	sst s22  }
0x96: {  	s23 =	simm.s32 $0x17D8;
	[smem:$0x670] =	sst s4  }
0x97: {  	s24 =	simm.s32 $0x1810;
	[smem:$0x66B] =	sst s23  }
0x98: {  	s25 =	simm.s32 $0x1848;
	[smem:$0x66C] =	sst s24  }
0x99: {  	s26 =	simm.s32 $0x1880;
	[smem:$0x66D] =	sst s25  }
0x9a: {  	s2 =	simm.s32 $0x18B8;
	[smem:$0x66E] =	sst s26  }
0x9b: {  	s5 =	simm.s32 $0x1928;
	[smem:$0x66F] =	sst s2  }
0x9c: {  	s7 =	simm.s32 $0x1960;
	[smem:$0x671] =	sst s5  }
0x9d: {  	s8 =	simm.s32 $0x1998;
	[smem:$0x672] =	sst s7  }
0x9e: {  	s9 =	simm.s32 $0x19D0;
	[smem:$0x673] =	sst s8  }
0x9f: {  	s10 =	simm.s32 $0x1A08;
	[smem:$0x674] =	sst s9  }
0xa0: {  	s11 =	simm.s32 $0x1A40;
	[smem:$0x675] =	sst s10  }
0xa1: {  	s12 =	simm.s32 $0x1A78;
	[smem:$0x676] =	sst s11  }
0xa2: {  	s13 =	simm.s32 $0x1AB0;
	[smem:$0x677] =	sst s12  }
0xa3: {  	s14 =	simm.s32 $0x1AE8;
	[smem:$0x678] =	sst s13  }
0xa4: {  	s15 =	simm.s32 $0x1B20;
	[smem:$0x679] =	sst s14  }
0xa5: {  	s16 =	simm.s32 $0x1B58;
	[smem:$0x67A] =	sst s15  }
0xa6: {  	s17 =	simm.s32 $0x1B90;
	[smem:$0x67B] =	sst s16  }
0xa7: {  	s18 =	simm.s32 $0x1BC8;
	[smem:$0x67C] =	sst s17  }
0xa8: {  	s19 =	simm.s32 $0x1C00;
	[smem:$0x67D] =	sst s18  }
0xa9: {  	s20 =	simm.s32 $0x1C38;
	[smem:$0x67E] =	sst s19  }
0xaa: {  	s21 =	simm.s32 $0x1C70;
	[smem:$0x67F] =	sst s20  }
0xab: {  	s22 =	simm.s32 $0x1CA8;
	[smem:$0x680] =	sst s21  }
0xac: {  	s4 =	simm.s32 $0x1DF8;
	[smem:$0x681] =	sst s22  }
0xad: {  	s23 =	simm.s32 $0x1CE0;
	[smem:$0x687] =	sst s4  }
0xae: {  	s24 =	simm.s32 $0x1D18;
	[smem:$0x682] =	sst s23  }
0xaf: {  	s25 =	simm.s32 $0x1D50;
	[smem:$0x683] =	sst s24  }
0xb0: {  	s26 =	simm.s32 $0x1D88;
	[smem:$0x684] =	sst s25  }
0xb1: {  	s2 =	simm.s32 $0x1DC0;
	[smem:$0x685] =	sst s26  }
0xb2: {  	s5 =	simm.s32 $0x1E30;
	[smem:$0x686] =	sst s2  }
0xb3: {  	s7 =	simm.s32 $0x1E68;
	[smem:$0x688] =	sst s5  }
0xb4: {  	s8 =	simm.s32 $0x1EA0;
	[smem:$0x689] =	sst s7  }
0xb5: {  	s9 =	simm.s32 $0x1ED8;
	[smem:$0x68A] =	sst s8  }
0xb6: {  	s10 =	simm.s32 $0x1F10;
	[smem:$0x68B] =	sst s9  }
0xb7: {  	s11 =	simm.s32 $0x1F48;
	[smem:$0x68C] =	sst s10  }
0xb8: {  	s12 =	simm.s32 $0x1F80;
	[smem:$0x68D] =	sst s11  }
0xb9: {  	s13 =	simm.s32 $0x1FB8;
	[smem:$0x68E] =	sst s12  }
0xba: {  	s14 =	simm.s32 $0x1FF0;
	[smem:$0x68F] =	sst s13  }
0xbb: {  	s15 =	simm.s32 $0x2028;
	[smem:$0x690] =	sst s14  }
0xbc: {  	s16 =	simm.s32 $0x2060;
	[smem:$0x691] =	sst s15  }
0xbd: {  	s17 =	simm.s32 $0x2098;
	[smem:$0x692] =	sst s16  }
0xbe: {  	s18 =	simm.s32 $0x20D0;
	[smem:$0x693] =	sst s17  }
0xbf: {  	s19 =	simm.s32 $0x2108;
	[smem:$0x694] =	sst s18  }
0xc0: {  	s20 =	simm.s32 $0x2140;
	[smem:$0x695] =	sst s19  }
0xc1: {  	s21 =	simm.s32 $0x2178;
	[smem:$0x696] =	sst s20  }
0xc2: {  	s22 =	simm.s32 $0x21B0;
	[smem:$0x697] =	sst s21  }
0xc3: {  	s4 =	simm.s32 $0x2300;
	[smem:$0x698] =	sst s22  }
0xc4: {  	s23 =	simm.s32 $0x21E8;
	[smem:$0x69E] =	sst s4  }
0xc5: {  	s24 =	simm.s32 $0x2220;
	[smem:$0x699] =	sst s23  }
0xc6: {  	s25 =	simm.s32 $0x2258;
	[smem:$0x69A] =	sst s24  }
0xc7: {  	s26 =	simm.s32 $0x2290;
	[smem:$0x69B] =	sst s25  }
0xc8: {  	s2 =	simm.s32 $0x22C8;
	[smem:$0x69C] =	sst s26  }
0xc9: {  	s5 =	simm.s32 $0x2338;
	[smem:$0x69D] =	sst s2  }
0xca: {  	s7 =	simm.s32 $0x2370;
	[smem:$0x69F] =	sst s5  }
0xcb: {  	s8 =	simm.s32 $0x23A8;
	[smem:$0x6A0] =	sst s7  }
0xcc: {  	s9 =	simm.s32 $0x23E0;
	[smem:$0x6A1] =	sst s8  }
0xcd: {  	s10 =	simm.s32 $0x2418;
	[smem:$0x6A2] =	sst s9  }
0xce: {  	s11 =	simm.s32 $0x2450;
	[smem:$0x6A3] =	sst s10  }
0xcf: {  	s12 =	simm.s32 $0x2488;
	[smem:$0x6A4] =	sst s11  }
0xd0: {  	s13 =	simm.s32 $0x24C0;
	[smem:$0x6A5] =	sst s12  }
0xd1: {  	s14 =	simm.s32 $0x24F8;
	[smem:$0x6A6] =	sst s13  }
0xd2: {  	s15 =	simm.s32 $0x2530;
	[smem:$0x6A7] =	sst s14  }
0xd3: {  	s16 =	simm.s32 $0x2568;
	[smem:$0x6A8] =	sst s15  }
0xd4: {  	s17 =	simm.s32 $0x25A0;
	[smem:$0x6A9] =	sst s16  }
0xd5: {  	s18 =	simm.s32 $0x25D8;
	[smem:$0x6AA] =	sst s17  }
0xd6: {  	s19 =	simm.s32 $0x2610;
	[smem:$0x6AB] =	sst s18  }
0xd7: {  	s20 =	simm.s32 $0x2648;
	[smem:$0x6AC] =	sst s19  }
0xd8: {  	s21 =	simm.s32 $0x2680;
	[smem:$0x6AD] =	sst s20  }
0xd9: {  	s22 =	simm.s32 $0x26B8;
	[smem:$0x6AE] =	sst s21  }
0xda: {  	s4 =	simm.s32 $0x2808;
	[smem:$0x6AF] =	sst s22  }
0xdb: {  	s23 =	simm.s32 $0x26F0;
	[smem:$0x6B5] =	sst s4  }
0xdc: {  	s24 =	simm.s32 $0x2728;
	[smem:$0x6B0] =	sst s23  }
0xdd: {  	s25 =	simm.s32 $0x2760;
	[smem:$0x6B1] =	sst s24  }
0xde: {  	s26 =	simm.s32 $0x2798;
	[smem:$0x6B2] =	sst s25  }
0xdf: {  	s2 =	simm.s32 $0x27D0;
	[smem:$0x6B3] =	sst s26  }
0xe0: {  	s5 =	simm.s32 $0x2840;
	[smem:$0x6B4] =	sst s2  }
0xe1: {  	s7 =	simm.s32 $0x2878;
	[smem:$0x6B6] =	sst s5  }
0xe2: {  	s8 =	simm.s32 $0x28B0;
	[smem:$0x6B7] =	sst s7  }
0xe3: {  	s9 =	simm.s32 $0x28E8;
	[smem:$0x6B8] =	sst s8  }
0xe4: {  	s10 =	simm.s32 $0x2920;
	[smem:$0x6B9] =	sst s9  }
0xe5: {  	s11 =	simm.s32 $0x2958;
	[smem:$0x6BA] =	sst s10  }
0xe6: {  	s12 =	simm.s32 $0x2990;
	[smem:$0x6BB] =	sst s11  }
0xe7: {  	s13 =	simm.s32 $0x29C8;
	[smem:$0x6BC] =	sst s12  }
0xe8: {  	s14 =	simm.s32 $0x2A00;
	[smem:$0x6BD] =	sst s13  }
0xe9: {  	s15 =	simm.s32 $0x2A38;
	[smem:$0x6BE] =	sst s14  }
0xea: {  	s16 =	simm.s32 $0x2A70;
	[smem:$0x6BF] =	sst s15  }
0xeb: {  	s17 =	simm.s32 $0x2AA8;
	[smem:$0x6C0] =	sst s16  }
0xec: {  	s18 =	simm.s32 $0x2AE0;
	[smem:$0x6C1] =	sst s17  }
0xed: {  	s19 =	simm.s32 $0x2B18;
	[smem:$0x6C2] =	sst s18  }
0xee: {  	s20 =	simm.s32 $0x2B50;
	[smem:$0x6C3] =	sst s19  }
0xef: {  	s21 =	simm.s32 $0x2B88;
	[smem:$0x6C4] =	sst s20  }
0xf0: {  	s22 =	simm.s32 $0x2BC0;
	[smem:$0x6C5] =	sst s21  }
0xf1: {  	s4 =	simm.s32 $0x2D10;
	[smem:$0x6C6] =	sst s22  }
0xf2: {  	s23 =	simm.s32 $0x2BF8;
	[smem:$0x6CC] =	sst s4  }
0xf3: {  	s24 =	simm.s32 $0x2C30;
	[smem:$0x6C7] =	sst s23  }
0xf4: {  	s25 =	simm.s32 $0x2C68;
	[smem:$0x6C8] =	sst s24  }
0xf5: {  	s26 =	simm.s32 $0x2CA0;
	[smem:$0x6C9] =	sst s25  }
0xf6: {  	s2 =	simm.s32 $0x2CD8;
	[smem:$0x6CA] =	sst s26  }
0xf7: {  	s5 =	simm.s32 $0x2D48;
	[smem:$0x6CB] =	sst s2  }
0xf8: {  	s7 =	simm.s32 $0x2D80;
	[smem:$0x6CD] =	sst s5  }
0xf9: {  	s8 =	simm.s32 $0x2DB8;
	[smem:$0x6CE] =	sst s7  }
0xfa: {  	s9 =	simm.s32 $0x2DF0;
	[smem:$0x6CF] =	sst s8  }
0xfb: {  	s10 =	simm.s32 $0x2E28;
	[smem:$0x6D0] =	sst s9  }
0xfc: {  	s11 =	simm.s32 $0x2E60;
	[smem:$0x6D1] =	sst s10  }
0xfd: {  	s12 =	simm.s32 $0x2E98;
	[smem:$0x6D2] =	sst s11  }
0xfe: {  	s13 =	simm.s32 $0x2ED0;
	[smem:$0x6D3] =	sst s12  }
0xff: {  	s14 =	simm.s32 $0x2F08;
	[smem:$0x6D4] =	sst s13  }
0x100: {  	s15 =	simm.s32 $0x2F40;
	[smem:$0x6D5] =	sst s14  }
0x101: {  	s16 =	simm.s32 $0x2F78;
	[smem:$0x6D6] =	sst s15  }
0x102: {  	s17 =	simm.s32 $0x2FB0;
	[smem:$0x6D7] =	sst s16  }
0x103: {  	s18 =	simm.s32 $0x2FE8;
	[smem:$0x6D8] =	sst s17  }
0x104: {  	s19 =	simm.s32 $0x3020;
	[smem:$0x6D9] =	sst s18  }
0x105: {  	s20 =	simm.s32 $0x3058;
	[smem:$0x6DA] =	sst s19  }
0x106: {  	s21 =	simm.s32 $0x3090;
	[smem:$0x6DB] =	sst s20  }
0x107: {  	s22 =	simm.s32 $0x30C8;
	[smem:$0x6DC] =	sst s21  }
0x108: {  	s4 =	simm.s32 $0x3218;
	[smem:$0x6DD] =	sst s22  }
0x109: {  	s23 =	simm.s32 $0x3100;
	[smem:$0x6E3] =	sst s4  }
0x10a: {  	s24 =	simm.s32 $0x3138;
	[smem:$0x6DE] =	sst s23  }
0x10b: {  	s25 =	simm.s32 $0x3170;
	[smem:$0x6DF] =	sst s24  }
0x10c: {  	s26 =	simm.s32 $0x31A8;
	[smem:$0x6E0] =	sst s25  }
0x10d: {  	s2 =	simm.s32 $0x31E0;
	[smem:$0x6E1] =	sst s26  }
0x10e: {  	s5 =	simm.s32 $0x3250;
	[smem:$0x6E2] =	sst s2  }
0x10f: {  	s7 =	simm.s32 $0x3288;
	[smem:$0x6E4] =	sst s5  }
0x110: {  	s8 =	simm.s32 $0x32C0;
	[smem:$0x6E5] =	sst s7  }
0x111: {  	s9 =	simm.s32 $0x32F8;
	[smem:$0x6E6] =	sst s8  }
0x112: {  	s10 =	simm.s32 $0x3330;
	[smem:$0x6E7] =	sst s9  }
0x113: {  	s11 =	simm.s32 $0x3368;
	[smem:$0x6E8] =	sst s10  }
0x114: {  	s12 =	simm.s32 $0x33A0;
	[smem:$0x6E9] =	sst s11  }
0x115: {  	s13 =	simm.s32 $0x33D8;
	[smem:$0x6EA] =	sst s12  }
0x116: {  	s14 =	simm.s32 $0x3410;
	[smem:$0x6EB] =	sst s13  }
0x117: {  	s15 =	simm.s32 $0x3448;
	[smem:$0x6EC] =	sst s14  }
0x118: {  	s16 =	simm.s32 $0x3480;
	[smem:$0x6ED] =	sst s15  }
0x119: {  	s17 =	simm.s32 $0x34B8;
	[smem:$0x6EE] =	sst s16  }
0x11a: {  	s18 =	simm.s32 $0x34F0;
	[smem:$0x6EF] =	sst s17  }
0x11b: {  	s19 =	simm.s32 $0x3528;
	[smem:$0x6F0] =	sst s18  }
0x11c: {  	s20 =	simm.s32 $0x3560;
	[smem:$0x6F1] =	sst s19  }
0x11d: {  	s21 =	simm.s32 $0x3598;
	[smem:$0x6F2] =	sst s20  }
0x11e: {  	s22 =	simm.s32 $0x35D0;
	[smem:$0x6F3] =	sst s21  }
0x11f: {  	s4 =	simm.s32 $0x3720;
	[smem:$0x6F4] =	sst s22  }
0x120: {  	s23 =	simm.s32 $0x3608;
	[smem:$0x6FA] =	sst s4  }
0x121: {  	s24 =	simm.s32 $0x3640;
	[smem:$0x6F5] =	sst s23  }
0x122: {  	s25 =	simm.s32 $0x3678;
	[smem:$0x6F6] =	sst s24  }
0x123: {  	s26 =	simm.s32 $0x36B0;
	[smem:$0x6F7] =	sst s25  }
0x124: {  	s2 =	simm.s32 $0x36E8;
	[smem:$0x6F8] =	sst s26  }
0x125: {  	s5 =	simm.s32 $0x3758;
	[smem:$0x6F9] =	sst s2  }
0x126: {  	s7 =	simm.s32 $0x3790;
	[smem:$0x6FB] =	sst s5  }
0x127: {  	s8 =	simm.s32 $0x37C8;
	[smem:$0x6FC] =	sst s7  }
0x128: {  	s9 =	simm.s32 $0x3800;
	[smem:$0x6FD] =	sst s8  }
0x129: {  	s10 =	simm.s32 $0x3838;
	[smem:$0x6FE] =	sst s9  }
0x12a: {  	s11 =	simm.s32 $0x3870;
	[smem:$0x6FF] =	sst s10  }
0x12b: {  	s12 =	simm.s32 $0x38A8;
	[smem:$0x700] =	sst s11  }
0x12c: {  	s13 =	simm.s32 $0x38E0;
	[smem:$0x701] =	sst s12  }
0x12d: {  	s14 =	simm.s32 $0x3918;
	[smem:$0x702] =	sst s13  }
0x12e: {  	s15 =	simm.s32 $0x3950;
	[smem:$0x703] =	sst s14  }
0x12f: {  	s16 =	simm.s32 $0x3988;
	[smem:$0x704] =	sst s15  }
0x130: {  	s17 =	simm.s32 $0x39C0;
	[smem:$0x705] =	sst s16  }
0x131: {  	s18 =	simm.s32 $0x39F8;
	[smem:$0x706] =	sst s17  }
0x132: {  	s19 =	simm.s32 $0x3A30;
	[smem:$0x707] =	sst s18  }
0x133: {  	s20 =	simm.s32 $0x3A68;
	[smem:$0x708] =	sst s19  }
0x134: {  	s21 =	simm.s32 $0x3AA0;
	[smem:$0x709] =	sst s20  }
0x135: {  	s22 =	simm.s32 $0x3AD8;
	[smem:$0x70A] =	sst s21  }
0x136: {  	s23 =	simm.s32 $0x3B10;
	[smem:$0x70B] =	sst s22  }
0x137: {  	s24 =	simm.s32 $0x3B48;
	[smem:$0x70C] =	sst s23  }
0x138: {  	s25 =	simm.s32 $0x3B80;
	[smem:$0x70D] =	sst s24  }
0x139: {  	s26 =	simm.s32 $0x3BB8;
	[smem:$0x70E] =	sst s25  }
0x13a: {  	s2 =	simm.s32 $0x3BF0;
	[smem:$0x70F] =	sst s26  }
0x13b: {  	s5 =	simm.s32 $0x3C28;
	[smem:$0x710] =	sst s2  }
0x13c: {  	s7 =	simm.s32 $0x3C60;
	[smem:$0x711] =	sst s5  }
0x13d: {  	s8 =	simm.s32 $0x3C98;
	[smem:$0x712] =	sst s7  }
0x13e: {  	s9 =	simm.s32 $0x3CD0;
	[smem:$0x713] =	sst s8  }
0x13f: {  	s10 =	simm.s32 $0x3D08;
	[smem:$0x714] =	sst s9  }
0x140: {  	s11 =	simm.s32 $0x3D40;
	[smem:$0x715] =	sst s10  }
0x141: {  	s12 =	simm.s32 $0x3D78;
	[smem:$0x716] =	sst s11  }
0x142: {  	s13 =	simm.s32 $0x3DB0;
	[smem:$0x717] =	sst s12  }
0x143: {  	s14 =	simm.s32 $0x3DE8;
	[smem:$0x718] =	sst s13  }
0x144: {  	s15 =	simm.s32 $0x3E20;
	[smem:$0x719] =	sst s14  }
0x145: {  	s16 =	simm.s32 $0x3E58;
	[smem:$0x71A] =	sst s15  }
0x146: {  	s17 =	simm.s32 $0x3E90;
	[smem:$0x71B] =	sst s16  }
0x147: {  	s18 =	simm.s32 $0x3EC8;
	[smem:$0x71C] =	sst s17  }
0x148: {  	s19 =	simm.s32 $0x3F00;
	[smem:$0x71D] =	sst s18  }
0x149: {  	s20 =	simm.s32 $0x3F38;
	[smem:$0x71E] =	sst s19  }
0x14a: {  	s21 =	simm.s32 $0x3F70;
	[smem:$0x71F] =	sst s20  }
0x14b: {  	s22 =	simm.s32 $0x3FA8;
	[smem:$0x720] =	sst s21  }
0x14c: {  	s23 =	simm.s32 $0x3FE0;
	[smem:$0x721] =	sst s22  }
0x14d: {  	s24 =	simm.s32 $0x4018;
	[smem:$0x722] =	sst s23  }
0x14e: {  	s25 =	simm.s32 $0x4050;
	[smem:$0x723] =	sst s24  }
0x14f: {  	s26 =	simm.s32 $0x4088;
	[smem:$0x724] =	sst s25  }
0x150: {  	s2 =	simm.s32 $0x40C0;
	[smem:$0x725] =	sst s26  }
0x151: {  	s5 =	simm.s32 $0x40F8;
	[smem:$0x726] =	sst s2  }
0x152: {  	s7 =	simm.s32 $0x4130;
	[smem:$0x727] =	sst s5  }
0x153: {  	s8 =	simm.s32 $0x4168;
	[smem:$0x728] =	sst s7  }
0x154: {  	s9 =	simm.s32 $0x41A0;
	[smem:$0x729] =	sst s8  }
0x155: {  	s10 =	simm.s32 $0x41D8;
	[smem:$0x72A] =	sst s9  }
0x156: {  	s11 =	simm.s32 $0x4210;
	[smem:$0x72B] =	sst s10  }
0x157: {  	s12 =	simm.s32 $0x4248;
	[smem:$0x72C] =	sst s11  }
0x158: {  	s13 =	simm.s32 $0x4280;
	[smem:$0x72D] =	sst s12  }
0x159: {  	s14 =	simm.s32 $0x42B8;
	[smem:$0x72E] =	sst s13  }
0x15a: {  	s15 =	simm.s32 $0x42F0;
	[smem:$0x72F] =	sst s14  }
0x15b: {  	s16 =	simm.s32 $0x4328;
	[smem:$0x730] =	sst s15  }
0x15c: {  	s17 =	simm.s32 $0x4360;
	[smem:$0x731] =	sst s16  }
0x15d: {  	s18 =	simm.s32 $0x4398;
	[smem:$0x732] =	sst s17  }
0x15e: {  	s19 =	simm.s32 $0x43D0;
	[smem:$0x733] =	sst s18  }
0x15f: {  	s20 =	simm.s32 $0x4408;
	[smem:$0x734] =	sst s19  }
0x160: {  	s21 =	simm.s32 $0x4440;
	[smem:$0x735] =	sst s20  }
0x161: {  	s22 =	simm.s32 $0x4478;
	[smem:$0x736] =	sst s21  }
0x162: {  	s23 =	simm.s32 $0x44B0;
	[smem:$0x737] =	sst s22  }
0x163: {  	s24 =	simm.s32 $0x44E8;
	[smem:$0x738] =	sst s23  }
0x164: {  	s25 =	simm.s32 $0x4520;
	[smem:$0x739] =	sst s24  }
0x165: {  	s26 =	simm.s32 $0x4558;
	[smem:$0x73A] =	sst s25  }
0x166: {  	s2 =	simm.s32 $0x4590;
	[smem:$0x73B] =	sst s26  }
0x167: {  	s5 =	simm.s32 $0x45C8;
	[smem:$0x73C] =	sst s2  }
0x168: {  	s7 =	simm.s32 $0x4600;
	[smem:$0x73D] =	sst s5  }
0x169: {  	s8 =	simm.s32 $0x4638;
	[smem:$0x73E] =	sst s7  }
0x16a: {  	s9 =	simm.s32 $0x4670;
	[smem:$0x73F] =	sst s8  }
0x16b: {  	s10 =	simm.s32 $0x46A8;
	[smem:$0x740] =	sst s9  }
0x16c: {  	s11 =	simm.s32 $0x46E0;
	[smem:$0x741] =	sst s10  }
0x16d: {  	s12 =	simm.s32 $0x4718;
	[smem:$0x742] =	sst s11  }
0x16e: {  	s13 =	simm.s32 $0x4750;
	[smem:$0x743] =	sst s12  }
0x16f: {  	s14 =	simm.s32 $0x4788;
	[smem:$0x744] =	sst s13  }
0x170: {  	s15 =	simm.s32 $0x47C0;
	[smem:$0x745] =	sst s14  }
0x171: {  	s16 =	simm.s32 $0x47F8;
	[smem:$0x746] =	sst s15  }
0x172: {  	s17 =	simm.s32 $0x4830;
	[smem:$0x747] =	sst s16  }
0x173: {  	s18 =	simm.s32 $0x4868;
	[smem:$0x748] =	sst s17  }
0x174: {  	s19 =	simm.s32 $0x48A0;
	[smem:$0x749] =	sst s18  }
0x175: {  	s20 =	simm.s32 $0x48D8;
	[smem:$0x74A] =	sst s19  }
0x176: {  	s21 =	simm.s32 $0x4910;
	[smem:$0x74B] =	sst s20  }
0x177: {  	s22 =	simm.s32 $0x4948;
	[smem:$0x74C] =	sst s21  }
0x178: {  	s23 =	simm.s32 $0x4980;
	[smem:$0x74D] =	sst s22  }
0x179: {  	s24 =	simm.s32 $0x49B8;
	[smem:$0x74E] =	sst s23  }
0x17a: {  	s25 =	simm.s32 $0x49F0;
	[smem:$0x74F] =	sst s24  }
0x17b: {  	s26 =	simm.s32 $0x4A28;
	[smem:$0x750] =	sst s25  }
0x17c: {  	s2 =	simm.s32 $0x4A60;
	[smem:$0x751] =	sst s26  }
0x17d: {  	s5 =	simm.s32 $0x4A98;
	[smem:$0x752] =	sst s2  }
0x17e: {  	s7 =	simm.s32 $0x4AD0;
	[smem:$0x753] =	sst s5  }
0x17f: {  	s8 =	simm.s32 $0x4B08;
	[smem:$0x754] =	sst s7  }
0x180: {  	s9 =	simm.s32 $0x4B40;
	[smem:$0x755] =	sst s8  }
0x181: {  	s10 =	simm.s32 $0x4B78;
	[smem:$0x756] =	sst s9  }
0x182: {  	s11 =	simm.s32 $0x4BB0;
	[smem:$0x757] =	sst s10  }
0x183: {  	s12 =	simm.s32 $0x4BE8;
	[smem:$0x758] =	sst s11  }
0x184: {  	s13 =	simm.s32 $0x4C20;
	[smem:$0x759] =	sst s12  }
0x185: {  	s14 =	simm.s32 $0x4C58;
	[smem:$0x75A] =	sst s13  }
0x186: {  	s15 =	simm.s32 $0x4C90;
	[smem:$0x75B] =	sst s14  }
0x187: {  	s16 =	simm.s32 $0x4CC8;
	[smem:$0x75C] =	sst s15  }
0x188: {  	s17 =	simm.s32 $0x4D00;
	[smem:$0x75D] =	sst s16  }
0x189: {  	s18 =	simm.s32 $0x4D38;
	[smem:$0x75E] =	sst s17  }
0x18a: {  	s19 =	simm.s32 $0x4D70;
	[smem:$0x75F] =	sst s18  }
0x18b: {  	s20 =	simm.s32 $0x4DA8;
	[smem:$0x760] =	sst s19  }
0x18c: {  	s21 =	simm.s32 $0x4DE0;
	[smem:$0x761] =	sst s20  }
0x18d: {  	s22 =	simm.s32 $0x4E18;
	[smem:$0x762] =	sst s21  }
0x18e: {  	s23 =	simm.s32 $0x4E50;
	[smem:$0x763] =	sst s22  }
0x18f: {  	s24 =	simm.s32 $0x4E88;
	[smem:$0x764] =	sst s23  }
0x190: {  	s25 =	simm.s32 $0x4EC0;
	[smem:$0x765] =	sst s24  }
0x191: {  	s26 =	simm.s32 $0x4EF8;
	[smem:$0x766] =	sst s25  }
0x192: {  	s2 =	simm.s32 $0x4F30;
	[smem:$0x767] =	sst s26  }
0x193: {  	s5 =	simm.s32 $0x4F68;
	[smem:$0x768] =	sst s2  }
0x194: {  	s7 =	simm.s32 $0x4FA0;
	[smem:$0x769] =	sst s5  }
0x195: {  	s8 =	simm.s32 $0x4FD8;
	[smem:$0x76A] =	sst s7  }
0x196: {  	s9 =	simm.s32 $0x5010;
	[smem:$0x76B] =	sst s8  }
0x197: {  	s10 =	simm.s32 $0x5048;
	[smem:$0x76C] =	sst s9  }
0x198: {  	s11 =	simm.s32 $0x5080;
	[smem:$0x76D] =	sst s10  }
0x199: {  	s12 =	simm.s32 $0x50B8;
	[smem:$0x76E] =	sst s11  }
0x19a: {  	s13 =	simm.s32 $0x50F0;
	[smem:$0x76F] =	sst s12  }
0x19b: {  	s14 =	simm.s32 $0x5128;
	[smem:$0x770] =	sst s13  }
0x19c: {  	s15 =	simm.s32 $0x5160;
	[smem:$0x771] =	sst s14  }
0x19d: {  	s16 =	simm.s32 $0x5198;
	[smem:$0x772] =	sst s15  }
0x19e: {  	s17 =	simm.s32 $0x51D0;
	[smem:$0x773] =	sst s16  }
0x19f: {  	s18 =	simm.s32 $0x5208;
	[smem:$0x774] =	sst s17  }
0x1a0: {  	s19 =	simm.s32 $0x5240;
	[smem:$0x775] =	sst s18  }
0x1a1: {  	s20 =	simm.s32 $0x5278;
	[smem:$0x776] =	sst s19  }
0x1a2: {  	s21 =	simm.s32 $0x52B0;
	[smem:$0x777] =	sst s20  }
0x1a3: {  	s22 =	simm.s32 $0x52E8;
	[smem:$0x778] =	sst s21  }
0x1a4: {  	s23 =	simm.s32 $0x5320;
	[smem:$0x779] =	sst s22  }
0x1a5: {  	s24 =	simm.s32 $0x5358;
	[smem:$0x77A] =	sst s23  }
0x1a6: {  	s25 =	simm.s32 $0x5390;
	[smem:$0x77B] =	sst s24  }
0x1a7: {  	s26 =	simm.s32 $0x53C8;
	[smem:$0x77C] =	sst s25  }
0x1a8: {  	s2 =	simm.s32 $0x5400;
	[smem:$0x77D] =	sst s26  }
0x1a9: {  	s5 =	simm.s32 $0x5438;
	[smem:$0x77E] =	sst s2  }
0x1aa: {  	s7 =	simm.s32 $0x5470;
	[smem:$0x77F] =	sst s5  }
0x1ab: {  	s8 =	simm.s32 $0x54A8;
	[smem:$0x780] =	sst s7  }
0x1ac: {  	s9 =	simm.s32 $0x54E0;
	[smem:$0x781] =	sst s8  }
0x1ad: {  	s10 =	simm.s32 $0x5518;
	[smem:$0x782] =	sst s9  }
0x1ae: {  	s11 =	simm.s32 $0x5550;
	[smem:$0x783] =	sst s10  }
0x1af: {  	s12 =	simm.s32 $0x5588;
	[smem:$0x784] =	sst s11  }
0x1b0: {  	s13 =	simm.s32 $0x55C0;
	[smem:$0x785] =	sst s12  }
0x1b1: {  	s14 =	simm.s32 $0x55F8;
	[smem:$0x786] =	sst s13  }
0x1b2: {  	s15 =	simm.s32 $0x5630;
	[smem:$0x787] =	sst s14  }
0x1b3: {  	s16 =	simm.s32 $0x5668;
	[smem:$0x788] =	sst s15  }
0x1b4: {  	s17 =	simm.s32 $0x56A0;
	[smem:$0x789] =	sst s16  }
0x1b5: {  	s18 =	simm.s32 $0x56D8;
	[smem:$0x78A] =	sst s17  }
0x1b6: {  	s19 =	simm.s32 $0x5710;
	[smem:$0x78B] =	sst s18  }
0x1b7: {  	s20 =	simm.s32 $0x5748;
	[smem:$0x78C] =	sst s19  }
0x1b8: {  	s21 =	simm.s32 $0x5780;
	[smem:$0x78D] =	sst s20  }
0x1b9: {  	s22 =	simm.s32 $0x57B8;
	[smem:$0x78E] =	sst s21  }
0x1ba: {  	s23 =	simm.s32 $0x57F0;
	[smem:$0x78F] =	sst s22  }
0x1bb: {  	s24 =	simm.s32 $0x5828;
	[smem:$0x790] =	sst s23  }
0x1bc: {  	s25 =	simm.s32 $0x5860;
	[smem:$0x791] =	sst s24  }
0x1bd: {  	s26 =	simm.s32 $0x5898;
	[smem:$0x792] =	sst s25  }
0x1be: {  	s2 =	simm.s32 $0x58D0;
	[smem:$0x793] =	sst s26  }
0x1bf: {  	s5 =	simm.s32 $0x5908;
	[smem:$0x794] =	sst s2  }
0x1c0: {  	s7 =	simm.s32 $0x5940;
	[smem:$0x795] =	sst s5  }
0x1c1: {  	s8 =	simm.s32 $0x5978;
	[smem:$0x796] =	sst s7  }
0x1c2: {  	s9 =	simm.s32 $0x59B0;
	[smem:$0x797] =	sst s8  }
0x1c3: {  	s10 =	simm.s32 $0x59E8;
	[smem:$0x798] =	sst s9  }
0x1c4: {  	s11 =	simm.s32 $0x5A20;
	[smem:$0x799] =	sst s10  }
0x1c5: {  	s12 =	simm.s32 $0x5A58;
	[smem:$0x79A] =	sst s11  }
0x1c6: {  	s13 =	simm.s32 $0x5A90;
	[smem:$0x79B] =	sst s12  }
0x1c7: {  	s14 =	simm.s32 $0x5AC8;
	[smem:$0x79C] =	sst s13  }
0x1c8: {  	s15 =	simm.s32 $0x5B00;
	[smem:$0x79D] =	sst s14  }
0x1c9: {  	s16 =	simm.s32 $0x5B38;
	[smem:$0x79E] =	sst s15  }
0x1ca: {  	s17 =	simm.s32 $0x5B70;
	[smem:$0x79F] =	sst s16  }
0x1cb: {  	s18 =	simm.s32 $0x5BA8;
	[smem:$0x7A0] =	sst s17  }
0x1cc: {  	s19 =	simm.s32 $0x5BE0;
	[smem:$0x7A1] =	sst s18  }
0x1cd: {  	s20 =	simm.s32 $0x5C18;
	[smem:$0x7A2] =	sst s19  }
0x1ce: {  	s21 =	simm.s32 $0x5C50;
	[smem:$0x7A3] =	sst s20  }
0x1cf: {  	s22 =	simm.s32 $0x5C88;
	[smem:$0x7A4] =	sst s21  }
0x1d0: {  	s23 =	simm.s32 $0x5CC0;
	[smem:$0x7A5] =	sst s22  }
0x1d1: {  	s24 =	simm.s32 $0x5CF8;
	[smem:$0x7A6] =	sst s23  }
0x1d2: {  	s25 =	simm.s32 $0x5D30;
	[smem:$0x7A7] =	sst s24  }
0x1d3: {  	s26 =	simm.s32 $0x6F58;
	[smem:$0x7A8] =	sst s25  }
0x1d4: {  	s2 =	simm.s32 $0x6F20;
	[smem:$0x7A9] =	sst s26  }
0x1d5: {  	s5 =	simm.s32 $0x5D68;
	[smem:$0x7AA] =	sst s2  }
0x1d6: {  	s7 =	simm.s32 $0x5DA0;
	[smem:$0x7AB] =	sst s5  }
0x1d7: {  	s8 =	simm.s32 $0x5DD8;
	[smem:$0x7AC] =	sst s7  }
0x1d8: {  	s9 =	simm.s32 $0x5E10;
	[smem:$0x7AD] =	sst s8  }
0x1d9: {  	s10 =	simm.s32 $0x5E48;
	[smem:$0x7AE] =	sst s9  }
0x1da: {  	s11 =	simm.s32 $0x5E80;
	[smem:$0x7AF] =	sst s10  }
0x1db: {  	s12 =	simm.s32 $0x5EB8;
	[smem:$0x7B0] =	sst s11  }
0x1dc: {  	s13 =	simm.s32 $0x5EF0;
	[smem:$0x7B1] =	sst s12  }
0x1dd: {  	s14 =	simm.s32 $0x5F28;
	[smem:$0x7B2] =	sst s13  }
0x1de: {  	s15 =	simm.s32 $0x5F60;
	[smem:$0x7B3] =	sst s14  }
0x1df: {  	s16 =	simm.s32 $0x5F98;
	[smem:$0x7B4] =	sst s15  }
0x1e0: {  	s17 =	simm.s32 $0x5FD0;
	[smem:$0x7B5] =	sst s16  }
0x1e1: {  	s18 =	simm.s32 $0x6008;
	[smem:$0x7B6] =	sst s17  }
0x1e2: {  	s19 =	simm.s32 $0x6040;
	[smem:$0x7B7] =	sst s18  }
0x1e3: {  	s20 =	simm.s32 $0x6078;
	[smem:$0x7B8] =	sst s19  }
0x1e4: {  	s21 =	simm.s32 $0x60B0;
	[smem:$0x7B9] =	sst s20  }
0x1e5: {  	s22 =	simm.s32 $0x6EE8;
	[smem:$0x7BA] =	sst s21  }
0x1e6: {  	s23 =	simm.s32 $0x6EB0;
	[smem:$0x7BB] =	sst s22  }
0x1e7: {  	s24 =	simm.s32 $0x60E8;
	[smem:$0x7BC] =	sst s23  }
0x1e8: {  	s25 =	simm.s32 $0x6120;
	[smem:$0x7BD] =	sst s24  }
0x1e9: {  	s26 =	simm.s32 $0x6158;
	[smem:$0x7BE] =	sst s25  }
0x1ea: {  	s2 =	simm.s32 $0x6190;
	[smem:$0x7BF] =	sst s26  }
0x1eb: {  	s5 =	simm.s32 $0x61C8;
	[smem:$0x7C0] =	sst s2  }
0x1ec: {  	s7 =	simm.s32 $0x6200;
	[smem:$0x7C1] =	sst s5  }
0x1ed: {  	s8 =	simm.s32 $0x6238;
	[smem:$0x7C2] =	sst s7  }
0x1ee: {  	s9 =	simm.s32 $0x6270;
	[smem:$0x7C3] =	sst s8  }
0x1ef: {  	s10 =	simm.s32 $0x62A8;
	[smem:$0x7C4] =	sst s9  }
0x1f0: {  	s11 =	simm.s32 $0x62E0;
	[smem:$0x7C5] =	sst s10  }
0x1f1: {  	s12 =	simm.s32 $0x6318;
	[smem:$0x7C6] =	sst s11  }
0x1f2: {  	s13 =	simm.s32 $0x6350;
	[smem:$0x7C7] =	sst s12  }
0x1f3: {  	s14 =	simm.s32 $0x6388;
	[smem:$0x7C8] =	sst s13  }
0x1f4: {  	s15 =	simm.s32 $0x63C0;
	[smem:$0x7C9] =	sst s14  }
0x1f5: {  	s16 =	simm.s32 $0x63F8;
	[smem:$0x7CA] =	sst s15  }
0x1f6: {  	s17 =	simm.s32 $0x6430;
	[smem:$0x7CB] =	sst s16  }
0x1f7: {  	s18 =	simm.s32 $0x6E78;
	[smem:$0x7CC] =	sst s17  }
0x1f8: {  	s19 =	simm.s32 $0x6E40;
	[smem:$0x7CD] =	sst s18  }
0x1f9: {  	s20 =	simm.s32 $0x6E08;
	[smem:$0x7CE] =	sst s19  }
0x1fa: {  	s21 =	simm.s32 $0x6DD0;
	[smem:$0x7CF] =	sst s20  }
0x1fb: {  	s22 =	simm.s32 $0x6468;
	[smem:$0x7D0] =	sst s21  }
0x1fc: {  	s23 =	simm.s32 $0x6D98;
	[smem:$0x7D1] =	sst s22  }
0x1fd: {  	s24 =	simm.s32 $0x64A0;
	[smem:$0x7D2] =	sst s23  }
0x1fe: {  	s25 =	simm.s32 $0x6D60;
	[smem:$0x7D3] =	sst s24  }
0x1ff: {  	s26 =	simm.s32 $0x64D8;
	[smem:$0x7D4] =	sst s25  }
0x200: {  	s2 =	simm.s32 $0x6D28;
	[smem:$0x7D5] =	sst s26  }
0x201: {  	s5 =	simm.s32 $0x6510;
	[smem:$0x7D6] =	sst s2  }
0x202: {  	s7 =	simm.s32 $0x6CF0;
	[smem:$0x7D7] =	sst s5  }
0x203: {  	s8 =	simm.s32 $0x6548;
	[smem:$0x7D8] =	sst s7  }
0x204: {  	s9 =	simm.s32 $0x6CB8;
	[smem:$0x7D9] =	sst s8  }
0x205: {  	s10 =	simm.s32 $0x6580;
	[smem:$0x7DA] =	sst s9  }
0x206: {  	s11 =	simm.s32 $0x6C80;
	[smem:$0x7DB] =	sst s10  }
0x207: {  	s12 =	simm.s32 $0x65B8;
	[smem:$0x7DC] =	sst s11  }
0x208: {  	s13 =	simm.s32 $0x6C48;
	[smem:$0x7DD] =	sst s12  }
0x209: {  	s14 =	simm.s32 $0x65F0;
	[smem:$0x7DE] =	sst s13  }
0x20a: {  	s15 =	simm.s32 $0x6C10;
	[smem:$0x7DF] =	sst s14  }
0x20b: {  	s16 =	simm.s32 $0x6628;
	[smem:$0x7E0] =	sst s15  }
0x20c: {  	s17 =	simm.s32 $0x6BD8;
	[smem:$0x7E1] =	sst s16  }
0x20d: {  	s18 =	simm.s32 $0x6660;
	[smem:$0x7E2] =	sst s17  }
0x20e: {  	s19 =	simm.s32 $0x6BA0;
	[smem:$0x7E3] =	sst s18  }
0x20f: {  	s20 =	simm.s32 $0x6B68;
	[smem:$0x7E4] =	sst s19  }
0x210: {  	s21 =	simm.s32 $0x6B30;
	[smem:$0x7E5] =	sst s20  }
0x211: {  	s22 =	simm.s32 $0x6698;
	[smem:$0x7E6] =	sst s21  }
0x212: {  	s23 =	simm.s32 $0x6AF8;
	[smem:$0x7E7] =	sst s22  }
0x213: {  	s25 =	simm.s32 $0x66D0;
	[smem:$0x7E8] =	sst s23  }
0x214: {  	s26 =	simm.s32 $0x6AC0;
	[smem:$0x7E9] =	sst s25  }
0x215: {  	s2 =	simm.s32 $0x6A88;
	[smem:$0x7EA] =	sst s26  }
0x216: {  	s5 =	simm.s32 $0x6A50;
	[smem:$0x7EB] =	sst s2  }
0x217: {  	s8 =	simm.s32 $0x6A18;
	[smem:$0x7EC] =	sst s5  }
0x218: {  	s9 =	simm.s32 $0x69E0;
	[smem:$0x7ED] =	sst s8  }
0x219: {  	s10 =	simm.s32 $0x69A8;
	[smem:$0x7EE] =	sst s9  }
0x21a: {  	s11 =	simm.s32 $0x6970;
	[smem:$0x7EF] =	sst s10  }
0x21b: {  	s12 =	simm.s32 $0x6938;
	[smem:$0x7F0] =	sst s11  }
0x21c: {  	s28 =	simm.s32 $0x6;
	s13 =	simm.s32 $0x6900;
	[smem:$0x7F1] =	sst s12  }
0x21d: {  	s29 =	simm.s32 $0x4;
	s14 =	simm.s32 $0x68C8;
	[smem:$0x7F2] =	sst s13  }
0x21e: {  	s30 =	simm.s32 $0x7;
	s15 =	simm.s32 $0x6890;
	[smem:$0x7F3] =	sst s14  }
0x21f: {  	s31 =	simm.s32 $0x8;
	s16 =	simm.s32 $0x6858;
	[smem:$0x7F4] =	sst s15  }
0x220: {  	s0 =	ssub.s32 $0x2, s0;
	s17 =	simm.s32 $0x6820;
	[smem:$0x7F5] =	sst s16  }
0x221: {  	s4 =	sadd.s32 $0xF42E00, s1;
	s18 =	simm.s32 $0x67E8;
	[smem:$0x7F6] =	sst s17  }
0x222: {  	s24 =	sshrl.u32 s0, $0x1;
	s19 =	simm.s32 $0x67B0;
	[smem:$0x7F7] =	sst s18  }
0x223: {  	s7 =	simm.s32 $0x32;
	s20 =	simm.s32 $0x6778;
	[smem:$0x7F8] =	sst s19  }
0x224: {  	s21 =	simm.s32 $0x6740;
	s22 =	simm.s32 $0x6708;
	[smem:$0x7F9] =	sst s20  }
0x225: {  	s0 =	ssub.s32 s0, s24;
	[smem:$0x7FA] =	sst s21;
	s23 =	simm.s32 $0x6F90  }
0x226: {  	[smem:$0x7FB] =	sst s22;
	s24 =	simm.s32 $0x6FC8;
	s22 =	simm.s32 $0x1  }
0x227: {  	s25 =	simm.s32 $0x5;
	s26 =	simm.s32 $0x3;
	[smem:$0x7FC] =	sst s23  }
0x228: {  	s3 =	smax.u32 s0, $0x1;
	s23 =	simm.s32 $0x2;
	[smem:$0x7FD] =	sst s24  }
.LBB2_1:
0x229: {  	[smem:$0x5FA] =	sst s3  }
0x22a: {  	s0 =	rddreg [dreg:$0x3];
	s5 =	simm.s32 $0x9  }
0x22b: {  	[tilespmem:s6], [sflag:$0x9] =	stream.linear.gather [hbm4b:s0+s6], $0x7000, $0x38;
	v63 =	vld [tilespmem:$0x0]  }
0x22c: {  	_ =	swait.ge [sflag:s5], $0x7000  }
0x22d: {  	[sflag:s5] =	ssyncset.done $0x0  }
0x22e: {  	s1 =	simm.s32 $0x7000;
	s8 =	sld [smem:$0x5FF];
	[sflag:s5] =	ssyncadd.s32 $0xFFFF9000  }
0x22f: {  	[tilespmem:s1], [sflag:$0x1] =	stream.indirect.gather [hbm4b:s4+s7], $0x20, s6, s7, $0xb8;
	v63 =	vld [tilespmem:$0x0]  }
0x230: {  	s10 =	simm.s32 $0x7640;
	s9 =	sld [smem:$0x600]  }
0x231: {  	[tilespmem:s10], [sflag:$0x1] =	stream.indirect.gather [hbm4b:s4+s7], $0x20, s8, s7, $0xb8;
	v63 =	vld [tilespmem:$0x0]  }
0x232: {  	s12 =	simm.s32 $0x7C80;
	s11 =	sld [smem:$0x601]  }
0x233: {  	[tilespmem:s12], [sflag:$0x1] =	stream.indirect.gather [hbm4b:s4+s7], $0x20, s9, s7, $0xb8;
	v63 =	vld [tilespmem:$0x0]  }
0x234: {  	s15 =	simm.s32 $0x82C0;
	s13 =	sld [smem:$0x602]  }
0x235: {  	[tilespmem:s15], [sflag:$0x1] =	stream.indirect.gather [hbm4b:s4+s7], $0x20, s11, s7, $0xb8;
	v63 =	vld [tilespmem:$0x0]  }
0x236: {  	s19 =	simm.s32 $0x8900;
	s16 =	sld [smem:$0x603]  }
0x237: {  	[tilespmem:s19], [sflag:$0x1] =	stream.indirect.gather [hbm4b:s4+s7], $0x20, s13, s7, $0xb8;
	v63 =	vld [tilespmem:$0x0]  }
0x238: {  	s21 =	simm.s32 $0x8F40;
	s20 =	sld [smem:$0x604]  }
0x239: {  	[tilespmem:s21], [sflag:$0x1] =	stream.indirect.gather [hbm4b:s4+s7], $0x20, s16, s7, $0xb8;
	v63 =	vld [tilespmem:$0x0]  }
0x23a: {  	s2 =	sld [smem:$0x605];
	s5 =	simm.s32 $0x9580  }
0x23b: {  	[tilespmem:s5], [sflag:$0x1] =	stream.indirect.gather [hbm4b:s4+s7], $0x20, s20, s7, $0xb8;
	v63 =	vld [tilespmem:$0x0]  }
0x23c: {  	s8 =	sld [smem:$0x606];
	s9 =	simm.s32 $0x9BC0  }
0x23d: {  	[tilespmem:s9], [sflag:$0x1] =	stream.indirect.gather [hbm4b:s4+s7], $0x20, s2, s7, $0xb8;
	v63 =	vld [tilespmem:$0x0]  }
0x23e: {  	s10 =	sld [smem:$0x607];
	s11 =	simm.s32 $0xA200  }
0x23f: {  	[tilespmem:s11], [sflag:$0x1] =	stream.indirect.gather [hbm4b:s4+s7], $0x20, s8, s7, $0xb8;
	v63 =	vld [tilespmem:$0x0]  }
0x240: {  	s12 =	sld [smem:$0x608];
	s13 =	simm.s32 $0xA840  }
0x241: {  	[tilespmem:s13], [sflag:$0x1] =	stream.indirect.gather [hbm4b:s4+s7], $0x20, s10, s7, $0xb8;
	v63 =	vld [tilespmem:$0x0]  }
0x242: {  	s15 =	sld [smem:$0x609];
	s16 =	simm.s32 $0xAE80  }
0x243: {  	[tilespmem:s16], [sflag:$0x1] =	stream.indirect.gather [hbm4b:s4+s7], $0x20, s12, s7, $0xb8;
	v63 =	vld [tilespmem:$0x0]  }
0x244: {  	s5 =	simm.s32 $0xB4C0;
	s2 =	sld [smem:$0x60A]  }
0x245: {  	[tilespmem:s5], [sflag:$0x1] =	stream.indirect.gather [hbm4b:s4+s7], $0x20, s15, s7, $0xb8;
	v63 =	vld [tilespmem:$0x0]  }
0x246: {  	s9 =	sld [smem:$0x60B];
	s15 =	simm.s32 $0xBB00  }
0x247: {  	[tilespmem:s15], [sflag:$0x1] =	stream.indirect.gather [hbm4b:s4+s7], $0x20, s2, s7, $0xb8;
	v63 =	vld [tilespmem:$0x0]  }
0x248: {  	s16 =	sld [smem:$0x60C];
	s5 =	simm.s32 $0xC140  }
0x249: {  	[tilespmem:s5], [sflag:$0x1] =	stream.indirect.gather [hbm4b:s4+s7], $0x20, s9, s7, $0xb8;
	v63 =	vld [tilespmem:$0x0]  }
0x24a: {  	s2 =	simm.s32 $0xC780;
	s9 =	sld [smem:$0x60D]  }
0x24b: {  	[tilespmem:s2], [sflag:$0x1] =	stream.indirect.gather [hbm4b:s4+s7], $0x20, s16, s7, $0xb8;
	v63 =	vld [tilespmem:$0x0]  }
0x24c: {  	s3 =	sld [smem:$0x60E];
	s5 =	simm.s32 $0xCDC0  }
0x24d: {  	[tilespmem:s5], [sflag:$0x1] =	stream.indirect.gather [hbm4b:s4+s7], $0x20, s9, s7, $0xb8;
	v63 =	vld [tilespmem:$0x0]  }
0x24e: {  	s0 =	sld [smem:$0x60F];
	s9 =	simm.s32 $0xD400  }
0x24f: {  	[tilespmem:s9], [sflag:$0x2] =	stream.indirect.gather [hbm4b:s4+s7], $0x20, s3, s7, $0xb8;
	v63 =	vld [tilespmem:$0x0]  }
0x250: {  	s5 =	simm.s32 $0xDA40;
	s3 =	sld [smem:$0x610]  }
0x251: {  	[tilespmem:s5], [sflag:$0x2] =	stream.indirect.gather [hbm4b:s4+s7], $0x20, s0, s7, $0xb8;
	v63 =	vld [tilespmem:$0x0]  }
0x252: {  	s9 =	simm.s32 $0xE080;
	s0 =	sld [smem:$0x611]  }
0x253: {  	[tilespmem:s9], [sflag:$0x2] =	stream.indirect.gather [hbm4b:s4+s7], $0x20, s3, s7, $0xb8;
	v63 =	vld [tilespmem:$0x0]  }
0x254: {  	s5 =	simm.s32 $0xE6C0;
	s3 =	sld [smem:$0x612]  }
0x255: {  	[tilespmem:s5], [sflag:$0x2] =	stream.indirect.gather [hbm4b:s4+s7], $0x20, s0, s7, $0xb8;
	v63 =	vld [tilespmem:$0x0]  }
0x256: {  	s9 =	simm.s32 $0xED00;
	s0 =	sld [smem:$0x613]  }
0x257: {  	[tilespmem:s9], [sflag:$0x2] =	stream.indirect.gather [hbm4b:s4+s7], $0x20, s3, s7, $0xb8;
	v63 =	vld [tilespmem:$0x0]  }
0x258: {  	s5 =	simm.s32 $0xF340;
	s3 =	sld [smem:$0x614]  }
0x259: {  	[tilespmem:s5], [sflag:$0x2] =	stream.indirect.gather [hbm4b:s4+s7], $0x20, s0, s7, $0xb8;
	v63 =	vld [tilespmem:$0x0]  }
0x25a: {  	s9 =	simm.s32 $0xF980;
	s0 =	sld [smem:$0x615]  }
0x25b: {  	[tilespmem:s9], [sflag:$0x2] =	stream.indirect.gather [hbm4b:s4+s7], $0x20, s3, s7, $0xb8;
	v63 =	vld [tilespmem:$0x0]  }
0x25c: {  	s5 =	simm.s32 $0xFFC0;
	s3 =	sld [smem:$0x616]  }
0x25d: {  	[tilespmem:s5], [sflag:$0x2] =	stream.indirect.gather [hbm4b:s4+s7], $0x20, s0, s7, $0xb8;
	v63 =	vld [tilespmem:$0x0]  }
0x25e: {  	s9 =	simm.s32 $0x10600;
	s0 =	sld [smem:$0x617]  }
0x25f: {  	[tilespmem:s9], [sflag:$0x2] =	stream.indirect.gather [hbm4b:s4+s7], $0x20, s3, s7, $0xb8;
	v63 =	vld [tilespmem:$0x0]  }
0x260: {  	s5 =	simm.s32 $0x10C40;
	s3 =	sld [smem:$0x618]  }
0x261: {  	[tilespmem:s5], [sflag:$0x2] =	stream.indirect.gather [hbm4b:s4+s7], $0x20, s0, s7, $0xb8;
	v63 =	vld [tilespmem:$0x0]  }
0x262: {  	s9 =	simm.s32 $0x11280;
	s0 =	sld [smem:$0x619]  }
0x263: {  	[tilespmem:s9], [sflag:$0x2] =	stream.indirect.gather [hbm4b:s4+s7], $0x20, s3, s7, $0xb8;
	v63 =	vld [tilespmem:$0x0]  }
0x264: {  	s5 =	simm.s32 $0x118C0;
	s3 =	sld [smem:$0x61A]  }
0x265: {  	[tilespmem:s5], [sflag:$0x2] =	stream.indirect.gather [hbm4b:s4+s7], $0x20, s0, s7, $0xb8;
	v63 =	vld [tilespmem:$0x0]  }
0x266: {  	s9 =	simm.s32 $0x11F00;
	s0 =	sld [smem:$0x61B]  }
0x267: {  	[tilespmem:s9], [sflag:$0x2] =	stream.indirect.gather [hbm4b:s4+s7], $0x20, s3, s7, $0xb8;
	v63 =	vld [tilespmem:$0x0]  }
0x268: {  	s5 =	simm.s32 $0x12540;
	s3 =	sld [smem:$0x61C]  }
0x269: {  	[tilespmem:s5], [sflag:$0x2] =	stream.indirect.gather [hbm4b:s4+s7], $0x20, s0, s7, $0xb8;
	v63 =	vld [tilespmem:$0x0]  }
0x26a: {  	s9 =	simm.s32 $0x12B80;
	s0 =	sld [smem:$0x61D]  }
0x26b: {  	[tilespmem:s9], [sflag:$0x2] =	stream.indirect.gather [hbm4b:s4+s7], $0x20, s3, s7, $0xb8;
	v63 =	vld [tilespmem:$0x0]  }
0x26c: {  	s5 =	simm.s32 $0x131C0;
	s3 =	sld [smem:$0x61E]  }
0x26d: {  	[tilespmem:s5], [sflag:$0x2] =	stream.indirect.gather [hbm4b:s4+s7], $0x20, s0, s7, $0xb8;
	v63 =	vld [tilespmem:$0x0]  }
0x26e: {  	s9 =	simm.s32 $0x13800;
	s0 =	sld [smem:$0x61F]  }
0x26f: {  	[tilespmem:s9], [sflag:$0x3] =	stream.indirect.gather [hbm4b:s4+s7], $0x20, s3, s7, $0xb8;
	v63 =	vld [tilespmem:$0x0]  }
0x270: {  	s1 =	sld [smem:$0x620];
	s5 =	simm.s32 $0x13E40  }
0x271: {  	[tilespmem:s5], [sflag:$0x3] =	stream.indirect.gather [hbm4b:s4+s7], $0x20, s0, s7, $0xb8;
	v63 =	vld [tilespmem:$0x0]  }
0x272: {  	s9 =	simm.s32 $0x14480;
	s0 =	sld [smem:$0x621]  }
0x273: {  	[tilespmem:s9], [sflag:$0x3] =	stream.indirect.gather [hbm4b:s4+s7], $0x20, s1, s7, $0xb8;
	v63 =	vld [tilespmem:$0x0]  }
0x274: {  	s3 =	sld [smem:$0x622];
	s1 =	simm.s32 $0x14AC0  }
0x275: {  	[tilespmem:s1], [sflag:$0x3] =	stream.indirect.gather [hbm4b:s4+s7], $0x20, s0, s7, $0xb8;
	v63 =	vld [tilespmem:$0x0]  }
0x276: {  	s9 =	simm.s32 $0x15100;
	s0 =	sld [smem:$0x623]  }
0x277: {  	[tilespmem:s9], [sflag:$0x3] =	stream.indirect.gather [hbm4b:s4+s7], $0x20, s3, s7, $0xb8;
	v63 =	vld [tilespmem:$0x0]  }
0x278: {  	s1 =	simm.s32 $0x15740;
	s3 =	sld [smem:$0x624]  }
0x279: {  	[tilespmem:s1], [sflag:$0x3] =	stream.indirect.gather [hbm4b:s4+s7], $0x20, s0, s7, $0xb8;
	v63 =	vld [tilespmem:$0x0]  }
0x27a: {  	s9 =	simm.s32 $0x15D80;
	s0 =	sld [smem:$0x625]  }
0x27b: {  	[tilespmem:s9], [sflag:$0x3] =	stream.indirect.gather [hbm4b:s4+s7], $0x20, s3, s7, $0xb8;
	v63 =	vld [tilespmem:$0x0]  }
0x27c: {  	s1 =	simm.s32 $0x163C0;
	s3 =	sld [smem:$0x626]  }
0x27d: {  	[tilespmem:s1], [sflag:$0x3] =	stream.indirect.gather [hbm4b:s4+s7], $0x20, s0, s7, $0xb8;
	v63 =	vld [tilespmem:$0x0]  }
0x27e: {  	s9 =	simm.s32 $0x16A00;
	s0 =	sld [smem:$0x627]  }
0x27f: {  	[tilespmem:s9], [sflag:$0x3] =	stream.indirect.gather [hbm4b:s4+s7], $0x20, s3, s7, $0xb8;
	v63 =	vld [tilespmem:$0x0]  }
0x280: {  	s1 =	simm.s32 $0x17040;
	s3 =	sld [smem:$0x628]  }
0x281: {  	[tilespmem:s1], [sflag:$0x3] =	stream.indirect.gather [hbm4b:s4+s7], $0x20, s0, s7, $0xb8;
	v63 =	vld [tilespmem:$0x0]  }
0x282: {  	s9 =	simm.s32 $0x17680;
	s0 =	sld [smem:$0x629]  }
0x283: {  	[tilespmem:s9], [sflag:$0x3] =	stream.indirect.gather [hbm4b:s4+s7], $0x20, s3, s7, $0xb8;
	v63 =	vld [tilespmem:$0x0]  }
0x284: {  	s1 =	simm.s32 $0x17CC0;
	s3 =	sld [smem:$0x62A]  }
0x285: {  	[tilespmem:s1], [sflag:$0x3] =	stream.indirect.gather [hbm4b:s4+s7], $0x20, s0, s7, $0xb8;
	v63 =	vld [tilespmem:$0x0]  }
0x286: {  	s9 =	simm.s32 $0x18300;
	s0 =	sld [smem:$0x62B]  }
0x287: {  	[tilespmem:s9], [sflag:$0x3] =	stream.indirect.gather [hbm4b:s4+s7], $0x20, s3, s7, $0xb8;
	v63 =	vld [tilespmem:$0x0]  }
0x288: {  	s1 =	simm.s32 $0x18940;
	s3 =	sld [smem:$0x62C]  }
0x289: {  	[tilespmem:s1], [sflag:$0x3] =	stream.indirect.gather [hbm4b:s4+s7], $0x20, s0, s7, $0xb8;
	v63 =	vld [tilespmem:$0x0]  }
0x28a: {  	s9 =	simm.s32 $0x18F80;
	s0 =	sld [smem:$0x62D]  }
0x28b: {  	[tilespmem:s9], [sflag:$0x3] =	stream.indirect.gather [hbm4b:s4+s7], $0x20, s3, s7, $0xb8;
	v63 =	vld [tilespmem:$0x0]  }
0x28c: {  	s1 =	simm.s32 $0x195C0;
	s3 =	sld [smem:$0x62E]  }
0x28d: {  	[tilespmem:s1], [sflag:$0x3] =	stream.indirect.gather [hbm4b:s4+s7], $0x20, s0, s7, $0xb8;
	v63 =	vld [tilespmem:$0x0]  }
0x28e: {  	s9 =	simm.s32 $0x19C00;
	s0 =	sld [smem:$0x62F]  }
0x28f: {  	[tilespmem:s9], [sflag:$0x4] =	stream.indirect.gather [hbm4b:s4+s7], $0x20, s3, s7, $0xb8;
	v63 =	vld [tilespmem:$0x0]  }
0x290: {  	s1 =	sld [smem:$0x630];
	s9 =	simm.s32 $0x1A240  }
0x291: {  	[tilespmem:s9], [sflag:$0x4] =	stream.indirect.gather [hbm4b:s4+s7], $0x20, s0, s7, $0xb8;
	v63 =	vld [tilespmem:$0x0]  }
0x292: {  	s5 =	simm.s32 $0x1A880;
	s0 =	sld [smem:$0x631]  }
0x293: {  	[tilespmem:s5], [sflag:$0x4] =	stream.indirect.gather [hbm4b:s4+s7], $0x20, s1, s7, $0xb8;
	v63 =	vld [tilespmem:$0x0]  }
0x294: {  	s3 =	sld [smem:$0x632];
	s1 =	simm.s32 $0x1AEC0  }
0x295: {  	[tilespmem:s1], [sflag:$0x4] =	stream.indirect.gather [hbm4b:s4+s7], $0x20, s0, s7, $0xb8;
	v63 =	vld [tilespmem:$0x0]  }
0x296: {  	s5 =	simm.s32 $0x1B500;
	s0 =	sld [smem:$0x633]  }
0x297: {  	[tilespmem:s5], [sflag:$0x4] =	stream.indirect.gather [hbm4b:s4+s7], $0x20, s3, s7, $0xb8;
	v63 =	vld [tilespmem:$0x0]  }
0x298: {  	s1 =	simm.s32 $0x1BB40;
	s3 =	sld [smem:$0x634]  }
0x299: {  	[tilespmem:s1], [sflag:$0x4] =	stream.indirect.gather [hbm4b:s4+s7], $0x20, s0, s7, $0xb8;
	v63 =	vld [tilespmem:$0x0]  }
0x29a: {  	s5 =	simm.s32 $0x1C180;
	s0 =	sld [smem:$0x635]  }
0x29b: {  	[tilespmem:s5], [sflag:$0x4] =	stream.indirect.gather [hbm4b:s4+s7], $0x20, s3, s7, $0xb8;
	v63 =	vld [tilespmem:$0x0]  }
0x29c: {  	s1 =	simm.s32 $0x1C7C0;
	s3 =	sld [smem:$0x636]  }
0x29d: {  	[tilespmem:s1], [sflag:$0x4] =	stream.indirect.gather [hbm4b:s4+s7], $0x20, s0, s7, $0xb8;
	v63 =	vld [tilespmem:$0x0]  }
0x29e: {  	s5 =	simm.s32 $0x1CE00;
	s0 =	sld [smem:$0x637]  }
0x29f: {  	[tilespmem:s5], [sflag:$0x4] =	stream.indirect.gather [hbm4b:s4+s7], $0x20, s3, s7, $0xb8;
	v63 =	vld [tilespmem:$0x0]  }
0x2a0: {  	s1 =	simm.s32 $0x1D440;
	s3 =	sld [smem:$0x638]  }
0x2a1: {  	[tilespmem:s1], [sflag:$0x4] =	stream.indirect.gather [hbm4b:s4+s7], $0x20, s0, s7, $0xb8;
	v63 =	vld [tilespmem:$0x0]  }
0x2a2: {  	s5 =	simm.s32 $0x1DA80;
	s0 =	sld [smem:$0x639]  }
0x2a3: {  	[tilespmem:s5], [sflag:$0x4] =	stream.indirect.gather [hbm4b:s4+s7], $0x20, s3, s7, $0xb8;
	v63 =	vld [tilespmem:$0x0]  }
0x2a4: {  	s1 =	simm.s32 $0x1E0C0;
	s3 =	sld [smem:$0x63A]  }
0x2a5: {  	[tilespmem:s1], [sflag:$0x4] =	stream.indirect.gather [hbm4b:s4+s7], $0x20, s0, s7, $0xb8;
	v63 =	vld [tilespmem:$0x0]  }
0x2a6: {  	s5 =	simm.s32 $0x1E700;
	s0 =	sld [smem:$0x63B]  }
0x2a7: {  	[tilespmem:s5], [sflag:$0x4] =	stream.indirect.gather [hbm4b:s4+s7], $0x20, s3, s7, $0xb8;
	v63 =	vld [tilespmem:$0x0]  }
0x2a8: {  	s1 =	sld [smem:$0x63C];
	s5 =	simm.s32 $0x1ED40  }
0x2a9: {  	[tilespmem:s5], [sflag:$0x4] =	stream.indirect.gather [hbm4b:s4+s7], $0x20, s0, s7, $0xb8;
	v63 =	vld [tilespmem:$0x0]  }
0x2aa: {  	s9 =	simm.s32 $0x1F380;
	s0 =	sld [smem:$0x63D]  }
0x2ab: {  	[tilespmem:s9], [sflag:$0x4] =	stream.indirect.gather [hbm4b:s4+s7], $0x20, s1, s7, $0xb8;
	v63 =	vld [tilespmem:$0x0]  }
0x2ac: {  	s1 =	simm.s32 $0x1F9C0  }
0x2ad: {  	[tilespmem:s1], [sflag:$0x4] =	stream.indirect.gather [hbm4b:s4+s7], $0x20, s0, s7, $0xb8;
	v63 =	vld [tilespmem:$0x0]  }
0x2ae: {  	_ =	swait.ge [sflag:s22], $0x640  }
0x2af: {  	[sflag:s22] =	ssyncset.done $0x0  }
0x2b0: {  	[sflag:s22] =	ssyncadd.s32 $0xFFFFF9C0  }
0x2b1: {  	_ =	swait.ge [sflag:s22], $0x640  }
0x2b2: {  	[sflag:s22] =	ssyncset.done $0x0  }
0x2b3: {  	[sflag:s22] =	ssyncadd.s32 $0xFFFFF9C0  }
0x2b4: {  	_ =	swait.ge [sflag:s22], $0x640  }
0x2b5: {  	[sflag:s22] =	ssyncset.done $0x0  }
0x2b6: {  	[sflag:s22] =	ssyncadd.s32 $0xFFFFF9C0  }
0x2b7: {  	_ =	swait.ge [sflag:s22], $0x640  }
0x2b8: {  	[sflag:s22] =	ssyncset.done $0x0  }
0x2b9: {  	[sflag:s22] =	ssyncadd.s32 $0xFFFFF9C0  }
0x2ba: {  	_ =	swait.ge [sflag:s22], $0x640  }
0x2bb: {  	[sflag:s22] =	ssyncset.done $0x0  }
0x2bc: {  	[sflag:s22] =	ssyncadd.s32 $0xFFFFF9C0  }
0x2bd: {  	_ =	swait.ge [sflag:s22], $0x640  }
0x2be: {  	[sflag:s22] =	ssyncset.done $0x0  }
0x2bf: {  	[sflag:s22] =	ssyncadd.s32 $0xFFFFF9C0  }
0x2c0: {  	_ =	swait.ge [sflag:s22], $0x640  }
0x2c1: {  	[sflag:s22] =	ssyncset.done $0x0  }
0x2c2: {  	[sflag:s22] =	ssyncadd.s32 $0xFFFFF9C0  }
0x2c3: {  	_ =	swait.ge [sflag:s22], $0x640  }
0x2c4: {  	[sflag:s22] =	ssyncset.done $0x0  }
0x2c5: {  	[sflag:s22] =	ssyncadd.s32 $0xFFFFF9C0  }
0x2c6: {  	_ =	swait.ge [sflag:s22], $0x640  }
0x2c7: {  	[sflag:s22] =	ssyncset.done $0x0  }
0x2c8: {  	[sflag:s22] =	ssyncadd.s32 $0xFFFFF9C0  }
0x2c9: {  	_ =	swait.ge [sflag:s22], $0x640  }
0x2ca: {  	[sflag:s22] =	ssyncset.done $0x0  }
0x2cb: {  	[sflag:s22] =	ssyncadd.s32 $0xFFFFF9C0  }
0x2cc: {  	_ =	swait.ge [sflag:s22], $0x640  }
0x2cd: {  	[sflag:s22] =	ssyncset.done $0x0  }
0x2ce: {  	[sflag:s22] =	ssyncadd.s32 $0xFFFFF9C0  }
0x2cf: {  	_ =	swait.ge [sflag:s22], $0x640  }
0x2d0: {  	[sflag:s22] =	ssyncset.done $0x0  }
0x2d1: {  	[sflag:s22] =	ssyncadd.s32 $0xFFFFF9C0  }
0x2d2: {  	_ =	swait.ge [sflag:s22], $0x640  }
0x2d3: {  	[sflag:s22] =	ssyncset.done $0x0  }
0x2d4: {  	[sflag:s22] =	ssyncadd.s32 $0xFFFFF9C0  }
0x2d5: {  	_ =	swait.ge [sflag:s22], $0x640  }
0x2d6: {  	[sflag:s22] =	ssyncset.done $0x0  }
0x2d7: {  	[sflag:s22] =	ssyncadd.s32 $0xFFFFF9C0  }
0x2d8: {  	_ =	swait.ge [sflag:s22], $0x640  }
0x2d9: {  	[sflag:s22] =	ssyncset.done $0x0  }
0x2da: {  	[sflag:s22] =	ssyncadd.s32 $0xFFFFF9C0  }
0x2db: {  	_ =	swait.ge [sflag:s22], $0x640  }
0x2dc: {  	s5 =	sld [smem:$0x5FB]  }
0x2dd: {  	[sflag:s22] =	ssyncset.done $0x0  }
0x2de: {  	s1 =	simm.s32 $0x7000;
	[sflag:s22] =	ssyncadd.s32 $0xFFFFF9C0  }
0x2df: {  	[hbm4b:s5+s6] =	stream.linear.scatter [tilespmem:s1], [sflag:$0x5], $0x6400, $0x38;
	v63 =	vld [tilespmem:$0x0]  }
0x2e0: {  	_ =	swait.ge [sflag:s23], $0x640  }
0x2e1: {  	[sflag:s23] =	ssyncset.done $0x0  }
0x2e2: {  	[sflag:s23] =	ssyncadd.s32 $0xFFFFF9C0  }
0x2e3: {  	_ =	swait.ge [sflag:s23], $0x640  }
0x2e4: {  	[sflag:s23] =	ssyncset.done $0x0  }
0x2e5: {  	[sflag:s23] =	ssyncadd.s32 $0xFFFFF9C0  }
0x2e6: {  	_ =	swait.ge [sflag:s23], $0x640  }
0x2e7: {  	[sflag:s23] =	ssyncset.done $0x0  }
0x2e8: {  	[sflag:s23] =	ssyncadd.s32 $0xFFFFF9C0  }
0x2e9: {  	_ =	swait.ge [sflag:s23], $0x640  }
0x2ea: {  	[sflag:s23] =	ssyncset.done $0x0  }
0x2eb: {  	[sflag:s23] =	ssyncadd.s32 $0xFFFFF9C0  }
0x2ec: {  	_ =	swait.ge [sflag:s23], $0x640  }
0x2ed: {  	[sflag:s23] =	ssyncset.done $0x0  }
0x2ee: {  	[sflag:s23] =	ssyncadd.s32 $0xFFFFF9C0  }
0x2ef: {  	_ =	swait.ge [sflag:s23], $0x640  }
0x2f0: {  	[sflag:s23] =	ssyncset.done $0x0  }
0x2f1: {  	[sflag:s23] =	ssyncadd.s32 $0xFFFFF9C0  }
0x2f2: {  	_ =	swait.ge [sflag:s23], $0x640  }
0x2f3: {  	[sflag:s23] =	ssyncset.done $0x0  }
0x2f4: {  	[sflag:s23] =	ssyncadd.s32 $0xFFFFF9C0  }
0x2f5: {  	_ =	swait.ge [sflag:s23], $0x640  }
0x2f6: {  	[sflag:s23] =	ssyncset.done $0x0  }
0x2f7: {  	[sflag:s23] =	ssyncadd.s32 $0xFFFFF9C0  }
0x2f8: {  	_ =	swait.ge [sflag:s23], $0x640  }
0x2f9: {  	[sflag:s23] =	ssyncset.done $0x0  }
0x2fa: {  	[sflag:s23] =	ssyncadd.s32 $0xFFFFF9C0  }
0x2fb: {  	_ =	swait.ge [sflag:s23], $0x640  }
0x2fc: {  	[sflag:s23] =	ssyncset.done $0x0  }
0x2fd: {  	[sflag:s23] =	ssyncadd.s32 $0xFFFFF9C0  }
0x2fe: {  	_ =	swait.ge [sflag:s23], $0x640  }
0x2ff: {  	[sflag:s23] =	ssyncset.done $0x0  }
0x300: {  	[sflag:s23] =	ssyncadd.s32 $0xFFFFF9C0  }
0x301: {  	_ =	swait.ge [sflag:s23], $0x640  }
0x302: {  	[sflag:s23] =	ssyncset.done $0x0  }
0x303: {  	[sflag:s23] =	ssyncadd.s32 $0xFFFFF9C0  }
0x304: {  	_ =	swait.ge [sflag:s23], $0x640  }
0x305: {  	[sflag:s23] =	ssyncset.done $0x0  }
0x306: {  	[sflag:s23] =	ssyncadd.s32 $0xFFFFF9C0  }
0x307: {  	_ =	swait.ge [sflag:s23], $0x640  }
0x308: {  	[sflag:s23] =	ssyncset.done $0x0  }
0x309: {  	[sflag:s23] =	ssyncadd.s32 $0xFFFFF9C0  }
0x30a: {  	_ =	swait.ge [sflag:s23], $0x640  }
0x30b: {  	[sflag:s23] =	ssyncset.done $0x0  }
0x30c: {  	[sflag:s23] =	ssyncadd.s32 $0xFFFFF9C0  }
0x30d: {  	_ =	swait.ge [sflag:s23], $0x640  }
0x30e: {  	[sflag:s23] =	ssyncset.done $0x0  }
0x30f: {  	s5 =	simm.s32 $0xD400;
	s9 =	rddreg [dreg:$0x4];
	[sflag:s23] =	ssyncadd.s32 $0xFFFFF9C0  }
0x310: {  	[hbm4b:s9+s6] =	stream.linear.scatter [tilespmem:s5], [sflag:$0x6], $0x6400, $0x38;
	v63 =	vld [tilespmem:$0x0]  }
0x311: {  	_ =	swait.ge [sflag:s25], $0x6400  }
0x312: {  	s3 =	sld [smem:$0x63E]  }
0x313: {  	[sflag:s25] =	ssyncset.done $0x0  }
0x314: {  	s9 =	sld [smem:$0x63F];
	[sflag:s25] =	ssyncadd.s32 $0xFFFF9C00  }
0x315: {  	[tilespmem:s1], [sflag:$0x1] =	stream.indirect.gather [hbm4b:s4+s7], $0x20, s3, s7, $0xb8;
	v63 =	vld [tilespmem:$0x0]  }
0x316: {  	s14 =	simm.s32 $0x7640;
	s1 =	sld [smem:$0x640]  }
0x317: {  	[tilespmem:s14], [sflag:$0x1] =	stream.indirect.gather [hbm4b:s4+s7], $0x20, s9, s7, $0xb8;
	v63 =	vld [tilespmem:$0x0]  }
0x318: {  	s24 =	simm.s32 $0x7C80;
	s9 =	sld [smem:$0x641]  }
0x319: {  	[tilespmem:s24], [sflag:$0x1] =	stream.indirect.gather [hbm4b:s4+s7], $0x20, s1, s7, $0xb8;
	v63 =	vld [tilespmem:$0x0]  }
0x31a: {  	s17 =	simm.s32 $0x82C0;
	s14 =	sld [smem:$0x642]  }
0x31b: {  	[tilespmem:s17], [sflag:$0x1] =	stream.indirect.gather [hbm4b:s4+s7], $0x20, s9, s7, $0xb8;
	v63 =	vld [tilespmem:$0x0]  }
0x31c: {  	s18 =	simm.s32 $0x8900;
	s24 =	sld [smem:$0x643]  }
0x31d: {  	[tilespmem:s18], [sflag:$0x1] =	stream.indirect.gather [hbm4b:s4+s7], $0x20, s14, s7, $0xb8;
	v63 =	vld [tilespmem:$0x0]  }
0x31e: {  	s19 =	simm.s32 $0x8F40;
	s1 =	sld [smem:$0x644]  }
0x31f: {  	[tilespmem:s19], [sflag:$0x1] =	stream.indirect.gather [hbm4b:s4+s7], $0x20, s24, s7, $0xb8;
	v63 =	vld [tilespmem:$0x0]  }
0x320: {  	s20 =	simm.s32 $0x9580;
	s9 =	sld [smem:$0x645]  }
0x321: {  	[tilespmem:s20], [sflag:$0x1] =	stream.indirect.gather [hbm4b:s4+s7], $0x20, s1, s7, $0xb8;
	v63 =	vld [tilespmem:$0x0]  }
0x322: {  	s21 =	simm.s32 $0x9BC0;
	s14 =	sld [smem:$0x646]  }
0x323: {  	[tilespmem:s21], [sflag:$0x1] =	stream.indirect.gather [hbm4b:s4+s7], $0x20, s9, s7, $0xb8;
	v63 =	vld [tilespmem:$0x0]  }
0x324: {  	s8 =	simm.s32 $0xA200;
	s17 =	sld [smem:$0x647]  }
0x325: {  	[tilespmem:s8], [sflag:$0x1] =	stream.indirect.gather [hbm4b:s4+s7], $0x20, s14, s7, $0xb8;
	v63 =	vld [tilespmem:$0x0]  }
0x326: {  	s10 =	simm.s32 $0xA840;
	s18 =	sld [smem:$0x648]  }
0x327: {  	[tilespmem:s10], [sflag:$0x1] =	stream.indirect.gather [hbm4b:s4+s7], $0x20, s17, s7, $0xb8;
	v63 =	vld [tilespmem:$0x0]  }
0x328: {  	s11 =	simm.s32 $0xAE80;
	s19 =	sld [smem:$0x649]  }
0x329: {  	[tilespmem:s11], [sflag:$0x1] =	stream.indirect.gather [hbm4b:s4+s7], $0x20, s18, s7, $0xb8;
	v63 =	vld [tilespmem:$0x0]  }
0x32a: {  	s12 =	simm.s32 $0xB4C0;
	s20 =	sld [smem:$0x64A]  }
0x32b: {  	[tilespmem:s12], [sflag:$0x1] =	stream.indirect.gather [hbm4b:s4+s7], $0x20, s19, s7, $0xb8;
	v63 =	vld [tilespmem:$0x0]  }
0x32c: {  	s13 =	simm.s32 $0xBB00;
	s21 =	sld [smem:$0x64B]  }
0x32d: {  	[tilespmem:s13], [sflag:$0x1] =	stream.indirect.gather [hbm4b:s4+s7], $0x20, s20, s7, $0xb8;
	v63 =	vld [tilespmem:$0x0]  }
0x32e: {  	s15 =	simm.s32 $0xC140;
	s24 =	sld [smem:$0x64C]  }
0x32f: {  	[tilespmem:s15], [sflag:$0x1] =	stream.indirect.gather [hbm4b:s4+s7], $0x20, s21, s7, $0xb8;
	v63 =	vld [tilespmem:$0x0]  }
0x330: {  	s16 =	simm.s32 $0xC780;
	s1 =	sld [smem:$0x64D]  }
0x331: {  	[tilespmem:s16], [sflag:$0x1] =	stream.indirect.gather [hbm4b:s4+s7], $0x20, s24, s7, $0xb8;
	v63 =	vld [tilespmem:$0x0]  }
0x332: {  	s2 =	simm.s32 $0xCDC0  }
0x333: {  	[tilespmem:s2], [sflag:$0x1] =	stream.indirect.gather [hbm4b:s4+s7], $0x20, s1, s7, $0xb8;
	v63 =	vld [tilespmem:$0x0]  }
0x334: {  	_ =	swait.ge [sflag:s26], $0x640  }
0x335: {  	[sflag:s26] =	ssyncset.done $0x0  }
0x336: {  	[sflag:s26] =	ssyncadd.s32 $0xFFFFF9C0  }
0x337: {  	_ =	swait.ge [sflag:s26], $0x640  }
0x338: {  	[sflag:s26] =	ssyncset.done $0x0  }
0x339: {  	[sflag:s26] =	ssyncadd.s32 $0xFFFFF9C0  }
0x33a: {  	_ =	swait.ge [sflag:s26], $0x640  }
0x33b: {  	[sflag:s26] =	ssyncset.done $0x0  }
0x33c: {  	[sflag:s26] =	ssyncadd.s32 $0xFFFFF9C0  }
0x33d: {  	_ =	swait.ge [sflag:s26], $0x640  }
0x33e: {  	[sflag:s26] =	ssyncset.done $0x0  }
0x33f: {  	[sflag:s26] =	ssyncadd.s32 $0xFFFFF9C0  }
0x340: {  	_ =	swait.ge [sflag:s26], $0x640  }
0x341: {  	[sflag:s26] =	ssyncset.done $0x0  }
0x342: {  	[sflag:s26] =	ssyncadd.s32 $0xFFFFF9C0  }
0x343: {  	_ =	swait.ge [sflag:s26], $0x640  }
0x344: {  	[sflag:s26] =	ssyncset.done $0x0  }
0x345: {  	[sflag:s26] =	ssyncadd.s32 $0xFFFFF9C0  }
0x346: {  	_ =	swait.ge [sflag:s26], $0x640  }
0x347: {  	[sflag:s26] =	ssyncset.done $0x0  }
0x348: {  	[sflag:s26] =	ssyncadd.s32 $0xFFFFF9C0  }
0x349: {  	_ =	swait.ge [sflag:s26], $0x640  }
0x34a: {  	[sflag:s26] =	ssyncset.done $0x0  }
0x34b: {  	[sflag:s26] =	ssyncadd.s32 $0xFFFFF9C0  }
0x34c: {  	_ =	swait.ge [sflag:s26], $0x640  }
0x34d: {  	[sflag:s26] =	ssyncset.done $0x0  }
0x34e: {  	[sflag:s26] =	ssyncadd.s32 $0xFFFFF9C0  }
0x34f: {  	_ =	swait.ge [sflag:s26], $0x640  }
0x350: {  	[sflag:s26] =	ssyncset.done $0x0  }
0x351: {  	[sflag:s26] =	ssyncadd.s32 $0xFFFFF9C0  }
0x352: {  	_ =	swait.ge [sflag:s26], $0x640  }
0x353: {  	[sflag:s26] =	ssyncset.done $0x0  }
0x354: {  	[sflag:s26] =	ssyncadd.s32 $0xFFFFF9C0  }
0x355: {  	_ =	swait.ge [sflag:s26], $0x640  }
0x356: {  	[sflag:s26] =	ssyncset.done $0x0  }
0x357: {  	[sflag:s26] =	ssyncadd.s32 $0xFFFFF9C0  }
0x358: {  	_ =	swait.ge [sflag:s26], $0x640  }
0x359: {  	[sflag:s26] =	ssyncset.done $0x0  }
0x35a: {  	[sflag:s26] =	ssyncadd.s32 $0xFFFFF9C0  }
0x35b: {  	_ =	swait.ge [sflag:s26], $0x640  }
0x35c: {  	[sflag:s26] =	ssyncset.done $0x0  }
0x35d: {  	[sflag:s26] =	ssyncadd.s32 $0xFFFFF9C0  }
0x35e: {  	_ =	swait.ge [sflag:s26], $0x640  }
0x35f: {  	[sflag:s26] =	ssyncset.done $0x0  }
0x360: {  	[sflag:s26] =	ssyncadd.s32 $0xFFFFF9C0  }
0x361: {  	_ =	swait.ge [sflag:s26], $0x640  }
0x362: {  	[sflag:s26] =	ssyncset.done $0x0  }
0x363: {  	s1 =	simm.s32 $0x13800;
	s8 =	rddreg [dreg:$0x5];
	[sflag:s26] =	ssyncadd.s32 $0xFFFFF9C0  }
0x364: {  	[hbm4b:s8+s6] =	stream.linear.scatter [tilespmem:s1], [sflag:$0x7], $0x6400, $0x38;
	v63 =	vld [tilespmem:$0x0]  }
0x365: {  	_ =	swait.ge [sflag:s28], $0x6400  }
0x366: {  	s9 =	sld [smem:$0x64E]  }
0x367: {  	[sflag:s28] =	ssyncset.done $0x0  }
0x368: {  	s10 =	sld [smem:$0x64F];
	[sflag:s28] =	ssyncadd.s32 $0xFFFF9C00  }
0x369: {  	[tilespmem:s5], [sflag:$0x2] =	stream.indirect.gather [hbm4b:s4+s7], $0x20, s9, s7, $0xb8;
	v63 =	vld [tilespmem:$0x0]  }
0x36a: {  	s12 =	simm.s32 $0xDA40;
	s11 =	sld [smem:$0x650]  }
0x36b: {  	[tilespmem:s12], [sflag:$0x2] =	stream.indirect.gather [hbm4b:s4+s7], $0x20, s10, s7, $0xb8;
	v63 =	vld [tilespmem:$0x0]  }
0x36c: {  	s14 =	simm.s32 $0xE080;
	s13 =	sld [smem:$0x651]  }
0x36d: {  	[tilespmem:s14], [sflag:$0x2] =	stream.indirect.gather [hbm4b:s4+s7], $0x20, s11, s7, $0xb8;
	v63 =	vld [tilespmem:$0x0]  }
0x36e: {  	s16 =	simm.s32 $0xE6C0;
	s15 =	sld [smem:$0x652]  }
0x36f: {  	[tilespmem:s16], [sflag:$0x2] =	stream.indirect.gather [hbm4b:s4+s7], $0x20, s13, s7, $0xb8;
	v63 =	vld [tilespmem:$0x0]  }
0x370: {  	s18 =	simm.s32 $0xED00;
	s17 =	sld [smem:$0x653]  }
0x371: {  	[tilespmem:s18], [sflag:$0x2] =	stream.indirect.gather [hbm4b:s4+s7], $0x20, s15, s7, $0xb8;
	v63 =	vld [tilespmem:$0x0]  }
0x372: {  	s20 =	simm.s32 $0xF340;
	s19 =	sld [smem:$0x654]  }
0x373: {  	[tilespmem:s20], [sflag:$0x2] =	stream.indirect.gather [hbm4b:s4+s7], $0x20, s17, s7, $0xb8;
	v63 =	vld [tilespmem:$0x0]  }
0x374: {  	s24 =	simm.s32 $0xF980;
	s21 =	sld [smem:$0x655]  }
0x375: {  	[tilespmem:s24], [sflag:$0x2] =	stream.indirect.gather [hbm4b:s4+s7], $0x20, s19, s7, $0xb8;
	v63 =	vld [tilespmem:$0x0]  }
0x376: {  	s8 =	simm.s32 $0xFFC0;
	s5 =	sld [smem:$0x656]  }
0x377: {  	[tilespmem:s8], [sflag:$0x2] =	stream.indirect.gather [hbm4b:s4+s7], $0x20, s21, s7, $0xb8;
	v63 =	vld [tilespmem:$0x0]  }
0x378: {  	s9 =	sld [smem:$0x657];
	s10 =	simm.s32 $0x10600  }
0x379: {  	[tilespmem:s10], [sflag:$0x2] =	stream.indirect.gather [hbm4b:s4+s7], $0x20, s5, s7, $0xb8;
	v63 =	vld [tilespmem:$0x0]  }
0x37a: {  	s12 =	simm.s32 $0x10C40;
	s11 =	sld [smem:$0x658]  }
0x37b: {  	[tilespmem:s12], [sflag:$0x2] =	stream.indirect.gather [hbm4b:s4+s7], $0x20, s9, s7, $0xb8;
	v63 =	vld [tilespmem:$0x0]  }
0x37c: {  	s14 =	simm.s32 $0x11280;
	s13 =	sld [smem:$0x659]  }
0x37d: {  	[tilespmem:s14], [sflag:$0x2] =	stream.indirect.gather [hbm4b:s4+s7], $0x20, s11, s7, $0xb8;
	v63 =	vld [tilespmem:$0x0]  }
0x37e: {  	s16 =	simm.s32 $0x118C0;
	s15 =	sld [smem:$0x65A]  }
0x37f: {  	[tilespmem:s16], [sflag:$0x2] =	stream.indirect.gather [hbm4b:s4+s7], $0x20, s13, s7, $0xb8;
	v63 =	vld [tilespmem:$0x0]  }
0x380: {  	s18 =	simm.s32 $0x11F00;
	s17 =	sld [smem:$0x65B]  }
0x381: {  	[tilespmem:s18], [sflag:$0x2] =	stream.indirect.gather [hbm4b:s4+s7], $0x20, s15, s7, $0xb8;
	v63 =	vld [tilespmem:$0x0]  }
0x382: {  	s20 =	simm.s32 $0x12540;
	s19 =	sld [smem:$0x65C]  }
0x383: {  	[tilespmem:s20], [sflag:$0x2] =	stream.indirect.gather [hbm4b:s4+s7], $0x20, s17, s7, $0xb8;
	v63 =	vld [tilespmem:$0x0]  }
0x384: {  	s21 =	sld [smem:$0x65D];
	s14 =	simm.s32 $0x12B80  }
0x385: {  	[tilespmem:s14], [sflag:$0x2] =	stream.indirect.gather [hbm4b:s4+s7], $0x20, s19, s7, $0xb8;
	v63 =	vld [tilespmem:$0x0]  }
0x386: {  	s24 =	simm.s32 $0x131C0  }
0x387: {  	[tilespmem:s24], [sflag:$0x2] =	stream.indirect.gather [hbm4b:s4+s7], $0x20, s21, s7, $0xb8;
	v63 =	vld [tilespmem:$0x0]  }
0x388: {  	_ =	swait.ge [sflag:s29], $0x640  }
0x389: {  	[sflag:s29] =	ssyncset.done $0x0  }
0x38a: {  	[sflag:s29] =	ssyncadd.s32 $0xFFFFF9C0  }
0x38b: {  	_ =	swait.ge [sflag:s29], $0x640  }
0x38c: {  	[sflag:s29] =	ssyncset.done $0x0  }
0x38d: {  	[sflag:s29] =	ssyncadd.s32 $0xFFFFF9C0  }
0x38e: {  	_ =	swait.ge [sflag:s29], $0x640  }
0x38f: {  	[sflag:s29] =	ssyncset.done $0x0  }
0x390: {  	[sflag:s29] =	ssyncadd.s32 $0xFFFFF9C0  }
0x391: {  	_ =	swait.ge [sflag:s29], $0x640  }
0x392: {  	[sflag:s29] =	ssyncset.done $0x0  }
0x393: {  	[sflag:s29] =	ssyncadd.s32 $0xFFFFF9C0  }
0x394: {  	_ =	swait.ge [sflag:s29], $0x640  }
0x395: {  	[sflag:s29] =	ssyncset.done $0x0  }
0x396: {  	[sflag:s29] =	ssyncadd.s32 $0xFFFFF9C0  }
0x397: {  	_ =	swait.ge [sflag:s29], $0x640  }
0x398: {  	[sflag:s29] =	ssyncset.done $0x0  }
0x399: {  	[sflag:s29] =	ssyncadd.s32 $0xFFFFF9C0  }
0x39a: {  	_ =	swait.ge [sflag:s29], $0x640  }
0x39b: {  	[sflag:s29] =	ssyncset.done $0x0  }
0x39c: {  	[sflag:s29] =	ssyncadd.s32 $0xFFFFF9C0  }
0x39d: {  	_ =	swait.ge [sflag:s29], $0x640  }
0x39e: {  	[sflag:s29] =	ssyncset.done $0x0  }
0x39f: {  	[sflag:s29] =	ssyncadd.s32 $0xFFFFF9C0  }
0x3a0: {  	_ =	swait.ge [sflag:s29], $0x640  }
0x3a1: {  	[sflag:s29] =	ssyncset.done $0x0  }
0x3a2: {  	[sflag:s29] =	ssyncadd.s32 $0xFFFFF9C0  }
0x3a3: {  	_ =	swait.ge [sflag:s29], $0x640  }
0x3a4: {  	[sflag:s29] =	ssyncset.done $0x0  }
0x3a5: {  	[sflag:s29] =	ssyncadd.s32 $0xFFFFF9C0  }
0x3a6: {  	_ =	swait.ge [sflag:s29], $0x640  }
0x3a7: {  	[sflag:s29] =	ssyncset.done $0x0  }
0x3a8: {  	[sflag:s29] =	ssyncadd.s32 $0xFFFFF9C0  }
0x3a9: {  	_ =	swait.ge [sflag:s29], $0x640  }
0x3aa: {  	[sflag:s29] =	ssyncset.done $0x0  }
0x3ab: {  	[sflag:s29] =	ssyncadd.s32 $0xFFFFF9C0  }
0x3ac: {  	_ =	swait.ge [sflag:s29], $0x640  }
0x3ad: {  	[sflag:s29] =	ssyncset.done $0x0  }
0x3ae: {  	[sflag:s29] =	ssyncadd.s32 $0xFFFFF9C0  }
0x3af: {  	_ =	swait.ge [sflag:s29], $0x640  }
0x3b0: {  	[sflag:s29] =	ssyncset.done $0x0  }
0x3b1: {  	[sflag:s29] =	ssyncadd.s32 $0xFFFFF9C0  }
0x3b2: {  	_ =	swait.ge [sflag:s29], $0x640  }
0x3b3: {  	[sflag:s29] =	ssyncset.done $0x0  }
0x3b4: {  	[sflag:s29] =	ssyncadd.s32 $0xFFFFF9C0  }
0x3b5: {  	_ =	swait.ge [sflag:s29], $0x640  }
0x3b6: {  	[sflag:s29] =	ssyncset.done $0x0  }
0x3b7: {  	s5 =	simm.s32 $0x19C00;
	s2 =	rddreg [dreg:$0x6];
	[sflag:s29] =	ssyncadd.s32 $0xFFFFF9C0  }
0x3b8: {  	[hbm4b:s2+s6] =	stream.linear.scatter [tilespmem:s5], [sflag:$0x8], $0x6400, $0x38;
	v63 =	vld [tilespmem:$0x0]  }
0x3b9: {  	_ =	swait.ge [sflag:s30], $0x6400  }
0x3ba: {  	s3 =	sld [smem:$0x65E]  }
0x3bb: {  	[sflag:s30] =	ssyncset.done $0x0  }
0x3bc: {  	s8 =	sld [smem:$0x65F];
	[sflag:s30] =	ssyncadd.s32 $0xFFFF9C00  }
0x3bd: {  	[tilespmem:s1], [sflag:$0x3] =	stream.indirect.gather [hbm4b:s4+s7], $0x20, s3, s7, $0xb8;
	v63 =	vld [tilespmem:$0x0]  }
0x3be: {  	s10 =	simm.s32 $0x13E40;
	s9 =	sld [smem:$0x660]  }
0x3bf: {  	[tilespmem:s10], [sflag:$0x3] =	stream.indirect.gather [hbm4b:s4+s7], $0x20, s8, s7, $0xb8;
	v63 =	vld [tilespmem:$0x0]  }
0x3c0: {  	s11 =	sld [smem:$0x661];
	s8 =	simm.s32 $0x14480  }
0x3c1: {  	[tilespmem:s8], [sflag:$0x3] =	stream.indirect.gather [hbm4b:s4+s7], $0x20, s9, s7, $0xb8;
	v63 =	vld [tilespmem:$0x0]  }
0x3c2: {  	s13 =	simm.s32 $0x14AC0;
	s12 =	sld [smem:$0x662]  }
0x3c3: {  	[tilespmem:s13], [sflag:$0x3] =	stream.indirect.gather [hbm4b:s4+s7], $0x20, s11, s7, $0xb8;
	v63 =	vld [tilespmem:$0x0]  }
0x3c4: {  	s16 =	simm.s32 $0x15100;
	s15 =	sld [smem:$0x663]  }
0x3c5: {  	[tilespmem:s16], [sflag:$0x3] =	stream.indirect.gather [hbm4b:s4+s7], $0x20, s12, s7, $0xb8;
	v63 =	vld [tilespmem:$0x0]  }
0x3c6: {  	s18 =	simm.s32 $0x15740;
	s17 =	sld [smem:$0x664]  }
0x3c7: {  	[tilespmem:s18], [sflag:$0x3] =	stream.indirect.gather [hbm4b:s4+s7], $0x20, s15, s7, $0xb8;
	v63 =	vld [tilespmem:$0x0]  }
0x3c8: {  	s20 =	simm.s32 $0x15D80;
	s19 =	sld [smem:$0x665]  }
0x3c9: {  	[tilespmem:s20], [sflag:$0x3] =	stream.indirect.gather [hbm4b:s4+s7], $0x20, s17, s7, $0xb8;
	v63 =	vld [tilespmem:$0x0]  }
0x3ca: {  	s2 =	simm.s32 $0x163C0;
	s21 =	sld [smem:$0x666]  }
0x3cb: {  	[tilespmem:s2], [sflag:$0x3] =	stream.indirect.gather [hbm4b:s4+s7], $0x20, s19, s7, $0xb8;
	v63 =	vld [tilespmem:$0x0]  }
0x3cc: {  	s10 =	simm.s32 $0x16A00;
	s9 =	sld [smem:$0x667]  }
0x3cd: {  	[tilespmem:s10], [sflag:$0x3] =	stream.indirect.gather [hbm4b:s4+s7], $0x20, s21, s7, $0xb8;
	v63 =	vld [tilespmem:$0x0]  }
0x3ce: {  	s11 =	sld [smem:$0x668];
	s12 =	simm.s32 $0x17040  }
0x3cf: {  	[tilespmem:s12], [sflag:$0x3] =	stream.indirect.gather [hbm4b:s4+s7], $0x20, s9, s7, $0xb8;
	v63 =	vld [tilespmem:$0x0]  }
0x3d0: {  	s13 =	sld [smem:$0x669];
	s15 =	simm.s32 $0x17680  }
0x3d1: {  	[tilespmem:s15], [sflag:$0x3] =	stream.indirect.gather [hbm4b:s4+s7], $0x20, s11, s7, $0xb8;
	v63 =	vld [tilespmem:$0x0]  }
0x3d2: {  	s16 =	sld [smem:$0x66A];
	s17 =	simm.s32 $0x17CC0  }
0x3d3: {  	[tilespmem:s17], [sflag:$0x3] =	stream.indirect.gather [hbm4b:s4+s7], $0x20, s13, s7, $0xb8;
	v63 =	vld [tilespmem:$0x0]  }
0x3d4: {  	s18 =	sld [smem:$0x66B];
	s19 =	simm.s32 $0x18300  }
0x3d5: {  	[tilespmem:s19], [sflag:$0x3] =	stream.indirect.gather [hbm4b:s4+s7], $0x20, s16, s7, $0xb8;
	v63 =	vld [tilespmem:$0x0]  }
0x3d6: {  	s20 =	sld [smem:$0x66C];
	s21 =	simm.s32 $0x18940  }
0x3d7: {  	[tilespmem:s21], [sflag:$0x3] =	stream.indirect.gather [hbm4b:s4+s7], $0x20, s18, s7, $0xb8;
	v63 =	vld [tilespmem:$0x0]  }
0x3d8: {  	s2 =	sld [smem:$0x66D];
	s10 =	simm.s32 $0x18F80  }
0x3d9: {  	[tilespmem:s10], [sflag:$0x3] =	stream.indirect.gather [hbm4b:s4+s7], $0x20, s20, s7, $0xb8;
	v63 =	vld [tilespmem:$0x0]  }
0x3da: {  	s9 =	simm.s32 $0x195C0  }
0x3db: {  	[tilespmem:s9], [sflag:$0x3] =	stream.indirect.gather [hbm4b:s4+s7], $0x20, s2, s7, $0xb8;
	v63 =	vld [tilespmem:$0x0]  }
0x3dc: {  	_ =	swait.ge [sflag:s22], $0x640  }
0x3dd: {  	[sflag:s22] =	ssyncset.done $0x0  }
0x3de: {  	[sflag:s22] =	ssyncadd.s32 $0xFFFFF9C0  }
0x3df: {  	_ =	swait.ge [sflag:s22], $0x640  }
0x3e0: {  	[sflag:s22] =	ssyncset.done $0x0  }
0x3e1: {  	[sflag:s22] =	ssyncadd.s32 $0xFFFFF9C0  }
0x3e2: {  	_ =	swait.ge [sflag:s22], $0x640  }
0x3e3: {  	[sflag:s22] =	ssyncset.done $0x0  }
0x3e4: {  	[sflag:s22] =	ssyncadd.s32 $0xFFFFF9C0  }
0x3e5: {  	_ =	swait.ge [sflag:s22], $0x640  }
0x3e6: {  	[sflag:s22] =	ssyncset.done $0x0  }
0x3e7: {  	[sflag:s22] =	ssyncadd.s32 $0xFFFFF9C0  }
0x3e8: {  	_ =	swait.ge [sflag:s22], $0x640  }
0x3e9: {  	[sflag:s22] =	ssyncset.done $0x0  }
0x3ea: {  	[sflag:s22] =	ssyncadd.s32 $0xFFFFF9C0  }
0x3eb: {  	_ =	swait.ge [sflag:s22], $0x640  }
0x3ec: {  	[sflag:s22] =	ssyncset.done $0x0  }
0x3ed: {  	[sflag:s22] =	ssyncadd.s32 $0xFFFFF9C0  }
0x3ee: {  	_ =	swait.ge [sflag:s22], $0x640  }
0x3ef: {  	[sflag:s22] =	ssyncset.done $0x0  }
0x3f0: {  	[sflag:s22] =	ssyncadd.s32 $0xFFFFF9C0  }
0x3f1: {  	_ =	swait.ge [sflag:s22], $0x640  }
0x3f2: {  	[sflag:s22] =	ssyncset.done $0x0  }
0x3f3: {  	[sflag:s22] =	ssyncadd.s32 $0xFFFFF9C0  }
0x3f4: {  	_ =	swait.ge [sflag:s22], $0x640  }
0x3f5: {  	[sflag:s22] =	ssyncset.done $0x0  }
0x3f6: {  	[sflag:s22] =	ssyncadd.s32 $0xFFFFF9C0  }
0x3f7: {  	_ =	swait.ge [sflag:s22], $0x640  }
0x3f8: {  	[sflag:s22] =	ssyncset.done $0x0  }
0x3f9: {  	[sflag:s22] =	ssyncadd.s32 $0xFFFFF9C0  }
0x3fa: {  	_ =	swait.ge [sflag:s22], $0x640  }
0x3fb: {  	[sflag:s22] =	ssyncset.done $0x0  }
0x3fc: {  	[sflag:s22] =	ssyncadd.s32 $0xFFFFF9C0  }
0x3fd: {  	_ =	swait.ge [sflag:s22], $0x640  }
0x3fe: {  	[sflag:s22] =	ssyncset.done $0x0  }
0x3ff: {  	[sflag:s22] =	ssyncadd.s32 $0xFFFFF9C0  }
0x400: {  	_ =	swait.ge [sflag:s22], $0x640  }
0x401: {  	[sflag:s22] =	ssyncset.done $0x0  }
0x402: {  	[sflag:s22] =	ssyncadd.s32 $0xFFFFF9C0  }
0x403: {  	_ =	swait.ge [sflag:s22], $0x640  }
0x404: {  	[sflag:s22] =	ssyncset.done $0x0  }
0x405: {  	[sflag:s22] =	ssyncadd.s32 $0xFFFFF9C0  }
0x406: {  	_ =	swait.ge [sflag:s22], $0x640  }
0x407: {  	[sflag:s22] =	ssyncset.done $0x0  }
0x408: {  	[sflag:s22] =	ssyncadd.s32 $0xFFFFF9C0  }
0x409: {  	_ =	swait.ge [sflag:s22], $0x640  }
0x40a: {  	[sflag:s22] =	ssyncset.done $0x0  }
0x40b: {  	s2 =	simm.s32 $0x7000;
	s11 =	rddreg [dreg:$0x7];
	[sflag:s22] =	ssyncadd.s32 $0xFFFFF9C0  }
0x40c: {  	[hbm4b:s11+s6] =	stream.linear.scatter [tilespmem:s2], [sflag:$0x5], $0x6400, $0x38;
	v63 =	vld [tilespmem:$0x0]  }
0x40d: {  	_ =	swait.ge [sflag:s31], $0x6400  }
0x40e: {  	s12 =	sld [smem:$0x66E]  }
0x40f: {  	[sflag:s31] =	ssyncset.done $0x0  }
0x410: {  	s13 =	sld [smem:$0x66F];
	[sflag:s31] =	ssyncadd.s32 $0xFFFF9C00  }
0x411: {  	[tilespmem:s5], [sflag:$0x4] =	stream.indirect.gather [hbm4b:s4+s7], $0x20, s12, s7, $0xb8;
	v63 =	vld [tilespmem:$0x0]  }
0x412: {  	s15 =	sld [smem:$0x670];
	s5 =	simm.s32 $0x1A240  }
0x413: {  	[tilespmem:s5], [sflag:$0x4] =	stream.indirect.gather [hbm4b:s4+s7], $0x20, s13, s7, $0xb8;
	v63 =	vld [tilespmem:$0x0]  }
0x414: {  	s11 =	simm.s32 $0x1A880;
	s16 =	sld [smem:$0x671]  }
0x415: {  	[tilespmem:s11], [sflag:$0x4] =	stream.indirect.gather [hbm4b:s4+s7], $0x20, s15, s7, $0xb8;
	v63 =	vld [tilespmem:$0x0]  }
0x416: {  	s10 =	simm.s32 $0x1AEC0;
	s17 =	sld [smem:$0x672]  }
0x417: {  	[tilespmem:s10], [sflag:$0x4] =	stream.indirect.gather [hbm4b:s4+s7], $0x20, s16, s7, $0xb8;
	v63 =	vld [tilespmem:$0x0]  }
0x418: {  	s18 =	sld [smem:$0x673];
	s13 =	simm.s32 $0x1B500  }
0x419: {  	[tilespmem:s13], [sflag:$0x4] =	stream.indirect.gather [hbm4b:s4+s7], $0x20, s17, s7, $0xb8;
	v63 =	vld [tilespmem:$0x0]  }
0x41a: {  	s19 =	sld [smem:$0x674];
	s12 =	simm.s32 $0x1BB40  }
0x41b: {  	[tilespmem:s12], [sflag:$0x4] =	stream.indirect.gather [hbm4b:s4+s7], $0x20, s18, s7, $0xb8;
	v63 =	vld [tilespmem:$0x0]  }
0x41c: {  	s20 =	sld [smem:$0x675];
	s16 =	simm.s32 $0x1C180  }
0x41d: {  	[tilespmem:s16], [sflag:$0x4] =	stream.indirect.gather [hbm4b:s4+s7], $0x20, s19, s7, $0xb8;
	v63 =	vld [tilespmem:$0x0]  }
0x41e: {  	s21 =	sld [smem:$0x676];
	s15 =	simm.s32 $0x1C7C0  }
0x41f: {  	[tilespmem:s15], [sflag:$0x4] =	stream.indirect.gather [hbm4b:s4+s7], $0x20, s20, s7, $0xb8;
	v63 =	vld [tilespmem:$0x0]  }
0x420: {  	s1 =	sld [smem:$0x677];
	s18 =	simm.s32 $0x1CE00  }
0x421: {  	[tilespmem:s18], [sflag:$0x4] =	stream.indirect.gather [hbm4b:s4+s7], $0x20, s21, s7, $0xb8;
	v63 =	vld [tilespmem:$0x0]  }
0x422: {  	s17 =	simm.s32 $0x1D440;
	s19 =	sld [smem:$0x678]  }
0x423: {  	[tilespmem:s17], [sflag:$0x4] =	stream.indirect.gather [hbm4b:s4+s7], $0x20, s1, s7, $0xb8;
	v63 =	vld [tilespmem:$0x0]  }
0x424: {  	s20 =	simm.s32 $0x1DA80;
	s21 =	sld [smem:$0x679]  }
0x425: {  	[tilespmem:s20], [sflag:$0x4] =	stream.indirect.gather [hbm4b:s4+s7], $0x20, s19, s7, $0xb8;
	v63 =	vld [tilespmem:$0x0]  }
0x426: {  	s1 =	sld [smem:$0x67A];
	s19 =	simm.s32 $0x1E0C0  }
0x427: {  	[tilespmem:s19], [sflag:$0x4] =	stream.indirect.gather [hbm4b:s4+s7], $0x20, s21, s7, $0xb8;
	v63 =	vld [tilespmem:$0x0]  }
0x428: {  	s3 =	sld [smem:$0x67B];
	s21 =	simm.s32 $0x1E700  }
0x429: {  	[tilespmem:s21], [sflag:$0x4] =	stream.indirect.gather [hbm4b:s4+s7], $0x20, s1, s7, $0xb8;
	v63 =	vld [tilespmem:$0x0]  }
0x42a: {  	s0 =	sld [smem:$0x67C];
	s1 =	simm.s32 $0x1ED40  }
0x42b: {  	[tilespmem:s1], [sflag:$0x4] =	stream.indirect.gather [hbm4b:s4+s7], $0x20, s3, s7, $0xb8;
	v63 =	vld [tilespmem:$0x0]  }
0x42c: {  	s3 =	sld [smem:$0x67D];
	s1 =	simm.s32 $0x1F380  }
0x42d: {  	[tilespmem:s1], [sflag:$0x4] =	stream.indirect.gather [hbm4b:s4+s7], $0x20, s0, s7, $0xb8;
	v63 =	vld [tilespmem:$0x0]  }
0x42e: {  	s1 =	simm.s32 $0x1F9C0  }
0x42f: {  	[tilespmem:s1], [sflag:$0x4] =	stream.indirect.gather [hbm4b:s4+s7], $0x20, s3, s7, $0xb8;
	v63 =	vld [tilespmem:$0x0]  }
0x430: {  	_ =	swait.ge [sflag:s23], $0x640  }
0x431: {  	[sflag:s23] =	ssyncset.done $0x0  }
0x432: {  	[sflag:s23] =	ssyncadd.s32 $0xFFFFF9C0  }
0x433: {  	_ =	swait.ge [sflag:s23], $0x640  }
0x434: {  	[sflag:s23] =	ssyncset.done $0x0  }
0x435: {  	[sflag:s23] =	ssyncadd.s32 $0xFFFFF9C0  }
0x436: {  	_ =	swait.ge [sflag:s23], $0x640  }
0x437: {  	[sflag:s23] =	ssyncset.done $0x0  }
0x438: {  	[sflag:s23] =	ssyncadd.s32 $0xFFFFF9C0  }
0x439: {  	_ =	swait.ge [sflag:s23], $0x640  }
0x43a: {  	[sflag:s23] =	ssyncset.done $0x0  }
0x43b: {  	[sflag:s23] =	ssyncadd.s32 $0xFFFFF9C0  }
0x43c: {  	_ =	swait.ge [sflag:s23], $0x640  }
0x43d: {  	[sflag:s23] =	ssyncset.done $0x0  }
0x43e: {  	[sflag:s23] =	ssyncadd.s32 $0xFFFFF9C0  }
0x43f: {  	_ =	swait.ge [sflag:s23], $0x640  }
0x440: {  	[sflag:s23] =	ssyncset.done $0x0  }
0x441: {  	[sflag:s23] =	ssyncadd.s32 $0xFFFFF9C0  }
0x442: {  	_ =	swait.ge [sflag:s23], $0x640  }
0x443: {  	[sflag:s23] =	ssyncset.done $0x0  }
0x444: {  	[sflag:s23] =	ssyncadd.s32 $0xFFFFF9C0  }
0x445: {  	_ =	swait.ge [sflag:s23], $0x640  }
0x446: {  	[sflag:s23] =	ssyncset.done $0x0  }
0x447: {  	[sflag:s23] =	ssyncadd.s32 $0xFFFFF9C0  }
0x448: {  	_ =	swait.ge [sflag:s23], $0x640  }
0x449: {  	[sflag:s23] =	ssyncset.done $0x0  }
0x44a: {  	[sflag:s23] =	ssyncadd.s32 $0xFFFFF9C0  }
0x44b: {  	_ =	swait.ge [sflag:s23], $0x640  }
0x44c: {  	[sflag:s23] =	ssyncset.done $0x0  }
0x44d: {  	[sflag:s23] =	ssyncadd.s32 $0xFFFFF9C0  }
0x44e: {  	_ =	swait.ge [sflag:s23], $0x640  }
0x44f: {  	[sflag:s23] =	ssyncset.done $0x0  }
0x450: {  	[sflag:s23] =	ssyncadd.s32 $0xFFFFF9C0  }
0x451: {  	_ =	swait.ge [sflag:s23], $0x640  }
0x452: {  	[sflag:s23] =	ssyncset.done $0x0  }
0x453: {  	[sflag:s23] =	ssyncadd.s32 $0xFFFFF9C0  }
0x454: {  	_ =	swait.ge [sflag:s23], $0x640  }
0x455: {  	[sflag:s23] =	ssyncset.done $0x0  }
0x456: {  	[sflag:s23] =	ssyncadd.s32 $0xFFFFF9C0  }
0x457: {  	_ =	swait.ge [sflag:s23], $0x640  }
0x458: {  	[sflag:s23] =	ssyncset.done $0x0  }
0x459: {  	[sflag:s23] =	ssyncadd.s32 $0xFFFFF9C0  }
0x45a: {  	_ =	swait.ge [sflag:s23], $0x640  }
0x45b: {  	[sflag:s23] =	ssyncset.done $0x0  }
0x45c: {  	[sflag:s23] =	ssyncadd.s32 $0xFFFFF9C0  }
0x45d: {  	_ =	swait.ge [sflag:s23], $0x640  }
0x45e: {  	[sflag:s23] =	ssyncset.done $0x0  }
0x45f: {  	s1 =	simm.s32 $0xD400;
	s3 =	rddreg [dreg:$0x8];
	[sflag:s23] =	ssyncadd.s32 $0xFFFFF9C0  }
0x460: {  	[hbm4b:s3+s6] =	stream.linear.scatter [tilespmem:s1], [sflag:$0x6], $0x6400, $0x38;
	v63 =	vld [tilespmem:$0x0]  }
0x461: {  	_ =	swait.ge [sflag:s25], $0x6400  }
0x462: {  	s0 =	sld [smem:$0x67E]  }
0x463: {  	[sflag:s25] =	ssyncset.done $0x0  }
0x464: {  	s3 =	sld [smem:$0x67F];
	[sflag:s25] =	ssyncadd.s32 $0xFFFF9C00  }
0x465: {  	[tilespmem:s2], [sflag:$0x1] =	stream.indirect.gather [hbm4b:s4+s7], $0x20, s0, s7, $0xb8;
	v63 =	vld [tilespmem:$0x0]  }
0x466: {  	s0 =	sld [smem:$0x680];
	s2 =	simm.s32 $0x7640  }
0x467: {  	[tilespmem:s2], [sflag:$0x1] =	stream.indirect.gather [hbm4b:s4+s7], $0x20, s3, s7, $0xb8;
	v63 =	vld [tilespmem:$0x0]  }
0x468: {  	s3 =	sld [smem:$0x681];
	s2 =	simm.s32 $0x7C80  }
0x469: {  	[tilespmem:s2], [sflag:$0x1] =	stream.indirect.gather [hbm4b:s4+s7], $0x20, s0, s7, $0xb8;
	v63 =	vld [tilespmem:$0x0]  }
0x46a: {  	s0 =	sld [smem:$0x682];
	s2 =	simm.s32 $0x82C0  }
0x46b: {  	[tilespmem:s2], [sflag:$0x1] =	stream.indirect.gather [hbm4b:s4+s7], $0x20, s3, s7, $0xb8;
	v63 =	vld [tilespmem:$0x0]  }
0x46c: {  	s3 =	sld [smem:$0x683];
	s2 =	simm.s32 $0x8900  }
0x46d: {  	[tilespmem:s2], [sflag:$0x1] =	stream.indirect.gather [hbm4b:s4+s7], $0x20, s0, s7, $0xb8;
	v63 =	vld [tilespmem:$0x0]  }
0x46e: {  	s0 =	sld [smem:$0x684];
	s2 =	simm.s32 $0x8F40  }
0x46f: {  	[tilespmem:s2], [sflag:$0x1] =	stream.indirect.gather [hbm4b:s4+s7], $0x20, s3, s7, $0xb8;
	v63 =	vld [tilespmem:$0x0]  }
0x470: {  	s3 =	sld [smem:$0x685];
	s2 =	simm.s32 $0x9580  }
0x471: {  	[tilespmem:s2], [sflag:$0x1] =	stream.indirect.gather [hbm4b:s4+s7], $0x20, s0, s7, $0xb8;
	v63 =	vld [tilespmem:$0x0]  }
0x472: {  	s0 =	sld [smem:$0x686];
	s2 =	simm.s32 $0x9BC0  }
0x473: {  	[tilespmem:s2], [sflag:$0x1] =	stream.indirect.gather [hbm4b:s4+s7], $0x20, s3, s7, $0xb8;
	v63 =	vld [tilespmem:$0x0]  }
0x474: {  	s3 =	sld [smem:$0x687];
	s2 =	simm.s32 $0xA200  }
0x475: {  	[tilespmem:s2], [sflag:$0x1] =	stream.indirect.gather [hbm4b:s4+s7], $0x20, s0, s7, $0xb8;
	v63 =	vld [tilespmem:$0x0]  }
0x476: {  	s0 =	sld [smem:$0x688];
	s2 =	simm.s32 $0xA840  }
0x477: {  	[tilespmem:s2], [sflag:$0x1] =	stream.indirect.gather [hbm4b:s4+s7], $0x20, s3, s7, $0xb8;
	v63 =	vld [tilespmem:$0x0]  }
0x478: {  	s3 =	sld [smem:$0x689];
	s2 =	simm.s32 $0xAE80  }
0x479: {  	[tilespmem:s2], [sflag:$0x1] =	stream.indirect.gather [hbm4b:s4+s7], $0x20, s0, s7, $0xb8;
	v63 =	vld [tilespmem:$0x0]  }
0x47a: {  	s0 =	sld [smem:$0x68A];
	s2 =	simm.s32 $0xB4C0  }
0x47b: {  	[tilespmem:s2], [sflag:$0x1] =	stream.indirect.gather [hbm4b:s4+s7], $0x20, s3, s7, $0xb8;
	v63 =	vld [tilespmem:$0x0]  }
0x47c: {  	s3 =	sld [smem:$0x68B];
	s2 =	simm.s32 $0xBB00  }
0x47d: {  	[tilespmem:s2], [sflag:$0x1] =	stream.indirect.gather [hbm4b:s4+s7], $0x20, s0, s7, $0xb8;
	v63 =	vld [tilespmem:$0x0]  }
0x47e: {  	s0 =	sld [smem:$0x68C];
	s2 =	simm.s32 $0xC140  }
0x47f: {  	[tilespmem:s2], [sflag:$0x1] =	stream.indirect.gather [hbm4b:s4+s7], $0x20, s3, s7, $0xb8;
	v63 =	vld [tilespmem:$0x0]  }
0x480: {  	s3 =	sld [smem:$0x68D];
	s2 =	simm.s32 $0xC780  }
0x481: {  	[tilespmem:s2], [sflag:$0x1] =	stream.indirect.gather [hbm4b:s4+s7], $0x20, s0, s7, $0xb8;
	v63 =	vld [tilespmem:$0x0]  }
0x482: {  	s2 =	simm.s32 $0xCDC0  }
0x483: {  	[tilespmem:s2], [sflag:$0x1] =	stream.indirect.gather [hbm4b:s4+s7], $0x20, s3, s7, $0xb8;
	v63 =	vld [tilespmem:$0x0]  }
0x484: {  	_ =	swait.ge [sflag:s26], $0x640  }
0x485: {  	[sflag:s26] =	ssyncset.done $0x0  }
0x486: {  	[sflag:s26] =	ssyncadd.s32 $0xFFFFF9C0  }
0x487: {  	_ =	swait.ge [sflag:s26], $0x640  }
0x488: {  	[sflag:s26] =	ssyncset.done $0x0  }
0x489: {  	[sflag:s26] =	ssyncadd.s32 $0xFFFFF9C0  }
0x48a: {  	_ =	swait.ge [sflag:s26], $0x640  }
0x48b: {  	[sflag:s26] =	ssyncset.done $0x0  }
0x48c: {  	[sflag:s26] =	ssyncadd.s32 $0xFFFFF9C0  }
0x48d: {  	_ =	swait.ge [sflag:s26], $0x640  }
0x48e: {  	[sflag:s26] =	ssyncset.done $0x0  }
0x48f: {  	[sflag:s26] =	ssyncadd.s32 $0xFFFFF9C0  }
0x490: {  	_ =	swait.ge [sflag:s26], $0x640  }
0x491: {  	[sflag:s26] =	ssyncset.done $0x0  }
0x492: {  	[sflag:s26] =	ssyncadd.s32 $0xFFFFF9C0  }
0x493: {  	_ =	swait.ge [sflag:s26], $0x640  }
0x494: {  	[sflag:s26] =	ssyncset.done $0x0  }
0x495: {  	[sflag:s26] =	ssyncadd.s32 $0xFFFFF9C0  }
0x496: {  	_ =	swait.ge [sflag:s26], $0x640  }
0x497: {  	[sflag:s26] =	ssyncset.done $0x0  }
0x498: {  	[sflag:s26] =	ssyncadd.s32 $0xFFFFF9C0  }
0x499: {  	_ =	swait.ge [sflag:s26], $0x640  }
0x49a: {  	[sflag:s26] =	ssyncset.done $0x0  }
0x49b: {  	[sflag:s26] =	ssyncadd.s32 $0xFFFFF9C0  }
0x49c: {  	_ =	swait.ge [sflag:s26], $0x640  }
0x49d: {  	[sflag:s26] =	ssyncset.done $0x0  }
0x49e: {  	[sflag:s26] =	ssyncadd.s32 $0xFFFFF9C0  }
0x49f: {  	_ =	swait.ge [sflag:s26], $0x640  }
0x4a0: {  	[sflag:s26] =	ssyncset.done $0x0  }
0x4a1: {  	[sflag:s26] =	ssyncadd.s32 $0xFFFFF9C0  }
0x4a2: {  	_ =	swait.ge [sflag:s26], $0x640  }
0x4a3: {  	[sflag:s26] =	ssyncset.done $0x0  }
0x4a4: {  	[sflag:s26] =	ssyncadd.s32 $0xFFFFF9C0  }
0x4a5: {  	_ =	swait.ge [sflag:s26], $0x640  }
0x4a6: {  	[sflag:s26] =	ssyncset.done $0x0  }
0x4a7: {  	[sflag:s26] =	ssyncadd.s32 $0xFFFFF9C0  }
0x4a8: {  	_ =	swait.ge [sflag:s26], $0x640  }
0x4a9: {  	[sflag:s26] =	ssyncset.done $0x0  }
0x4aa: {  	[sflag:s26] =	ssyncadd.s32 $0xFFFFF9C0  }
0x4ab: {  	_ =	swait.ge [sflag:s26], $0x640  }
0x4ac: {  	[sflag:s26] =	ssyncset.done $0x0  }
0x4ad: {  	[sflag:s26] =	ssyncadd.s32 $0xFFFFF9C0  }
0x4ae: {  	_ =	swait.ge [sflag:s26], $0x640  }
0x4af: {  	[sflag:s26] =	ssyncset.done $0x0  }
0x4b0: {  	[sflag:s26] =	ssyncadd.s32 $0xFFFFF9C0  }
0x4b1: {  	_ =	swait.ge [sflag:s26], $0x640  }
0x4b2: {  	[sflag:s26] =	ssyncset.done $0x0  }
0x4b3: {  	s2 =	simm.s32 $0x13800;
	s3 =	rddreg [dreg:$0x9];
	[sflag:s26] =	ssyncadd.s32 $0xFFFFF9C0  }
0x4b4: {  	[hbm4b:s3+s6] =	stream.linear.scatter [tilespmem:s2], [sflag:$0x7], $0x6400, $0x38;
	v63 =	vld [tilespmem:$0x0]  }
0x4b5: {  	_ =	swait.ge [sflag:s28], $0x6400  }
0x4b6: {  	s0 =	sld [smem:$0x68E]  }
0x4b7: {  	[sflag:s28] =	ssyncset.done $0x0  }
0x4b8: {  	s3 =	sld [smem:$0x68F];
	[sflag:s28] =	ssyncadd.s32 $0xFFFF9C00  }
0x4b9: {  	[tilespmem:s1], [sflag:$0x2] =	stream.indirect.gather [hbm4b:s4+s7], $0x20, s0, s7, $0xb8;
	v63 =	vld [tilespmem:$0x0]  }
0x4ba: {  	s0 =	sld [smem:$0x690];
	s1 =	simm.s32 $0xDA40  }
0x4bb: {  	[tilespmem:s1], [sflag:$0x2] =	stream.indirect.gather [hbm4b:s4+s7], $0x20, s3, s7, $0xb8;
	v63 =	vld [tilespmem:$0x0]  }
0x4bc: {  	s3 =	sld [smem:$0x691];
	s1 =	simm.s32 $0xE080  }
0x4bd: {  	[tilespmem:s1], [sflag:$0x2] =	stream.indirect.gather [hbm4b:s4+s7], $0x20, s0, s7, $0xb8;
	v63 =	vld [tilespmem:$0x0]  }
0x4be: {  	s0 =	sld [smem:$0x692];
	s1 =	simm.s32 $0xE6C0  }
0x4bf: {  	[tilespmem:s1], [sflag:$0x2] =	stream.indirect.gather [hbm4b:s4+s7], $0x20, s3, s7, $0xb8;
	v63 =	vld [tilespmem:$0x0]  }
0x4c0: {  	s3 =	sld [smem:$0x693];
	s1 =	simm.s32 $0xED00  }
0x4c1: {  	[tilespmem:s1], [sflag:$0x2] =	stream.indirect.gather [hbm4b:s4+s7], $0x20, s0, s7, $0xb8;
	v63 =	vld [tilespmem:$0x0]  }
0x4c2: {  	s0 =	sld [smem:$0x694];
	s1 =	simm.s32 $0xF340  }
0x4c3: {  	[tilespmem:s1], [sflag:$0x2] =	stream.indirect.gather [hbm4b:s4+s7], $0x20, s3, s7, $0xb8;
	v63 =	vld [tilespmem:$0x0]  }
0x4c4: {  	s3 =	sld [smem:$0x695];
	s1 =	simm.s32 $0xF980  }
0x4c5: {  	[tilespmem:s1], [sflag:$0x2] =	stream.indirect.gather [hbm4b:s4+s7], $0x20, s0, s7, $0xb8;
	v63 =	vld [tilespmem:$0x0]  }
0x4c6: {  	s0 =	sld [smem:$0x696];
	s1 =	simm.s32 $0xFFC0  }
0x4c7: {  	[tilespmem:s1], [sflag:$0x2] =	stream.indirect.gather [hbm4b:s4+s7], $0x20, s3, s7, $0xb8;
	v63 =	vld [tilespmem:$0x0]  }
0x4c8: {  	s3 =	sld [smem:$0x697];
	s1 =	simm.s32 $0x10600  }
0x4c9: {  	[tilespmem:s1], [sflag:$0x2] =	stream.indirect.gather [hbm4b:s4+s7], $0x20, s0, s7, $0xb8;
	v63 =	vld [tilespmem:$0x0]  }
0x4ca: {  	s0 =	sld [smem:$0x698];
	s1 =	simm.s32 $0x10C40  }
0x4cb: {  	[tilespmem:s1], [sflag:$0x2] =	stream.indirect.gather [hbm4b:s4+s7], $0x20, s3, s7, $0xb8;
	v63 =	vld [tilespmem:$0x0]  }
0x4cc: {  	s3 =	sld [smem:$0x699];
	s1 =	simm.s32 $0x11280  }
0x4cd: {  	[tilespmem:s1], [sflag:$0x2] =	stream.indirect.gather [hbm4b:s4+s7], $0x20, s0, s7, $0xb8;
	v63 =	vld [tilespmem:$0x0]  }
0x4ce: {  	s0 =	sld [smem:$0x69A];
	s1 =	simm.s32 $0x118C0  }
0x4cf: {  	[tilespmem:s1], [sflag:$0x2] =	stream.indirect.gather [hbm4b:s4+s7], $0x20, s3, s7, $0xb8;
	v63 =	vld [tilespmem:$0x0]  }
0x4d0: {  	s3 =	sld [smem:$0x69B];
	s1 =	simm.s32 $0x11F00  }
0x4d1: {  	[tilespmem:s1], [sflag:$0x2] =	stream.indirect.gather [hbm4b:s4+s7], $0x20, s0, s7, $0xb8;
	v63 =	vld [tilespmem:$0x0]  }
0x4d2: {  	s0 =	sld [smem:$0x69C];
	s1 =	simm.s32 $0x12540  }
0x4d3: {  	[tilespmem:s1], [sflag:$0x2] =	stream.indirect.gather [hbm4b:s4+s7], $0x20, s3, s7, $0xb8;
	v63 =	vld [tilespmem:$0x0]  }
0x4d4: {  	s1 =	sld [smem:$0x69D]  }
0x4d5: {  	[tilespmem:s14], [sflag:$0x2] =	stream.indirect.gather [hbm4b:s4+s7], $0x20, s0, s7, $0xb8;
	v63 =	vld [tilespmem:$0x0]  }
0x4d6: {  	_ = 	snop  }
0x4d7: {  	[tilespmem:s24], [sflag:$0x2] =	stream.indirect.gather [hbm4b:s4+s7], $0x20, s1, s7, $0xb8;
	v63 =	vld [tilespmem:$0x0]  }
0x4d8: {  	_ =	swait.ge [sflag:s29], $0x640  }
0x4d9: {  	[sflag:s29] =	ssyncset.done $0x0  }
0x4da: {  	[sflag:s29] =	ssyncadd.s32 $0xFFFFF9C0  }
0x4db: {  	_ =	swait.ge [sflag:s29], $0x640  }
0x4dc: {  	[sflag:s29] =	ssyncset.done $0x0  }
0x4dd: {  	[sflag:s29] =	ssyncadd.s32 $0xFFFFF9C0  }
0x4de: {  	_ =	swait.ge [sflag:s29], $0x640  }
0x4df: {  	[sflag:s29] =	ssyncset.done $0x0  }
0x4e0: {  	[sflag:s29] =	ssyncadd.s32 $0xFFFFF9C0  }
0x4e1: {  	_ =	swait.ge [sflag:s29], $0x640  }
0x4e2: {  	[sflag:s29] =	ssyncset.done $0x0  }
0x4e3: {  	[sflag:s29] =	ssyncadd.s32 $0xFFFFF9C0  }
0x4e4: {  	_ =	swait.ge [sflag:s29], $0x640  }
0x4e5: {  	[sflag:s29] =	ssyncset.done $0x0  }
0x4e6: {  	[sflag:s29] =	ssyncadd.s32 $0xFFFFF9C0  }
0x4e7: {  	_ =	swait.ge [sflag:s29], $0x640  }
0x4e8: {  	[sflag:s29] =	ssyncset.done $0x0  }
0x4e9: {  	[sflag:s29] =	ssyncadd.s32 $0xFFFFF9C0  }
0x4ea: {  	_ =	swait.ge [sflag:s29], $0x640  }
0x4eb: {  	[sflag:s29] =	ssyncset.done $0x0  }
0x4ec: {  	[sflag:s29] =	ssyncadd.s32 $0xFFFFF9C0  }
0x4ed: {  	_ =	swait.ge [sflag:s29], $0x640  }
0x4ee: {  	[sflag:s29] =	ssyncset.done $0x0  }
0x4ef: {  	[sflag:s29] =	ssyncadd.s32 $0xFFFFF9C0  }
0x4f0: {  	_ =	swait.ge [sflag:s29], $0x640  }
0x4f1: {  	[sflag:s29] =	ssyncset.done $0x0  }
0x4f2: {  	[sflag:s29] =	ssyncadd.s32 $0xFFFFF9C0  }
0x4f3: {  	_ =	swait.ge [sflag:s29], $0x640  }
0x4f4: {  	[sflag:s29] =	ssyncset.done $0x0  }
0x4f5: {  	[sflag:s29] =	ssyncadd.s32 $0xFFFFF9C0  }
0x4f6: {  	_ =	swait.ge [sflag:s29], $0x640  }
0x4f7: {  	[sflag:s29] =	ssyncset.done $0x0  }
0x4f8: {  	[sflag:s29] =	ssyncadd.s32 $0xFFFFF9C0  }
0x4f9: {  	_ =	swait.ge [sflag:s29], $0x640  }
0x4fa: {  	[sflag:s29] =	ssyncset.done $0x0  }
0x4fb: {  	[sflag:s29] =	ssyncadd.s32 $0xFFFFF9C0  }
0x4fc: {  	_ =	swait.ge [sflag:s29], $0x640  }
0x4fd: {  	[sflag:s29] =	ssyncset.done $0x0  }
0x4fe: {  	[sflag:s29] =	ssyncadd.s32 $0xFFFFF9C0  }
0x4ff: {  	_ =	swait.ge [sflag:s29], $0x640  }
0x500: {  	[sflag:s29] =	ssyncset.done $0x0  }
0x501: {  	[sflag:s29] =	ssyncadd.s32 $0xFFFFF9C0  }
0x502: {  	_ =	swait.ge [sflag:s29], $0x640  }
0x503: {  	[sflag:s29] =	ssyncset.done $0x0  }
0x504: {  	[sflag:s29] =	ssyncadd.s32 $0xFFFFF9C0  }
0x505: {  	_ =	swait.ge [sflag:s29], $0x640  }
0x506: {  	[sflag:s29] =	ssyncset.done $0x0  }
0x507: {  	s1 =	simm.s32 $0x19C00;
	s24 =	rddreg [dreg:$0xa];
	[sflag:s29] =	ssyncadd.s32 $0xFFFFF9C0  }
0x508: {  	[hbm4b:s24+s6] =	stream.linear.scatter [tilespmem:s1], [sflag:$0x8], $0x6400, $0x38;
	v63 =	vld [tilespmem:$0x0]  }
0x509: {  	_ =	swait.ge [sflag:s30], $0x6400  }
0x50a: {  	s3 =	sld [smem:$0x69E]  }
0x50b: {  	[sflag:s30] =	ssyncset.done $0x0  }
0x50c: {  	s14 =	sld [smem:$0x69F];
	[sflag:s30] =	ssyncadd.s32 $0xFFFF9C00  }
0x50d: {  	[tilespmem:s2], [sflag:$0x3] =	stream.indirect.gather [hbm4b:s4+s7], $0x20, s3, s7, $0xb8;
	v63 =	vld [tilespmem:$0x0]  }
0x50e: {  	s24 =	simm.s32 $0x13E40;
	s0 =	sld [smem:$0x6A0]  }
0x50f: {  	[tilespmem:s24], [sflag:$0x3] =	stream.indirect.gather [hbm4b:s4+s7], $0x20, s14, s7, $0xb8;
	v63 =	vld [tilespmem:$0x0]  }
0x510: {  	s14 =	sld [smem:$0x6A1]  }
0x511: {  	[tilespmem:s8], [sflag:$0x3] =	stream.indirect.gather [hbm4b:s4+s7], $0x20, s0, s7, $0xb8;
	v63 =	vld [tilespmem:$0x0]  }
0x512: {  	s24 =	sld [smem:$0x6A2];
	s8 =	simm.s32 $0x14AC0  }
0x513: {  	[tilespmem:s8], [sflag:$0x3] =	stream.indirect.gather [hbm4b:s4+s7], $0x20, s14, s7, $0xb8;
	v63 =	vld [tilespmem:$0x0]  }
0x514: {  	s2 =	sld [smem:$0x6A3];
	s14 =	simm.s32 $0x15100  }
0x515: {  	[tilespmem:s14], [sflag:$0x3] =	stream.indirect.gather [hbm4b:s4+s7], $0x20, s24, s7, $0xb8;
	v63 =	vld [tilespmem:$0x0]  }
0x516: {  	s0 =	sld [smem:$0x6A4];
	s24 =	simm.s32 $0x15740  }
0x517: {  	[tilespmem:s24], [sflag:$0x3] =	stream.indirect.gather [hbm4b:s4+s7], $0x20, s2, s7, $0xb8;
	v63 =	vld [tilespmem:$0x0]  }
0x518: {  	s3 =	sld [smem:$0x6A5];
	s2 =	simm.s32 $0x15D80  }
0x519: {  	[tilespmem:s2], [sflag:$0x3] =	stream.indirect.gather [hbm4b:s4+s7], $0x20, s0, s7, $0xb8;
	v63 =	vld [tilespmem:$0x0]  }
0x51a: {  	s0 =	sld [smem:$0x6A6];
	s2 =	simm.s32 $0x163C0  }
0x51b: {  	[tilespmem:s2], [sflag:$0x3] =	stream.indirect.gather [hbm4b:s4+s7], $0x20, s3, s7, $0xb8;
	v63 =	vld [tilespmem:$0x0]  }
0x51c: {  	s3 =	sld [smem:$0x6A7];
	s2 =	simm.s32 $0x16A00  }
0x51d: {  	[tilespmem:s2], [sflag:$0x3] =	stream.indirect.gather [hbm4b:s4+s7], $0x20, s0, s7, $0xb8;
	v63 =	vld [tilespmem:$0x0]  }
0x51e: {  	s0 =	sld [smem:$0x6A8];
	s2 =	simm.s32 $0x17040  }
0x51f: {  	[tilespmem:s2], [sflag:$0x3] =	stream.indirect.gather [hbm4b:s4+s7], $0x20, s3, s7, $0xb8;
	v63 =	vld [tilespmem:$0x0]  }
0x520: {  	s3 =	sld [smem:$0x6A9];
	s2 =	simm.s32 $0x17680  }
0x521: {  	[tilespmem:s2], [sflag:$0x3] =	stream.indirect.gather [hbm4b:s4+s7], $0x20, s0, s7, $0xb8;
	v63 =	vld [tilespmem:$0x0]  }
0x522: {  	s0 =	sld [smem:$0x6AA];
	s2 =	simm.s32 $0x17CC0  }
0x523: {  	[tilespmem:s2], [sflag:$0x3] =	stream.indirect.gather [hbm4b:s4+s7], $0x20, s3, s7, $0xb8;
	v63 =	vld [tilespmem:$0x0]  }
0x524: {  	s3 =	sld [smem:$0x6AB];
	s2 =	simm.s32 $0x18300  }
0x525: {  	[tilespmem:s2], [sflag:$0x3] =	stream.indirect.gather [hbm4b:s4+s7], $0x20, s0, s7, $0xb8;
	v63 =	vld [tilespmem:$0x0]  }
0x526: {  	s0 =	sld [smem:$0x6AC];
	s2 =	simm.s32 $0x18940  }
0x527: {  	[tilespmem:s2], [sflag:$0x3] =	stream.indirect.gather [hbm4b:s4+s7], $0x20, s3, s7, $0xb8;
	v63 =	vld [tilespmem:$0x0]  }
0x528: {  	s3 =	sld [smem:$0x6AD];
	s2 =	simm.s32 $0x18F80  }
0x529: {  	[tilespmem:s2], [sflag:$0x3] =	stream.indirect.gather [hbm4b:s4+s7], $0x20, s0, s7, $0xb8;
	v63 =	vld [tilespmem:$0x0]  }
0x52a: {  	_ = 	snop  }
0x52b: {  	[tilespmem:s9], [sflag:$0x3] =	stream.indirect.gather [hbm4b:s4+s7], $0x20, s3, s7, $0xb8;
	v63 =	vld [tilespmem:$0x0]  }
0x52c: {  	_ =	swait.ge [sflag:s22], $0x640  }
0x52d: {  	[sflag:s22] =	ssyncset.done $0x0  }
0x52e: {  	[sflag:s22] =	ssyncadd.s32 $0xFFFFF9C0  }
0x52f: {  	_ =	swait.ge [sflag:s22], $0x640  }
0x530: {  	[sflag:s22] =	ssyncset.done $0x0  }
0x531: {  	[sflag:s22] =	ssyncadd.s32 $0xFFFFF9C0  }
0x532: {  	_ =	swait.ge [sflag:s22], $0x640  }
0x533: {  	[sflag:s22] =	ssyncset.done $0x0  }
0x534: {  	[sflag:s22] =	ssyncadd.s32 $0xFFFFF9C0  }
0x535: {  	_ =	swait.ge [sflag:s22], $0x640  }
0x536: {  	[sflag:s22] =	ssyncset.done $0x0  }
0x537: {  	[sflag:s22] =	ssyncadd.s32 $0xFFFFF9C0  }
0x538: {  	_ =	swait.ge [sflag:s22], $0x640  }
0x539: {  	[sflag:s22] =	ssyncset.done $0x0  }
0x53a: {  	[sflag:s22] =	ssyncadd.s32 $0xFFFFF9C0  }
0x53b: {  	_ =	swait.ge [sflag:s22], $0x640  }
0x53c: {  	[sflag:s22] =	ssyncset.done $0x0  }
0x53d: {  	[sflag:s22] =	ssyncadd.s32 $0xFFFFF9C0  }
0x53e: {  	_ =	swait.ge [sflag:s22], $0x640  }
0x53f: {  	[sflag:s22] =	ssyncset.done $0x0  }
0x540: {  	[sflag:s22] =	ssyncadd.s32 $0xFFFFF9C0  }
0x541: {  	_ =	swait.ge [sflag:s22], $0x640  }
0x542: {  	[sflag:s22] =	ssyncset.done $0x0  }
0x543: {  	[sflag:s22] =	ssyncadd.s32 $0xFFFFF9C0  }
0x544: {  	_ =	swait.ge [sflag:s22], $0x640  }
0x545: {  	[sflag:s22] =	ssyncset.done $0x0  }
0x546: {  	[sflag:s22] =	ssyncadd.s32 $0xFFFFF9C0  }
0x547: {  	_ =	swait.ge [sflag:s22], $0x640  }
0x548: {  	[sflag:s22] =	ssyncset.done $0x0  }
0x549: {  	[sflag:s22] =	ssyncadd.s32 $0xFFFFF9C0  }
0x54a: {  	_ =	swait.ge [sflag:s22], $0x640  }
0x54b: {  	[sflag:s22] =	ssyncset.done $0x0  }
0x54c: {  	[sflag:s22] =	ssyncadd.s32 $0xFFFFF9C0  }
0x54d: {  	_ =	swait.ge [sflag:s22], $0x640  }
0x54e: {  	[sflag:s22] =	ssyncset.done $0x0  }
0x54f: {  	[sflag:s22] =	ssyncadd.s32 $0xFFFFF9C0  }
0x550: {  	_ =	swait.ge [sflag:s22], $0x640  }
0x551: {  	[sflag:s22] =	ssyncset.done $0x0  }
0x552: {  	[sflag:s22] =	ssyncadd.s32 $0xFFFFF9C0  }
0x553: {  	_ =	swait.ge [sflag:s22], $0x640  }
0x554: {  	[sflag:s22] =	ssyncset.done $0x0  }
0x555: {  	[sflag:s22] =	ssyncadd.s32 $0xFFFFF9C0  }
0x556: {  	_ =	swait.ge [sflag:s22], $0x640  }
0x557: {  	[sflag:s22] =	ssyncset.done $0x0  }
0x558: {  	[sflag:s22] =	ssyncadd.s32 $0xFFFFF9C0  }
0x559: {  	_ =	swait.ge [sflag:s22], $0x640  }
0x55a: {  	[sflag:s22] =	ssyncset.done $0x0  }
0x55b: {  	s2 =	simm.s32 $0x7000;
	s9 =	rddreg [dreg:$0xb];
	[sflag:s22] =	ssyncadd.s32 $0xFFFFF9C0  }
0x55c: {  	[hbm4b:s9+s6] =	stream.linear.scatter [tilespmem:s2], [sflag:$0x5], $0x6400, $0x38;
	v63 =	vld [tilespmem:$0x0]  }
0x55d: {  	_ =	swait.ge [sflag:s31], $0x6400  }
0x55e: {  	s3 =	sld [smem:$0x6AE]  }
0x55f: {  	[sflag:s31] =	ssyncset.done $0x0  }
0x560: {  	s9 =	sld [smem:$0x6AF];
	[sflag:s31] =	ssyncadd.s32 $0xFFFF9C00  }
0x561: {  	[tilespmem:s1], [sflag:$0x4] =	stream.indirect.gather [hbm4b:s4+s7], $0x20, s3, s7, $0xb8;
	v63 =	vld [tilespmem:$0x0]  }
0x562: {  	s1 =	sld [smem:$0x6B0]  }
0x563: {  	[tilespmem:s5], [sflag:$0x4] =	stream.indirect.gather [hbm4b:s4+s7], $0x20, s9, s7, $0xb8;
	v63 =	vld [tilespmem:$0x0]  }
0x564: {  	s5 =	sld [smem:$0x6B1]  }
0x565: {  	[tilespmem:s11], [sflag:$0x4] =	stream.indirect.gather [hbm4b:s4+s7], $0x20, s1, s7, $0xb8;
	v63 =	vld [tilespmem:$0x0]  }
0x566: {  	s9 =	sld [smem:$0x6B2]  }
0x567: {  	[tilespmem:s10], [sflag:$0x4] =	stream.indirect.gather [hbm4b:s4+s7], $0x20, s5, s7, $0xb8;
	v63 =	vld [tilespmem:$0x0]  }
0x568: {  	s11 =	sld [smem:$0x6B3]  }
0x569: {  	[tilespmem:s13], [sflag:$0x4] =	stream.indirect.gather [hbm4b:s4+s7], $0x20, s9, s7, $0xb8;
	v63 =	vld [tilespmem:$0x0]  }
0x56a: {  	s1 =	sld [smem:$0x6B4]  }
0x56b: {  	[tilespmem:s12], [sflag:$0x4] =	stream.indirect.gather [hbm4b:s4+s7], $0x20, s11, s7, $0xb8;
	v63 =	vld [tilespmem:$0x0]  }
0x56c: {  	s5 =	sld [smem:$0x6B5]  }
0x56d: {  	[tilespmem:s16], [sflag:$0x4] =	stream.indirect.gather [hbm4b:s4+s7], $0x20, s1, s7, $0xb8;
	v63 =	vld [tilespmem:$0x0]  }
0x56e: {  	s9 =	sld [smem:$0x6B6]  }
0x56f: {  	[tilespmem:s15], [sflag:$0x4] =	stream.indirect.gather [hbm4b:s4+s7], $0x20, s5, s7, $0xb8;
	v63 =	vld [tilespmem:$0x0]  }
0x570: {  	s10 =	sld [smem:$0x6B7]  }
0x571: {  	[tilespmem:s18], [sflag:$0x4] =	stream.indirect.gather [hbm4b:s4+s7], $0x20, s9, s7, $0xb8;
	v63 =	vld [tilespmem:$0x0]  }
0x572: {  	s11 =	sld [smem:$0x6B8]  }
0x573: {  	[tilespmem:s17], [sflag:$0x4] =	stream.indirect.gather [hbm4b:s4+s7], $0x20, s10, s7, $0xb8;
	v63 =	vld [tilespmem:$0x0]  }
0x574: {  	s12 =	sld [smem:$0x6B9]  }
0x575: {  	[tilespmem:s20], [sflag:$0x4] =	stream.indirect.gather [hbm4b:s4+s7], $0x20, s11, s7, $0xb8;
	v63 =	vld [tilespmem:$0x0]  }
0x576: {  	s13 =	sld [smem:$0x6BA]  }
0x577: {  	[tilespmem:s19], [sflag:$0x4] =	stream.indirect.gather [hbm4b:s4+s7], $0x20, s12, s7, $0xb8;
	v63 =	vld [tilespmem:$0x0]  }
0x578: {  	s15 =	sld [smem:$0x6BB]  }
0x579: {  	[tilespmem:s21], [sflag:$0x4] =	stream.indirect.gather [hbm4b:s4+s7], $0x20, s13, s7, $0xb8;
	v63 =	vld [tilespmem:$0x0]  }
0x57a: {  	s16 =	sld [smem:$0x6BC];
	s5 =	simm.s32 $0x1ED40  }
0x57b: {  	[tilespmem:s5], [sflag:$0x4] =	stream.indirect.gather [hbm4b:s4+s7], $0x20, s15, s7, $0xb8;
	v63 =	vld [tilespmem:$0x0]  }
0x57c: {  	s17 =	sld [smem:$0x6BD];
	s10 =	simm.s32 $0x1F380  }
0x57d: {  	[tilespmem:s10], [sflag:$0x4] =	stream.indirect.gather [hbm4b:s4+s7], $0x20, s16, s7, $0xb8;
	v63 =	vld [tilespmem:$0x0]  }
0x57e: {  	s11 =	simm.s32 $0x1F9C0  }
0x57f: {  	[tilespmem:s11], [sflag:$0x4] =	stream.indirect.gather [hbm4b:s4+s7], $0x20, s17, s7, $0xb8;
	v63 =	vld [tilespmem:$0x0]  }
0x580: {  	_ =	swait.ge [sflag:s23], $0x640  }
0x581: {  	[sflag:s23] =	ssyncset.done $0x0  }
0x582: {  	[sflag:s23] =	ssyncadd.s32 $0xFFFFF9C0  }
0x583: {  	_ =	swait.ge [sflag:s23], $0x640  }
0x584: {  	[sflag:s23] =	ssyncset.done $0x0  }
0x585: {  	[sflag:s23] =	ssyncadd.s32 $0xFFFFF9C0  }
0x586: {  	_ =	swait.ge [sflag:s23], $0x640  }
0x587: {  	[sflag:s23] =	ssyncset.done $0x0  }
0x588: {  	[sflag:s23] =	ssyncadd.s32 $0xFFFFF9C0  }
0x589: {  	_ =	swait.ge [sflag:s23], $0x640  }
0x58a: {  	[sflag:s23] =	ssyncset.done $0x0  }
0x58b: {  	[sflag:s23] =	ssyncadd.s32 $0xFFFFF9C0  }
0x58c: {  	_ =	swait.ge [sflag:s23], $0x640  }
0x58d: {  	[sflag:s23] =	ssyncset.done $0x0  }
0x58e: {  	[sflag:s23] =	ssyncadd.s32 $0xFFFFF9C0  }
0x58f: {  	_ =	swait.ge [sflag:s23], $0x640  }
0x590: {  	[sflag:s23] =	ssyncset.done $0x0  }
0x591: {  	[sflag:s23] =	ssyncadd.s32 $0xFFFFF9C0  }
0x592: {  	_ =	swait.ge [sflag:s23], $0x640  }
0x593: {  	[sflag:s23] =	ssyncset.done $0x0  }
0x594: {  	[sflag:s23] =	ssyncadd.s32 $0xFFFFF9C0  }
0x595: {  	_ =	swait.ge [sflag:s23], $0x640  }
0x596: {  	[sflag:s23] =	ssyncset.done $0x0  }
0x597: {  	[sflag:s23] =	ssyncadd.s32 $0xFFFFF9C0  }
0x598: {  	_ =	swait.ge [sflag:s23], $0x640  }
0x599: {  	[sflag:s23] =	ssyncset.done $0x0  }
0x59a: {  	[sflag:s23] =	ssyncadd.s32 $0xFFFFF9C0  }
0x59b: {  	_ =	swait.ge [sflag:s23], $0x640  }
0x59c: {  	[sflag:s23] =	ssyncset.done $0x0  }
0x59d: {  	[sflag:s23] =	ssyncadd.s32 $0xFFFFF9C0  }
0x59e: {  	_ =	swait.ge [sflag:s23], $0x640  }
0x59f: {  	[sflag:s23] =	ssyncset.done $0x0  }
0x5a0: {  	[sflag:s23] =	ssyncadd.s32 $0xFFFFF9C0  }
0x5a1: {  	_ =	swait.ge [sflag:s23], $0x640  }
0x5a2: {  	[sflag:s23] =	ssyncset.done $0x0  }
0x5a3: {  	[sflag:s23] =	ssyncadd.s32 $0xFFFFF9C0  }
0x5a4: {  	_ =	swait.ge [sflag:s23], $0x640  }
0x5a5: {  	[sflag:s23] =	ssyncset.done $0x0  }
0x5a6: {  	[sflag:s23] =	ssyncadd.s32 $0xFFFFF9C0  }
0x5a7: {  	_ =	swait.ge [sflag:s23], $0x640  }
0x5a8: {  	[sflag:s23] =	ssyncset.done $0x0  }
0x5a9: {  	[sflag:s23] =	ssyncadd.s32 $0xFFFFF9C0  }
0x5aa: {  	_ =	swait.ge [sflag:s23], $0x640  }
0x5ab: {  	[sflag:s23] =	ssyncset.done $0x0  }
0x5ac: {  	[sflag:s23] =	ssyncadd.s32 $0xFFFFF9C0  }
0x5ad: {  	_ =	swait.ge [sflag:s23], $0x640  }
0x5ae: {  	[sflag:s23] =	ssyncset.done $0x0  }
0x5af: {  	s12 =	simm.s32 $0xD400;
	s18 =	rddreg [dreg:$0xc];
	[sflag:s23] =	ssyncadd.s32 $0xFFFFF9C0  }
0x5b0: {  	[hbm4b:s18+s6] =	stream.linear.scatter [tilespmem:s12], [sflag:$0x6], $0x6400, $0x38;
	v63 =	vld [tilespmem:$0x0]  }
0x5b1: {  	_ =	swait.ge [sflag:s25], $0x6400  }
0x5b2: {  	s19 =	sld [smem:$0x6BE]  }
0x5b3: {  	[sflag:s25] =	ssyncset.done $0x0  }
0x5b4: {  	s20 =	sld [smem:$0x6BF];
	[sflag:s25] =	ssyncadd.s32 $0xFFFF9C00  }
0x5b5: {  	[tilespmem:s2], [sflag:$0x1] =	stream.indirect.gather [hbm4b:s4+s7], $0x20, s19, s7, $0xb8;
	v63 =	vld [tilespmem:$0x0]  }
0x5b6: {  	s21 =	sld [smem:$0x6C0];
	s2 =	simm.s32 $0x7640  }
0x5b7: {  	[tilespmem:s2], [sflag:$0x1] =	stream.indirect.gather [hbm4b:s4+s7], $0x20, s20, s7, $0xb8;
	v63 =	vld [tilespmem:$0x0]  }
0x5b8: {  	s13 =	simm.s32 $0x7C80;
	s9 =	sld [smem:$0x6C1]  }
0x5b9: {  	[tilespmem:s13], [sflag:$0x1] =	stream.indirect.gather [hbm4b:s4+s7], $0x20, s21, s7, $0xb8;
	v63 =	vld [tilespmem:$0x0]  }
0x5ba: {  	s16 =	simm.s32 $0x82C0;
	s15 =	sld [smem:$0x6C2]  }
0x5bb: {  	[tilespmem:s16], [sflag:$0x1] =	stream.indirect.gather [hbm4b:s4+s7], $0x20, s9, s7, $0xb8;
	v63 =	vld [tilespmem:$0x0]  }
0x5bc: {  	s18 =	simm.s32 $0x8900;
	s17 =	sld [smem:$0x6C3]  }
0x5bd: {  	[tilespmem:s18], [sflag:$0x1] =	stream.indirect.gather [hbm4b:s4+s7], $0x20, s15, s7, $0xb8;
	v63 =	vld [tilespmem:$0x0]  }
0x5be: {  	s19 =	sld [smem:$0x6C4];
	s20 =	simm.s32 $0x8F40  }
0x5bf: {  	[tilespmem:s20], [sflag:$0x1] =	stream.indirect.gather [hbm4b:s4+s7], $0x20, s17, s7, $0xb8;
	v63 =	vld [tilespmem:$0x0]  }
0x5c0: {  	s1 =	sld [smem:$0x6C5];
	s21 =	simm.s32 $0x9580  }
0x5c1: {  	[tilespmem:s21], [sflag:$0x1] =	stream.indirect.gather [hbm4b:s4+s7], $0x20, s19, s7, $0xb8;
	v63 =	vld [tilespmem:$0x0]  }
0x5c2: {  	s2 =	sld [smem:$0x6C6];
	s9 =	simm.s32 $0x9BC0  }
0x5c3: {  	[tilespmem:s9], [sflag:$0x1] =	stream.indirect.gather [hbm4b:s4+s7], $0x20, s1, s7, $0xb8;
	v63 =	vld [tilespmem:$0x0]  }
0x5c4: {  	s13 =	sld [smem:$0x6C7];
	s15 =	simm.s32 $0xA200  }
0x5c5: {  	[tilespmem:s15], [sflag:$0x1] =	stream.indirect.gather [hbm4b:s4+s7], $0x20, s2, s7, $0xb8;
	v63 =	vld [tilespmem:$0x0]  }
0x5c6: {  	s16 =	sld [smem:$0x6C8];
	s17 =	simm.s32 $0xA840  }
0x5c7: {  	[tilespmem:s17], [sflag:$0x1] =	stream.indirect.gather [hbm4b:s4+s7], $0x20, s13, s7, $0xb8;
	v63 =	vld [tilespmem:$0x0]  }
0x5c8: {  	s18 =	sld [smem:$0x6C9];
	s19 =	simm.s32 $0xAE80  }
0x5c9: {  	[tilespmem:s19], [sflag:$0x1] =	stream.indirect.gather [hbm4b:s4+s7], $0x20, s16, s7, $0xb8;
	v63 =	vld [tilespmem:$0x0]  }
0x5ca: {  	s9 =	simm.s32 $0xB4C0;
	s2 =	sld [smem:$0x6CA]  }
0x5cb: {  	[tilespmem:s9], [sflag:$0x1] =	stream.indirect.gather [hbm4b:s4+s7], $0x20, s18, s7, $0xb8;
	v63 =	vld [tilespmem:$0x0]  }
0x5cc: {  	s15 =	simm.s32 $0xBB00;
	s13 =	sld [smem:$0x6CB]  }
0x5cd: {  	[tilespmem:s15], [sflag:$0x1] =	stream.indirect.gather [hbm4b:s4+s7], $0x20, s2, s7, $0xb8;
	v63 =	vld [tilespmem:$0x0]  }
0x5ce: {  	s17 =	simm.s32 $0xC140;
	s16 =	sld [smem:$0x6CC]  }
0x5cf: {  	[tilespmem:s17], [sflag:$0x1] =	stream.indirect.gather [hbm4b:s4+s7], $0x20, s13, s7, $0xb8;
	v63 =	vld [tilespmem:$0x0]  }
0x5d0: {  	s19 =	simm.s32 $0xC780;
	s18 =	sld [smem:$0x6CD]  }
0x5d1: {  	[tilespmem:s19], [sflag:$0x1] =	stream.indirect.gather [hbm4b:s4+s7], $0x20, s16, s7, $0xb8;
	v63 =	vld [tilespmem:$0x0]  }
0x5d2: {  	s2 =	simm.s32 $0xCDC0  }
0x5d3: {  	[tilespmem:s2], [sflag:$0x1] =	stream.indirect.gather [hbm4b:s4+s7], $0x20, s18, s7, $0xb8;
	v63 =	vld [tilespmem:$0x0]  }
0x5d4: {  	_ =	swait.ge [sflag:s26], $0x640  }
0x5d5: {  	[sflag:s26] =	ssyncset.done $0x0  }
0x5d6: {  	[sflag:s26] =	ssyncadd.s32 $0xFFFFF9C0  }
0x5d7: {  	_ =	swait.ge [sflag:s26], $0x640  }
0x5d8: {  	[sflag:s26] =	ssyncset.done $0x0  }
0x5d9: {  	[sflag:s26] =	ssyncadd.s32 $0xFFFFF9C0  }
0x5da: {  	_ =	swait.ge [sflag:s26], $0x640  }
0x5db: {  	[sflag:s26] =	ssyncset.done $0x0  }
0x5dc: {  	[sflag:s26] =	ssyncadd.s32 $0xFFFFF9C0  }
0x5dd: {  	_ =	swait.ge [sflag:s26], $0x640  }
0x5de: {  	[sflag:s26] =	ssyncset.done $0x0  }
0x5df: {  	[sflag:s26] =	ssyncadd.s32 $0xFFFFF9C0  }
0x5e0: {  	_ =	swait.ge [sflag:s26], $0x640  }
0x5e1: {  	[sflag:s26] =	ssyncset.done $0x0  }
0x5e2: {  	[sflag:s26] =	ssyncadd.s32 $0xFFFFF9C0  }
0x5e3: {  	_ =	swait.ge [sflag:s26], $0x640  }
0x5e4: {  	[sflag:s26] =	ssyncset.done $0x0  }
0x5e5: {  	[sflag:s26] =	ssyncadd.s32 $0xFFFFF9C0  }
0x5e6: {  	_ =	swait.ge [sflag:s26], $0x640  }
0x5e7: {  	[sflag:s26] =	ssyncset.done $0x0  }
0x5e8: {  	[sflag:s26] =	ssyncadd.s32 $0xFFFFF9C0  }
0x5e9: {  	_ =	swait.ge [sflag:s26], $0x640  }
0x5ea: {  	[sflag:s26] =	ssyncset.done $0x0  }
0x5eb: {  	[sflag:s26] =	ssyncadd.s32 $0xFFFFF9C0  }
0x5ec: {  	_ =	swait.ge [sflag:s26], $0x640  }
0x5ed: {  	[sflag:s26] =	ssyncset.done $0x0  }
0x5ee: {  	[sflag:s26] =	ssyncadd.s32 $0xFFFFF9C0  }
0x5ef: {  	_ =	swait.ge [sflag:s26], $0x640  }
0x5f0: {  	[sflag:s26] =	ssyncset.done $0x0  }
0x5f1: {  	[sflag:s26] =	ssyncadd.s32 $0xFFFFF9C0  }
0x5f2: {  	_ =	swait.ge [sflag:s26], $0x640  }
0x5f3: {  	[sflag:s26] =	ssyncset.done $0x0  }
0x5f4: {  	[sflag:s26] =	ssyncadd.s32 $0xFFFFF9C0  }
0x5f5: {  	_ =	swait.ge [sflag:s26], $0x640  }
0x5f6: {  	[sflag:s26] =	ssyncset.done $0x0  }
0x5f7: {  	[sflag:s26] =	ssyncadd.s32 $0xFFFFF9C0  }
0x5f8: {  	_ =	swait.ge [sflag:s26], $0x640  }
0x5f9: {  	[sflag:s26] =	ssyncset.done $0x0  }
0x5fa: {  	[sflag:s26] =	ssyncadd.s32 $0xFFFFF9C0  }
0x5fb: {  	_ =	swait.ge [sflag:s26], $0x640  }
0x5fc: {  	[sflag:s26] =	ssyncset.done $0x0  }
0x5fd: {  	[sflag:s26] =	ssyncadd.s32 $0xFFFFF9C0  }
0x5fe: {  	_ =	swait.ge [sflag:s26], $0x640  }
0x5ff: {  	[sflag:s26] =	ssyncset.done $0x0  }
0x600: {  	[sflag:s26] =	ssyncadd.s32 $0xFFFFF9C0  }
0x601: {  	_ =	swait.ge [sflag:s26], $0x640  }
0x602: {  	[sflag:s26] =	ssyncset.done $0x0  }
0x603: {  	s16 =	simm.s32 $0x13800;
	s9 =	rddreg [dreg:$0xd];
	[sflag:s26] =	ssyncadd.s32 $0xFFFFF9C0  }
0x604: {  	[hbm4b:s9+s6] =	stream.linear.scatter [tilespmem:s16], [sflag:$0x7], $0x6400, $0x38;
	v63 =	vld [tilespmem:$0x0]  }
0x605: {  	_ =	swait.ge [sflag:s28], $0x6400  }
0x606: {  	s13 =	sld [smem:$0x6CE]  }
0x607: {  	[sflag:s28] =	ssyncset.done $0x0  }
0x608: {  	s15 =	sld [smem:$0x6CF];
	[sflag:s28] =	ssyncadd.s32 $0xFFFF9C00  }
0x609: {  	[tilespmem:s12], [sflag:$0x2] =	stream.indirect.gather [hbm4b:s4+s7], $0x20, s13, s7, $0xb8;
	v63 =	vld [tilespmem:$0x0]  }
0x60a: {  	s18 =	simm.s32 $0xDA40;
	s17 =	sld [smem:$0x6D0]  }
0x60b: {  	[tilespmem:s18], [sflag:$0x2] =	stream.indirect.gather [hbm4b:s4+s7], $0x20, s15, s7, $0xb8;
	v63 =	vld [tilespmem:$0x0]  }
0x60c: {  	s2 =	simm.s32 $0xE080;
	s19 =	sld [smem:$0x6D1]  }
0x60d: {  	[tilespmem:s2], [sflag:$0x2] =	stream.indirect.gather [hbm4b:s4+s7], $0x20, s17, s7, $0xb8;
	v63 =	vld [tilespmem:$0x0]  }
0x60e: {  	s9 =	sld [smem:$0x6D2];
	s12 =	simm.s32 $0xE6C0  }
0x60f: {  	[tilespmem:s12], [sflag:$0x2] =	stream.indirect.gather [hbm4b:s4+s7], $0x20, s19, s7, $0xb8;
	v63 =	vld [tilespmem:$0x0]  }
0x610: {  	s13 =	sld [smem:$0x6D3];
	s15 =	simm.s32 $0xED00  }
0x611: {  	[tilespmem:s15], [sflag:$0x2] =	stream.indirect.gather [hbm4b:s4+s7], $0x20, s9, s7, $0xb8;
	v63 =	vld [tilespmem:$0x0]  }
0x612: {  	s18 =	simm.s32 $0xF340;
	s17 =	sld [smem:$0x6D4]  }
0x613: {  	[tilespmem:s18], [sflag:$0x2] =	stream.indirect.gather [hbm4b:s4+s7], $0x20, s13, s7, $0xb8;
	v63 =	vld [tilespmem:$0x0]  }
0x614: {  	s2 =	simm.s32 $0xF980;
	s19 =	sld [smem:$0x6D5]  }
0x615: {  	[tilespmem:s2], [sflag:$0x2] =	stream.indirect.gather [hbm4b:s4+s7], $0x20, s17, s7, $0xb8;
	v63 =	vld [tilespmem:$0x0]  }
0x616: {  	s12 =	simm.s32 $0xFFC0;
	s9 =	sld [smem:$0x6D6]  }
0x617: {  	[tilespmem:s12], [sflag:$0x2] =	stream.indirect.gather [hbm4b:s4+s7], $0x20, s19, s7, $0xb8;
	v63 =	vld [tilespmem:$0x0]  }
0x618: {  	s15 =	simm.s32 $0x10600;
	s13 =	sld [smem:$0x6D7]  }
0x619: {  	[tilespmem:s15], [sflag:$0x2] =	stream.indirect.gather [hbm4b:s4+s7], $0x20, s9, s7, $0xb8;
	v63 =	vld [tilespmem:$0x0]  }
0x61a: {  	s18 =	simm.s32 $0x10C40;
	s17 =	sld [smem:$0x6D8]  }
0x61b: {  	[tilespmem:s18], [sflag:$0x2] =	stream.indirect.gather [hbm4b:s4+s7], $0x20, s13, s7, $0xb8;
	v63 =	vld [tilespmem:$0x0]  }
0x61c: {  	s2 =	simm.s32 $0x11280;
	s19 =	sld [smem:$0x6D9]  }
0x61d: {  	[tilespmem:s2], [sflag:$0x2] =	stream.indirect.gather [hbm4b:s4+s7], $0x20, s17, s7, $0xb8;
	v63 =	vld [tilespmem:$0x0]  }
0x61e: {  	s12 =	simm.s32 $0x118C0;
	s9 =	sld [smem:$0x6DA]  }
0x61f: {  	[tilespmem:s12], [sflag:$0x2] =	stream.indirect.gather [hbm4b:s4+s7], $0x20, s19, s7, $0xb8;
	v63 =	vld [tilespmem:$0x0]  }
0x620: {  	s15 =	simm.s32 $0x11F00;
	s13 =	sld [smem:$0x6DB]  }
0x621: {  	[tilespmem:s15], [sflag:$0x2] =	stream.indirect.gather [hbm4b:s4+s7], $0x20, s9, s7, $0xb8;
	v63 =	vld [tilespmem:$0x0]  }
0x622: {  	s18 =	simm.s32 $0x12540;
	s17 =	sld [smem:$0x6DC]  }
0x623: {  	[tilespmem:s18], [sflag:$0x2] =	stream.indirect.gather [hbm4b:s4+s7], $0x20, s13, s7, $0xb8;
	v63 =	vld [tilespmem:$0x0]  }
0x624: {  	s2 =	simm.s32 $0x12B80;
	s19 =	sld [smem:$0x6DD]  }
0x625: {  	[tilespmem:s2], [sflag:$0x2] =	stream.indirect.gather [hbm4b:s4+s7], $0x20, s17, s7, $0xb8;
	v63 =	vld [tilespmem:$0x0]  }
0x626: {  	s9 =	simm.s32 $0x131C0  }
0x627: {  	[tilespmem:s9], [sflag:$0x2] =	stream.indirect.gather [hbm4b:s4+s7], $0x20, s19, s7, $0xb8;
	v63 =	vld [tilespmem:$0x0]  }
0x628: {  	_ =	swait.ge [sflag:s29], $0x640  }
0x629: {  	[sflag:s29] =	ssyncset.done $0x0  }
0x62a: {  	[sflag:s29] =	ssyncadd.s32 $0xFFFFF9C0  }
0x62b: {  	_ =	swait.ge [sflag:s29], $0x640  }
0x62c: {  	[sflag:s29] =	ssyncset.done $0x0  }
0x62d: {  	[sflag:s29] =	ssyncadd.s32 $0xFFFFF9C0  }
0x62e: {  	_ =	swait.ge [sflag:s29], $0x640  }
0x62f: {  	[sflag:s29] =	ssyncset.done $0x0  }
0x630: {  	[sflag:s29] =	ssyncadd.s32 $0xFFFFF9C0  }
0x631: {  	_ =	swait.ge [sflag:s29], $0x640  }
0x632: {  	[sflag:s29] =	ssyncset.done $0x0  }
0x633: {  	[sflag:s29] =	ssyncadd.s32 $0xFFFFF9C0  }
0x634: {  	_ =	swait.ge [sflag:s29], $0x640  }
0x635: {  	[sflag:s29] =	ssyncset.done $0x0  }
0x636: {  	[sflag:s29] =	ssyncadd.s32 $0xFFFFF9C0  }
0x637: {  	_ =	swait.ge [sflag:s29], $0x640  }
0x638: {  	[sflag:s29] =	ssyncset.done $0x0  }
0x639: {  	[sflag:s29] =	ssyncadd.s32 $0xFFFFF9C0  }
0x63a: {  	_ =	swait.ge [sflag:s29], $0x640  }
0x63b: {  	[sflag:s29] =	ssyncset.done $0x0  }
0x63c: {  	[sflag:s29] =	ssyncadd.s32 $0xFFFFF9C0  }
0x63d: {  	_ =	swait.ge [sflag:s29], $0x640  }
0x63e: {  	[sflag:s29] =	ssyncset.done $0x0  }
0x63f: {  	[sflag:s29] =	ssyncadd.s32 $0xFFFFF9C0  }
0x640: {  	_ =	swait.ge [sflag:s29], $0x640  }
0x641: {  	[sflag:s29] =	ssyncset.done $0x0  }
0x642: {  	[sflag:s29] =	ssyncadd.s32 $0xFFFFF9C0  }
0x643: {  	_ =	swait.ge [sflag:s29], $0x640  }
0x644: {  	[sflag:s29] =	ssyncset.done $0x0  }
0x645: {  	[sflag:s29] =	ssyncadd.s32 $0xFFFFF9C0  }
0x646: {  	_ =	swait.ge [sflag:s29], $0x640  }
0x647: {  	[sflag:s29] =	ssyncset.done $0x0  }
0x648: {  	[sflag:s29] =	ssyncadd.s32 $0xFFFFF9C0  }
0x649: {  	_ =	swait.ge [sflag:s29], $0x640  }
0x64a: {  	[sflag:s29] =	ssyncset.done $0x0  }
0x64b: {  	[sflag:s29] =	ssyncadd.s32 $0xFFFFF9C0  }
0x64c: {  	_ =	swait.ge [sflag:s29], $0x640  }
0x64d: {  	[sflag:s29] =	ssyncset.done $0x0  }
0x64e: {  	[sflag:s29] =	ssyncadd.s32 $0xFFFFF9C0  }
0x64f: {  	_ =	swait.ge [sflag:s29], $0x640  }
0x650: {  	[sflag:s29] =	ssyncset.done $0x0  }
0x651: {  	[sflag:s29] =	ssyncadd.s32 $0xFFFFF9C0  }
0x652: {  	_ =	swait.ge [sflag:s29], $0x640  }
0x653: {  	[sflag:s29] =	ssyncset.done $0x0  }
0x654: {  	[sflag:s29] =	ssyncadd.s32 $0xFFFFF9C0  }
0x655: {  	_ =	swait.ge [sflag:s29], $0x640  }
0x656: {  	[sflag:s29] =	ssyncset.done $0x0  }
0x657: {  	s9 =	simm.s32 $0x19C00;
	s12 =	rddreg [dreg:$0xe];
	[sflag:s29] =	ssyncadd.s32 $0xFFFFF9C0  }
0x658: {  	[hbm4b:s12+s6] =	stream.linear.scatter [tilespmem:s9], [sflag:$0x8], $0x6400, $0x38;
	v63 =	vld [tilespmem:$0x0]  }
0x659: {  	_ =	swait.ge [sflag:s30], $0x6400  }
0x65a: {  	s13 =	sld [smem:$0x6DE]  }
0x65b: {  	[sflag:s30] =	ssyncset.done $0x0  }
0x65c: {  	s15 =	sld [smem:$0x6DF];
	[sflag:s30] =	ssyncadd.s32 $0xFFFF9C00  }
0x65d: {  	[tilespmem:s16], [sflag:$0x3] =	stream.indirect.gather [hbm4b:s4+s7], $0x20, s13, s7, $0xb8;
	v63 =	vld [tilespmem:$0x0]  }
0x65e: {  	s17 =	simm.s32 $0x13E40;
	s16 =	sld [smem:$0x6E0]  }
0x65f: {  	[tilespmem:s17], [sflag:$0x3] =	stream.indirect.gather [hbm4b:s4+s7], $0x20, s15, s7, $0xb8;
	v63 =	vld [tilespmem:$0x0]  }
0x660: {  	s19 =	simm.s32 $0x14480;
	s18 =	sld [smem:$0x6E1]  }
0x661: {  	[tilespmem:s19], [sflag:$0x3] =	stream.indirect.gather [hbm4b:s4+s7], $0x20, s16, s7, $0xb8;
	v63 =	vld [tilespmem:$0x0]  }
0x662: {  	s2 =	sld [smem:$0x6E2]  }
0x663: {  	[tilespmem:s8], [sflag:$0x3] =	stream.indirect.gather [hbm4b:s4+s7], $0x20, s18, s7, $0xb8;
	v63 =	vld [tilespmem:$0x0]  }
0x664: {  	s12 =	sld [smem:$0x6E3]  }
0x665: {  	[tilespmem:s14], [sflag:$0x3] =	stream.indirect.gather [hbm4b:s4+s7], $0x20, s2, s7, $0xb8;
	v63 =	vld [tilespmem:$0x0]  }
0x666: {  	s13 =	sld [smem:$0x6E4]  }
0x667: {  	[tilespmem:s24], [sflag:$0x3] =	stream.indirect.gather [hbm4b:s4+s7], $0x20, s12, s7, $0xb8;
	v63 =	vld [tilespmem:$0x0]  }
0x668: {  	s15 =	simm.s32 $0x15D80;
	s14 =	sld [smem:$0x6E5]  }
0x669: {  	[tilespmem:s15], [sflag:$0x3] =	stream.indirect.gather [hbm4b:s4+s7], $0x20, s13, s7, $0xb8;
	v63 =	vld [tilespmem:$0x0]  }
0x66a: {  	s17 =	simm.s32 $0x163C0;
	s16 =	sld [smem:$0x6E6]  }
0x66b: {  	[tilespmem:s17], [sflag:$0x3] =	stream.indirect.gather [hbm4b:s4+s7], $0x20, s14, s7, $0xb8;
	v63 =	vld [tilespmem:$0x0]  }
0x66c: {  	s19 =	simm.s32 $0x16A00;
	s18 =	sld [smem:$0x6E7]  }
0x66d: {  	[tilespmem:s19], [sflag:$0x3] =	stream.indirect.gather [hbm4b:s4+s7], $0x20, s16, s7, $0xb8;
	v63 =	vld [tilespmem:$0x0]  }
0x66e: {  	s2 =	simm.s32 $0x17040;
	s24 =	sld [smem:$0x6E8]  }
0x66f: {  	[tilespmem:s2], [sflag:$0x3] =	stream.indirect.gather [hbm4b:s4+s7], $0x20, s18, s7, $0xb8;
	v63 =	vld [tilespmem:$0x0]  }
0x670: {  	s8 =	sld [smem:$0x6E9];
	s12 =	simm.s32 $0x17680  }
0x671: {  	[tilespmem:s12], [sflag:$0x3] =	stream.indirect.gather [hbm4b:s4+s7], $0x20, s24, s7, $0xb8;
	v63 =	vld [tilespmem:$0x0]  }
0x672: {  	s13 =	sld [smem:$0x6EA];
	s14 =	simm.s32 $0x17CC0  }
0x673: {  	[tilespmem:s14], [sflag:$0x3] =	stream.indirect.gather [hbm4b:s4+s7], $0x20, s8, s7, $0xb8;
	v63 =	vld [tilespmem:$0x0]  }
0x674: {  	s15 =	sld [smem:$0x6EB];
	s16 =	simm.s32 $0x18300  }
0x675: {  	[tilespmem:s16], [sflag:$0x3] =	stream.indirect.gather [hbm4b:s4+s7], $0x20, s13, s7, $0xb8;
	v63 =	vld [tilespmem:$0x0]  }
0x676: {  	s17 =	sld [smem:$0x6EC];
	s18 =	simm.s32 $0x18940  }
0x677: {  	[tilespmem:s18], [sflag:$0x3] =	stream.indirect.gather [hbm4b:s4+s7], $0x20, s15, s7, $0xb8;
	v63 =	vld [tilespmem:$0x0]  }
0x678: {  	s19 =	sld [smem:$0x6ED];
	s24 =	simm.s32 $0x18F80  }
0x679: {  	[tilespmem:s24], [sflag:$0x3] =	stream.indirect.gather [hbm4b:s4+s7], $0x20, s17, s7, $0xb8;
	v63 =	vld [tilespmem:$0x0]  }
0x67a: {  	s2 =	simm.s32 $0x195C0  }
0x67b: {  	[tilespmem:s2], [sflag:$0x3] =	stream.indirect.gather [hbm4b:s4+s7], $0x20, s19, s7, $0xb8;
	v63 =	vld [tilespmem:$0x0]  }
0x67c: {  	_ =	swait.ge [sflag:s22], $0x640  }
0x67d: {  	[sflag:s22] =	ssyncset.done $0x0  }
0x67e: {  	[sflag:s22] =	ssyncadd.s32 $0xFFFFF9C0  }
0x67f: {  	_ =	swait.ge [sflag:s22], $0x640  }
0x680: {  	[sflag:s22] =	ssyncset.done $0x0  }
0x681: {  	[sflag:s22] =	ssyncadd.s32 $0xFFFFF9C0  }
0x682: {  	_ =	swait.ge [sflag:s22], $0x640  }
0x683: {  	[sflag:s22] =	ssyncset.done $0x0  }
0x684: {  	[sflag:s22] =	ssyncadd.s32 $0xFFFFF9C0  }
0x685: {  	_ =	swait.ge [sflag:s22], $0x640  }
0x686: {  	[sflag:s22] =	ssyncset.done $0x0  }
0x687: {  	[sflag:s22] =	ssyncadd.s32 $0xFFFFF9C0  }
0x688: {  	_ =	swait.ge [sflag:s22], $0x640  }
0x689: {  	[sflag:s22] =	ssyncset.done $0x0  }
0x68a: {  	[sflag:s22] =	ssyncadd.s32 $0xFFFFF9C0  }
0x68b: {  	_ =	swait.ge [sflag:s22], $0x640  }
0x68c: {  	[sflag:s22] =	ssyncset.done $0x0  }
0x68d: {  	[sflag:s22] =	ssyncadd.s32 $0xFFFFF9C0  }
0x68e: {  	_ =	swait.ge [sflag:s22], $0x640  }
0x68f: {  	[sflag:s22] =	ssyncset.done $0x0  }
0x690: {  	[sflag:s22] =	ssyncadd.s32 $0xFFFFF9C0  }
0x691: {  	_ =	swait.ge [sflag:s22], $0x640  }
0x692: {  	[sflag:s22] =	ssyncset.done $0x0  }
0x693: {  	[sflag:s22] =	ssyncadd.s32 $0xFFFFF9C0  }
0x694: {  	_ =	swait.ge [sflag:s22], $0x640  }
0x695: {  	[sflag:s22] =	ssyncset.done $0x0  }
0x696: {  	[sflag:s22] =	ssyncadd.s32 $0xFFFFF9C0  }
0x697: {  	_ =	swait.ge [sflag:s22], $0x640  }
0x698: {  	[sflag:s22] =	ssyncset.done $0x0  }
0x699: {  	[sflag:s22] =	ssyncadd.s32 $0xFFFFF9C0  }
0x69a: {  	_ =	swait.ge [sflag:s22], $0x640  }
0x69b: {  	[sflag:s22] =	ssyncset.done $0x0  }
0x69c: {  	[sflag:s22] =	ssyncadd.s32 $0xFFFFF9C0  }
0x69d: {  	_ =	swait.ge [sflag:s22], $0x640  }
0x69e: {  	[sflag:s22] =	ssyncset.done $0x0  }
0x69f: {  	[sflag:s22] =	ssyncadd.s32 $0xFFFFF9C0  }
0x6a0: {  	_ =	swait.ge [sflag:s22], $0x640  }
0x6a1: {  	[sflag:s22] =	ssyncset.done $0x0  }
0x6a2: {  	[sflag:s22] =	ssyncadd.s32 $0xFFFFF9C0  }
0x6a3: {  	_ =	swait.ge [sflag:s22], $0x640  }
0x6a4: {  	[sflag:s22] =	ssyncset.done $0x0  }
0x6a5: {  	[sflag:s22] =	ssyncadd.s32 $0xFFFFF9C0  }
0x6a6: {  	_ =	swait.ge [sflag:s22], $0x640  }
0x6a7: {  	[sflag:s22] =	ssyncset.done $0x0  }
0x6a8: {  	[sflag:s22] =	ssyncadd.s32 $0xFFFFF9C0  }
0x6a9: {  	_ =	swait.ge [sflag:s22], $0x640  }
0x6aa: {  	[sflag:s22] =	ssyncset.done $0x0  }
0x6ab: {  	s1 =	simm.s32 $0x7000;
	s8 =	rddreg [dreg:$0xf];
	[sflag:s22] =	ssyncadd.s32 $0xFFFFF9C0  }
0x6ac: {  	[hbm4b:s8+s6] =	stream.linear.scatter [tilespmem:s1], [sflag:$0x5], $0x6400, $0x38;
	v63 =	vld [tilespmem:$0x0]  }
0x6ad: {  	_ =	swait.ge [sflag:s31], $0x6400  }
0x6ae: {  	s12 =	sld [smem:$0x6EE]  }
0x6af: {  	[sflag:s31] =	ssyncset.done $0x0  }
0x6b0: {  	s13 =	sld [smem:$0x6EF];
	[sflag:s31] =	ssyncadd.s32 $0xFFFF9C00  }
0x6b1: {  	[tilespmem:s9], [sflag:$0x4] =	stream.indirect.gather [hbm4b:s4+s7], $0x20, s12, s7, $0xb8;
	v63 =	vld [tilespmem:$0x0]  }
0x6b2: {  	s8 =	simm.s32 $0x1A240;
	s14 =	sld [smem:$0x6F0]  }
0x6b3: {  	[tilespmem:s8], [sflag:$0x4] =	stream.indirect.gather [hbm4b:s4+s7], $0x20, s13, s7, $0xb8;
	v63 =	vld [tilespmem:$0x0]  }
0x6b4: {  	s15 =	sld [smem:$0x6F1];
	s12 =	simm.s32 $0x1A880  }
0x6b5: {  	[tilespmem:s12], [sflag:$0x4] =	stream.indirect.gather [hbm4b:s4+s7], $0x20, s14, s7, $0xb8;
	v63 =	vld [tilespmem:$0x0]  }
0x6b6: {  	s16 =	sld [smem:$0x6F2];
	s9 =	simm.s32 $0x1AEC0  }
0x6b7: {  	[tilespmem:s9], [sflag:$0x4] =	stream.indirect.gather [hbm4b:s4+s7], $0x20, s15, s7, $0xb8;
	v63 =	vld [tilespmem:$0x0]  }
0x6b8: {  	s17 =	sld [smem:$0x6F3];
	s14 =	simm.s32 $0x1B500  }
0x6b9: {  	[tilespmem:s14], [sflag:$0x4] =	stream.indirect.gather [hbm4b:s4+s7], $0x20, s16, s7, $0xb8;
	v63 =	vld [tilespmem:$0x0]  }
0x6ba: {  	s18 =	sld [smem:$0x6F4];
	s13 =	simm.s32 $0x1BB40  }
0x6bb: {  	[tilespmem:s13], [sflag:$0x4] =	stream.indirect.gather [hbm4b:s4+s7], $0x20, s17, s7, $0xb8;
	v63 =	vld [tilespmem:$0x0]  }
0x6bc: {  	s19 =	sld [smem:$0x6F5];
	s16 =	simm.s32 $0x1C180  }
0x6bd: {  	[tilespmem:s16], [sflag:$0x4] =	stream.indirect.gather [hbm4b:s4+s7], $0x20, s18, s7, $0xb8;
	v63 =	vld [tilespmem:$0x0]  }
0x6be: {  	s24 =	sld [smem:$0x6F6];
	s15 =	simm.s32 $0x1C7C0  }
0x6bf: {  	[tilespmem:s15], [sflag:$0x4] =	stream.indirect.gather [hbm4b:s4+s7], $0x20, s19, s7, $0xb8;
	v63 =	vld [tilespmem:$0x0]  }
0x6c0: {  	s2 =	sld [smem:$0x6F7];
	s18 =	simm.s32 $0x1CE00  }
0x6c1: {  	[tilespmem:s18], [sflag:$0x4] =	stream.indirect.gather [hbm4b:s4+s7], $0x20, s24, s7, $0xb8;
	v63 =	vld [tilespmem:$0x0]  }
0x6c2: {  	s17 =	simm.s32 $0x1D440;
	s19 =	sld [smem:$0x6F8]  }
0x6c3: {  	[tilespmem:s17], [sflag:$0x4] =	stream.indirect.gather [hbm4b:s4+s7], $0x20, s2, s7, $0xb8;
	v63 =	vld [tilespmem:$0x0]  }
0x6c4: {  	s24 =	simm.s32 $0x1DA80;
	s2 =	sld [smem:$0x6F9]  }
0x6c5: {  	[tilespmem:s24], [sflag:$0x4] =	stream.indirect.gather [hbm4b:s4+s7], $0x20, s19, s7, $0xb8;
	v63 =	vld [tilespmem:$0x0]  }
0x6c6: {  	s0 =	sld [smem:$0x6FA];
	s19 =	simm.s32 $0x1E0C0  }
0x6c7: {  	[tilespmem:s19], [sflag:$0x4] =	stream.indirect.gather [hbm4b:s4+s7], $0x20, s2, s7, $0xb8;
	v63 =	vld [tilespmem:$0x0]  }
0x6c8: {  	s3 =	sld [smem:$0x6FB];
	s2 =	simm.s32 $0x1E700  }
0x6c9: {  	[tilespmem:s2], [sflag:$0x4] =	stream.indirect.gather [hbm4b:s4+s7], $0x20, s0, s7, $0xb8;
	v63 =	vld [tilespmem:$0x0]  }
0x6ca: {  	s2 =	sld [smem:$0x6FC]  }
0x6cb: {  	[tilespmem:s5], [sflag:$0x4] =	stream.indirect.gather [hbm4b:s4+s7], $0x20, s3, s7, $0xb8;
	v63 =	vld [tilespmem:$0x0]  }
0x6cc: {  	s5 =	sld [smem:$0x6FD]  }
0x6cd: {  	[tilespmem:s10], [sflag:$0x4] =	stream.indirect.gather [hbm4b:s4+s7], $0x20, s2, s7, $0xb8;
	v63 =	vld [tilespmem:$0x0]  }
0x6ce: {  	_ = 	snop  }
0x6cf: {  	[tilespmem:s11], [sflag:$0x4] =	stream.indirect.gather [hbm4b:s4+s7], $0x20, s5, s7, $0xb8;
	v63 =	vld [tilespmem:$0x0]  }
0x6d0: {  	_ =	swait.ge [sflag:s23], $0x640  }
0x6d1: {  	[sflag:s23] =	ssyncset.done $0x0  }
0x6d2: {  	[sflag:s23] =	ssyncadd.s32 $0xFFFFF9C0  }
0x6d3: {  	_ =	swait.ge [sflag:s23], $0x640  }
0x6d4: {  	[sflag:s23] =	ssyncset.done $0x0  }
0x6d5: {  	[sflag:s23] =	ssyncadd.s32 $0xFFFFF9C0  }
0x6d6: {  	_ =	swait.ge [sflag:s23], $0x640  }
0x6d7: {  	[sflag:s23] =	ssyncset.done $0x0  }
0x6d8: {  	[sflag:s23] =	ssyncadd.s32 $0xFFFFF9C0  }
0x6d9: {  	_ =	swait.ge [sflag:s23], $0x640  }
0x6da: {  	[sflag:s23] =	ssyncset.done $0x0  }
0x6db: {  	[sflag:s23] =	ssyncadd.s32 $0xFFFFF9C0  }
0x6dc: {  	_ =	swait.ge [sflag:s23], $0x640  }
0x6dd: {  	[sflag:s23] =	ssyncset.done $0x0  }
0x6de: {  	[sflag:s23] =	ssyncadd.s32 $0xFFFFF9C0  }
0x6df: {  	_ =	swait.ge [sflag:s23], $0x640  }
0x6e0: {  	[sflag:s23] =	ssyncset.done $0x0  }
0x6e1: {  	[sflag:s23] =	ssyncadd.s32 $0xFFFFF9C0  }
0x6e2: {  	_ =	swait.ge [sflag:s23], $0x640  }
0x6e3: {  	[sflag:s23] =	ssyncset.done $0x0  }
0x6e4: {  	[sflag:s23] =	ssyncadd.s32 $0xFFFFF9C0  }
0x6e5: {  	_ =	swait.ge [sflag:s23], $0x640  }
0x6e6: {  	[sflag:s23] =	ssyncset.done $0x0  }
0x6e7: {  	[sflag:s23] =	ssyncadd.s32 $0xFFFFF9C0  }
0x6e8: {  	_ =	swait.ge [sflag:s23], $0x640  }
0x6e9: {  	[sflag:s23] =	ssyncset.done $0x0  }
0x6ea: {  	[sflag:s23] =	ssyncadd.s32 $0xFFFFF9C0  }
0x6eb: {  	_ =	swait.ge [sflag:s23], $0x640  }
0x6ec: {  	[sflag:s23] =	ssyncset.done $0x0  }
0x6ed: {  	[sflag:s23] =	ssyncadd.s32 $0xFFFFF9C0  }
0x6ee: {  	_ =	swait.ge [sflag:s23], $0x640  }
0x6ef: {  	[sflag:s23] =	ssyncset.done $0x0  }
0x6f0: {  	[sflag:s23] =	ssyncadd.s32 $0xFFFFF9C0  }
0x6f1: {  	_ =	swait.ge [sflag:s23], $0x640  }
0x6f2: {  	[sflag:s23] =	ssyncset.done $0x0  }
0x6f3: {  	[sflag:s23] =	ssyncadd.s32 $0xFFFFF9C0  }
0x6f4: {  	_ =	swait.ge [sflag:s23], $0x640  }
0x6f5: {  	[sflag:s23] =	ssyncset.done $0x0  }
0x6f6: {  	[sflag:s23] =	ssyncadd.s32 $0xFFFFF9C0  }
0x6f7: {  	_ =	swait.ge [sflag:s23], $0x640  }
0x6f8: {  	[sflag:s23] =	ssyncset.done $0x0  }
0x6f9: {  	[sflag:s23] =	ssyncadd.s32 $0xFFFFF9C0  }
0x6fa: {  	_ =	swait.ge [sflag:s23], $0x640  }
0x6fb: {  	[sflag:s23] =	ssyncset.done $0x0  }
0x6fc: {  	[sflag:s23] =	ssyncadd.s32 $0xFFFFF9C0  }
0x6fd: {  	_ =	swait.ge [sflag:s23], $0x640  }
0x6fe: {  	[sflag:s23] =	ssyncset.done $0x0  }
0x6ff: {  	s5 =	simm.s32 $0xD400;
	s2 =	rddreg [dreg:$0x10];
	[sflag:s23] =	ssyncadd.s32 $0xFFFFF9C0  }
0x700: {  	[hbm4b:s2+s6] =	stream.linear.scatter [tilespmem:s5], [sflag:$0x6], $0x6400, $0x38;
	v63 =	vld [tilespmem:$0x0]  }
0x701: {  	_ =	swait.ge [sflag:s25], $0x6400  }
0x702: {  	s3 =	sld [smem:$0x6FE]  }
0x703: {  	[sflag:s25] =	ssyncset.done $0x0  }
0x704: {  	s10 =	sld [smem:$0x6FF];
	[sflag:s25] =	ssyncadd.s32 $0xFFFF9C00  }
0x705: {  	[tilespmem:s1], [sflag:$0x1] =	stream.indirect.gather [hbm4b:s4+s7], $0x20, s3, s7, $0xb8;
	v63 =	vld [tilespmem:$0x0]  }
0x706: {  	s11 =	simm.s32 $0x7640;
	s0 =	sld [smem:$0x700]  }
0x707: {  	[tilespmem:s11], [sflag:$0x1] =	stream.indirect.gather [hbm4b:s4+s7], $0x20, s10, s7, $0xb8;
	v63 =	vld [tilespmem:$0x0]  }
0x708: {  	s2 =	sld [smem:$0x701];
	s10 =	simm.s32 $0x7C80  }
0x709: {  	[tilespmem:s10], [sflag:$0x1] =	stream.indirect.gather [hbm4b:s4+s7], $0x20, s0, s7, $0xb8;
	v63 =	vld [tilespmem:$0x0]  }
0x70a: {  	s11 =	simm.s32 $0x82C0;
	s0 =	sld [smem:$0x702]  }
0x70b: {  	[tilespmem:s11], [sflag:$0x1] =	stream.indirect.gather [hbm4b:s4+s7], $0x20, s2, s7, $0xb8;
	v63 =	vld [tilespmem:$0x0]  }
0x70c: {  	s10 =	simm.s32 $0x8900;
	s2 =	sld [smem:$0x703]  }
0x70d: {  	[tilespmem:s10], [sflag:$0x1] =	stream.indirect.gather [hbm4b:s4+s7], $0x20, s0, s7, $0xb8;
	v63 =	vld [tilespmem:$0x0]  }
0x70e: {  	s11 =	sld [smem:$0x704]  }
0x70f: {  	[tilespmem:s20], [sflag:$0x1] =	stream.indirect.gather [hbm4b:s4+s7], $0x20, s2, s7, $0xb8;
	v63 =	vld [tilespmem:$0x0]  }
0x710: {  	s20 =	sld [smem:$0x705]  }
0x711: {  	[tilespmem:s21], [sflag:$0x1] =	stream.indirect.gather [hbm4b:s4+s7], $0x20, s11, s7, $0xb8;
	v63 =	vld [tilespmem:$0x0]  }
0x712: {  	s2 =	simm.s32 $0x9BC0;
	s21 =	sld [smem:$0x706]  }
0x713: {  	[tilespmem:s2], [sflag:$0x1] =	stream.indirect.gather [hbm4b:s4+s7], $0x20, s20, s7, $0xb8;
	v63 =	vld [tilespmem:$0x0]  }
0x714: {  	s10 =	sld [smem:$0x707];
	s11 =	simm.s32 $0xA200  }
0x715: {  	[tilespmem:s11], [sflag:$0x1] =	stream.indirect.gather [hbm4b:s4+s7], $0x20, s21, s7, $0xb8;
	v63 =	vld [tilespmem:$0x0]  }
0x716: {  	s20 =	sld [smem:$0x708];
	s21 =	simm.s32 $0xA840  }
0x717: {  	[tilespmem:s21], [sflag:$0x1] =	stream.indirect.gather [hbm4b:s4+s7], $0x20, s10, s7, $0xb8;
	v63 =	vld [tilespmem:$0x0]  }
0x718: {  	s2 =	sld [smem:$0x709];
	s10 =	simm.s32 $0xAE80  }
0x719: {  	[tilespmem:s10], [sflag:$0x1] =	stream.indirect.gather [hbm4b:s4+s7], $0x20, s20, s7, $0xb8;
	v63 =	vld [tilespmem:$0x0]  }
0x71a: {  	s11 =	sld [smem:$0x70A];
	s20 =	simm.s32 $0xB4C0  }
0x71b: {  	[tilespmem:s20], [sflag:$0x1] =	stream.indirect.gather [hbm4b:s4+s7], $0x20, s2, s7, $0xb8;
	v63 =	vld [tilespmem:$0x0]  }
0x71c: {  	s21 =	sld [smem:$0x70B];
	s2 =	simm.s32 $0xBB00  }
0x71d: {  	[tilespmem:s2], [sflag:$0x1] =	stream.indirect.gather [hbm4b:s4+s7], $0x20, s11, s7, $0xb8;
	v63 =	vld [tilespmem:$0x0]  }
0x71e: {  	s10 =	sld [smem:$0x70C];
	s11 =	simm.s32 $0xC140  }
0x71f: {  	[tilespmem:s11], [sflag:$0x1] =	stream.indirect.gather [hbm4b:s4+s7], $0x20, s21, s7, $0xb8;
	v63 =	vld [tilespmem:$0x0]  }
0x720: {  	s20 =	sld [smem:$0x70D];
	s21 =	simm.s32 $0xC780  }
0x721: {  	[tilespmem:s21], [sflag:$0x1] =	stream.indirect.gather [hbm4b:s4+s7], $0x20, s10, s7, $0xb8;
	v63 =	vld [tilespmem:$0x0]  }
0x722: {  	s2 =	simm.s32 $0xCDC0  }
0x723: {  	[tilespmem:s2], [sflag:$0x1] =	stream.indirect.gather [hbm4b:s4+s7], $0x20, s20, s7, $0xb8;
	v63 =	vld [tilespmem:$0x0]  }
0x724: {  	_ =	swait.ge [sflag:s26], $0x640  }
0x725: {  	[sflag:s26] =	ssyncset.done $0x0  }
0x726: {  	[sflag:s26] =	ssyncadd.s32 $0xFFFFF9C0  }
0x727: {  	_ =	swait.ge [sflag:s26], $0x640  }
0x728: {  	[sflag:s26] =	ssyncset.done $0x0  }
0x729: {  	[sflag:s26] =	ssyncadd.s32 $0xFFFFF9C0  }
0x72a: {  	_ =	swait.ge [sflag:s26], $0x640  }
0x72b: {  	[sflag:s26] =	ssyncset.done $0x0  }
0x72c: {  	[sflag:s26] =	ssyncadd.s32 $0xFFFFF9C0  }
0x72d: {  	_ =	swait.ge [sflag:s26], $0x640  }
0x72e: {  	[sflag:s26] =	ssyncset.done $0x0  }
0x72f: {  	[sflag:s26] =	ssyncadd.s32 $0xFFFFF9C0  }
0x730: {  	_ =	swait.ge [sflag:s26], $0x640  }
0x731: {  	[sflag:s26] =	ssyncset.done $0x0  }
0x732: {  	[sflag:s26] =	ssyncadd.s32 $0xFFFFF9C0  }
0x733: {  	_ =	swait.ge [sflag:s26], $0x640  }
0x734: {  	[sflag:s26] =	ssyncset.done $0x0  }
0x735: {  	[sflag:s26] =	ssyncadd.s32 $0xFFFFF9C0  }
0x736: {  	_ =	swait.ge [sflag:s26], $0x640  }
0x737: {  	[sflag:s26] =	ssyncset.done $0x0  }
0x738: {  	[sflag:s26] =	ssyncadd.s32 $0xFFFFF9C0  }
0x739: {  	_ =	swait.ge [sflag:s26], $0x640  }
0x73a: {  	[sflag:s26] =	ssyncset.done $0x0  }
0x73b: {  	[sflag:s26] =	ssyncadd.s32 $0xFFFFF9C0  }
0x73c: {  	_ =	swait.ge [sflag:s26], $0x640  }
0x73d: {  	[sflag:s26] =	ssyncset.done $0x0  }
0x73e: {  	[sflag:s26] =	ssyncadd.s32 $0xFFFFF9C0  }
0x73f: {  	_ =	swait.ge [sflag:s26], $0x640  }
0x740: {  	[sflag:s26] =	ssyncset.done $0x0  }
0x741: {  	[sflag:s26] =	ssyncadd.s32 $0xFFFFF9C0  }
0x742: {  	_ =	swait.ge [sflag:s26], $0x640  }
0x743: {  	[sflag:s26] =	ssyncset.done $0x0  }
0x744: {  	[sflag:s26] =	ssyncadd.s32 $0xFFFFF9C0  }
0x745: {  	_ =	swait.ge [sflag:s26], $0x640  }
0x746: {  	[sflag:s26] =	ssyncset.done $0x0  }
0x747: {  	[sflag:s26] =	ssyncadd.s32 $0xFFFFF9C0  }
0x748: {  	_ =	swait.ge [sflag:s26], $0x640  }
0x749: {  	[sflag:s26] =	ssyncset.done $0x0  }
0x74a: {  	[sflag:s26] =	ssyncadd.s32 $0xFFFFF9C0  }
0x74b: {  	_ =	swait.ge [sflag:s26], $0x640  }
0x74c: {  	[sflag:s26] =	ssyncset.done $0x0  }
0x74d: {  	[sflag:s26] =	ssyncadd.s32 $0xFFFFF9C0  }
0x74e: {  	_ =	swait.ge [sflag:s26], $0x640  }
0x74f: {  	[sflag:s26] =	ssyncset.done $0x0  }
0x750: {  	[sflag:s26] =	ssyncadd.s32 $0xFFFFF9C0  }
0x751: {  	_ =	swait.ge [sflag:s26], $0x640  }
0x752: {  	[sflag:s26] =	ssyncset.done $0x0  }
0x753: {  	s1 =	simm.s32 $0x13800;
	s10 =	rddreg [dreg:$0x11];
	[sflag:s26] =	ssyncadd.s32 $0xFFFFF9C0  }
0x754: {  	[hbm4b:s10+s6] =	stream.linear.scatter [tilespmem:s1], [sflag:$0x7], $0x6400, $0x38;
	v63 =	vld [tilespmem:$0x0]  }
0x755: {  	_ =	swait.ge [sflag:s28], $0x6400  }
0x756: {  	s11 =	sld [smem:$0x70E]  }
0x757: {  	[sflag:s28] =	ssyncset.done $0x0  }
0x758: {  	s20 =	sld [smem:$0x70F];
	[sflag:s28] =	ssyncadd.s32 $0xFFFF9C00  }
0x759: {  	[tilespmem:s5], [sflag:$0x2] =	stream.indirect.gather [hbm4b:s4+s7], $0x20, s11, s7, $0xb8;
	v63 =	vld [tilespmem:$0x0]  }
0x75a: {  	s21 =	sld [smem:$0x710];
	s5 =	simm.s32 $0xDA40  }
0x75b: {  	[tilespmem:s5], [sflag:$0x2] =	stream.indirect.gather [hbm4b:s4+s7], $0x20, s20, s7, $0xb8;
	v63 =	vld [tilespmem:$0x0]  }
0x75c: {  	s10 =	sld [smem:$0x711];
	s11 =	simm.s32 $0xE080  }
0x75d: {  	[tilespmem:s11], [sflag:$0x2] =	stream.indirect.gather [hbm4b:s4+s7], $0x20, s21, s7, $0xb8;
	v63 =	vld [tilespmem:$0x0]  }
0x75e: {  	s20 =	sld [smem:$0x712];
	s21 =	simm.s32 $0xE6C0  }
0x75f: {  	[tilespmem:s21], [sflag:$0x2] =	stream.indirect.gather [hbm4b:s4+s7], $0x20, s10, s7, $0xb8;
	v63 =	vld [tilespmem:$0x0]  }
0x760: {  	s5 =	sld [smem:$0x713];
	s10 =	simm.s32 $0xED00  }
0x761: {  	[tilespmem:s10], [sflag:$0x2] =	stream.indirect.gather [hbm4b:s4+s7], $0x20, s20, s7, $0xb8;
	v63 =	vld [tilespmem:$0x0]  }
0x762: {  	s11 =	sld [smem:$0x714];
	s20 =	simm.s32 $0xF340  }
0x763: {  	[tilespmem:s20], [sflag:$0x2] =	stream.indirect.gather [hbm4b:s4+s7], $0x20, s5, s7, $0xb8;
	v63 =	vld [tilespmem:$0x0]  }
0x764: {  	s21 =	sld [smem:$0x715];
	s5 =	simm.s32 $0xF980  }
0x765: {  	[tilespmem:s5], [sflag:$0x2] =	stream.indirect.gather [hbm4b:s4+s7], $0x20, s11, s7, $0xb8;
	v63 =	vld [tilespmem:$0x0]  }
0x766: {  	s10 =	sld [smem:$0x716];
	s11 =	simm.s32 $0xFFC0  }
0x767: {  	[tilespmem:s11], [sflag:$0x2] =	stream.indirect.gather [hbm4b:s4+s7], $0x20, s21, s7, $0xb8;
	v63 =	vld [tilespmem:$0x0]  }
0x768: {  	s20 =	sld [smem:$0x717];
	s21 =	simm.s32 $0x10600  }
0x769: {  	[tilespmem:s21], [sflag:$0x2] =	stream.indirect.gather [hbm4b:s4+s7], $0x20, s10, s7, $0xb8;
	v63 =	vld [tilespmem:$0x0]  }
0x76a: {  	s5 =	sld [smem:$0x718];
	s10 =	simm.s32 $0x10C40  }
0x76b: {  	[tilespmem:s10], [sflag:$0x2] =	stream.indirect.gather [hbm4b:s4+s7], $0x20, s20, s7, $0xb8;
	v63 =	vld [tilespmem:$0x0]  }
0x76c: {  	s11 =	sld [smem:$0x719];
	s20 =	simm.s32 $0x11280  }
0x76d: {  	[tilespmem:s20], [sflag:$0x2] =	stream.indirect.gather [hbm4b:s4+s7], $0x20, s5, s7, $0xb8;
	v63 =	vld [tilespmem:$0x0]  }
0x76e: {  	s21 =	sld [smem:$0x71A];
	s5 =	simm.s32 $0x118C0  }
0x76f: {  	[tilespmem:s5], [sflag:$0x2] =	stream.indirect.gather [hbm4b:s4+s7], $0x20, s11, s7, $0xb8;
	v63 =	vld [tilespmem:$0x0]  }
0x770: {  	s10 =	sld [smem:$0x71B];
	s11 =	simm.s32 $0x11F00  }
0x771: {  	[tilespmem:s11], [sflag:$0x2] =	stream.indirect.gather [hbm4b:s4+s7], $0x20, s21, s7, $0xb8;
	v63 =	vld [tilespmem:$0x0]  }
0x772: {  	s20 =	sld [smem:$0x71C];
	s21 =	simm.s32 $0x12540  }
0x773: {  	[tilespmem:s21], [sflag:$0x2] =	stream.indirect.gather [hbm4b:s4+s7], $0x20, s10, s7, $0xb8;
	v63 =	vld [tilespmem:$0x0]  }
0x774: {  	s2 =	sld [smem:$0x71D];
	s5 =	simm.s32 $0x12B80  }
0x775: {  	[tilespmem:s5], [sflag:$0x2] =	stream.indirect.gather [hbm4b:s4+s7], $0x20, s20, s7, $0xb8;
	v63 =	vld [tilespmem:$0x0]  }
0x776: {  	s10 =	simm.s32 $0x131C0  }
0x777: {  	[tilespmem:s10], [sflag:$0x2] =	stream.indirect.gather [hbm4b:s4+s7], $0x20, s2, s7, $0xb8;
	v63 =	vld [tilespmem:$0x0]  }
0x778: {  	_ =	swait.ge [sflag:s29], $0x640  }
0x779: {  	[sflag:s29] =	ssyncset.done $0x0  }
0x77a: {  	[sflag:s29] =	ssyncadd.s32 $0xFFFFF9C0  }
0x77b: {  	_ =	swait.ge [sflag:s29], $0x640  }
0x77c: {  	[sflag:s29] =	ssyncset.done $0x0  }
0x77d: {  	[sflag:s29] =	ssyncadd.s32 $0xFFFFF9C0  }
0x77e: {  	_ =	swait.ge [sflag:s29], $0x640  }
0x77f: {  	[sflag:s29] =	ssyncset.done $0x0  }
0x780: {  	[sflag:s29] =	ssyncadd.s32 $0xFFFFF9C0  }
0x781: {  	_ =	swait.ge [sflag:s29], $0x640  }
0x782: {  	[sflag:s29] =	ssyncset.done $0x0  }
0x783: {  	[sflag:s29] =	ssyncadd.s32 $0xFFFFF9C0  }
0x784: {  	_ =	swait.ge [sflag:s29], $0x640  }
0x785: {  	[sflag:s29] =	ssyncset.done $0x0  }
0x786: {  	[sflag:s29] =	ssyncadd.s32 $0xFFFFF9C0  }
0x787: {  	_ =	swait.ge [sflag:s29], $0x640  }
0x788: {  	[sflag:s29] =	ssyncset.done $0x0  }
0x789: {  	[sflag:s29] =	ssyncadd.s32 $0xFFFFF9C0  }
0x78a: {  	_ =	swait.ge [sflag:s29], $0x640  }
0x78b: {  	[sflag:s29] =	ssyncset.done $0x0  }
0x78c: {  	[sflag:s29] =	ssyncadd.s32 $0xFFFFF9C0  }
0x78d: {  	_ =	swait.ge [sflag:s29], $0x640  }
0x78e: {  	[sflag:s29] =	ssyncset.done $0x0  }
0x78f: {  	[sflag:s29] =	ssyncadd.s32 $0xFFFFF9C0  }
0x790: {  	_ =	swait.ge [sflag:s29], $0x640  }
0x791: {  	[sflag:s29] =	ssyncset.done $0x0  }
0x792: {  	[sflag:s29] =	ssyncadd.s32 $0xFFFFF9C0  }
0x793: {  	_ =	swait.ge [sflag:s29], $0x640  }
0x794: {  	[sflag:s29] =	ssyncset.done $0x0  }
0x795: {  	[sflag:s29] =	ssyncadd.s32 $0xFFFFF9C0  }
0x796: {  	_ =	swait.ge [sflag:s29], $0x640  }
0x797: {  	[sflag:s29] =	ssyncset.done $0x0  }
0x798: {  	[sflag:s29] =	ssyncadd.s32 $0xFFFFF9C0  }
0x799: {  	_ =	swait.ge [sflag:s29], $0x640  }
0x79a: {  	[sflag:s29] =	ssyncset.done $0x0  }
0x79b: {  	[sflag:s29] =	ssyncadd.s32 $0xFFFFF9C0  }
0x79c: {  	_ =	swait.ge [sflag:s29], $0x640  }
0x79d: {  	[sflag:s29] =	ssyncset.done $0x0  }
0x79e: {  	[sflag:s29] =	ssyncadd.s32 $0xFFFFF9C0  }
0x79f: {  	_ =	swait.ge [sflag:s29], $0x640  }
0x7a0: {  	[sflag:s29] =	ssyncset.done $0x0  }
0x7a1: {  	[sflag:s29] =	ssyncadd.s32 $0xFFFFF9C0  }
0x7a2: {  	_ =	swait.ge [sflag:s29], $0x640  }
0x7a3: {  	[sflag:s29] =	ssyncset.done $0x0  }
0x7a4: {  	[sflag:s29] =	ssyncadd.s32 $0xFFFFF9C0  }
0x7a5: {  	_ =	swait.ge [sflag:s29], $0x640  }
0x7a6: {  	[sflag:s29] =	ssyncset.done $0x0  }
0x7a7: {  	s2 =	simm.s32 $0x19C00;
	s3 =	rddreg [dreg:$0x12];
	[sflag:s29] =	ssyncadd.s32 $0xFFFFF9C0  }
0x7a8: {  	[hbm4b:s3+s6] =	stream.linear.scatter [tilespmem:s2], [sflag:$0x8], $0x6400, $0x38;
	v63 =	vld [tilespmem:$0x0]  }
0x7a9: {  	_ =	swait.ge [sflag:s30], $0x6400  }
0x7aa: {  	s11 =	sld [smem:$0x71E]  }
0x7ab: {  	[sflag:s30] =	ssyncset.done $0x0  }
0x7ac: {  	s20 =	sld [smem:$0x71F];
	[sflag:s30] =	ssyncadd.s32 $0xFFFF9C00  }
0x7ad: {  	[tilespmem:s1], [sflag:$0x3] =	stream.indirect.gather [hbm4b:s4+s7], $0x20, s11, s7, $0xb8;
	v63 =	vld [tilespmem:$0x0]  }
0x7ae: {  	s21 =	sld [smem:$0x720];
	s11 =	simm.s32 $0x13E40  }
0x7af: {  	[tilespmem:s11], [sflag:$0x3] =	stream.indirect.gather [hbm4b:s4+s7], $0x20, s20, s7, $0xb8;
	v63 =	vld [tilespmem:$0x0]  }
0x7b0: {  	s3 =	sld [smem:$0x721];
	s20 =	simm.s32 $0x14480  }
0x7b1: {  	[tilespmem:s20], [sflag:$0x3] =	stream.indirect.gather [hbm4b:s4+s7], $0x20, s21, s7, $0xb8;
	v63 =	vld [tilespmem:$0x0]  }
0x7b2: {  	s11 =	simm.s32 $0x14AC0;
	s21 =	sld [smem:$0x722]  }
0x7b3: {  	[tilespmem:s11], [sflag:$0x3] =	stream.indirect.gather [hbm4b:s4+s7], $0x20, s3, s7, $0xb8;
	v63 =	vld [tilespmem:$0x0]  }
0x7b4: {  	s1 =	sld [smem:$0x723];
	s20 =	simm.s32 $0x15100  }
0x7b5: {  	[tilespmem:s20], [sflag:$0x3] =	stream.indirect.gather [hbm4b:s4+s7], $0x20, s21, s7, $0xb8;
	v63 =	vld [tilespmem:$0x0]  }
0x7b6: {  	s0 =	sld [smem:$0x724];
	s21 =	simm.s32 $0x15740  }
0x7b7: {  	[tilespmem:s21], [sflag:$0x3] =	stream.indirect.gather [hbm4b:s4+s7], $0x20, s1, s7, $0xb8;
	v63 =	vld [tilespmem:$0x0]  }
0x7b8: {  	s3 =	sld [smem:$0x725];
	s1 =	simm.s32 $0x15D80  }
0x7b9: {  	[tilespmem:s1], [sflag:$0x3] =	stream.indirect.gather [hbm4b:s4+s7], $0x20, s0, s7, $0xb8;
	v63 =	vld [tilespmem:$0x0]  }
0x7ba: {  	s0 =	sld [smem:$0x726];
	s1 =	simm.s32 $0x163C0  }
0x7bb: {  	[tilespmem:s1], [sflag:$0x3] =	stream.indirect.gather [hbm4b:s4+s7], $0x20, s3, s7, $0xb8;
	v63 =	vld [tilespmem:$0x0]  }
0x7bc: {  	s3 =	sld [smem:$0x727];
	s1 =	simm.s32 $0x16A00  }
0x7bd: {  	[tilespmem:s1], [sflag:$0x3] =	stream.indirect.gather [hbm4b:s4+s7], $0x20, s0, s7, $0xb8;
	v63 =	vld [tilespmem:$0x0]  }
0x7be: {  	s0 =	sld [smem:$0x728];
	s1 =	simm.s32 $0x17040  }
0x7bf: {  	[tilespmem:s1], [sflag:$0x3] =	stream.indirect.gather [hbm4b:s4+s7], $0x20, s3, s7, $0xb8;
	v63 =	vld [tilespmem:$0x0]  }
0x7c0: {  	s3 =	sld [smem:$0x729];
	s1 =	simm.s32 $0x17680  }
0x7c1: {  	[tilespmem:s1], [sflag:$0x3] =	stream.indirect.gather [hbm4b:s4+s7], $0x20, s0, s7, $0xb8;
	v63 =	vld [tilespmem:$0x0]  }
0x7c2: {  	s0 =	sld [smem:$0x72A];
	s1 =	simm.s32 $0x17CC0  }
0x7c3: {  	[tilespmem:s1], [sflag:$0x3] =	stream.indirect.gather [hbm4b:s4+s7], $0x20, s3, s7, $0xb8;
	v63 =	vld [tilespmem:$0x0]  }
0x7c4: {  	s3 =	simm.s32 $0x18300  }
0x7c5: {  	[tilespmem:s3], [sflag:$0x3] =	stream.indirect.gather [hbm4b:s4+s7], $0x20, s0, s7, $0xb8;
	v63 =	vld [tilespmem:$0x0]  }
0x7c6: {  	s0 =	sld [smem:$0x72B];
	_ =	sdelay $0x1  }
0x7c7: {  	s1 =	simm.s32 $0x18940;
	s3 =	sld [smem:$0x72C]  }
0x7c8: {  	[tilespmem:s1], [sflag:$0x3] =	stream.indirect.gather [hbm4b:s4+s7], $0x20, s0, s7, $0xb8;
	v63 =	vld [tilespmem:$0x0]  }
0x7c9: {  	s0 =	sld [smem:$0x72D];
	s1 =	simm.s32 $0x18F80  }
0x7ca: {  	[tilespmem:s1], [sflag:$0x3] =	stream.indirect.gather [hbm4b:s4+s7], $0x20, s3, s7, $0xb8;
	v63 =	vld [tilespmem:$0x0]  }
0x7cb: {  	s3 =	simm.s32 $0x195C0  }
0x7cc: {  	[tilespmem:s3], [sflag:$0x3] =	stream.indirect.gather [hbm4b:s4+s7], $0x20, s0, s7, $0xb8;
	v63 =	vld [tilespmem:$0x0]  }
0x7cd: {  	_ =	swait.ge [sflag:s22], $0x640  }
0x7ce: {  	[sflag:s22] =	ssyncset.done $0x0  }
0x7cf: {  	[sflag:s22] =	ssyncadd.s32 $0xFFFFF9C0  }
0x7d0: {  	_ =	swait.ge [sflag:s22], $0x640  }
0x7d1: {  	[sflag:s22] =	ssyncset.done $0x0  }
0x7d2: {  	[sflag:s22] =	ssyncadd.s32 $0xFFFFF9C0  }
0x7d3: {  	_ =	swait.ge [sflag:s22], $0x640  }
0x7d4: {  	[sflag:s22] =	ssyncset.done $0x0  }
0x7d5: {  	[sflag:s22] =	ssyncadd.s32 $0xFFFFF9C0  }
0x7d6: {  	_ =	swait.ge [sflag:s22], $0x640  }
0x7d7: {  	[sflag:s22] =	ssyncset.done $0x0  }
0x7d8: {  	[sflag:s22] =	ssyncadd.s32 $0xFFFFF9C0  }
0x7d9: {  	_ =	swait.ge [sflag:s22], $0x640  }
0x7da: {  	[sflag:s22] =	ssyncset.done $0x0  }
0x7db: {  	[sflag:s22] =	ssyncadd.s32 $0xFFFFF9C0  }
0x7dc: {  	_ =	swait.ge [sflag:s22], $0x640  }
0x7dd: {  	[sflag:s22] =	ssyncset.done $0x0  }
0x7de: {  	[sflag:s22] =	ssyncadd.s32 $0xFFFFF9C0  }
0x7df: {  	_ =	swait.ge [sflag:s22], $0x640  }
0x7e0: {  	[sflag:s22] =	ssyncset.done $0x0  }
0x7e1: {  	[sflag:s22] =	ssyncadd.s32 $0xFFFFF9C0  }
0x7e2: {  	_ =	swait.ge [sflag:s22], $0x640  }
0x7e3: {  	[sflag:s22] =	ssyncset.done $0x0  }
0x7e4: {  	[sflag:s22] =	ssyncadd.s32 $0xFFFFF9C0  }
0x7e5: {  	_ =	swait.ge [sflag:s22], $0x640  }
0x7e6: {  	[sflag:s22] =	ssyncset.done $0x0  }
0x7e7: {  	[sflag:s22] =	ssyncadd.s32 $0xFFFFF9C0  }
0x7e8: {  	_ =	swait.ge [sflag:s22], $0x640  }
0x7e9: {  	[sflag:s22] =	ssyncset.done $0x0  }
0x7ea: {  	[sflag:s22] =	ssyncadd.s32 $0xFFFFF9C0  }
0x7eb: {  	_ =	swait.ge [sflag:s22], $0x640  }
0x7ec: {  	[sflag:s22] =	ssyncset.done $0x0  }
0x7ed: {  	[sflag:s22] =	ssyncadd.s32 $0xFFFFF9C0  }
0x7ee: {  	_ =	swait.ge [sflag:s22], $0x640  }
0x7ef: {  	[sflag:s22] =	ssyncset.done $0x0  }
0x7f0: {  	[sflag:s22] =	ssyncadd.s32 $0xFFFFF9C0  }
0x7f1: {  	_ =	swait.ge [sflag:s22], $0x640  }
0x7f2: {  	[sflag:s22] =	ssyncset.done $0x0  }
0x7f3: {  	[sflag:s22] =	ssyncadd.s32 $0xFFFFF9C0  }
0x7f4: {  	_ =	swait.ge [sflag:s22], $0x640  }
0x7f5: {  	[sflag:s22] =	ssyncset.done $0x0  }
0x7f6: {  	[sflag:s22] =	ssyncadd.s32 $0xFFFFF9C0  }
0x7f7: {  	_ =	swait.ge [sflag:s22], $0x640  }
0x7f8: {  	[sflag:s22] =	ssyncset.done $0x0  }
0x7f9: {  	[sflag:s22] =	ssyncadd.s32 $0xFFFFF9C0  }
0x7fa: {  	_ =	swait.ge [sflag:s22], $0x640  }
0x7fb: {  	[sflag:s22] =	ssyncset.done $0x0  }
0x7fc: {  	s1 =	simm.s32 $0x7000;
	s3 =	rddreg [dreg:$0x13];
	[sflag:s22] =	ssyncadd.s32 $0xFFFFF9C0  }
0x7fd: {  	[hbm4b:s3+s6] =	stream.linear.scatter [tilespmem:s1], [sflag:$0x5], $0x6400, $0x38;
	v63 =	vld [tilespmem:$0x0]  }
0x7fe: {  	_ =	swait.ge [sflag:s31], $0x6400  }
0x7ff: {  	s0 =	sld [smem:$0x72E]  }
0x800: {  	[sflag:s31] =	ssyncset.done $0x0  }
0x801: {  	s3 =	sld [smem:$0x72F];
	[sflag:s31] =	ssyncadd.s32 $0xFFFF9C00  }
0x802: {  	[tilespmem:s2], [sflag:$0x4] =	stream.indirect.gather [hbm4b:s4+s7], $0x20, s0, s7, $0xb8;
	v63 =	vld [tilespmem:$0x0]  }
0x803: {  	s0 =	sld [smem:$0x730]  }
0x804: {  	[tilespmem:s8], [sflag:$0x4] =	stream.indirect.gather [hbm4b:s4+s7], $0x20, s3, s7, $0xb8;
	v63 =	vld [tilespmem:$0x0]  }
0x805: {  	s2 =	sld [smem:$0x731]  }
0x806: {  	[tilespmem:s12], [sflag:$0x4] =	stream.indirect.gather [hbm4b:s4+s7], $0x20, s0, s7, $0xb8;
	v63 =	vld [tilespmem:$0x0]  }
0x807: {  	s8 =	sld [smem:$0x732]  }
0x808: {  	[tilespmem:s9], [sflag:$0x4] =	stream.indirect.gather [hbm4b:s4+s7], $0x20, s2, s7, $0xb8;
	v63 =	vld [tilespmem:$0x0]  }
0x809: {  	s9 =	sld [smem:$0x733]  }
0x80a: {  	[tilespmem:s14], [sflag:$0x4] =	stream.indirect.gather [hbm4b:s4+s7], $0x20, s8, s7, $0xb8;
	v63 =	vld [tilespmem:$0x0]  }
0x80b: {  	s12 =	sld [smem:$0x734]  }
0x80c: {  	[tilespmem:s13], [sflag:$0x4] =	stream.indirect.gather [hbm4b:s4+s7], $0x20, s9, s7, $0xb8;
	v63 =	vld [tilespmem:$0x0]  }
0x80d: {  	s13 =	sld [smem:$0x735]  }
0x80e: {  	[tilespmem:s16], [sflag:$0x4] =	stream.indirect.gather [hbm4b:s4+s7], $0x20, s12, s7, $0xb8;
	v63 =	vld [tilespmem:$0x0]  }
0x80f: {  	s14 =	sld [smem:$0x736]  }
0x810: {  	[tilespmem:s15], [sflag:$0x4] =	stream.indirect.gather [hbm4b:s4+s7], $0x20, s13, s7, $0xb8;
	v63 =	vld [tilespmem:$0x0]  }
0x811: {  	s16 =	sld [smem:$0x737]  }
0x812: {  	[tilespmem:s18], [sflag:$0x4] =	stream.indirect.gather [hbm4b:s4+s7], $0x20, s14, s7, $0xb8;
	v63 =	vld [tilespmem:$0x0]  }
0x813: {  	s2 =	sld [smem:$0x738]  }
0x814: {  	[tilespmem:s17], [sflag:$0x4] =	stream.indirect.gather [hbm4b:s4+s7], $0x20, s16, s7, $0xb8;
	v63 =	vld [tilespmem:$0x0]  }
0x815: {  	s8 =	sld [smem:$0x739]  }
0x816: {  	[tilespmem:s24], [sflag:$0x4] =	stream.indirect.gather [hbm4b:s4+s7], $0x20, s2, s7, $0xb8;
	v63 =	vld [tilespmem:$0x0]  }
0x817: {  	s9 =	sld [smem:$0x73A]  }
0x818: {  	[tilespmem:s19], [sflag:$0x4] =	stream.indirect.gather [hbm4b:s4+s7], $0x20, s8, s7, $0xb8;
	v63 =	vld [tilespmem:$0x0]  }
0x819: {  	s12 =	sld [smem:$0x73B];
	s14 =	simm.s32 $0x1E700  }
0x81a: {  	[tilespmem:s14], [sflag:$0x4] =	stream.indirect.gather [hbm4b:s4+s7], $0x20, s9, s7, $0xb8;
	v63 =	vld [tilespmem:$0x0]  }
0x81b: {  	s15 =	sld [smem:$0x73C];
	s13 =	simm.s32 $0x1ED40  }
0x81c: {  	[tilespmem:s13], [sflag:$0x4] =	stream.indirect.gather [hbm4b:s4+s7], $0x20, s12, s7, $0xb8;
	v63 =	vld [tilespmem:$0x0]  }
0x81d: {  	s16 =	sld [smem:$0x73D];
	s17 =	simm.s32 $0x1F380  }
0x81e: {  	[tilespmem:s17], [sflag:$0x4] =	stream.indirect.gather [hbm4b:s4+s7], $0x20, s15, s7, $0xb8;
	v63 =	vld [tilespmem:$0x0]  }
0x81f: {  	s9 =	simm.s32 $0x1F9C0  }
0x820: {  	[tilespmem:s9], [sflag:$0x4] =	stream.indirect.gather [hbm4b:s4+s7], $0x20, s16, s7, $0xb8;
	v63 =	vld [tilespmem:$0x0]  }
0x821: {  	_ =	swait.ge [sflag:s23], $0x640  }
0x822: {  	[sflag:s23] =	ssyncset.done $0x0  }
0x823: {  	[sflag:s23] =	ssyncadd.s32 $0xFFFFF9C0  }
0x824: {  	_ =	swait.ge [sflag:s23], $0x640  }
0x825: {  	[sflag:s23] =	ssyncset.done $0x0  }
0x826: {  	[sflag:s23] =	ssyncadd.s32 $0xFFFFF9C0  }
0x827: {  	_ =	swait.ge [sflag:s23], $0x640  }
0x828: {  	[sflag:s23] =	ssyncset.done $0x0  }
0x829: {  	[sflag:s23] =	ssyncadd.s32 $0xFFFFF9C0  }
0x82a: {  	_ =	swait.ge [sflag:s23], $0x640  }
0x82b: {  	[sflag:s23] =	ssyncset.done $0x0  }
0x82c: {  	[sflag:s23] =	ssyncadd.s32 $0xFFFFF9C0  }
0x82d: {  	_ =	swait.ge [sflag:s23], $0x640  }
0x82e: {  	[sflag:s23] =	ssyncset.done $0x0  }
0x82f: {  	[sflag:s23] =	ssyncadd.s32 $0xFFFFF9C0  }
0x830: {  	_ =	swait.ge [sflag:s23], $0x640  }
0x831: {  	[sflag:s23] =	ssyncset.done $0x0  }
0x832: {  	[sflag:s23] =	ssyncadd.s32 $0xFFFFF9C0  }
0x833: {  	_ =	swait.ge [sflag:s23], $0x640  }
0x834: {  	[sflag:s23] =	ssyncset.done $0x0  }
0x835: {  	[sflag:s23] =	ssyncadd.s32 $0xFFFFF9C0  }
0x836: {  	_ =	swait.ge [sflag:s23], $0x640  }
0x837: {  	[sflag:s23] =	ssyncset.done $0x0  }
0x838: {  	[sflag:s23] =	ssyncadd.s32 $0xFFFFF9C0  }
0x839: {  	_ =	swait.ge [sflag:s23], $0x640  }
0x83a: {  	[sflag:s23] =	ssyncset.done $0x0  }
0x83b: {  	[sflag:s23] =	ssyncadd.s32 $0xFFFFF9C0  }
0x83c: {  	_ =	swait.ge [sflag:s23], $0x640  }
0x83d: {  	[sflag:s23] =	ssyncset.done $0x0  }
0x83e: {  	[sflag:s23] =	ssyncadd.s32 $0xFFFFF9C0  }
0x83f: {  	_ =	swait.ge [sflag:s23], $0x640  }
0x840: {  	[sflag:s23] =	ssyncset.done $0x0  }
0x841: {  	[sflag:s23] =	ssyncadd.s32 $0xFFFFF9C0  }
0x842: {  	_ =	swait.ge [sflag:s23], $0x640  }
0x843: {  	[sflag:s23] =	ssyncset.done $0x0  }
0x844: {  	[sflag:s23] =	ssyncadd.s32 $0xFFFFF9C0  }
0x845: {  	_ =	swait.ge [sflag:s23], $0x640  }
0x846: {  	[sflag:s23] =	ssyncset.done $0x0  }
0x847: {  	[sflag:s23] =	ssyncadd.s32 $0xFFFFF9C0  }
0x848: {  	_ =	swait.ge [sflag:s23], $0x640  }
0x849: {  	[sflag:s23] =	ssyncset.done $0x0  }
0x84a: {  	[sflag:s23] =	ssyncadd.s32 $0xFFFFF9C0  }
0x84b: {  	_ =	swait.ge [sflag:s23], $0x640  }
0x84c: {  	[sflag:s23] =	ssyncset.done $0x0  }
0x84d: {  	[sflag:s23] =	ssyncadd.s32 $0xFFFFF9C0  }
0x84e: {  	_ =	swait.ge [sflag:s23], $0x640  }
0x84f: {  	[sflag:s23] =	ssyncset.done $0x0  }
0x850: {  	s12 =	simm.s32 $0xD400;
	s18 =	rddreg [dreg:$0x14];
	[sflag:s23] =	ssyncadd.s32 $0xFFFFF9C0  }
0x851: {  	[hbm4b:s18+s6] =	stream.linear.scatter [tilespmem:s12], [sflag:$0x6], $0x6400, $0x38;
	v63 =	vld [tilespmem:$0x0]  }
0x852: {  	_ =	swait.ge [sflag:s25], $0x6400  }
0x853: {  	s19 =	sld [smem:$0x73E]  }
0x854: {  	[sflag:s25] =	ssyncset.done $0x0  }
0x855: {  	s2 =	sld [smem:$0x73F];
	[sflag:s25] =	ssyncadd.s32 $0xFFFF9C00  }
0x856: {  	[tilespmem:s1], [sflag:$0x1] =	stream.indirect.gather [hbm4b:s4+s7], $0x20, s19, s7, $0xb8;
	v63 =	vld [tilespmem:$0x0]  }
0x857: {  	s14 =	simm.s32 $0x7640;
	s8 =	sld [smem:$0x740]  }
0x858: {  	[tilespmem:s14], [sflag:$0x1] =	stream.indirect.gather [hbm4b:s4+s7], $0x20, s2, s7, $0xb8;
	v63 =	vld [tilespmem:$0x0]  }
0x859: {  	s16 =	simm.s32 $0x7C80;
	s15 =	sld [smem:$0x741]  }
0x85a: {  	[tilespmem:s16], [sflag:$0x1] =	stream.indirect.gather [hbm4b:s4+s7], $0x20, s8, s7, $0xb8;
	v63 =	vld [tilespmem:$0x0]  }
0x85b: {  	s18 =	simm.s32 $0x82C0;
	s17 =	sld [smem:$0x742]  }
0x85c: {  	[tilespmem:s18], [sflag:$0x1] =	stream.indirect.gather [hbm4b:s4+s7], $0x20, s15, s7, $0xb8;
	v63 =	vld [tilespmem:$0x0]  }
0x85d: {  	s19 =	sld [smem:$0x743];
	s14 =	simm.s32 $0x8900  }
0x85e: {  	[tilespmem:s14], [sflag:$0x1] =	stream.indirect.gather [hbm4b:s4+s7], $0x20, s17, s7, $0xb8;
	v63 =	vld [tilespmem:$0x0]  }
0x85f: {  	s1 =	sld [smem:$0x744];
	s15 =	simm.s32 $0x8F40  }
0x860: {  	[tilespmem:s15], [sflag:$0x1] =	stream.indirect.gather [hbm4b:s4+s7], $0x20, s19, s7, $0xb8;
	v63 =	vld [tilespmem:$0x0]  }
0x861: {  	s2 =	sld [smem:$0x745];
	s16 =	simm.s32 $0x9580  }
0x862: {  	[tilespmem:s16], [sflag:$0x1] =	stream.indirect.gather [hbm4b:s4+s7], $0x20, s1, s7, $0xb8;
	v63 =	vld [tilespmem:$0x0]  }
0x863: {  	s8 =	sld [smem:$0x746];
	s17 =	simm.s32 $0x9BC0  }
0x864: {  	[tilespmem:s17], [sflag:$0x1] =	stream.indirect.gather [hbm4b:s4+s7], $0x20, s2, s7, $0xb8;
	v63 =	vld [tilespmem:$0x0]  }
0x865: {  	s18 =	sld [smem:$0x747];
	s19 =	simm.s32 $0xA200  }
0x866: {  	[tilespmem:s19], [sflag:$0x1] =	stream.indirect.gather [hbm4b:s4+s7], $0x20, s8, s7, $0xb8;
	v63 =	vld [tilespmem:$0x0]  }
0x867: {  	s2 =	sld [smem:$0x748];
	s8 =	simm.s32 $0xA840  }
0x868: {  	[tilespmem:s8], [sflag:$0x1] =	stream.indirect.gather [hbm4b:s4+s7], $0x20, s18, s7, $0xb8;
	v63 =	vld [tilespmem:$0x0]  }
0x869: {  	s19 =	simm.s32 $0xAE80;
	s18 =	sld [smem:$0x749]  }
0x86a: {  	[tilespmem:s19], [sflag:$0x1] =	stream.indirect.gather [hbm4b:s4+s7], $0x20, s2, s7, $0xb8;
	v63 =	vld [tilespmem:$0x0]  }
0x86b: {  	s8 =	simm.s32 $0xB4C0;
	s2 =	sld [smem:$0x74A]  }
0x86c: {  	[tilespmem:s8], [sflag:$0x1] =	stream.indirect.gather [hbm4b:s4+s7], $0x20, s18, s7, $0xb8;
	v63 =	vld [tilespmem:$0x0]  }
0x86d: {  	s19 =	simm.s32 $0xBB00;
	s18 =	sld [smem:$0x74B]  }
0x86e: {  	[tilespmem:s19], [sflag:$0x1] =	stream.indirect.gather [hbm4b:s4+s7], $0x20, s2, s7, $0xb8;
	v63 =	vld [tilespmem:$0x0]  }
0x86f: {  	s8 =	simm.s32 $0xC140;
	s2 =	sld [smem:$0x74C]  }
0x870: {  	[tilespmem:s8], [sflag:$0x1] =	stream.indirect.gather [hbm4b:s4+s7], $0x20, s18, s7, $0xb8;
	v63 =	vld [tilespmem:$0x0]  }
0x871: {  	s19 =	simm.s32 $0xC780;
	s18 =	sld [smem:$0x74D]  }
0x872: {  	[tilespmem:s19], [sflag:$0x1] =	stream.indirect.gather [hbm4b:s4+s7], $0x20, s2, s7, $0xb8;
	v63 =	vld [tilespmem:$0x0]  }
0x873: {  	s1 =	simm.s32 $0xCDC0  }
0x874: {  	[tilespmem:s1], [sflag:$0x1] =	stream.indirect.gather [hbm4b:s4+s7], $0x20, s18, s7, $0xb8;
	v63 =	vld [tilespmem:$0x0]  }
0x875: {  	_ =	swait.ge [sflag:s26], $0x640  }
0x876: {  	[sflag:s26] =	ssyncset.done $0x0  }
0x877: {  	[sflag:s26] =	ssyncadd.s32 $0xFFFFF9C0  }
0x878: {  	_ =	swait.ge [sflag:s26], $0x640  }
0x879: {  	[sflag:s26] =	ssyncset.done $0x0  }
0x87a: {  	[sflag:s26] =	ssyncadd.s32 $0xFFFFF9C0  }
0x87b: {  	_ =	swait.ge [sflag:s26], $0x640  }
0x87c: {  	[sflag:s26] =	ssyncset.done $0x0  }
0x87d: {  	[sflag:s26] =	ssyncadd.s32 $0xFFFFF9C0  }
0x87e: {  	_ =	swait.ge [sflag:s26], $0x640  }
0x87f: {  	[sflag:s26] =	ssyncset.done $0x0  }
0x880: {  	[sflag:s26] =	ssyncadd.s32 $0xFFFFF9C0  }
0x881: {  	_ =	swait.ge [sflag:s26], $0x640  }
0x882: {  	[sflag:s26] =	ssyncset.done $0x0  }
0x883: {  	[sflag:s26] =	ssyncadd.s32 $0xFFFFF9C0  }
0x884: {  	_ =	swait.ge [sflag:s26], $0x640  }
0x885: {  	[sflag:s26] =	ssyncset.done $0x0  }
0x886: {  	[sflag:s26] =	ssyncadd.s32 $0xFFFFF9C0  }
0x887: {  	_ =	swait.ge [sflag:s26], $0x640  }
0x888: {  	[sflag:s26] =	ssyncset.done $0x0  }
0x889: {  	[sflag:s26] =	ssyncadd.s32 $0xFFFFF9C0  }
0x88a: {  	_ =	swait.ge [sflag:s26], $0x640  }
0x88b: {  	[sflag:s26] =	ssyncset.done $0x0  }
0x88c: {  	[sflag:s26] =	ssyncadd.s32 $0xFFFFF9C0  }
0x88d: {  	_ =	swait.ge [sflag:s26], $0x640  }
0x88e: {  	[sflag:s26] =	ssyncset.done $0x0  }
0x88f: {  	[sflag:s26] =	ssyncadd.s32 $0xFFFFF9C0  }
0x890: {  	_ =	swait.ge [sflag:s26], $0x640  }
0x891: {  	[sflag:s26] =	ssyncset.done $0x0  }
0x892: {  	[sflag:s26] =	ssyncadd.s32 $0xFFFFF9C0  }
0x893: {  	_ =	swait.ge [sflag:s26], $0x640  }
0x894: {  	[sflag:s26] =	ssyncset.done $0x0  }
0x895: {  	[sflag:s26] =	ssyncadd.s32 $0xFFFFF9C0  }
0x896: {  	_ =	swait.ge [sflag:s26], $0x640  }
0x897: {  	[sflag:s26] =	ssyncset.done $0x0  }
0x898: {  	[sflag:s26] =	ssyncadd.s32 $0xFFFFF9C0  }
0x899: {  	_ =	swait.ge [sflag:s26], $0x640  }
0x89a: {  	[sflag:s26] =	ssyncset.done $0x0  }
0x89b: {  	[sflag:s26] =	ssyncadd.s32 $0xFFFFF9C0  }
0x89c: {  	_ =	swait.ge [sflag:s26], $0x640  }
0x89d: {  	[sflag:s26] =	ssyncset.done $0x0  }
0x89e: {  	[sflag:s26] =	ssyncadd.s32 $0xFFFFF9C0  }
0x89f: {  	_ =	swait.ge [sflag:s26], $0x640  }
0x8a0: {  	[sflag:s26] =	ssyncset.done $0x0  }
0x8a1: {  	[sflag:s26] =	ssyncadd.s32 $0xFFFFF9C0  }
0x8a2: {  	_ =	swait.ge [sflag:s26], $0x640  }
0x8a3: {  	[sflag:s26] =	ssyncset.done $0x0  }
0x8a4: {  	s1 =	simm.s32 $0x13800;
	s2 =	rddreg [dreg:$0x15];
	[sflag:s26] =	ssyncadd.s32 $0xFFFFF9C0  }
0x8a5: {  	[hbm4b:s2+s6] =	stream.linear.scatter [tilespmem:s1], [sflag:$0x7], $0x6400, $0x38;
	v63 =	vld [tilespmem:$0x0]  }
0x8a6: {  	_ =	swait.ge [sflag:s28], $0x6400  }
0x8a7: {  	s3 =	sld [smem:$0x74E]  }
0x8a8: {  	[sflag:s28] =	ssyncset.done $0x0  }
0x8a9: {  	s8 =	sld [smem:$0x74F];
	[sflag:s28] =	ssyncadd.s32 $0xFFFF9C00  }
0x8aa: {  	[tilespmem:s12], [sflag:$0x2] =	stream.indirect.gather [hbm4b:s4+s7], $0x20, s3, s7, $0xb8;
	v63 =	vld [tilespmem:$0x0]  }
0x8ab: {  	s19 =	simm.s32 $0xDA40;
	s18 =	sld [smem:$0x750]  }
0x8ac: {  	[tilespmem:s19], [sflag:$0x2] =	stream.indirect.gather [hbm4b:s4+s7], $0x20, s8, s7, $0xb8;
	v63 =	vld [tilespmem:$0x0]  }
0x8ad: {  	s12 =	simm.s32 $0xE080;
	s8 =	sld [smem:$0x751]  }
0x8ae: {  	[tilespmem:s12], [sflag:$0x2] =	stream.indirect.gather [hbm4b:s4+s7], $0x20, s18, s7, $0xb8;
	v63 =	vld [tilespmem:$0x0]  }
0x8af: {  	s19 =	simm.s32 $0xE6C0;
	s18 =	sld [smem:$0x752]  }
0x8b0: {  	[tilespmem:s19], [sflag:$0x2] =	stream.indirect.gather [hbm4b:s4+s7], $0x20, s8, s7, $0xb8;
	v63 =	vld [tilespmem:$0x0]  }
0x8b1: {  	s12 =	simm.s32 $0xED00;
	s8 =	sld [smem:$0x753]  }
0x8b2: {  	[tilespmem:s12], [sflag:$0x2] =	stream.indirect.gather [hbm4b:s4+s7], $0x20, s18, s7, $0xb8;
	v63 =	vld [tilespmem:$0x0]  }
0x8b3: {  	s19 =	simm.s32 $0xF340;
	s18 =	sld [smem:$0x754]  }
0x8b4: {  	[tilespmem:s19], [sflag:$0x2] =	stream.indirect.gather [hbm4b:s4+s7], $0x20, s8, s7, $0xb8;
	v63 =	vld [tilespmem:$0x0]  }
0x8b5: {  	s12 =	simm.s32 $0xF980;
	s8 =	sld [smem:$0x755]  }
0x8b6: {  	[tilespmem:s12], [sflag:$0x2] =	stream.indirect.gather [hbm4b:s4+s7], $0x20, s18, s7, $0xb8;
	v63 =	vld [tilespmem:$0x0]  }
0x8b7: {  	s19 =	simm.s32 $0xFFC0;
	s18 =	sld [smem:$0x756]  }
0x8b8: {  	[tilespmem:s19], [sflag:$0x2] =	stream.indirect.gather [hbm4b:s4+s7], $0x20, s8, s7, $0xb8;
	v63 =	vld [tilespmem:$0x0]  }
0x8b9: {  	s12 =	simm.s32 $0x10600;
	s8 =	sld [smem:$0x757]  }
0x8ba: {  	[tilespmem:s12], [sflag:$0x2] =	stream.indirect.gather [hbm4b:s4+s7], $0x20, s18, s7, $0xb8;
	v63 =	vld [tilespmem:$0x0]  }
0x8bb: {  	s19 =	simm.s32 $0x10C40;
	s18 =	sld [smem:$0x758]  }
0x8bc: {  	[tilespmem:s19], [sflag:$0x2] =	stream.indirect.gather [hbm4b:s4+s7], $0x20, s8, s7, $0xb8;
	v63 =	vld [tilespmem:$0x0]  }
0x8bd: {  	s12 =	simm.s32 $0x11280;
	s8 =	sld [smem:$0x759]  }
0x8be: {  	[tilespmem:s12], [sflag:$0x2] =	stream.indirect.gather [hbm4b:s4+s7], $0x20, s18, s7, $0xb8;
	v63 =	vld [tilespmem:$0x0]  }
0x8bf: {  	s19 =	simm.s32 $0x118C0;
	s18 =	sld [smem:$0x75A]  }
0x8c0: {  	[tilespmem:s19], [sflag:$0x2] =	stream.indirect.gather [hbm4b:s4+s7], $0x20, s8, s7, $0xb8;
	v63 =	vld [tilespmem:$0x0]  }
0x8c1: {  	s12 =	simm.s32 $0x11F00;
	s8 =	sld [smem:$0x75B]  }
0x8c2: {  	[tilespmem:s12], [sflag:$0x2] =	stream.indirect.gather [hbm4b:s4+s7], $0x20, s18, s7, $0xb8;
	v63 =	vld [tilespmem:$0x0]  }
0x8c3: {  	s19 =	simm.s32 $0x12540;
	s18 =	sld [smem:$0x75C]  }
0x8c4: {  	[tilespmem:s19], [sflag:$0x2] =	stream.indirect.gather [hbm4b:s4+s7], $0x20, s8, s7, $0xb8;
	v63 =	vld [tilespmem:$0x0]  }
0x8c5: {  	s8 =	sld [smem:$0x75D]  }
0x8c6: {  	[tilespmem:s5], [sflag:$0x2] =	stream.indirect.gather [hbm4b:s4+s7], $0x20, s18, s7, $0xb8;
	v63 =	vld [tilespmem:$0x0]  }
0x8c7: {  	_ = 	snop  }
0x8c8: {  	[tilespmem:s10], [sflag:$0x2] =	stream.indirect.gather [hbm4b:s4+s7], $0x20, s8, s7, $0xb8;
	v63 =	vld [tilespmem:$0x0]  }
0x8c9: {  	_ =	swait.ge [sflag:s29], $0x640  }
0x8ca: {  	[sflag:s29] =	ssyncset.done $0x0  }
0x8cb: {  	[sflag:s29] =	ssyncadd.s32 $0xFFFFF9C0  }
0x8cc: {  	_ =	swait.ge [sflag:s29], $0x640  }
0x8cd: {  	[sflag:s29] =	ssyncset.done $0x0  }
0x8ce: {  	[sflag:s29] =	ssyncadd.s32 $0xFFFFF9C0  }
0x8cf: {  	_ =	swait.ge [sflag:s29], $0x640  }
0x8d0: {  	[sflag:s29] =	ssyncset.done $0x0  }
0x8d1: {  	[sflag:s29] =	ssyncadd.s32 $0xFFFFF9C0  }
0x8d2: {  	_ =	swait.ge [sflag:s29], $0x640  }
0x8d3: {  	[sflag:s29] =	ssyncset.done $0x0  }
0x8d4: {  	[sflag:s29] =	ssyncadd.s32 $0xFFFFF9C0  }
0x8d5: {  	_ =	swait.ge [sflag:s29], $0x640  }
0x8d6: {  	[sflag:s29] =	ssyncset.done $0x0  }
0x8d7: {  	[sflag:s29] =	ssyncadd.s32 $0xFFFFF9C0  }
0x8d8: {  	_ =	swait.ge [sflag:s29], $0x640  }
0x8d9: {  	[sflag:s29] =	ssyncset.done $0x0  }
0x8da: {  	[sflag:s29] =	ssyncadd.s32 $0xFFFFF9C0  }
0x8db: {  	_ =	swait.ge [sflag:s29], $0x640  }
0x8dc: {  	[sflag:s29] =	ssyncset.done $0x0  }
0x8dd: {  	[sflag:s29] =	ssyncadd.s32 $0xFFFFF9C0  }
0x8de: {  	_ =	swait.ge [sflag:s29], $0x640  }
0x8df: {  	[sflag:s29] =	ssyncset.done $0x0  }
0x8e0: {  	[sflag:s29] =	ssyncadd.s32 $0xFFFFF9C0  }
0x8e1: {  	_ =	swait.ge [sflag:s29], $0x640  }
0x8e2: {  	[sflag:s29] =	ssyncset.done $0x0  }
0x8e3: {  	[sflag:s29] =	ssyncadd.s32 $0xFFFFF9C0  }
0x8e4: {  	_ =	swait.ge [sflag:s29], $0x640  }
0x8e5: {  	[sflag:s29] =	ssyncset.done $0x0  }
0x8e6: {  	[sflag:s29] =	ssyncadd.s32 $0xFFFFF9C0  }
0x8e7: {  	_ =	swait.ge [sflag:s29], $0x640  }
0x8e8: {  	[sflag:s29] =	ssyncset.done $0x0  }
0x8e9: {  	[sflag:s29] =	ssyncadd.s32 $0xFFFFF9C0  }
0x8ea: {  	_ =	swait.ge [sflag:s29], $0x640  }
0x8eb: {  	[sflag:s29] =	ssyncset.done $0x0  }
0x8ec: {  	[sflag:s29] =	ssyncadd.s32 $0xFFFFF9C0  }
0x8ed: {  	_ =	swait.ge [sflag:s29], $0x640  }
0x8ee: {  	[sflag:s29] =	ssyncset.done $0x0  }
0x8ef: {  	[sflag:s29] =	ssyncadd.s32 $0xFFFFF9C0  }
0x8f0: {  	_ =	swait.ge [sflag:s29], $0x640  }
0x8f1: {  	[sflag:s29] =	ssyncset.done $0x0  }
0x8f2: {  	[sflag:s29] =	ssyncadd.s32 $0xFFFFF9C0  }
0x8f3: {  	_ =	swait.ge [sflag:s29], $0x640  }
0x8f4: {  	[sflag:s29] =	ssyncset.done $0x0  }
0x8f5: {  	[sflag:s29] =	ssyncadd.s32 $0xFFFFF9C0  }
0x8f6: {  	_ =	swait.ge [sflag:s29], $0x640  }
0x8f7: {  	[sflag:s29] =	ssyncset.done $0x0  }
0x8f8: {  	s10 =	simm.s32 $0x19C00;
	s12 =	rddreg [dreg:$0x16];
	[sflag:s29] =	ssyncadd.s32 $0xFFFFF9C0  }
0x8f9: {  	[hbm4b:s12+s6] =	stream.linear.scatter [tilespmem:s10], [sflag:$0x8], $0x6400, $0x38;
	v63 =	vld [tilespmem:$0x0]  }
0x8fa: {  	_ =	swait.ge [sflag:s30], $0x6400  }
0x8fb: {  	s18 =	sld [smem:$0x75E]  }
0x8fc: {  	[sflag:s30] =	ssyncset.done $0x0  }
0x8fd: {  	s19 =	sld [smem:$0x75F];
	[sflag:s30] =	ssyncadd.s32 $0xFFFF9C00  }
0x8fe: {  	[tilespmem:s1], [sflag:$0x3] =	stream.indirect.gather [hbm4b:s4+s7], $0x20, s18, s7, $0xb8;
	v63 =	vld [tilespmem:$0x0]  }
0x8ff: {  	s8 =	simm.s32 $0x13E40;
	s2 =	sld [smem:$0x760]  }
0x900: {  	[tilespmem:s8], [sflag:$0x3] =	stream.indirect.gather [hbm4b:s4+s7], $0x20, s19, s7, $0xb8;
	v63 =	vld [tilespmem:$0x0]  }
0x901: {  	s12 =	sld [smem:$0x761];
	s18 =	simm.s32 $0x14480  }
0x902: {  	[tilespmem:s18], [sflag:$0x3] =	stream.indirect.gather [hbm4b:s4+s7], $0x20, s2, s7, $0xb8;
	v63 =	vld [tilespmem:$0x0]  }
0x903: {  	s19 =	sld [smem:$0x762]  }
0x904: {  	[tilespmem:s11], [sflag:$0x3] =	stream.indirect.gather [hbm4b:s4+s7], $0x20, s12, s7, $0xb8;
	v63 =	vld [tilespmem:$0x0]  }
0x905: {  	s1 =	sld [smem:$0x763]  }
0x906: {  	[tilespmem:s20], [sflag:$0x3] =	stream.indirect.gather [hbm4b:s4+s7], $0x20, s19, s7, $0xb8;
	v63 =	vld [tilespmem:$0x0]  }
0x907: {  	s2 =	sld [smem:$0x764]  }
0x908: {  	[tilespmem:s21], [sflag:$0x3] =	stream.indirect.gather [hbm4b:s4+s7], $0x20, s1, s7, $0xb8;
	v63 =	vld [tilespmem:$0x0]  }
0x909: {  	s8 =	sld [smem:$0x765];
	s11 =	simm.s32 $0x15D80  }
0x90a: {  	[tilespmem:s11], [sflag:$0x3] =	stream.indirect.gather [hbm4b:s4+s7], $0x20, s2, s7, $0xb8;
	v63 =	vld [tilespmem:$0x0]  }
0x90b: {  	s18 =	simm.s32 $0x163C0;
	s12 =	sld [smem:$0x766]  }
0x90c: {  	[tilespmem:s18], [sflag:$0x3] =	stream.indirect.gather [hbm4b:s4+s7], $0x20, s8, s7, $0xb8;
	v63 =	vld [tilespmem:$0x0]  }
0x90d: {  	s19 =	sld [smem:$0x767];
	s20 =	simm.s32 $0x16A00  }
0x90e: {  	[tilespmem:s20], [sflag:$0x3] =	stream.indirect.gather [hbm4b:s4+s7], $0x20, s12, s7, $0xb8;
	v63 =	vld [tilespmem:$0x0]  }
0x90f: {  	s21 =	sld [smem:$0x768];
	s2 =	simm.s32 $0x17040  }
0x910: {  	[tilespmem:s2], [sflag:$0x3] =	stream.indirect.gather [hbm4b:s4+s7], $0x20, s19, s7, $0xb8;
	v63 =	vld [tilespmem:$0x0]  }
0x911: {  	s11 =	simm.s32 $0x17680;
	s8 =	sld [smem:$0x769]  }
0x912: {  	[tilespmem:s11], [sflag:$0x3] =	stream.indirect.gather [hbm4b:s4+s7], $0x20, s21, s7, $0xb8;
	v63 =	vld [tilespmem:$0x0]  }
0x913: {  	s18 =	simm.s32 $0x17CC0;
	s12 =	sld [smem:$0x76A]  }
0x914: {  	[tilespmem:s18], [sflag:$0x3] =	stream.indirect.gather [hbm4b:s4+s7], $0x20, s8, s7, $0xb8;
	v63 =	vld [tilespmem:$0x0]  }
0x915: {  	s20 =	simm.s32 $0x18300;
	s19 =	sld [smem:$0x76B]  }
0x916: {  	[tilespmem:s20], [sflag:$0x3] =	stream.indirect.gather [hbm4b:s4+s7], $0x20, s12, s7, $0xb8;
	v63 =	vld [tilespmem:$0x0]  }
0x917: {  	s2 =	simm.s32 $0x18940;
	s21 =	sld [smem:$0x76C]  }
0x918: {  	[tilespmem:s2], [sflag:$0x3] =	stream.indirect.gather [hbm4b:s4+s7], $0x20, s19, s7, $0xb8;
	v63 =	vld [tilespmem:$0x0]  }
0x919: {  	s11 =	simm.s32 $0x18F80;
	s8 =	sld [smem:$0x76D]  }
0x91a: {  	[tilespmem:s11], [sflag:$0x3] =	stream.indirect.gather [hbm4b:s4+s7], $0x20, s21, s7, $0xb8;
	v63 =	vld [tilespmem:$0x0]  }
0x91b: {  	s12 =	simm.s32 $0x195C0  }
0x91c: {  	[tilespmem:s12], [sflag:$0x3] =	stream.indirect.gather [hbm4b:s4+s7], $0x20, s8, s7, $0xb8;
	v63 =	vld [tilespmem:$0x0]  }
0x91d: {  	_ =	swait.ge [sflag:s22], $0x640  }
0x91e: {  	[sflag:s22] =	ssyncset.done $0x0  }
0x91f: {  	[sflag:s22] =	ssyncadd.s32 $0xFFFFF9C0  }
0x920: {  	_ =	swait.ge [sflag:s22], $0x640  }
0x921: {  	[sflag:s22] =	ssyncset.done $0x0  }
0x922: {  	[sflag:s22] =	ssyncadd.s32 $0xFFFFF9C0  }
0x923: {  	_ =	swait.ge [sflag:s22], $0x640  }
0x924: {  	[sflag:s22] =	ssyncset.done $0x0  }
0x925: {  	[sflag:s22] =	ssyncadd.s32 $0xFFFFF9C0  }
0x926: {  	_ =	swait.ge [sflag:s22], $0x640  }
0x927: {  	[sflag:s22] =	ssyncset.done $0x0  }
0x928: {  	[sflag:s22] =	ssyncadd.s32 $0xFFFFF9C0  }
0x929: {  	_ =	swait.ge [sflag:s22], $0x640  }
0x92a: {  	[sflag:s22] =	ssyncset.done $0x0  }
0x92b: {  	[sflag:s22] =	ssyncadd.s32 $0xFFFFF9C0  }
0x92c: {  	_ =	swait.ge [sflag:s22], $0x640  }
0x92d: {  	[sflag:s22] =	ssyncset.done $0x0  }
0x92e: {  	[sflag:s22] =	ssyncadd.s32 $0xFFFFF9C0  }
0x92f: {  	_ =	swait.ge [sflag:s22], $0x640  }
0x930: {  	[sflag:s22] =	ssyncset.done $0x0  }
0x931: {  	[sflag:s22] =	ssyncadd.s32 $0xFFFFF9C0  }
0x932: {  	_ =	swait.ge [sflag:s22], $0x640  }
0x933: {  	[sflag:s22] =	ssyncset.done $0x0  }
0x934: {  	[sflag:s22] =	ssyncadd.s32 $0xFFFFF9C0  }
0x935: {  	_ =	swait.ge [sflag:s22], $0x640  }
0x936: {  	[sflag:s22] =	ssyncset.done $0x0  }
0x937: {  	[sflag:s22] =	ssyncadd.s32 $0xFFFFF9C0  }
0x938: {  	_ =	swait.ge [sflag:s22], $0x640  }
0x939: {  	[sflag:s22] =	ssyncset.done $0x0  }
0x93a: {  	[sflag:s22] =	ssyncadd.s32 $0xFFFFF9C0  }
0x93b: {  	_ =	swait.ge [sflag:s22], $0x640  }
0x93c: {  	[sflag:s22] =	ssyncset.done $0x0  }
0x93d: {  	[sflag:s22] =	ssyncadd.s32 $0xFFFFF9C0  }
0x93e: {  	_ =	swait.ge [sflag:s22], $0x640  }
0x93f: {  	[sflag:s22] =	ssyncset.done $0x0  }
0x940: {  	[sflag:s22] =	ssyncadd.s32 $0xFFFFF9C0  }
0x941: {  	_ =	swait.ge [sflag:s22], $0x640  }
0x942: {  	[sflag:s22] =	ssyncset.done $0x0  }
0x943: {  	[sflag:s22] =	ssyncadd.s32 $0xFFFFF9C0  }
0x944: {  	_ =	swait.ge [sflag:s22], $0x640  }
0x945: {  	[sflag:s22] =	ssyncset.done $0x0  }
0x946: {  	[sflag:s22] =	ssyncadd.s32 $0xFFFFF9C0  }
0x947: {  	_ =	swait.ge [sflag:s22], $0x640  }
0x948: {  	[sflag:s22] =	ssyncset.done $0x0  }
0x949: {  	[sflag:s22] =	ssyncadd.s32 $0xFFFFF9C0  }
0x94a: {  	_ =	swait.ge [sflag:s22], $0x640  }
0x94b: {  	[sflag:s22] =	ssyncset.done $0x0  }
0x94c: {  	s2 =	simm.s32 $0x7000;
	s18 =	rddreg [dreg:$0x17];
	[sflag:s22] =	ssyncadd.s32 $0xFFFFF9C0  }
0x94d: {  	[hbm4b:s18+s6] =	stream.linear.scatter [tilespmem:s2], [sflag:$0x5], $0x6400, $0x38;
	v63 =	vld [tilespmem:$0x0]  }
0x94e: {  	_ =	swait.ge [sflag:s31], $0x6400  }
0x94f: {  	s19 =	sld [smem:$0x76E]  }
0x950: {  	[sflag:s31] =	ssyncset.done $0x0  }
0x951: {  	s20 =	sld [smem:$0x76F];
	[sflag:s31] =	ssyncadd.s32 $0xFFFF9C00  }
0x952: {  	[tilespmem:s10], [sflag:$0x4] =	stream.indirect.gather [hbm4b:s4+s7], $0x20, s19, s7, $0xb8;
	v63 =	vld [tilespmem:$0x0]  }
0x953: {  	s11 =	simm.s32 $0x1A240;
	s21 =	sld [smem:$0x770]  }
0x954: {  	[tilespmem:s11], [sflag:$0x4] =	stream.indirect.gather [hbm4b:s4+s7], $0x20, s20, s7, $0xb8;
	v63 =	vld [tilespmem:$0x0]  }
0x955: {  	s12 =	sld [smem:$0x771];
	s10 =	simm.s32 $0x1A880  }
0x956: {  	[tilespmem:s10], [sflag:$0x4] =	stream.indirect.gather [hbm4b:s4+s7], $0x20, s21, s7, $0xb8;
	v63 =	vld [tilespmem:$0x0]  }
0x957: {  	s18 =	sld [smem:$0x772];
	s19 =	simm.s32 $0x1AEC0  }
0x958: {  	[tilespmem:s19], [sflag:$0x4] =	stream.indirect.gather [hbm4b:s4+s7], $0x20, s12, s7, $0xb8;
	v63 =	vld [tilespmem:$0x0]  }
0x959: {  	s20 =	sld [smem:$0x773];
	s12 =	simm.s32 $0x1B500  }
0x95a: {  	[tilespmem:s12], [sflag:$0x4] =	stream.indirect.gather [hbm4b:s4+s7], $0x20, s18, s7, $0xb8;
	v63 =	vld [tilespmem:$0x0]  }
0x95b: {  	s11 =	simm.s32 $0x1BB40;
	s21 =	sld [smem:$0x774]  }
0x95c: {  	[tilespmem:s11], [sflag:$0x4] =	stream.indirect.gather [hbm4b:s4+s7], $0x20, s20, s7, $0xb8;
	v63 =	vld [tilespmem:$0x0]  }
0x95d: {  	s1 =	sld [smem:$0x775];
	s19 =	simm.s32 $0x1C180  }
0x95e: {  	[tilespmem:s19], [sflag:$0x4] =	stream.indirect.gather [hbm4b:s4+s7], $0x20, s21, s7, $0xb8;
	v63 =	vld [tilespmem:$0x0]  }
0x95f: {  	s18 =	simm.s32 $0x1C7C0;
	s20 =	sld [smem:$0x776]  }
0x960: {  	[tilespmem:s18], [sflag:$0x4] =	stream.indirect.gather [hbm4b:s4+s7], $0x20, s1, s7, $0xb8;
	v63 =	vld [tilespmem:$0x0]  }
0x961: {  	s21 =	simm.s32 $0x1CE00;
	s1 =	sld [smem:$0x777]  }
0x962: {  	[tilespmem:s21], [sflag:$0x4] =	stream.indirect.gather [hbm4b:s4+s7], $0x20, s20, s7, $0xb8;
	v63 =	vld [tilespmem:$0x0]  }
0x963: {  	s0 =	sld [smem:$0x778];
	s20 =	simm.s32 $0x1D440  }
0x964: {  	[tilespmem:s20], [sflag:$0x4] =	stream.indirect.gather [hbm4b:s4+s7], $0x20, s1, s7, $0xb8;
	v63 =	vld [tilespmem:$0x0]  }
0x965: {  	s24 =	simm.s32 $0x1DA80;
	s1 =	sld [smem:$0x779]  }
0x966: {  	[tilespmem:s24], [sflag:$0x4] =	stream.indirect.gather [hbm4b:s4+s7], $0x20, s0, s7, $0xb8;
	v63 =	vld [tilespmem:$0x0]  }
0x967: {  	s0 =	sld [smem:$0x77A];
	s24 =	simm.s32 $0x1E0C0  }
0x968: {  	[tilespmem:s24], [sflag:$0x4] =	stream.indirect.gather [hbm4b:s4+s7], $0x20, s1, s7, $0xb8;
	v63 =	vld [tilespmem:$0x0]  }
0x969: {  	s3 =	sld [smem:$0x77B];
	s1 =	simm.s32 $0x1E700  }
0x96a: {  	[tilespmem:s1], [sflag:$0x4] =	stream.indirect.gather [hbm4b:s4+s7], $0x20, s0, s7, $0xb8;
	v63 =	vld [tilespmem:$0x0]  }
0x96b: {  	s1 =	sld [smem:$0x77C]  }
0x96c: {  	[tilespmem:s13], [sflag:$0x4] =	stream.indirect.gather [hbm4b:s4+s7], $0x20, s3, s7, $0xb8;
	v63 =	vld [tilespmem:$0x0]  }
0x96d: {  	s3 =	sld [smem:$0x77D];
	s13 =	simm.s32 $0x1F380  }
0x96e: {  	[tilespmem:s13], [sflag:$0x4] =	stream.indirect.gather [hbm4b:s4+s7], $0x20, s1, s7, $0xb8;
	v63 =	vld [tilespmem:$0x0]  }
0x96f: {  	_ = 	snop  }
0x970: {  	[tilespmem:s9], [sflag:$0x4] =	stream.indirect.gather [hbm4b:s4+s7], $0x20, s3, s7, $0xb8;
	v63 =	vld [tilespmem:$0x0]  }
0x971: {  	_ =	swait.ge [sflag:s23], $0x640  }
0x972: {  	[sflag:s23] =	ssyncset.done $0x0  }
0x973: {  	[sflag:s23] =	ssyncadd.s32 $0xFFFFF9C0  }
0x974: {  	_ =	swait.ge [sflag:s23], $0x640  }
0x975: {  	[sflag:s23] =	ssyncset.done $0x0  }
0x976: {  	[sflag:s23] =	ssyncadd.s32 $0xFFFFF9C0  }
0x977: {  	_ =	swait.ge [sflag:s23], $0x640  }
0x978: {  	[sflag:s23] =	ssyncset.done $0x0  }
0x979: {  	[sflag:s23] =	ssyncadd.s32 $0xFFFFF9C0  }
0x97a: {  	_ =	swait.ge [sflag:s23], $0x640  }
0x97b: {  	[sflag:s23] =	ssyncset.done $0x0  }
0x97c: {  	[sflag:s23] =	ssyncadd.s32 $0xFFFFF9C0  }
0x97d: {  	_ =	swait.ge [sflag:s23], $0x640  }
0x97e: {  	[sflag:s23] =	ssyncset.done $0x0  }
0x97f: {  	[sflag:s23] =	ssyncadd.s32 $0xFFFFF9C0  }
0x980: {  	_ =	swait.ge [sflag:s23], $0x640  }
0x981: {  	[sflag:s23] =	ssyncset.done $0x0  }
0x982: {  	[sflag:s23] =	ssyncadd.s32 $0xFFFFF9C0  }
0x983: {  	_ =	swait.ge [sflag:s23], $0x640  }
0x984: {  	[sflag:s23] =	ssyncset.done $0x0  }
0x985: {  	[sflag:s23] =	ssyncadd.s32 $0xFFFFF9C0  }
0x986: {  	_ =	swait.ge [sflag:s23], $0x640  }
0x987: {  	[sflag:s23] =	ssyncset.done $0x0  }
0x988: {  	[sflag:s23] =	ssyncadd.s32 $0xFFFFF9C0  }
0x989: {  	_ =	swait.ge [sflag:s23], $0x640  }
0x98a: {  	[sflag:s23] =	ssyncset.done $0x0  }
0x98b: {  	[sflag:s23] =	ssyncadd.s32 $0xFFFFF9C0  }
0x98c: {  	_ =	swait.ge [sflag:s23], $0x640  }
0x98d: {  	[sflag:s23] =	ssyncset.done $0x0  }
0x98e: {  	[sflag:s23] =	ssyncadd.s32 $0xFFFFF9C0  }
0x98f: {  	_ =	swait.ge [sflag:s23], $0x640  }
0x990: {  	[sflag:s23] =	ssyncset.done $0x0  }
0x991: {  	[sflag:s23] =	ssyncadd.s32 $0xFFFFF9C0  }
0x992: {  	_ =	swait.ge [sflag:s23], $0x640  }
0x993: {  	[sflag:s23] =	ssyncset.done $0x0  }
0x994: {  	[sflag:s23] =	ssyncadd.s32 $0xFFFFF9C0  }
0x995: {  	_ =	swait.ge [sflag:s23], $0x640  }
0x996: {  	[sflag:s23] =	ssyncset.done $0x0  }
0x997: {  	[sflag:s23] =	ssyncadd.s32 $0xFFFFF9C0  }
0x998: {  	_ =	swait.ge [sflag:s23], $0x640  }
0x999: {  	[sflag:s23] =	ssyncset.done $0x0  }
0x99a: {  	[sflag:s23] =	ssyncadd.s32 $0xFFFFF9C0  }
0x99b: {  	_ =	swait.ge [sflag:s23], $0x640  }
0x99c: {  	[sflag:s23] =	ssyncset.done $0x0  }
0x99d: {  	[sflag:s23] =	ssyncadd.s32 $0xFFFFF9C0  }
0x99e: {  	_ =	swait.ge [sflag:s23], $0x640  }
0x99f: {  	[sflag:s23] =	ssyncset.done $0x0  }
0x9a0: {  	s1 =	simm.s32 $0xD400;
	s9 =	rddreg [dreg:$0x18];
	[sflag:s23] =	ssyncadd.s32 $0xFFFFF9C0  }
0x9a1: {  	[hbm4b:s9+s6] =	stream.linear.scatter [tilespmem:s1], [sflag:$0x6], $0x6400, $0x38;
	v63 =	vld [tilespmem:$0x0]  }
0x9a2: {  	_ =	swait.ge [sflag:s25], $0x6400  }
0x9a3: {  	s13 =	sld [smem:$0x77E]  }
0x9a4: {  	[sflag:s25] =	ssyncset.done $0x0  }
0x9a5: {  	s3 =	sld [smem:$0x77F];
	[sflag:s25] =	ssyncadd.s32 $0xFFFF9C00  }
0x9a6: {  	[tilespmem:s2], [sflag:$0x1] =	stream.indirect.gather [hbm4b:s4+s7], $0x20, s13, s7, $0xb8;
	v63 =	vld [tilespmem:$0x0]  }
0x9a7: {  	s9 =	simm.s32 $0x7640;
	s0 =	sld [smem:$0x780]  }
0x9a8: {  	[tilespmem:s9], [sflag:$0x1] =	stream.indirect.gather [hbm4b:s4+s7], $0x20, s3, s7, $0xb8;
	v63 =	vld [tilespmem:$0x0]  }
0x9a9: {  	s3 =	sld [smem:$0x781];
	s9 =	simm.s32 $0x7C80  }
0x9aa: {  	[tilespmem:s9], [sflag:$0x1] =	stream.indirect.gather [hbm4b:s4+s7], $0x20, s0, s7, $0xb8;
	v63 =	vld [tilespmem:$0x0]  }
0x9ab: {  	s0 =	sld [smem:$0x782];
	s9 =	simm.s32 $0x82C0  }
0x9ac: {  	[tilespmem:s9], [sflag:$0x1] =	stream.indirect.gather [hbm4b:s4+s7], $0x20, s3, s7, $0xb8;
	v63 =	vld [tilespmem:$0x0]  }
0x9ad: {  	s3 =	sld [smem:$0x783]  }
0x9ae: {  	[tilespmem:s14], [sflag:$0x1] =	stream.indirect.gather [hbm4b:s4+s7], $0x20, s0, s7, $0xb8;
	v63 =	vld [tilespmem:$0x0]  }
0x9af: {  	s2 =	sld [smem:$0x784]  }
0x9b0: {  	[tilespmem:s15], [sflag:$0x1] =	stream.indirect.gather [hbm4b:s4+s7], $0x20, s3, s7, $0xb8;
	v63 =	vld [tilespmem:$0x0]  }
0x9b1: {  	s14 =	sld [smem:$0x785]  }
0x9b2: {  	[tilespmem:s16], [sflag:$0x1] =	stream.indirect.gather [hbm4b:s4+s7], $0x20, s2, s7, $0xb8;
	v63 =	vld [tilespmem:$0x0]  }
0x9b3: {  	s2 =	sld [smem:$0x786]  }
0x9b4: {  	[tilespmem:s17], [sflag:$0x1] =	stream.indirect.gather [hbm4b:s4+s7], $0x20, s14, s7, $0xb8;
	v63 =	vld [tilespmem:$0x0]  }
0x9b5: {  	s3 =	sld [smem:$0x787];
	s14 =	simm.s32 $0xA200  }
0x9b6: {  	[tilespmem:s14], [sflag:$0x1] =	stream.indirect.gather [hbm4b:s4+s7], $0x20, s2, s7, $0xb8;
	v63 =	vld [tilespmem:$0x0]  }
0x9b7: {  	s0 =	sld [smem:$0x788];
	s17 =	simm.s32 $0xA840  }
0x9b8: {  	[tilespmem:s17], [sflag:$0x1] =	stream.indirect.gather [hbm4b:s4+s7], $0x20, s3, s7, $0xb8;
	v63 =	vld [tilespmem:$0x0]  }
0x9b9: {  	s14 =	simm.s32 $0xAE80;
	s3 =	sld [smem:$0x789]  }
0x9ba: {  	[tilespmem:s14], [sflag:$0x1] =	stream.indirect.gather [hbm4b:s4+s7], $0x20, s0, s7, $0xb8;
	v63 =	vld [tilespmem:$0x0]  }
0x9bb: {  	s17 =	simm.s32 $0xB4C0;
	s0 =	sld [smem:$0x78A]  }
0x9bc: {  	[tilespmem:s17], [sflag:$0x1] =	stream.indirect.gather [hbm4b:s4+s7], $0x20, s3, s7, $0xb8;
	v63 =	vld [tilespmem:$0x0]  }
0x9bd: {  	s14 =	simm.s32 $0xBB00;
	s3 =	sld [smem:$0x78B]  }
0x9be: {  	[tilespmem:s14], [sflag:$0x1] =	stream.indirect.gather [hbm4b:s4+s7], $0x20, s0, s7, $0xb8;
	v63 =	vld [tilespmem:$0x0]  }
0x9bf: {  	s17 =	simm.s32 $0xC140;
	s0 =	sld [smem:$0x78C]  }
0x9c0: {  	[tilespmem:s17], [sflag:$0x1] =	stream.indirect.gather [hbm4b:s4+s7], $0x20, s3, s7, $0xb8;
	v63 =	vld [tilespmem:$0x0]  }
0x9c1: {  	s14 =	sld [smem:$0x78D];
	s17 =	simm.s32 $0xC780  }
0x9c2: {  	[tilespmem:s17], [sflag:$0x1] =	stream.indirect.gather [hbm4b:s4+s7], $0x20, s0, s7, $0xb8;
	v63 =	vld [tilespmem:$0x0]  }
0x9c3: {  	s2 =	simm.s32 $0xCDC0  }
0x9c4: {  	[tilespmem:s2], [sflag:$0x1] =	stream.indirect.gather [hbm4b:s4+s7], $0x20, s14, s7, $0xb8;
	v63 =	vld [tilespmem:$0x0]  }
0x9c5: {  	_ =	swait.ge [sflag:s26], $0x640  }
0x9c6: {  	[sflag:s26] =	ssyncset.done $0x0  }
0x9c7: {  	[sflag:s26] =	ssyncadd.s32 $0xFFFFF9C0  }
0x9c8: {  	_ =	swait.ge [sflag:s26], $0x640  }
0x9c9: {  	[sflag:s26] =	ssyncset.done $0x0  }
0x9ca: {  	[sflag:s26] =	ssyncadd.s32 $0xFFFFF9C0  }
0x9cb: {  	_ =	swait.ge [sflag:s26], $0x640  }
0x9cc: {  	[sflag:s26] =	ssyncset.done $0x0  }
0x9cd: {  	[sflag:s26] =	ssyncadd.s32 $0xFFFFF9C0  }
0x9ce: {  	_ =	swait.ge [sflag:s26], $0x640  }
0x9cf: {  	[sflag:s26] =	ssyncset.done $0x0  }
0x9d0: {  	[sflag:s26] =	ssyncadd.s32 $0xFFFFF9C0  }
0x9d1: {  	_ =	swait.ge [sflag:s26], $0x640  }
0x9d2: {  	[sflag:s26] =	ssyncset.done $0x0  }
0x9d3: {  	[sflag:s26] =	ssyncadd.s32 $0xFFFFF9C0  }
0x9d4: {  	_ =	swait.ge [sflag:s26], $0x640  }
0x9d5: {  	[sflag:s26] =	ssyncset.done $0x0  }
0x9d6: {  	[sflag:s26] =	ssyncadd.s32 $0xFFFFF9C0  }
0x9d7: {  	_ =	swait.ge [sflag:s26], $0x640  }
0x9d8: {  	[sflag:s26] =	ssyncset.done $0x0  }
0x9d9: {  	[sflag:s26] =	ssyncadd.s32 $0xFFFFF9C0  }
0x9da: {  	_ =	swait.ge [sflag:s26], $0x640  }
0x9db: {  	[sflag:s26] =	ssyncset.done $0x0  }
0x9dc: {  	[sflag:s26] =	ssyncadd.s32 $0xFFFFF9C0  }
0x9dd: {  	_ =	swait.ge [sflag:s26], $0x640  }
0x9de: {  	[sflag:s26] =	ssyncset.done $0x0  }
0x9df: {  	[sflag:s26] =	ssyncadd.s32 $0xFFFFF9C0  }
0x9e0: {  	_ =	swait.ge [sflag:s26], $0x640  }
0x9e1: {  	[sflag:s26] =	ssyncset.done $0x0  }
0x9e2: {  	[sflag:s26] =	ssyncadd.s32 $0xFFFFF9C0  }
0x9e3: {  	_ =	swait.ge [sflag:s26], $0x640  }
0x9e4: {  	[sflag:s26] =	ssyncset.done $0x0  }
0x9e5: {  	[sflag:s26] =	ssyncadd.s32 $0xFFFFF9C0  }
0x9e6: {  	_ =	swait.ge [sflag:s26], $0x640  }
0x9e7: {  	[sflag:s26] =	ssyncset.done $0x0  }
0x9e8: {  	[sflag:s26] =	ssyncadd.s32 $0xFFFFF9C0  }
0x9e9: {  	_ =	swait.ge [sflag:s26], $0x640  }
0x9ea: {  	[sflag:s26] =	ssyncset.done $0x0  }
0x9eb: {  	[sflag:s26] =	ssyncadd.s32 $0xFFFFF9C0  }
0x9ec: {  	_ =	swait.ge [sflag:s26], $0x640  }
0x9ed: {  	[sflag:s26] =	ssyncset.done $0x0  }
0x9ee: {  	[sflag:s26] =	ssyncadd.s32 $0xFFFFF9C0  }
0x9ef: {  	_ =	swait.ge [sflag:s26], $0x640  }
0x9f0: {  	[sflag:s26] =	ssyncset.done $0x0  }
0x9f1: {  	[sflag:s26] =	ssyncadd.s32 $0xFFFFF9C0  }
0x9f2: {  	_ =	swait.ge [sflag:s26], $0x640  }
0x9f3: {  	[sflag:s26] =	ssyncset.done $0x0  }
0x9f4: {  	s5 =	simm.s32 $0x13800;
	s3 =	rddreg [dreg:$0x19];
	[sflag:s26] =	ssyncadd.s32 $0xFFFFF9C0  }
0x9f5: {  	[hbm4b:s3+s6] =	stream.linear.scatter [tilespmem:s5], [sflag:$0x7], $0x6400, $0x38;
	v63 =	vld [tilespmem:$0x0]  }
0x9f6: {  	_ =	swait.ge [sflag:s28], $0x6400  }
0x9f7: {  	s14 =	sld [smem:$0x78E]  }
0x9f8: {  	[sflag:s28] =	ssyncset.done $0x0  }
0x9f9: {  	s17 =	sld [smem:$0x78F];
	[sflag:s28] =	ssyncadd.s32 $0xFFFF9C00  }
0x9fa: {  	[tilespmem:s1], [sflag:$0x2] =	stream.indirect.gather [hbm4b:s4+s7], $0x20, s14, s7, $0xb8;
	v63 =	vld [tilespmem:$0x0]  }
0x9fb: {  	s2 =	simm.s32 $0xDA40;
	s0 =	sld [smem:$0x790]  }
0x9fc: {  	[tilespmem:s2], [sflag:$0x2] =	stream.indirect.gather [hbm4b:s4+s7], $0x20, s17, s7, $0xb8;
	v63 =	vld [tilespmem:$0x0]  }
0x9fd: {  	s3 =	sld [smem:$0x791];
	s17 =	simm.s32 $0xE080  }
0x9fe: {  	[tilespmem:s17], [sflag:$0x2] =	stream.indirect.gather [hbm4b:s4+s7], $0x20, s0, s7, $0xb8;
	v63 =	vld [tilespmem:$0x0]  }
0x9ff: {  	s2 =	simm.s32 $0xE6C0;
	s0 =	sld [smem:$0x792]  }
0xa00: {  	[tilespmem:s2], [sflag:$0x2] =	stream.indirect.gather [hbm4b:s4+s7], $0x20, s3, s7, $0xb8;
	v63 =	vld [tilespmem:$0x0]  }
0xa01: {  	s17 =	simm.s32 $0xED00;
	s3 =	sld [smem:$0x793]  }
0xa02: {  	[tilespmem:s17], [sflag:$0x2] =	stream.indirect.gather [hbm4b:s4+s7], $0x20, s0, s7, $0xb8;
	v63 =	vld [tilespmem:$0x0]  }
0xa03: {  	s2 =	simm.s32 $0xF340;
	s0 =	sld [smem:$0x794]  }
0xa04: {  	[tilespmem:s2], [sflag:$0x2] =	stream.indirect.gather [hbm4b:s4+s7], $0x20, s3, s7, $0xb8;
	v63 =	vld [tilespmem:$0x0]  }
0xa05: {  	s17 =	simm.s32 $0xF980;
	s3 =	sld [smem:$0x795]  }
0xa06: {  	[tilespmem:s17], [sflag:$0x2] =	stream.indirect.gather [hbm4b:s4+s7], $0x20, s0, s7, $0xb8;
	v63 =	vld [tilespmem:$0x0]  }
0xa07: {  	s2 =	simm.s32 $0xFFC0;
	s0 =	sld [smem:$0x796]  }
0xa08: {  	[tilespmem:s2], [sflag:$0x2] =	stream.indirect.gather [hbm4b:s4+s7], $0x20, s3, s7, $0xb8;
	v63 =	vld [tilespmem:$0x0]  }
0xa09: {  	s17 =	simm.s32 $0x10600;
	s3 =	sld [smem:$0x797]  }
0xa0a: {  	[tilespmem:s17], [sflag:$0x2] =	stream.indirect.gather [hbm4b:s4+s7], $0x20, s0, s7, $0xb8;
	v63 =	vld [tilespmem:$0x0]  }
0xa0b: {  	s2 =	simm.s32 $0x10C40;
	s0 =	sld [smem:$0x798]  }
0xa0c: {  	[tilespmem:s2], [sflag:$0x2] =	stream.indirect.gather [hbm4b:s4+s7], $0x20, s3, s7, $0xb8;
	v63 =	vld [tilespmem:$0x0]  }
0xa0d: {  	s17 =	simm.s32 $0x11280;
	s3 =	sld [smem:$0x799]  }
0xa0e: {  	[tilespmem:s17], [sflag:$0x2] =	stream.indirect.gather [hbm4b:s4+s7], $0x20, s0, s7, $0xb8;
	v63 =	vld [tilespmem:$0x0]  }
0xa0f: {  	s2 =	simm.s32 $0x118C0;
	s0 =	sld [smem:$0x79A]  }
0xa10: {  	[tilespmem:s2], [sflag:$0x2] =	stream.indirect.gather [hbm4b:s4+s7], $0x20, s3, s7, $0xb8;
	v63 =	vld [tilespmem:$0x0]  }
0xa11: {  	s17 =	simm.s32 $0x11F00;
	s3 =	sld [smem:$0x79B]  }
0xa12: {  	[tilespmem:s17], [sflag:$0x2] =	stream.indirect.gather [hbm4b:s4+s7], $0x20, s0, s7, $0xb8;
	v63 =	vld [tilespmem:$0x0]  }
0xa13: {  	s2 =	simm.s32 $0x12540;
	s0 =	sld [smem:$0x79C]  }
0xa14: {  	[tilespmem:s2], [sflag:$0x2] =	stream.indirect.gather [hbm4b:s4+s7], $0x20, s3, s7, $0xb8;
	v63 =	vld [tilespmem:$0x0]  }
0xa15: {  	s17 =	sld [smem:$0x79D];
	s2 =	simm.s32 $0x12B80  }
0xa16: {  	[tilespmem:s2], [sflag:$0x2] =	stream.indirect.gather [hbm4b:s4+s7], $0x20, s0, s7, $0xb8;
	v63 =	vld [tilespmem:$0x0]  }
0xa17: {  	s1 =	simm.s32 $0x131C0  }
0xa18: {  	[tilespmem:s1], [sflag:$0x2] =	stream.indirect.gather [hbm4b:s4+s7], $0x20, s17, s7, $0xb8;
	v63 =	vld [tilespmem:$0x0]  }
0xa19: {  	_ =	swait.ge [sflag:s29], $0x640  }
0xa1a: {  	[sflag:s29] =	ssyncset.done $0x0  }
0xa1b: {  	[sflag:s29] =	ssyncadd.s32 $0xFFFFF9C0  }
0xa1c: {  	_ =	swait.ge [sflag:s29], $0x640  }
0xa1d: {  	[sflag:s29] =	ssyncset.done $0x0  }
0xa1e: {  	[sflag:s29] =	ssyncadd.s32 $0xFFFFF9C0  }
0xa1f: {  	_ =	swait.ge [sflag:s29], $0x640  }
0xa20: {  	[sflag:s29] =	ssyncset.done $0x0  }
0xa21: {  	[sflag:s29] =	ssyncadd.s32 $0xFFFFF9C0  }
0xa22: {  	_ =	swait.ge [sflag:s29], $0x640  }
0xa23: {  	[sflag:s29] =	ssyncset.done $0x0  }
0xa24: {  	[sflag:s29] =	ssyncadd.s32 $0xFFFFF9C0  }
0xa25: {  	_ =	swait.ge [sflag:s29], $0x640  }
0xa26: {  	[sflag:s29] =	ssyncset.done $0x0  }
0xa27: {  	[sflag:s29] =	ssyncadd.s32 $0xFFFFF9C0  }
0xa28: {  	_ =	swait.ge [sflag:s29], $0x640  }
0xa29: {  	[sflag:s29] =	ssyncset.done $0x0  }
0xa2a: {  	[sflag:s29] =	ssyncadd.s32 $0xFFFFF9C0  }
0xa2b: {  	_ =	swait.ge [sflag:s29], $0x640  }
0xa2c: {  	[sflag:s29] =	ssyncset.done $0x0  }
0xa2d: {  	[sflag:s29] =	ssyncadd.s32 $0xFFFFF9C0  }
0xa2e: {  	_ =	swait.ge [sflag:s29], $0x640  }
0xa2f: {  	[sflag:s29] =	ssyncset.done $0x0  }
0xa30: {  	[sflag:s29] =	ssyncadd.s32 $0xFFFFF9C0  }
0xa31: {  	_ =	swait.ge [sflag:s29], $0x640  }
0xa32: {  	[sflag:s29] =	ssyncset.done $0x0  }
0xa33: {  	[sflag:s29] =	ssyncadd.s32 $0xFFFFF9C0  }
0xa34: {  	_ =	swait.ge [sflag:s29], $0x640  }
0xa35: {  	[sflag:s29] =	ssyncset.done $0x0  }
0xa36: {  	[sflag:s29] =	ssyncadd.s32 $0xFFFFF9C0  }
0xa37: {  	_ =	swait.ge [sflag:s29], $0x640  }
0xa38: {  	[sflag:s29] =	ssyncset.done $0x0  }
0xa39: {  	[sflag:s29] =	ssyncadd.s32 $0xFFFFF9C0  }
0xa3a: {  	_ =	swait.ge [sflag:s29], $0x640  }
0xa3b: {  	[sflag:s29] =	ssyncset.done $0x0  }
0xa3c: {  	[sflag:s29] =	ssyncadd.s32 $0xFFFFF9C0  }
0xa3d: {  	_ =	swait.ge [sflag:s29], $0x640  }
0xa3e: {  	[sflag:s29] =	ssyncset.done $0x0  }
0xa3f: {  	[sflag:s29] =	ssyncadd.s32 $0xFFFFF9C0  }
0xa40: {  	_ =	swait.ge [sflag:s29], $0x640  }
0xa41: {  	[sflag:s29] =	ssyncset.done $0x0  }
0xa42: {  	[sflag:s29] =	ssyncadd.s32 $0xFFFFF9C0  }
0xa43: {  	_ =	swait.ge [sflag:s29], $0x640  }
0xa44: {  	[sflag:s29] =	ssyncset.done $0x0  }
0xa45: {  	[sflag:s29] =	ssyncadd.s32 $0xFFFFF9C0  }
0xa46: {  	_ =	swait.ge [sflag:s29], $0x640  }
0xa47: {  	[sflag:s29] =	ssyncset.done $0x0  }
0xa48: {  	s8 =	simm.s32 $0x19C00;
	s3 =	rddreg [dreg:$0x1a];
	[sflag:s29] =	ssyncadd.s32 $0xFFFFF9C0  }
0xa49: {  	[hbm4b:s3+s6] =	stream.linear.scatter [tilespmem:s8], [sflag:$0x8], $0x6400, $0x38;
	v63 =	vld [tilespmem:$0x0]  }
0xa4a: {  	_ =	swait.ge [sflag:s30], $0x6400  }
0xa4b: {  	s17 =	sld [smem:$0x79E]  }
0xa4c: {  	[sflag:s30] =	ssyncset.done $0x0  }
0xa4d: {  	s1 =	sld [smem:$0x79F];
	[sflag:s30] =	ssyncadd.s32 $0xFFFF9C00  }
0xa4e: {  	[tilespmem:s5], [sflag:$0x3] =	stream.indirect.gather [hbm4b:s4+s7], $0x20, s17, s7, $0xb8;
	v63 =	vld [tilespmem:$0x0]  }
0xa4f: {  	s0 =	sld [smem:$0x7A0];
	s17 =	simm.s32 $0x13E40  }
0xa50: {  	[tilespmem:s17], [sflag:$0x3] =	stream.indirect.gather [hbm4b:s4+s7], $0x20, s1, s7, $0xb8;
	v63 =	vld [tilespmem:$0x0]  }
0xa51: {  	s3 =	sld [smem:$0x7A1];
	s5 =	simm.s32 $0x14480  }
0xa52: {  	[tilespmem:s5], [sflag:$0x3] =	stream.indirect.gather [hbm4b:s4+s7], $0x20, s0, s7, $0xb8;
	v63 =	vld [tilespmem:$0x0]  }
0xa53: {  	s17 =	simm.s32 $0x14AC0;
	s0 =	sld [smem:$0x7A2]  }
0xa54: {  	[tilespmem:s17], [sflag:$0x3] =	stream.indirect.gather [hbm4b:s4+s7], $0x20, s3, s7, $0xb8;
	v63 =	vld [tilespmem:$0x0]  }
0xa55: {  	s5 =	simm.s32 $0x15100;
	s3 =	sld [smem:$0x7A3]  }
0xa56: {  	[tilespmem:s5], [sflag:$0x3] =	stream.indirect.gather [hbm4b:s4+s7], $0x20, s0, s7, $0xb8;
	v63 =	vld [tilespmem:$0x0]  }
0xa57: {  	s17 =	simm.s32 $0x15740;
	s0 =	sld [smem:$0x7A4]  }
0xa58: {  	[tilespmem:s17], [sflag:$0x3] =	stream.indirect.gather [hbm4b:s4+s7], $0x20, s3, s7, $0xb8;
	v63 =	vld [tilespmem:$0x0]  }
0xa59: {  	s5 =	simm.s32 $0x15D80;
	s3 =	sld [smem:$0x7A5]  }
0xa5a: {  	[tilespmem:s5], [sflag:$0x3] =	stream.indirect.gather [hbm4b:s4+s7], $0x20, s0, s7, $0xb8;
	v63 =	vld [tilespmem:$0x0]  }
0xa5b: {  	s17 =	simm.s32 $0x163C0;
	s0 =	sld [smem:$0x7A6]  }
0xa5c: {  	[tilespmem:s17], [sflag:$0x3] =	stream.indirect.gather [hbm4b:s4+s7], $0x20, s3, s7, $0xb8;
	v63 =	vld [tilespmem:$0x0]  }
0xa5d: {  	s5 =	simm.s32 $0x16A00;
	s3 =	sld [smem:$0x7A7]  }
0xa5e: {  	[tilespmem:s5], [sflag:$0x3] =	stream.indirect.gather [hbm4b:s4+s7], $0x20, s0, s7, $0xb8;
	v63 =	vld [tilespmem:$0x0]  }
0xa5f: {  	s17 =	simm.s32 $0x17040;
	s0 =	sld [smem:$0x7A8]  }
0xa60: {  	[tilespmem:s17], [sflag:$0x3] =	stream.indirect.gather [hbm4b:s4+s7], $0x20, s3, s7, $0xb8;
	v63 =	vld [tilespmem:$0x0]  }
0xa61: {  	s5 =	simm.s32 $0x17680;
	s3 =	sld [smem:$0x7AB]  }
0xa62: {  	[tilespmem:s5], [sflag:$0x3] =	stream.indirect.gather [hbm4b:s4+s7], $0x20, s0, s7, $0xb8;
	v63 =	vld [tilespmem:$0x0]  }
0xa63: {  	s17 =	simm.s32 $0x17CC0;
	s0 =	sld [smem:$0x7AC]  }
0xa64: {  	[tilespmem:s17], [sflag:$0x3] =	stream.indirect.gather [hbm4b:s4+s7], $0x20, s3, s7, $0xb8;
	v63 =	vld [tilespmem:$0x0]  }
0xa65: {  	s5 =	simm.s32 $0x18300;
	s3 =	sld [smem:$0x7AD]  }
0xa66: {  	[tilespmem:s5], [sflag:$0x3] =	stream.indirect.gather [hbm4b:s4+s7], $0x20, s0, s7, $0xb8;
	v63 =	vld [tilespmem:$0x0]  }
0xa67: {  	s17 =	simm.s32 $0x18940;
	s0 =	sld [smem:$0x7AE]  }
0xa68: {  	[tilespmem:s17], [sflag:$0x3] =	stream.indirect.gather [hbm4b:s4+s7], $0x20, s3, s7, $0xb8;
	v63 =	vld [tilespmem:$0x0]  }
0xa69: {  	s5 =	sld [smem:$0x7AF];
	s17 =	simm.s32 $0x18F80  }
0xa6a: {  	[tilespmem:s17], [sflag:$0x3] =	stream.indirect.gather [hbm4b:s4+s7], $0x20, s0, s7, $0xb8;
	v63 =	vld [tilespmem:$0x0]  }
0xa6b: {  	s1 =	simm.s32 $0x195C0  }
0xa6c: {  	[tilespmem:s1], [sflag:$0x3] =	stream.indirect.gather [hbm4b:s4+s7], $0x20, s5, s7, $0xb8;
	v63 =	vld [tilespmem:$0x0]  }
0xa6d: {  	_ =	swait.ge [sflag:s22], $0x640  }
0xa6e: {  	[sflag:s22] =	ssyncset.done $0x0  }
0xa6f: {  	[sflag:s22] =	ssyncadd.s32 $0xFFFFF9C0  }
0xa70: {  	_ =	swait.ge [sflag:s22], $0x640  }
0xa71: {  	[sflag:s22] =	ssyncset.done $0x0  }
0xa72: {  	[sflag:s22] =	ssyncadd.s32 $0xFFFFF9C0  }
0xa73: {  	_ =	swait.ge [sflag:s22], $0x640  }
0xa74: {  	[sflag:s22] =	ssyncset.done $0x0  }
0xa75: {  	[sflag:s22] =	ssyncadd.s32 $0xFFFFF9C0  }
0xa76: {  	_ =	swait.ge [sflag:s22], $0x640  }
0xa77: {  	[sflag:s22] =	ssyncset.done $0x0  }
0xa78: {  	[sflag:s22] =	ssyncadd.s32 $0xFFFFF9C0  }
0xa79: {  	_ =	swait.ge [sflag:s22], $0x640  }
0xa7a: {  	[sflag:s22] =	ssyncset.done $0x0  }
0xa7b: {  	[sflag:s22] =	ssyncadd.s32 $0xFFFFF9C0  }
0xa7c: {  	_ =	swait.ge [sflag:s22], $0x640  }
0xa7d: {  	[sflag:s22] =	ssyncset.done $0x0  }
0xa7e: {  	[sflag:s22] =	ssyncadd.s32 $0xFFFFF9C0  }
0xa7f: {  	_ =	swait.ge [sflag:s22], $0x640  }
0xa80: {  	[sflag:s22] =	ssyncset.done $0x0  }
0xa81: {  	[sflag:s22] =	ssyncadd.s32 $0xFFFFF9C0  }
0xa82: {  	_ =	swait.ge [sflag:s22], $0x640  }
0xa83: {  	[sflag:s22] =	ssyncset.done $0x0  }
0xa84: {  	[sflag:s22] =	ssyncadd.s32 $0xFFFFF9C0  }
0xa85: {  	_ =	swait.ge [sflag:s22], $0x640  }
0xa86: {  	[sflag:s22] =	ssyncset.done $0x0  }
0xa87: {  	[sflag:s22] =	ssyncadd.s32 $0xFFFFF9C0  }
0xa88: {  	_ =	swait.ge [sflag:s22], $0x640  }
0xa89: {  	[sflag:s22] =	ssyncset.done $0x0  }
0xa8a: {  	[sflag:s22] =	ssyncadd.s32 $0xFFFFF9C0  }
0xa8b: {  	_ =	swait.ge [sflag:s22], $0x640  }
0xa8c: {  	[sflag:s22] =	ssyncset.done $0x0  }
0xa8d: {  	[sflag:s22] =	ssyncadd.s32 $0xFFFFF9C0  }
0xa8e: {  	_ =	swait.ge [sflag:s22], $0x640  }
0xa8f: {  	[sflag:s22] =	ssyncset.done $0x0  }
0xa90: {  	[sflag:s22] =	ssyncadd.s32 $0xFFFFF9C0  }
0xa91: {  	_ =	swait.ge [sflag:s22], $0x640  }
0xa92: {  	[sflag:s22] =	ssyncset.done $0x0  }
0xa93: {  	[sflag:s22] =	ssyncadd.s32 $0xFFFFF9C0  }
0xa94: {  	_ =	swait.ge [sflag:s22], $0x640  }
0xa95: {  	[sflag:s22] =	ssyncset.done $0x0  }
0xa96: {  	[sflag:s22] =	ssyncadd.s32 $0xFFFFF9C0  }
0xa97: {  	_ =	swait.ge [sflag:s22], $0x640  }
0xa98: {  	[sflag:s22] =	ssyncset.done $0x0  }
0xa99: {  	[sflag:s22] =	ssyncadd.s32 $0xFFFFF9C0  }
0xa9a: {  	_ =	swait.ge [sflag:s22], $0x640  }
0xa9b: {  	[sflag:s22] =	ssyncset.done $0x0  }
0xa9c: {  	s13 =	simm.s32 $0x7000;
	s5 =	rddreg [dreg:$0x1b];
	[sflag:s22] =	ssyncadd.s32 $0xFFFFF9C0  }
0xa9d: {  	[hbm4b:s5+s6] =	stream.linear.scatter [tilespmem:s13], [sflag:$0x5], $0x6400, $0x38;
	v63 =	vld [tilespmem:$0x0]  }
0xa9e: {  	_ =	swait.ge [sflag:s31], $0x6400  }
0xa9f: {  	s17 =	sld [smem:$0x7B0]  }
0xaa0: {  	[sflag:s31] =	ssyncset.done $0x0  }
0xaa1: {  	s1 =	sld [smem:$0x7B1];
	[sflag:s31] =	ssyncadd.s32 $0xFFFF9C00  }
0xaa2: {  	[tilespmem:s8], [sflag:$0x4] =	stream.indirect.gather [hbm4b:s4+s7], $0x20, s17, s7, $0xb8;
	v63 =	vld [tilespmem:$0x0]  }
0xaa3: {  	s5 =	simm.s32 $0x1A240;
	s17 =	sld [smem:$0x7B2]  }
0xaa4: {  	[tilespmem:s5], [sflag:$0x4] =	stream.indirect.gather [hbm4b:s4+s7], $0x20, s1, s7, $0xb8;
	v63 =	vld [tilespmem:$0x0]  }
0xaa5: {  	s8 =	sld [smem:$0x7B3]  }
0xaa6: {  	[tilespmem:s10], [sflag:$0x4] =	stream.indirect.gather [hbm4b:s4+s7], $0x20, s17, s7, $0xb8;
	v63 =	vld [tilespmem:$0x0]  }
0xaa7: {  	s1 =	simm.s32 $0x1AEC0;
	s17 =	sld [smem:$0x7B4]  }
0xaa8: {  	[tilespmem:s1], [sflag:$0x4] =	stream.indirect.gather [hbm4b:s4+s7], $0x20, s8, s7, $0xb8;
	v63 =	vld [tilespmem:$0x0]  }
0xaa9: {  	s8 =	sld [smem:$0x7B5]  }
0xaaa: {  	[tilespmem:s12], [sflag:$0x4] =	stream.indirect.gather [hbm4b:s4+s7], $0x20, s17, s7, $0xb8;
	v63 =	vld [tilespmem:$0x0]  }
0xaab: {  	s10 =	sld [smem:$0x7B6]  }
0xaac: {  	[tilespmem:s11], [sflag:$0x4] =	stream.indirect.gather [hbm4b:s4+s7], $0x20, s8, s7, $0xb8;
	v63 =	vld [tilespmem:$0x0]  }
0xaad: {  	s17 =	sld [smem:$0x7B7]  }
0xaae: {  	[tilespmem:s19], [sflag:$0x4] =	stream.indirect.gather [hbm4b:s4+s7], $0x20, s10, s7, $0xb8;
	v63 =	vld [tilespmem:$0x0]  }
0xaaf: {  	s1 =	sld [smem:$0x7B8]  }
0xab0: {  	[tilespmem:s18], [sflag:$0x4] =	stream.indirect.gather [hbm4b:s4+s7], $0x20, s17, s7, $0xb8;
	v63 =	vld [tilespmem:$0x0]  }
0xab1: {  	s5 =	sld [smem:$0x7B9]  }
0xab2: {  	[tilespmem:s21], [sflag:$0x4] =	stream.indirect.gather [hbm4b:s4+s7], $0x20, s1, s7, $0xb8;
	v63 =	vld [tilespmem:$0x0]  }
0xab3: {  	s8 =	sld [smem:$0x7BA]  }
0xab4: {  	[tilespmem:s20], [sflag:$0x4] =	stream.indirect.gather [hbm4b:s4+s7], $0x20, s5, s7, $0xb8;
	v63 =	vld [tilespmem:$0x0]  }
0xab5: {  	s10 =	sld [smem:$0x7BD];
	s20 =	simm.s32 $0x1DA80  }
0xab6: {  	[tilespmem:s20], [sflag:$0x4] =	stream.indirect.gather [hbm4b:s4+s7], $0x20, s8, s7, $0xb8;
	v63 =	vld [tilespmem:$0x0]  }
0xab7: {  	s1 =	sld [smem:$0x7BE]  }
0xab8: {  	[tilespmem:s24], [sflag:$0x4] =	stream.indirect.gather [hbm4b:s4+s7], $0x20, s10, s7, $0xb8;
	v63 =	vld [tilespmem:$0x0]  }
0xab9: {  	s5 =	sld [smem:$0x7BF];
	s8 =	simm.s32 $0x1E700  }
0xaba: {  	[tilespmem:s8], [sflag:$0x4] =	stream.indirect.gather [hbm4b:s4+s7], $0x20, s1, s7, $0xb8;
	v63 =	vld [tilespmem:$0x0]  }
0xabb: {  	s10 =	sld [smem:$0x7C0];
	s1 =	simm.s32 $0x1ED40  }
0xabc: {  	[tilespmem:s1], [sflag:$0x4] =	stream.indirect.gather [hbm4b:s4+s7], $0x20, s5, s7, $0xb8;
	v63 =	vld [tilespmem:$0x0]  }
0xabd: {  	s8 =	sld [smem:$0x7C1];
	s5 =	simm.s32 $0x1F380  }
0xabe: {  	[tilespmem:s5], [sflag:$0x4] =	stream.indirect.gather [hbm4b:s4+s7], $0x20, s10, s7, $0xb8;
	v63 =	vld [tilespmem:$0x0]  }
0xabf: {  	s10 =	simm.s32 $0x1F9C0  }
0xac0: {  	[tilespmem:s10], [sflag:$0x4] =	stream.indirect.gather [hbm4b:s4+s7], $0x20, s8, s7, $0xb8;
	v63 =	vld [tilespmem:$0x0]  }
0xac1: {  	_ =	swait.ge [sflag:s23], $0x640  }
0xac2: {  	[sflag:s23] =	ssyncset.done $0x0  }
0xac3: {  	[sflag:s23] =	ssyncadd.s32 $0xFFFFF9C0  }
0xac4: {  	_ =	swait.ge [sflag:s23], $0x640  }
0xac5: {  	[sflag:s23] =	ssyncset.done $0x0  }
0xac6: {  	[sflag:s23] =	ssyncadd.s32 $0xFFFFF9C0  }
0xac7: {  	_ =	swait.ge [sflag:s23], $0x640  }
0xac8: {  	[sflag:s23] =	ssyncset.done $0x0  }
0xac9: {  	[sflag:s23] =	ssyncadd.s32 $0xFFFFF9C0  }
0xaca: {  	_ =	swait.ge [sflag:s23], $0x640  }
0xacb: {  	[sflag:s23] =	ssyncset.done $0x0  }
0xacc: {  	[sflag:s23] =	ssyncadd.s32 $0xFFFFF9C0  }
0xacd: {  	_ =	swait.ge [sflag:s23], $0x640  }
0xace: {  	[sflag:s23] =	ssyncset.done $0x0  }
0xacf: {  	[sflag:s23] =	ssyncadd.s32 $0xFFFFF9C0  }
0xad0: {  	_ =	swait.ge [sflag:s23], $0x640  }
0xad1: {  	[sflag:s23] =	ssyncset.done $0x0  }
0xad2: {  	[sflag:s23] =	ssyncadd.s32 $0xFFFFF9C0  }
0xad3: {  	_ =	swait.ge [sflag:s23], $0x640  }
0xad4: {  	[sflag:s23] =	ssyncset.done $0x0  }
0xad5: {  	[sflag:s23] =	ssyncadd.s32 $0xFFFFF9C0  }
0xad6: {  	_ =	swait.ge [sflag:s23], $0x640  }
0xad7: {  	[sflag:s23] =	ssyncset.done $0x0  }
0xad8: {  	[sflag:s23] =	ssyncadd.s32 $0xFFFFF9C0  }
0xad9: {  	_ =	swait.ge [sflag:s23], $0x640  }
0xada: {  	[sflag:s23] =	ssyncset.done $0x0  }
0xadb: {  	[sflag:s23] =	ssyncadd.s32 $0xFFFFF9C0  }
0xadc: {  	_ =	swait.ge [sflag:s23], $0x640  }
0xadd: {  	[sflag:s23] =	ssyncset.done $0x0  }
0xade: {  	[sflag:s23] =	ssyncadd.s32 $0xFFFFF9C0  }
0xadf: {  	_ =	swait.ge [sflag:s23], $0x640  }
0xae0: {  	[sflag:s23] =	ssyncset.done $0x0  }
0xae1: {  	[sflag:s23] =	ssyncadd.s32 $0xFFFFF9C0  }
0xae2: {  	_ =	swait.ge [sflag:s23], $0x640  }
0xae3: {  	[sflag:s23] =	ssyncset.done $0x0  }
0xae4: {  	[sflag:s23] =	ssyncadd.s32 $0xFFFFF9C0  }
0xae5: {  	_ =	swait.ge [sflag:s23], $0x640  }
0xae6: {  	[sflag:s23] =	ssyncset.done $0x0  }
0xae7: {  	[sflag:s23] =	ssyncadd.s32 $0xFFFFF9C0  }
0xae8: {  	_ =	swait.ge [sflag:s23], $0x640  }
0xae9: {  	[sflag:s23] =	ssyncset.done $0x0  }
0xaea: {  	[sflag:s23] =	ssyncadd.s32 $0xFFFFF9C0  }
0xaeb: {  	_ =	swait.ge [sflag:s23], $0x640  }
0xaec: {  	[sflag:s23] =	ssyncset.done $0x0  }
0xaed: {  	[sflag:s23] =	ssyncadd.s32 $0xFFFFF9C0  }
0xaee: {  	_ =	swait.ge [sflag:s23], $0x640  }
0xaef: {  	[sflag:s23] =	ssyncset.done $0x0  }
0xaf0: {  	s14 =	simm.s32 $0xD400;
	s3 =	rddreg [dreg:$0x1c];
	[sflag:s23] =	ssyncadd.s32 $0xFFFFF9C0  }
0xaf1: {  	[hbm4b:s3+s6] =	stream.linear.scatter [tilespmem:s14], [sflag:$0x6], $0x6400, $0x38;
	v63 =	vld [tilespmem:$0x0]  }
0xaf2: {  	_ =	swait.ge [sflag:s25], $0x6400  }
0xaf3: {  	s8 =	sld [smem:$0x7C2]  }
0xaf4: {  	[sflag:s25] =	ssyncset.done $0x0  }
0xaf5: {  	s3 =	sld [smem:$0x7C3];
	[sflag:s25] =	ssyncadd.s32 $0xFFFF9C00  }
0xaf6: {  	[tilespmem:s13], [sflag:$0x1] =	stream.indirect.gather [hbm4b:s4+s7], $0x20, s8, s7, $0xb8;
	v63 =	vld [tilespmem:$0x0]  }
0xaf7: {  	s0 =	sld [smem:$0x7C4];
	s8 =	simm.s32 $0x7640  }
0xaf8: {  	[tilespmem:s8], [sflag:$0x1] =	stream.indirect.gather [hbm4b:s4+s7], $0x20, s3, s7, $0xb8;
	v63 =	vld [tilespmem:$0x0]  }
0xaf9: {  	s3 =	sld [smem:$0x7C5];
	s8 =	simm.s32 $0x7C80  }
0xafa: {  	[tilespmem:s8], [sflag:$0x1] =	stream.indirect.gather [hbm4b:s4+s7], $0x20, s0, s7, $0xb8;
	v63 =	vld [tilespmem:$0x0]  }
0xafb: {  	s0 =	sld [smem:$0x7C6];
	s8 =	simm.s32 $0x82C0  }
0xafc: {  	[tilespmem:s8], [sflag:$0x1] =	stream.indirect.gather [hbm4b:s4+s7], $0x20, s3, s7, $0xb8;
	v63 =	vld [tilespmem:$0x0]  }
0xafd: {  	s9 =	simm.s32 $0x8900;
	s8 =	sld [smem:$0x7C7]  }
0xafe: {  	[tilespmem:s9], [sflag:$0x1] =	stream.indirect.gather [hbm4b:s4+s7], $0x20, s0, s7, $0xb8;
	v63 =	vld [tilespmem:$0x0]  }
0xaff: {  	s0 =	sld [smem:$0x7C8];
	s9 =	simm.s32 $0x8F40  }
0xb00: {  	[tilespmem:s9], [sflag:$0x1] =	stream.indirect.gather [hbm4b:s4+s7], $0x20, s8, s7, $0xb8;
	v63 =	vld [tilespmem:$0x0]  }
0xb01: {  	s15 =	simm.s32 $0x9580;
	s9 =	sld [smem:$0x7C9]  }
0xb02: {  	[tilespmem:s15], [sflag:$0x1] =	stream.indirect.gather [hbm4b:s4+s7], $0x20, s0, s7, $0xb8;
	v63 =	vld [tilespmem:$0x0]  }
0xb03: {  	s16 =	simm.s32 $0x9BC0;
	s8 =	sld [smem:$0x7CA]  }
0xb04: {  	[tilespmem:s16], [sflag:$0x1] =	stream.indirect.gather [hbm4b:s4+s7], $0x20, s9, s7, $0xb8;
	v63 =	vld [tilespmem:$0x0]  }
0xb05: {  	s15 =	simm.s32 $0xA200;
	s9 =	sld [smem:$0x7CB]  }
0xb06: {  	[tilespmem:s15], [sflag:$0x1] =	stream.indirect.gather [hbm4b:s4+s7], $0x20, s8, s7, $0xb8;
	v63 =	vld [tilespmem:$0x0]  }
0xb07: {  	s0 =	sld [smem:$0x7CC];
	s16 =	simm.s32 $0xA840  }
0xb08: {  	[tilespmem:s16], [sflag:$0x1] =	stream.indirect.gather [hbm4b:s4+s7], $0x20, s9, s7, $0xb8;
	v63 =	vld [tilespmem:$0x0]  }
0xb09: {  	s15 =	simm.s32 $0xAE80;
	s9 =	sld [smem:$0x7D1]  }
0xb0a: {  	[tilespmem:s15], [sflag:$0x1] =	stream.indirect.gather [hbm4b:s4+s7], $0x20, s0, s7, $0xb8;
	v63 =	vld [tilespmem:$0x0]  }
0xb0b: {  	s16 =	simm.s32 $0xB4C0;
	s0 =	sld [smem:$0x7D3]  }
0xb0c: {  	[tilespmem:s16], [sflag:$0x1] =	stream.indirect.gather [hbm4b:s4+s7], $0x20, s9, s7, $0xb8;
	v63 =	vld [tilespmem:$0x0]  }
0xb0d: {  	s15 =	simm.s32 $0xBB00;
	s9 =	sld [smem:$0x7D5]  }
0xb0e: {  	[tilespmem:s15], [sflag:$0x1] =	stream.indirect.gather [hbm4b:s4+s7], $0x20, s0, s7, $0xb8;
	v63 =	vld [tilespmem:$0x0]  }
0xb0f: {  	s16 =	simm.s32 $0xC140;
	s0 =	sld [smem:$0x7D7]  }
0xb10: {  	[tilespmem:s16], [sflag:$0x1] =	stream.indirect.gather [hbm4b:s4+s7], $0x20, s9, s7, $0xb8;
	v63 =	vld [tilespmem:$0x0]  }
0xb11: {  	s15 =	simm.s32 $0xC780;
	s9 =	sld [smem:$0x7D9]  }
0xb12: {  	[tilespmem:s15], [sflag:$0x1] =	stream.indirect.gather [hbm4b:s4+s7], $0x20, s0, s7, $0xb8;
	v63 =	vld [tilespmem:$0x0]  }
0xb13: {  	s16 =	simm.s32 $0xCDC0  }
0xb14: {  	[tilespmem:s16], [sflag:$0x1] =	stream.indirect.gather [hbm4b:s4+s7], $0x20, s9, s7, $0xb8;
	v63 =	vld [tilespmem:$0x0]  }
0xb15: {  	_ =	swait.ge [sflag:s26], $0x640  }
0xb16: {  	[sflag:s26] =	ssyncset.done $0x0  }
0xb17: {  	[sflag:s26] =	ssyncadd.s32 $0xFFFFF9C0  }
0xb18: {  	_ =	swait.ge [sflag:s26], $0x640  }
0xb19: {  	[sflag:s26] =	ssyncset.done $0x0  }
0xb1a: {  	[sflag:s26] =	ssyncadd.s32 $0xFFFFF9C0  }
0xb1b: {  	_ =	swait.ge [sflag:s26], $0x640  }
0xb1c: {  	[sflag:s26] =	ssyncset.done $0x0  }
0xb1d: {  	[sflag:s26] =	ssyncadd.s32 $0xFFFFF9C0  }
0xb1e: {  	_ =	swait.ge [sflag:s26], $0x640  }
0xb1f: {  	[sflag:s26] =	ssyncset.done $0x0  }
0xb20: {  	[sflag:s26] =	ssyncadd.s32 $0xFFFFF9C0  }
0xb21: {  	_ =	swait.ge [sflag:s26], $0x640  }
0xb22: {  	[sflag:s26] =	ssyncset.done $0x0  }
0xb23: {  	[sflag:s26] =	ssyncadd.s32 $0xFFFFF9C0  }
0xb24: {  	_ =	swait.ge [sflag:s26], $0x640  }
0xb25: {  	[sflag:s26] =	ssyncset.done $0x0  }
0xb26: {  	[sflag:s26] =	ssyncadd.s32 $0xFFFFF9C0  }
0xb27: {  	_ =	swait.ge [sflag:s26], $0x640  }
0xb28: {  	[sflag:s26] =	ssyncset.done $0x0  }
0xb29: {  	[sflag:s26] =	ssyncadd.s32 $0xFFFFF9C0  }
0xb2a: {  	_ =	swait.ge [sflag:s26], $0x640  }
0xb2b: {  	[sflag:s26] =	ssyncset.done $0x0  }
0xb2c: {  	[sflag:s26] =	ssyncadd.s32 $0xFFFFF9C0  }
0xb2d: {  	_ =	swait.ge [sflag:s26], $0x640  }
0xb2e: {  	[sflag:s26] =	ssyncset.done $0x0  }
0xb2f: {  	[sflag:s26] =	ssyncadd.s32 $0xFFFFF9C0  }
0xb30: {  	_ =	swait.ge [sflag:s26], $0x640  }
0xb31: {  	[sflag:s26] =	ssyncset.done $0x0  }
0xb32: {  	[sflag:s26] =	ssyncadd.s32 $0xFFFFF9C0  }
0xb33: {  	_ =	swait.ge [sflag:s26], $0x640  }
0xb34: {  	[sflag:s26] =	ssyncset.done $0x0  }
0xb35: {  	[sflag:s26] =	ssyncadd.s32 $0xFFFFF9C0  }
0xb36: {  	_ =	swait.ge [sflag:s26], $0x640  }
0xb37: {  	[sflag:s26] =	ssyncset.done $0x0  }
0xb38: {  	[sflag:s26] =	ssyncadd.s32 $0xFFFFF9C0  }
0xb39: {  	_ =	swait.ge [sflag:s26], $0x640  }
0xb3a: {  	[sflag:s26] =	ssyncset.done $0x0  }
0xb3b: {  	[sflag:s26] =	ssyncadd.s32 $0xFFFFF9C0  }
0xb3c: {  	_ =	swait.ge [sflag:s26], $0x640  }
0xb3d: {  	[sflag:s26] =	ssyncset.done $0x0  }
0xb3e: {  	[sflag:s26] =	ssyncadd.s32 $0xFFFFF9C0  }
0xb3f: {  	_ =	swait.ge [sflag:s26], $0x640  }
0xb40: {  	[sflag:s26] =	ssyncset.done $0x0  }
0xb41: {  	[sflag:s26] =	ssyncadd.s32 $0xFFFFF9C0  }
0xb42: {  	_ =	swait.ge [sflag:s26], $0x640  }
0xb43: {  	[sflag:s26] =	ssyncset.done $0x0  }
0xb44: {  	s9 =	simm.s32 $0x13800;
	s3 =	rddreg [dreg:$0x1d];
	[sflag:s26] =	ssyncadd.s32 $0xFFFFF9C0  }
0xb45: {  	[hbm4b:s3+s6] =	stream.linear.scatter [tilespmem:s9], [sflag:$0x7], $0x6400, $0x38;
	v63 =	vld [tilespmem:$0x0]  }
0xb46: {  	_ =	swait.ge [sflag:s28], $0x6400  }
0xb47: {  	s8 =	sld [smem:$0x7DB]  }
0xb48: {  	[sflag:s28] =	ssyncset.done $0x0  }
0xb49: {  	s15 =	sld [smem:$0x7DD];
	[sflag:s28] =	ssyncadd.s32 $0xFFFF9C00  }
0xb4a: {  	[tilespmem:s14], [sflag:$0x2] =	stream.indirect.gather [hbm4b:s4+s7], $0x20, s8, s7, $0xb8;
	v63 =	vld [tilespmem:$0x0]  }
0xb4b: {  	s16 =	simm.s32 $0xDA40;
	s0 =	sld [smem:$0x7DF]  }
0xb4c: {  	[tilespmem:s16], [sflag:$0x2] =	stream.indirect.gather [hbm4b:s4+s7], $0x20, s15, s7, $0xb8;
	v63 =	vld [tilespmem:$0x0]  }
0xb4d: {  	s3 =	sld [smem:$0x7E1];
	s15 =	simm.s32 $0xE080  }
0xb4e: {  	[tilespmem:s15], [sflag:$0x2] =	stream.indirect.gather [hbm4b:s4+s7], $0x20, s0, s7, $0xb8;
	v63 =	vld [tilespmem:$0x0]  }
0xb4f: {  	s16 =	simm.s32 $0xE6C0;
	s0 =	sld [smem:$0x7E3]  }
0xb50: {  	[tilespmem:s16], [sflag:$0x2] =	stream.indirect.gather [hbm4b:s4+s7], $0x20, s3, s7, $0xb8;
	v63 =	vld [tilespmem:$0x0]  }
0xb51: {  	s15 =	simm.s32 $0xED00;
	s3 =	sld [smem:$0x7E7]  }
0xb52: {  	[tilespmem:s15], [sflag:$0x2] =	stream.indirect.gather [hbm4b:s4+s7], $0x20, s0, s7, $0xb8;
	v63 =	vld [tilespmem:$0x0]  }
0xb53: {  	s16 =	simm.s32 $0xF340;
	s0 =	sld [smem:$0x7E9]  }
0xb54: {  	[tilespmem:s16], [sflag:$0x2] =	stream.indirect.gather [hbm4b:s4+s7], $0x20, s3, s7, $0xb8;
	v63 =	vld [tilespmem:$0x0]  }
0xb55: {  	s15 =	simm.s32 $0xF980;
	s3 =	sld [smem:$0x7FB]  }
0xb56: {  	[tilespmem:s15], [sflag:$0x2] =	stream.indirect.gather [hbm4b:s4+s7], $0x20, s0, s7, $0xb8;
	v63 =	vld [tilespmem:$0x0]  }
0xb57: {  	s16 =	simm.s32 $0xFFC0;
	s0 =	sld [smem:$0x7FA]  }
0xb58: {  	[tilespmem:s16], [sflag:$0x2] =	stream.indirect.gather [hbm4b:s4+s7], $0x20, s3, s7, $0xb8;
	v63 =	vld [tilespmem:$0x0]  }
0xb59: {  	s15 =	simm.s32 $0x10600;
	s3 =	sld [smem:$0x7F9]  }
0xb5a: {  	[tilespmem:s15], [sflag:$0x2] =	stream.indirect.gather [hbm4b:s4+s7], $0x20, s0, s7, $0xb8;
	v63 =	vld [tilespmem:$0x0]  }
0xb5b: {  	s16 =	simm.s32 $0x10C40;
	s0 =	sld [smem:$0x7F8]  }
0xb5c: {  	[tilespmem:s16], [sflag:$0x2] =	stream.indirect.gather [hbm4b:s4+s7], $0x20, s3, s7, $0xb8;
	v63 =	vld [tilespmem:$0x0]  }
0xb5d: {  	s15 =	simm.s32 $0x11280;
	s3 =	sld [smem:$0x7F7]  }
0xb5e: {  	[tilespmem:s15], [sflag:$0x2] =	stream.indirect.gather [hbm4b:s4+s7], $0x20, s0, s7, $0xb8;
	v63 =	vld [tilespmem:$0x0]  }
0xb5f: {  	s16 =	simm.s32 $0x118C0;
	s0 =	sld [smem:$0x7F6]  }
0xb60: {  	[tilespmem:s16], [sflag:$0x2] =	stream.indirect.gather [hbm4b:s4+s7], $0x20, s3, s7, $0xb8;
	v63 =	vld [tilespmem:$0x0]  }
0xb61: {  	s15 =	simm.s32 $0x11F00;
	s3 =	sld [smem:$0x7F5]  }
0xb62: {  	[tilespmem:s15], [sflag:$0x2] =	stream.indirect.gather [hbm4b:s4+s7], $0x20, s0, s7, $0xb8;
	v63 =	vld [tilespmem:$0x0]  }
0xb63: {  	s16 =	simm.s32 $0x12540;
	s0 =	sld [smem:$0x7F4]  }
0xb64: {  	[tilespmem:s16], [sflag:$0x2] =	stream.indirect.gather [hbm4b:s4+s7], $0x20, s3, s7, $0xb8;
	v63 =	vld [tilespmem:$0x0]  }
0xb65: {  	s15 =	sld [smem:$0x7F3]  }
0xb66: {  	[tilespmem:s2], [sflag:$0x2] =	stream.indirect.gather [hbm4b:s4+s7], $0x20, s0, s7, $0xb8;
	v63 =	vld [tilespmem:$0x0]  }
0xb67: {  	s16 =	simm.s32 $0x131C0  }
0xb68: {  	[tilespmem:s16], [sflag:$0x2] =	stream.indirect.gather [hbm4b:s4+s7], $0x20, s15, s7, $0xb8;
	v63 =	vld [tilespmem:$0x0]  }
0xb69: {  	_ =	swait.ge [sflag:s29], $0x640  }
0xb6a: {  	[sflag:s29] =	ssyncset.done $0x0  }
0xb6b: {  	[sflag:s29] =	ssyncadd.s32 $0xFFFFF9C0  }
0xb6c: {  	_ =	swait.ge [sflag:s29], $0x640  }
0xb6d: {  	[sflag:s29] =	ssyncset.done $0x0  }
0xb6e: {  	[sflag:s29] =	ssyncadd.s32 $0xFFFFF9C0  }
0xb6f: {  	_ =	swait.ge [sflag:s29], $0x640  }
0xb70: {  	[sflag:s29] =	ssyncset.done $0x0  }
0xb71: {  	[sflag:s29] =	ssyncadd.s32 $0xFFFFF9C0  }
0xb72: {  	_ =	swait.ge [sflag:s29], $0x640  }
0xb73: {  	[sflag:s29] =	ssyncset.done $0x0  }
0xb74: {  	[sflag:s29] =	ssyncadd.s32 $0xFFFFF9C0  }
0xb75: {  	_ =	swait.ge [sflag:s29], $0x640  }
0xb76: {  	[sflag:s29] =	ssyncset.done $0x0  }
0xb77: {  	[sflag:s29] =	ssyncadd.s32 $0xFFFFF9C0  }
0xb78: {  	_ =	swait.ge [sflag:s29], $0x640  }
0xb79: {  	[sflag:s29] =	ssyncset.done $0x0  }
0xb7a: {  	[sflag:s29] =	ssyncadd.s32 $0xFFFFF9C0  }
0xb7b: {  	_ =	swait.ge [sflag:s29], $0x640  }
0xb7c: {  	[sflag:s29] =	ssyncset.done $0x0  }
0xb7d: {  	[sflag:s29] =	ssyncadd.s32 $0xFFFFF9C0  }
0xb7e: {  	_ =	swait.ge [sflag:s29], $0x640  }
0xb7f: {  	[sflag:s29] =	ssyncset.done $0x0  }
0xb80: {  	[sflag:s29] =	ssyncadd.s32 $0xFFFFF9C0  }
0xb81: {  	_ =	swait.ge [sflag:s29], $0x640  }
0xb82: {  	[sflag:s29] =	ssyncset.done $0x0  }
0xb83: {  	[sflag:s29] =	ssyncadd.s32 $0xFFFFF9C0  }
0xb84: {  	_ =	swait.ge [sflag:s29], $0x640  }
0xb85: {  	[sflag:s29] =	ssyncset.done $0x0  }
0xb86: {  	[sflag:s29] =	ssyncadd.s32 $0xFFFFF9C0  }
0xb87: {  	_ =	swait.ge [sflag:s29], $0x640  }
0xb88: {  	[sflag:s29] =	ssyncset.done $0x0  }
0xb89: {  	[sflag:s29] =	ssyncadd.s32 $0xFFFFF9C0  }
0xb8a: {  	_ =	swait.ge [sflag:s29], $0x640  }
0xb8b: {  	[sflag:s29] =	ssyncset.done $0x0  }
0xb8c: {  	[sflag:s29] =	ssyncadd.s32 $0xFFFFF9C0  }
0xb8d: {  	_ =	swait.ge [sflag:s29], $0x640  }
0xb8e: {  	[sflag:s29] =	ssyncset.done $0x0  }
0xb8f: {  	[sflag:s29] =	ssyncadd.s32 $0xFFFFF9C0  }
0xb90: {  	_ =	swait.ge [sflag:s29], $0x640  }
0xb91: {  	[sflag:s29] =	ssyncset.done $0x0  }
0xb92: {  	[sflag:s29] =	ssyncadd.s32 $0xFFFFF9C0  }
0xb93: {  	_ =	swait.ge [sflag:s29], $0x640  }
0xb94: {  	[sflag:s29] =	ssyncset.done $0x0  }
0xb95: {  	[sflag:s29] =	ssyncadd.s32 $0xFFFFF9C0  }
0xb96: {  	_ =	swait.ge [sflag:s29], $0x640  }
0xb97: {  	[sflag:s29] =	ssyncset.done $0x0  }
0xb98: {  	s8 =	simm.s32 $0x19C00;
	s2 =	rddreg [dreg:$0x1e];
	[sflag:s29] =	ssyncadd.s32 $0xFFFFF9C0  }
0xb99: {  	[hbm4b:s2+s6] =	stream.linear.scatter [tilespmem:s8], [sflag:$0x8], $0x6400, $0x38;
	v63 =	vld [tilespmem:$0x0]  }
0xb9a: {  	_ =	swait.ge [sflag:s30], $0x6400  }
0xb9b: {  	s3 =	sld [smem:$0x7F2]  }
0xb9c: {  	[sflag:s30] =	ssyncset.done $0x0  }
0xb9d: {  	s15 =	sld [smem:$0x7F1];
	[sflag:s30] =	ssyncadd.s32 $0xFFFF9C00  }
0xb9e: {  	[tilespmem:s9], [sflag:$0x3] =	stream.indirect.gather [hbm4b:s4+s7], $0x20, s3, s7, $0xb8;
	v63 =	vld [tilespmem:$0x0]  }
0xb9f: {  	s16 =	simm.s32 $0x13E40;
	s0 =	sld [smem:$0x7F0]  }
0xba0: {  	[tilespmem:s16], [sflag:$0x3] =	stream.indirect.gather [hbm4b:s4+s7], $0x20, s15, s7, $0xb8;
	v63 =	vld [tilespmem:$0x0]  }
0xba1: {  	s3 =	sld [smem:$0x7EF];
	s15 =	simm.s32 $0x14480  }
0xba2: {  	[tilespmem:s15], [sflag:$0x3] =	stream.indirect.gather [hbm4b:s4+s7], $0x20, s0, s7, $0xb8;
	v63 =	vld [tilespmem:$0x0]  }
0xba3: {  	s16 =	simm.s32 $0x14AC0;
	s0 =	sld [smem:$0x7EE]  }
0xba4: {  	[tilespmem:s16], [sflag:$0x3] =	stream.indirect.gather [hbm4b:s4+s7], $0x20, s3, s7, $0xb8;
	v63 =	vld [tilespmem:$0x0]  }
0xba5: {  	s15 =	simm.s32 $0x15100;
	s3 =	sld [smem:$0x7ED]  }
0xba6: {  	[tilespmem:s15], [sflag:$0x3] =	stream.indirect.gather [hbm4b:s4+s7], $0x20, s0, s7, $0xb8;
	v63 =	vld [tilespmem:$0x0]  }
0xba7: {  	s16 =	simm.s32 $0x15740;
	s0 =	sld [smem:$0x7EC]  }
0xba8: {  	[tilespmem:s16], [sflag:$0x3] =	stream.indirect.gather [hbm4b:s4+s7], $0x20, s3, s7, $0xb8;
	v63 =	vld [tilespmem:$0x0]  }
0xba9: {  	s15 =	simm.s32 $0x15D80;
	s3 =	sld [smem:$0x7EB]  }
0xbaa: {  	[tilespmem:s15], [sflag:$0x3] =	stream.indirect.gather [hbm4b:s4+s7], $0x20, s0, s7, $0xb8;
	v63 =	vld [tilespmem:$0x0]  }
0xbab: {  	s16 =	simm.s32 $0x163C0;
	s0 =	sld [smem:$0x7EA]  }
0xbac: {  	[tilespmem:s16], [sflag:$0x3] =	stream.indirect.gather [hbm4b:s4+s7], $0x20, s3, s7, $0xb8;
	v63 =	vld [tilespmem:$0x0]  }
0xbad: {  	s15 =	simm.s32 $0x16A00;
	s3 =	sld [smem:$0x7E8]  }
0xbae: {  	[tilespmem:s15], [sflag:$0x3] =	stream.indirect.gather [hbm4b:s4+s7], $0x20, s0, s7, $0xb8;
	v63 =	vld [tilespmem:$0x0]  }
0xbaf: {  	s16 =	simm.s32 $0x17040;
	s0 =	sld [smem:$0x7E6]  }
0xbb0: {  	[tilespmem:s16], [sflag:$0x3] =	stream.indirect.gather [hbm4b:s4+s7], $0x20, s3, s7, $0xb8;
	v63 =	vld [tilespmem:$0x0]  }
0xbb1: {  	s15 =	simm.s32 $0x17680;
	s3 =	sld [smem:$0x7E5]  }
0xbb2: {  	[tilespmem:s15], [sflag:$0x3] =	stream.indirect.gather [hbm4b:s4+s7], $0x20, s0, s7, $0xb8;
	v63 =	vld [tilespmem:$0x0]  }
0xbb3: {  	s16 =	simm.s32 $0x17CC0;
	s0 =	sld [smem:$0x7E4]  }
0xbb4: {  	[tilespmem:s16], [sflag:$0x3] =	stream.indirect.gather [hbm4b:s4+s7], $0x20, s3, s7, $0xb8;
	v63 =	vld [tilespmem:$0x0]  }
0xbb5: {  	s15 =	simm.s32 $0x18300;
	s3 =	sld [smem:$0x7E2]  }
0xbb6: {  	[tilespmem:s15], [sflag:$0x3] =	stream.indirect.gather [hbm4b:s4+s7], $0x20, s0, s7, $0xb8;
	v63 =	vld [tilespmem:$0x0]  }
0xbb7: {  	s16 =	simm.s32 $0x18940;
	s0 =	sld [smem:$0x7E0]  }
0xbb8: {  	[tilespmem:s16], [sflag:$0x3] =	stream.indirect.gather [hbm4b:s4+s7], $0x20, s3, s7, $0xb8;
	v63 =	vld [tilespmem:$0x0]  }
0xbb9: {  	s15 =	simm.s32 $0x18F80;
	s3 =	sld [smem:$0x7DE]  }
0xbba: {  	[tilespmem:s15], [sflag:$0x3] =	stream.indirect.gather [hbm4b:s4+s7], $0x20, s0, s7, $0xb8;
	v63 =	vld [tilespmem:$0x0]  }
0xbbb: {  	s16 =	simm.s32 $0x195C0  }
0xbbc: {  	[tilespmem:s16], [sflag:$0x3] =	stream.indirect.gather [hbm4b:s4+s7], $0x20, s3, s7, $0xb8;
	v63 =	vld [tilespmem:$0x0]  }
0xbbd: {  	_ =	swait.ge [sflag:s22], $0x640  }
0xbbe: {  	[sflag:s22] =	ssyncset.done $0x0  }
0xbbf: {  	[sflag:s22] =	ssyncadd.s32 $0xFFFFF9C0  }
0xbc0: {  	_ =	swait.ge [sflag:s22], $0x640  }
0xbc1: {  	[sflag:s22] =	ssyncset.done $0x0  }
0xbc2: {  	[sflag:s22] =	ssyncadd.s32 $0xFFFFF9C0  }
0xbc3: {  	_ =	swait.ge [sflag:s22], $0x640  }
0xbc4: {  	[sflag:s22] =	ssyncset.done $0x0  }
0xbc5: {  	[sflag:s22] =	ssyncadd.s32 $0xFFFFF9C0  }
0xbc6: {  	_ =	swait.ge [sflag:s22], $0x640  }
0xbc7: {  	[sflag:s22] =	ssyncset.done $0x0  }
0xbc8: {  	[sflag:s22] =	ssyncadd.s32 $0xFFFFF9C0  }
0xbc9: {  	_ =	swait.ge [sflag:s22], $0x640  }
0xbca: {  	[sflag:s22] =	ssyncset.done $0x0  }
0xbcb: {  	[sflag:s22] =	ssyncadd.s32 $0xFFFFF9C0  }
0xbcc: {  	_ =	swait.ge [sflag:s22], $0x640  }
0xbcd: {  	[sflag:s22] =	ssyncset.done $0x0  }
0xbce: {  	[sflag:s22] =	ssyncadd.s32 $0xFFFFF9C0  }
0xbcf: {  	_ =	swait.ge [sflag:s22], $0x640  }
0xbd0: {  	[sflag:s22] =	ssyncset.done $0x0  }
0xbd1: {  	[sflag:s22] =	ssyncadd.s32 $0xFFFFF9C0  }
0xbd2: {  	_ =	swait.ge [sflag:s22], $0x640  }
0xbd3: {  	[sflag:s22] =	ssyncset.done $0x0  }
0xbd4: {  	[sflag:s22] =	ssyncadd.s32 $0xFFFFF9C0  }
0xbd5: {  	_ =	swait.ge [sflag:s22], $0x640  }
0xbd6: {  	[sflag:s22] =	ssyncset.done $0x0  }
0xbd7: {  	[sflag:s22] =	ssyncadd.s32 $0xFFFFF9C0  }
0xbd8: {  	_ =	swait.ge [sflag:s22], $0x640  }
0xbd9: {  	[sflag:s22] =	ssyncset.done $0x0  }
0xbda: {  	[sflag:s22] =	ssyncadd.s32 $0xFFFFF9C0  }
0xbdb: {  	_ =	swait.ge [sflag:s22], $0x640  }
0xbdc: {  	[sflag:s22] =	ssyncset.done $0x0  }
0xbdd: {  	[sflag:s22] =	ssyncadd.s32 $0xFFFFF9C0  }
0xbde: {  	_ =	swait.ge [sflag:s22], $0x640  }
0xbdf: {  	[sflag:s22] =	ssyncset.done $0x0  }
0xbe0: {  	[sflag:s22] =	ssyncadd.s32 $0xFFFFF9C0  }
0xbe1: {  	_ =	swait.ge [sflag:s22], $0x640  }
0xbe2: {  	[sflag:s22] =	ssyncset.done $0x0  }
0xbe3: {  	[sflag:s22] =	ssyncadd.s32 $0xFFFFF9C0  }
0xbe4: {  	_ =	swait.ge [sflag:s22], $0x640  }
0xbe5: {  	[sflag:s22] =	ssyncset.done $0x0  }
0xbe6: {  	[sflag:s22] =	ssyncadd.s32 $0xFFFFF9C0  }
0xbe7: {  	_ =	swait.ge [sflag:s22], $0x640  }
0xbe8: {  	[sflag:s22] =	ssyncset.done $0x0  }
0xbe9: {  	[sflag:s22] =	ssyncadd.s32 $0xFFFFF9C0  }
0xbea: {  	_ =	swait.ge [sflag:s22], $0x640  }
0xbeb: {  	[sflag:s22] =	ssyncset.done $0x0  }
0xbec: {  	s2 =	rddreg [dreg:$0x1f];
	[sflag:s22] =	ssyncadd.s32 $0xFFFFF9C0  }
0xbed: {  	[hbm4b:s2+s6] =	stream.linear.scatter [tilespmem:s13], [sflag:$0x5], $0x6400, $0x38;
	v63 =	vld [tilespmem:$0x0]  }
0xbee: {  	_ =	swait.ge [sflag:s31], $0x6400  }
0xbef: {  	s3 =	sld [smem:$0x7DC]  }
0xbf0: {  	[sflag:s31] =	ssyncset.done $0x0  }
0xbf1: {  	s13 =	sld [smem:$0x7DA];
	[sflag:s31] =	ssyncadd.s32 $0xFFFF9C00  }
0xbf2: {  	[tilespmem:s8], [sflag:$0x4] =	stream.indirect.gather [hbm4b:s4+s7], $0x20, s3, s7, $0xb8;
	v63 =	vld [tilespmem:$0x0]  }
0xbf3: {  	s16 =	simm.s32 $0x1A240;
	s15 =	sld [smem:$0x7D8]  }
0xbf4: {  	[tilespmem:s16], [sflag:$0x4] =	stream.indirect.gather [hbm4b:s4+s7], $0x20, s13, s7, $0xb8;
	v63 =	vld [tilespmem:$0x0]  }
0xbf5: {  	s3 =	sld [smem:$0x7D6];
	s13 =	simm.s32 $0x1A880  }
0xbf6: {  	[tilespmem:s13], [sflag:$0x4] =	stream.indirect.gather [hbm4b:s4+s7], $0x20, s15, s7, $0xb8;
	v63 =	vld [tilespmem:$0x0]  }
0xbf7: {  	s16 =	simm.s32 $0x1AEC0;
	s15 =	sld [smem:$0x7D4]  }
0xbf8: {  	[tilespmem:s16], [sflag:$0x4] =	stream.indirect.gather [hbm4b:s4+s7], $0x20, s3, s7, $0xb8;
	v63 =	vld [tilespmem:$0x0]  }
0xbf9: {  	s12 =	simm.s32 $0x1B500;
	s13 =	sld [smem:$0x7D2]  }
0xbfa: {  	[tilespmem:s12], [sflag:$0x4] =	stream.indirect.gather [hbm4b:s4+s7], $0x20, s15, s7, $0xb8;
	v63 =	vld [tilespmem:$0x0]  }
0xbfb: {  	s11 =	simm.s32 $0x1BB40;
	s15 =	sld [smem:$0x7D0]  }
0xbfc: {  	[tilespmem:s11], [sflag:$0x4] =	stream.indirect.gather [hbm4b:s4+s7], $0x20, s13, s7, $0xb8;
	v63 =	vld [tilespmem:$0x0]  }
0xbfd: {  	s19 =	simm.s32 $0x1C180;
	s16 =	sld [smem:$0x7CF]  }
0xbfe: {  	[tilespmem:s19], [sflag:$0x4] =	stream.indirect.gather [hbm4b:s4+s7], $0x20, s15, s7, $0xb8;
	v63 =	vld [tilespmem:$0x0]  }
0xbff: {  	s17 =	simm.s32 $0x1C7C0;
	s19 =	sld [smem:$0x7CE]  }
0xc00: {  	[tilespmem:s17], [sflag:$0x4] =	stream.indirect.gather [hbm4b:s4+s7], $0x20, s16, s7, $0xb8;
	v63 =	vld [tilespmem:$0x0]  }
0xc01: {  	s21 =	simm.s32 $0x1CE00;
	s2 =	sld [smem:$0x7CD]  }
0xc02: {  	[tilespmem:s21], [sflag:$0x4] =	stream.indirect.gather [hbm4b:s4+s7], $0x20, s19, s7, $0xb8;
	v63 =	vld [tilespmem:$0x0]  }
0xc03: {  	s18 =	simm.s32 $0x1D440;
	s11 =	sld [smem:$0x7BC]  }
0xc04: {  	[tilespmem:s18], [sflag:$0x4] =	stream.indirect.gather [hbm4b:s4+s7], $0x20, s2, s7, $0xb8;
	v63 =	vld [tilespmem:$0x0]  }
0xc05: {  	s12 =	sld [smem:$0x7BB];
	s13 =	simm.s32 $0x1DA80  }
0xc06: {  	[tilespmem:s13], [sflag:$0x4] =	stream.indirect.gather [hbm4b:s4+s7], $0x20, s11, s7, $0xb8;
	v63 =	vld [tilespmem:$0x0]  }
0xc07: {  	s20 =	simm.s32 $0x1E0C0;
	s15 =	sld [smem:$0x7AA]  }
0xc08: {  	[tilespmem:s20], [sflag:$0x4] =	stream.indirect.gather [hbm4b:s4+s7], $0x20, s12, s7, $0xb8;
	v63 =	vld [tilespmem:$0x0]  }
0xc09: {  	s24 =	simm.s32 $0x1E700;
	s16 =	sld [smem:$0x7A9]  }
0xc0a: {  	[tilespmem:s24], [sflag:$0x4] =	stream.indirect.gather [hbm4b:s4+s7], $0x20, s15, s7, $0xb8;
	v63 =	vld [tilespmem:$0x0]  }
0xc0b: {  	s17 =	sld [smem:$0x7FC]  }
0xc0c: {  	[tilespmem:s1], [sflag:$0x4] =	stream.indirect.gather [hbm4b:s4+s7], $0x20, s16, s7, $0xb8;
	v63 =	vld [tilespmem:$0x0]  }
0xc0d: {  	s18 =	sld [smem:$0x7FD]  }
0xc0e: {  	[tilespmem:s5], [sflag:$0x4] =	stream.indirect.gather [hbm4b:s4+s7], $0x20, s17, s7, $0xb8;
	v63 =	vld [tilespmem:$0x0]  }
0xc0f: {  	_ = 	snop  }
0xc10: {  	[tilespmem:s10], [sflag:$0x4] =	stream.indirect.gather [hbm4b:s4+s7], $0x20, s18, s7, $0xb8;
	v63 =	vld [tilespmem:$0x0]  }
0xc11: {  	s19 =	sld [smem:$0x5FA];
	_ =	swait.ge [sflag:s23], $0x640  }
0xc12: {  	[sflag:s23] =	ssyncset.done $0x0  }
0xc13: {  	[sflag:s23] =	ssyncadd.s32 $0xFFFFF9C0  }
0xc14: {  	_ =	swait.ge [sflag:s23], $0x640  }
0xc15: {  	[sflag:s23] =	ssyncset.done $0x0  }
0xc16: {  	[sflag:s23] =	ssyncadd.s32 $0xFFFFF9C0  }
0xc17: {  	_ =	swait.ge [sflag:s23], $0x640  }
0xc18: {  	[sflag:s23] =	ssyncset.done $0x0  }
0xc19: {  	[sflag:s23] =	ssyncadd.s32 $0xFFFFF9C0  }
0xc1a: {  	_ =	swait.ge [sflag:s23], $0x640  }
0xc1b: {  	[sflag:s23] =	ssyncset.done $0x0  }
0xc1c: {  	[sflag:s23] =	ssyncadd.s32 $0xFFFFF9C0  }
0xc1d: {  	_ =	swait.ge [sflag:s23], $0x640  }
0xc1e: {  	[sflag:s23] =	ssyncset.done $0x0  }
0xc1f: {  	[sflag:s23] =	ssyncadd.s32 $0xFFFFF9C0  }
0xc20: {  	_ =	swait.ge [sflag:s23], $0x640  }
0xc21: {  	[sflag:s23] =	ssyncset.done $0x0  }
0xc22: {  	[sflag:s23] =	ssyncadd.s32 $0xFFFFF9C0  }
0xc23: {  	_ =	swait.ge [sflag:s23], $0x640  }
0xc24: {  	[sflag:s23] =	ssyncset.done $0x0  }
0xc25: {  	[sflag:s23] =	ssyncadd.s32 $0xFFFFF9C0  }
0xc26: {  	_ =	swait.ge [sflag:s23], $0x640  }
0xc27: {  	[sflag:s23] =	ssyncset.done $0x0  }
0xc28: {  	[sflag:s23] =	ssyncadd.s32 $0xFFFFF9C0  }
0xc29: {  	_ =	swait.ge [sflag:s23], $0x640  }
0xc2a: {  	[sflag:s23] =	ssyncset.done $0x0  }
0xc2b: {  	[sflag:s23] =	ssyncadd.s32 $0xFFFFF9C0  }
0xc2c: {  	_ =	swait.ge [sflag:s23], $0x640  }
0xc2d: {  	[sflag:s23] =	ssyncset.done $0x0  }
0xc2e: {  	[sflag:s23] =	ssyncadd.s32 $0xFFFFF9C0  }
0xc2f: {  	_ =	swait.ge [sflag:s23], $0x640  }
0xc30: {  	[sflag:s23] =	ssyncset.done $0x0  }
0xc31: {  	[sflag:s23] =	ssyncadd.s32 $0xFFFFF9C0  }
0xc32: {  	_ =	swait.ge [sflag:s23], $0x640  }
0xc33: {  	[sflag:s23] =	ssyncset.done $0x0  }
0xc34: {  	[sflag:s23] =	ssyncadd.s32 $0xFFFFF9C0  }
0xc35: {  	_ =	swait.ge [sflag:s23], $0x640  }
0xc36: {  	[sflag:s23] =	ssyncset.done $0x0  }
0xc37: {  	[sflag:s23] =	ssyncadd.s32 $0xFFFFF9C0  }
0xc38: {  	_ =	swait.ge [sflag:s23], $0x640  }
0xc39: {  	[sflag:s23] =	ssyncset.done $0x0  }
0xc3a: {  	[sflag:s23] =	ssyncadd.s32 $0xFFFFF9C0  }
0xc3b: {  	_ =	swait.ge [sflag:s23], $0x640  }
0xc3c: {  	[sflag:s23] =	ssyncset.done $0x0  }
0xc3d: {  	[sflag:s23] =	ssyncadd.s32 $0xFFFFF9C0  }
0xc3e: {  	_ =	swait.ge [sflag:s23], $0x640  }
0xc3f: {  	s20 =	sld [smem:$0x5FC]  }
0xc40: {  	[sflag:s23] =	ssyncset.done $0x0  }
0xc41: {  	[sflag:s23] =	ssyncadd.s32 $0xFFFFF9C0  }
0xc42: {  	[hbm4b:s20+s6] =	stream.linear.scatter [tilespmem:s14], [sflag:$0x6], $0x6400, $0x38;
	v63 =	vld [tilespmem:$0x0]  }
0xc43: {  	_ =	swait.ge [sflag:s26], $0x640  }
0xc44: {  	[sflag:s26] =	ssyncset.done $0x0  }
0xc45: {  	[sflag:s26] =	ssyncadd.s32 $0xFFFFF9C0  }
0xc46: {  	_ =	swait.ge [sflag:s26], $0x640  }
0xc47: {  	[sflag:s26] =	ssyncset.done $0x0  }
0xc48: {  	[sflag:s26] =	ssyncadd.s32 $0xFFFFF9C0  }
0xc49: {  	_ =	swait.ge [sflag:s26], $0x640  }
0xc4a: {  	[sflag:s26] =	ssyncset.done $0x0  }
0xc4b: {  	[sflag:s26] =	ssyncadd.s32 $0xFFFFF9C0  }
0xc4c: {  	_ =	swait.ge [sflag:s26], $0x640  }
0xc4d: {  	[sflag:s26] =	ssyncset.done $0x0  }
0xc4e: {  	[sflag:s26] =	ssyncadd.s32 $0xFFFFF9C0  }
0xc4f: {  	_ =	swait.ge [sflag:s26], $0x640  }
0xc50: {  	[sflag:s26] =	ssyncset.done $0x0  }
0xc51: {  	[sflag:s26] =	ssyncadd.s32 $0xFFFFF9C0  }
0xc52: {  	_ =	swait.ge [sflag:s26], $0x640  }
0xc53: {  	[sflag:s26] =	ssyncset.done $0x0  }
0xc54: {  	[sflag:s26] =	ssyncadd.s32 $0xFFFFF9C0  }
0xc55: {  	_ =	swait.ge [sflag:s26], $0x640  }
0xc56: {  	[sflag:s26] =	ssyncset.done $0x0  }
0xc57: {  	[sflag:s26] =	ssyncadd.s32 $0xFFFFF9C0  }
0xc58: {  	_ =	swait.ge [sflag:s26], $0x640  }
0xc59: {  	[sflag:s26] =	ssyncset.done $0x0  }
0xc5a: {  	[sflag:s26] =	ssyncadd.s32 $0xFFFFF9C0  }
0xc5b: {  	_ =	swait.ge [sflag:s26], $0x640  }
0xc5c: {  	[sflag:s26] =	ssyncset.done $0x0  }
0xc5d: {  	[sflag:s26] =	ssyncadd.s32 $0xFFFFF9C0  }
0xc5e: {  	_ =	swait.ge [sflag:s26], $0x640  }
0xc5f: {  	[sflag:s26] =	ssyncset.done $0x0  }
0xc60: {  	[sflag:s26] =	ssyncadd.s32 $0xFFFFF9C0  }
0xc61: {  	_ =	swait.ge [sflag:s26], $0x640  }
0xc62: {  	[sflag:s26] =	ssyncset.done $0x0  }
0xc63: {  	[sflag:s26] =	ssyncadd.s32 $0xFFFFF9C0  }
0xc64: {  	_ =	swait.ge [sflag:s26], $0x640  }
0xc65: {  	[sflag:s26] =	ssyncset.done $0x0  }
0xc66: {  	[sflag:s26] =	ssyncadd.s32 $0xFFFFF9C0  }
0xc67: {  	_ =	swait.ge [sflag:s26], $0x640  }
0xc68: {  	[sflag:s26] =	ssyncset.done $0x0  }
0xc69: {  	[sflag:s26] =	ssyncadd.s32 $0xFFFFF9C0  }
0xc6a: {  	_ =	swait.ge [sflag:s26], $0x640  }
0xc6b: {  	[sflag:s26] =	ssyncset.done $0x0  }
0xc6c: {  	[sflag:s26] =	ssyncadd.s32 $0xFFFFF9C0  }
0xc6d: {  	_ =	swait.ge [sflag:s26], $0x640  }
0xc6e: {  	[sflag:s26] =	ssyncset.done $0x0  }
0xc6f: {  	[sflag:s26] =	ssyncadd.s32 $0xFFFFF9C0  }
0xc70: {  	_ =	swait.ge [sflag:s26], $0x640  }
0xc71: {  	s21 =	sld [smem:$0x5FD]  }
0xc72: {  	[sflag:s26] =	ssyncset.done $0x0  }
0xc73: {  	s9 =	simm.s32 $0x13800;
	[sflag:s26] =	ssyncadd.s32 $0xFFFFF9C0  }
0xc74: {  	[hbm4b:s21+s6] =	stream.linear.scatter [tilespmem:s9], [sflag:$0x7], $0x6400, $0x38;
	v63 =	vld [tilespmem:$0x0]  }
0xc75: {  	_ =	swait.ge [sflag:s29], $0x640  }
0xc76: {  	[sflag:s29] =	ssyncset.done $0x0  }
0xc77: {  	[sflag:s29] =	ssyncadd.s32 $0xFFFFF9C0  }
0xc78: {  	_ =	swait.ge [sflag:s29], $0x640  }
0xc79: {  	[sflag:s29] =	ssyncset.done $0x0  }
0xc7a: {  	[sflag:s29] =	ssyncadd.s32 $0xFFFFF9C0  }
0xc7b: {  	_ =	swait.ge [sflag:s29], $0x640  }
0xc7c: {  	[sflag:s29] =	ssyncset.done $0x0  }
0xc7d: {  	[sflag:s29] =	ssyncadd.s32 $0xFFFFF9C0  }
0xc7e: {  	_ =	swait.ge [sflag:s29], $0x640  }
0xc7f: {  	[sflag:s29] =	ssyncset.done $0x0  }
0xc80: {  	[sflag:s29] =	ssyncadd.s32 $0xFFFFF9C0  }
0xc81: {  	_ =	swait.ge [sflag:s29], $0x640  }
0xc82: {  	[sflag:s29] =	ssyncset.done $0x0  }
0xc83: {  	[sflag:s29] =	ssyncadd.s32 $0xFFFFF9C0  }
0xc84: {  	_ =	swait.ge [sflag:s29], $0x640  }
0xc85: {  	[sflag:s29] =	ssyncset.done $0x0  }
0xc86: {  	[sflag:s29] =	ssyncadd.s32 $0xFFFFF9C0  }
0xc87: {  	_ =	swait.ge [sflag:s29], $0x640  }
0xc88: {  	[sflag:s29] =	ssyncset.done $0x0  }
0xc89: {  	[sflag:s29] =	ssyncadd.s32 $0xFFFFF9C0  }
0xc8a: {  	_ =	swait.ge [sflag:s29], $0x640  }
0xc8b: {  	[sflag:s29] =	ssyncset.done $0x0  }
0xc8c: {  	[sflag:s29] =	ssyncadd.s32 $0xFFFFF9C0  }
0xc8d: {  	_ =	swait.ge [sflag:s29], $0x640  }
0xc8e: {  	[sflag:s29] =	ssyncset.done $0x0  }
0xc8f: {  	[sflag:s29] =	ssyncadd.s32 $0xFFFFF9C0  }
0xc90: {  	_ =	swait.ge [sflag:s29], $0x640  }
0xc91: {  	[sflag:s29] =	ssyncset.done $0x0  }
0xc92: {  	[sflag:s29] =	ssyncadd.s32 $0xFFFFF9C0  }
0xc93: {  	_ =	swait.ge [sflag:s29], $0x640  }
0xc94: {  	[sflag:s29] =	ssyncset.done $0x0  }
0xc95: {  	[sflag:s29] =	ssyncadd.s32 $0xFFFFF9C0  }
0xc96: {  	_ =	swait.ge [sflag:s29], $0x640  }
0xc97: {  	[sflag:s29] =	ssyncset.done $0x0  }
0xc98: {  	[sflag:s29] =	ssyncadd.s32 $0xFFFFF9C0  }
0xc99: {  	_ =	swait.ge [sflag:s29], $0x640  }
0xc9a: {  	[sflag:s29] =	ssyncset.done $0x0  }
0xc9b: {  	[sflag:s29] =	ssyncadd.s32 $0xFFFFF9C0  }
0xc9c: {  	_ =	swait.ge [sflag:s29], $0x640  }
0xc9d: {  	[sflag:s29] =	ssyncset.done $0x0  }
0xc9e: {  	[sflag:s29] =	ssyncadd.s32 $0xFFFFF9C0  }
0xc9f: {  	_ =	swait.ge [sflag:s29], $0x640  }
0xca0: {  	[sflag:s29] =	ssyncset.done $0x0  }
0xca1: {  	[sflag:s29] =	ssyncadd.s32 $0xFFFFF9C0  }
0xca2: {  	_ =	swait.ge [sflag:s29], $0x640  }
0xca3: {  	s24 =	sld [smem:$0x5FE]  }
0xca4: {  	[sflag:s29] =	ssyncset.done $0x0  }
0xca5: {  	s8 =	simm.s32 $0x19C00;
	[sflag:s29] =	ssyncadd.s32 $0xFFFFF9C0  }
0xca6: {  	[hbm4b:s24+s6] =	stream.linear.scatter [tilespmem:s8], [sflag:$0x8], $0x6400, $0x38;
	v63 =	vld [tilespmem:$0x0]  }
0xca7: {  	_ =	swait.ge [sflag:s25], $0x6400  }
0xca8: {  	[sflag:s25] =	ssyncset.done $0x0  }
0xca9: {  	[sflag:s25] =	ssyncadd.s32 $0xFFFF9C00  }
0xcaa: {  	_ =	swait.ge [sflag:s28], $0x6400  }
0xcab: {  	[sflag:s28] =	ssyncset.done $0x0  }
0xcac: {  	[sflag:s28] =	ssyncadd.s32 $0xFFFF9C00  }
0xcad: {  	p0 =	sne.s32 s19, $0x1;
	_ =	swait.ge [sflag:s30], $0x6400  }
.Ltmp0:
0xcae: {  	[sflag:s30] =	ssyncset.done $0x0;
	(pc) =	sbr.rel @p0 .LBB2_1-.Ltmp0, $4  }
0xcaf: {  	[sflag:s30] =	ssyncadd.s32 $0xFFFF9C00  }
0xcb0: {  	_ =	swait.ge [sflag:s31], $0x6400  }
0xcb1: {  	[sflag:s31] =	ssyncset.done $0x0  }
0xcb2: {  	s3 =	sadd.s32 $0xFFFFFFFF, s19;
	[sflag:s31] =	ssyncadd.s32 $0xFFFF9C00  }
0xcb3: {  	_ =	sfence.sel $0x180000  }
0xcb4: {  	[bflag:$0x0] =	sbarrier.arrive $0xFFFF  }
0xcb5: {  	_ =	strace $0x90000047  }
0xcb6: {  	s0 =	stileid.u32;
	[bflag:$0x2] =	sbarrier.arrive $0xFFFF  }
0xcb7: {  	p0 =	sne.s32 s0, $0x0;
	s0 =	rddreg [dreg:$0x2]  }
0xcb8: {  	s0 =	sadd.s32 @!p0 $0x100000, s0  }
0xcb9: {  	[sflag:s0] =	ssyncadd.tile.s32 @!p0 $0x1;
	_ =	shalt  }
.Lfunc_end2:
_tile_overlayer_lowered:
.L_overlay_start_2:
0xcba: {  	(tag) =	ssettag $0x2  }
0xcbb: {  	s0 =	rddreg [dreg:$0x0];
	s2 =	stileid.u32  }
0xcbc: {  	s1 =	rddreg [dreg:$0x1];
	p0 =	sne.s32 s2, $0x0  }
0xcbd: {  	s3 =	rddreg [dreg:$0x2];
	[bflag:$0x3] =	sbarrier.arrive $0xFFFF;
	s2 =	simm.s32 @!p0 $0x1C09  }
0xcbe: {  	[timem:s3], [sflag:s2] =	dma.local @!p0 [hbm:s0], s1  }
0xcbf: {  	s0 =	simm.s32 @!p0 $0x9  }
0xcc0: {  	_ =	swait.ge @!p0 [sflag:s0], s1  }
0xcc1: {  	s1 =	ssub.s32 @!p0 $0x0, s1;
	[sflag:s0] =	ssyncset.done @!p0 $0x0  }
0xcc2: {  	[sflag:s0] =	ssyncadd.s32 @!p0 s1  }
0xcc3: {  	[bflag:$0x3] =	sbarrier.arrive $0xFFFF  }
0xcc4: {  	_ =	shalt  }

// kernel: sparse-core-data-format-call.cloned.1.call-start
scs
called_computation_lowered:
.L_overlay_start_0:
0x0: {  	s2 =	sld [smem:$0x3FD9]  }
0x1: {  	s3 =	sld [smem:$0x3FFE];
	_ =	sdelay $0x1  }
0x2: {  	s1 =	srdreg.scid  }
0x3: {  	s0 =	sand.u32 $0x1, s1  }
0x4: {  	s18 =	sshll.u32 s0, $0xA;
	s2 =	sadd.s32 s3, s2  }
0x5: {  	s2 =	sadd.s32 s2, s18  }
0x6: {  	[smem:$0x3FC6] =	sst s2  }
0x7: {  	_ = 	snop  }
0x8: {  	s2 =	sld [smem:$0x3FD0];
	(tm) =	ssettm $0x1  }
0x9: {  	s19 =	sld [smem:$0x3FFB];
	_ =	sdelay $0x3  }
0xa: {  	_ =	strace s19  }
0xb: {  	s3 =	sld [smem:$0x3FFC];
	_ =	sdelay $0x3  }
0xc: {  	_ =	strace s3  }
0xd: {  	s3 =	sld [smem:$0x3FFD];
	_ =	sdelay $0x3  }
0xe: {  	_ =	strace s3  }
0xf: {  	_ =	strace $0x8FFFFFFF  }
0x10: {  	s20 =	sld [smem:$0x3FDB];
	_ =	sdelay $0x1  }
0x11: {  	s4 =	simm.s32 $_scs_section_size  }
0x12: {  	s5 =	simm.s32 $_size__tile_overlayer_lowered;
	s6 =	simm.s32 $_tile_overlayer_lowered  }
0x13: {  	s23 =	simm.s32 $0x1BFF;
	s22 =	sshll.u32 s6, $0x1;
	s3 =	sadd.s32 s4, s20  }
0x14: {  	s7 =	simm.s32 $0x0;
	s21 =	sshll.u32 s5, $0x1;
	s5 =	sadd.s32 s22, s3  }
0x15: {  	[timem:s7], [sflag:s23] =	dma.local [hbm:s5], s21  }
0x16: {  	_ =	swait.ge [sflag:s23], s21  }
0x17: {  	s4 =	ssub.s32 $0x0, s21;
	[sflag:s23] =	ssyncset.done $0x0  }
0x18: {  	[sflag:s23] =	ssyncadd.s32 s4;
	_ =	sdelay $0x1  }
0x19: {  	s24 =	simm.s32 $0x1B8B  }
0x1a: {  	_ =	swait.ge [sflag:s24], $0x1  }
0x1b: {  	[sflag:s24] =	ssyncset.done $0x0  }
0x1c: {  	s26 =	simm.s32 $0x1B8E;
	s25 =	sld [smem:$0x3FFE];
	[sflag:s24] =	ssyncadd.s32 $0xFFFFFFFF  }
0x1d: {  	s27 =	simm.s32 $execute0_lowered;
	[smem:$0x3FD2] =	sst s26  }
0x1e: {  	s5 =	sshll.u32 s27, $0x1;
	_ =	strace $0x80000049;
	[dreg:$0x1] =	wrdreg $0xFFFFFFFF  }
0x1f: {  	s28 =	simm.s32 $_size_execute0_lowered;
	s3 =	sadd.s32 s3, s5;
	[dreg:$0x0] =	wrdreg $0x0  }
0x20: {  	s5 =	sshll.u32 s28, $0x1;
	[dreg:$0x2] =	wrdreg s3  }
0x21: {  	[dreg:$0x3] =	wrdreg s5  }
0x22: {  	[dreg:$0x4] =	wrdreg $0xC0  }
0x23: {  	_ =	task [dreg:s7], $0x5FFFF  }
0x24: {  	[dreg:$0x1] =	wrdreg $0xFFFFFFFF  }
0x25: {  	[dreg:$0x0] =	wrdreg $0x60  }
0x26: {  	[dreg:$0x2] =	wrdreg s25  }
0x27: {  	[dreg:$0x3] =	wrdreg s2  }
0x28: {  	[dreg:$0x4] =	wrdreg $0x9  }
0x29: {  	_ =	task.clear_ibuf [dreg:s7], $0x5FFFF;
	_ =	strace $0x90000049  }
0x2a: {  	s29 =	simm.s32 $0x9;
	_ =	strace $0x8000004B  }
0x2b: {  	_ =	swait.ge [sflag:s29], $0x1  }
0x2c: {  	[sflag:s29] =	ssyncadd.s32 $0xFFFFFFFF  }
0x2d: {  	_ =	strace $0x9000004B  }
0x2e: {  	_ =	sfence  }
0x2f: {  	s30 =	sld [smem:$0x0];
	_ =	sdelay $0x2  }
0x30: {  	s31 =	sshll.u32 s1, $0xD;
	s1 =	sshrl.u32 s1, $0x2  }
0x31: {  	s3 =	sand.u32 $0x4000, s31;
	s1 =	sadd.s32 s1, s30  }
0x32: {  	s0 =	sor.u32 s3, s0;
	s1 =	sshll.u32 s1, $0x11  }
0x33: {  	s0 =	sor.u32 s1, s0  }
0x34: {  	s0 =	sadd.s32 $0x8F2B, s0  }
0x35: {  	[sflag:s0] =	ssyncadd.remote.s32 $0x1  }
0x36: {  	_ =	sfence.sel $0xFFFF  }
0x37: {  	[dreg:$0x0] =	wrdreg $0xFFFFFFFF;
	(pc) =	sbr.abs _section_cstart, $3  }
0x38: {  	[dreg:$0x1] =	wrdreg $0xFFFFFFFF  }
0x39: {  	_ =	task.clear_ibuf [dreg:s7], $0x2FFFF;
	_ =	strace $0x9FFFFFFF  }
0x3a: {  	(tm) =	ssettm $0x7FFFFFFF  }
0x3b: {  	_ =	shalt  }
tec
execute0_lowered:
.L_overlay_start_1:
0x0: {  	(tag) =	ssettag $0x1  }
0x1: {  	s0 =	srdreg.scid  }
0x2: {  	s1 =	sshll.u32 s0, $0x4  }
0x3: {  	s0 =	stileid.u32;
	s1 =	sand.u32 $0x10, s1  }
0x4: {  	s1 =	sor.u32 s0, s1  }
0x5: {  	s6 =	rddreg [dreg:$0x0];
	s4 =	simm.s32 $0x1;
	s2 =	sshll.u32 s1, $0x7  }
0x6: {  	s7 =	simm.s32 $0x2;
	s12 =	simm.s32 $0x0;
	s1 =	ssub.s32 $0x4000, s2  }
0x7: {  	s8 =	simm.s32 $0x20000;
	s13 =	simm.s32 $0x0;
	s3 =	sand.u32 $0xF80, s1  }
0x8: {  	s9 =	simm.s32 $0x0;
	s5 =	sshrl.u32 s1, $0xC;
	p0 =	sne.s32 s3, $0x0  }
.Ltmp0:
0x9: {  	s1 =	rddreg [dreg:$0x2];
	s4 =	simm.s32 @!p0 $0x0;
	(pc) =	sbr.rel .LBB1_1-.Ltmp0, $4  }
0xa: {  	s11 =	simm.s32 $0x0;
	s3 =	rddreg [dreg:$0x1];
	s5 =	sadd.s32 s4, s5  }
0xb: {  	_ =	strace $0x8000004A;
	s4 =	simm.s32 $0x1;
	s5 =	smul.u32 $0x32, s5  }
0xc: {  	s6 =	sadd.s32 $0xA00, s6;
	s10 =	smov.u32 s2;
	[sflag:s4] =	ssyncpa.u1 $0x0  }
0xd: {  	p0 =	por $0x0, $0x0;
	[sflag:s7] =	ssyncpa.u1 $0x0;
	s7 =	sor.u32 $0x1, s5  }
.LBB1_4:
0xe: {  	s16 =	sshll.u32 s13, $0x3;
	s17 =	sand.u32 $0x78, s13  }
0xf: {  	s30 =	sand.u32 $0xF800, s13;
	s12 =	sshll.u32 s12, $0x10;
	s16 =	sand.u32 $0x3C00, s16  }
0x10: {  	s31 =	sand.u32 $0x7, s13;
	s16 =	sor.u32 s17, s16;
	s17 =	sadd.s32 s3, s30  }
0x11: {  	s13 =	sshll.u32 s31, $0x12;
	s16 =	sshrl.u32 s16, $0x3;
	s12 =	sadd.s32 s12, s17  }
0x12: {  	[tilespmem:s15+$0x0 ss:$0x81] =	vst.msk $0xffff, v0;
	s13 =	sor.u32 $0x400, s13;
	s12 =	sadd.s32 s16, s12  }
0x13: {  	[hbm4b:s12+s13] =	stream.strided.scatter [tilespmem:s14], [sflag:$0x2], $0x1000, s8, s13, $0x20;
	[tilespmem:$0x4040] =	vst v63  }
.LBB1_5:
0x14: {  	s14 =	sadd.s32 $0x1, s9  }
0x15: {  	s12 =	sadd.s32 $0x1000, s10;
	s16 =	smov.u32 s10;
	p2 =	sgt.s32 s14, $0x31  }
0x16: {  	s16 =	smov.u32 @p2 s12  }
0x17: {  	s14 =	simm.s32 @p2 $0x0;
	p2 =	sgt.s32 s16, $0x3FFF  }
0x18: {  	s16 =	smov.u32 @p2 s2;
	p2 =	sne.s32 s11, s7  }
.Ltmp1:
0x19: {  	p1 =	slt.u32 s11, $0x2;
	(pc) =	sbr.rel @!p2 .LBB1_6-.Ltmp1, $4  }
0x1a: {  	s15 =	simm.s32 @!p1 $0x2  }
0x1b: {  	s13 =	smov.u32 s10;
	p0 =	por !p0, !p0;
	_ =	swait.ge @!p1 [sflag:s15], $0x1000  }
0x1c: {  	s12 =	smov.u32 s9;
	[sflag:s15] =	ssyncset.done @!p1 $0x0;
	s9 =	smov.u32 s14  }
0x1d: {  	s11 =	sadd.s32 $0x1, s11;
	[sflag:s15] =	ssyncadd.s32 @!p1 $0xFFFFF000;
	s10 =	smov.u32 s16  }
.LBB1_1:
0x1e: {  	p1 =	sge.u32 s11, s5  }
0x1f: {  	s14 =	sand.u32 @!p1 $0x1FFFFFF, s9  }
0x20: {  	s15 =	smulhi.u32 @!p1 $0x4924925, s14;
	_ =	sdelay $0x1  }
0x21: {  	s15 =	smul.u32 @!p1 $0x38, s15  }
0x22: {  	s16 =	sxor.u32 @!p1 $0xFFFFFFFF, s11;
	s17 =	smul.u32 @!p1 $0x380, s10  }
0x23: {  	s31 =	sadd.s32 $0xFFFFFFFF, s11;
	s16 =	sshll.u32 @!p1 s16, $0xC;
	s14 =	ssub.s32 @!p1 s14, s15  }
0x24: {  	s15 =	sand.u32 @!p1 $0x1000, s16;
	s16 =	sadd.s32 @!p1 s6, s17;
	s14 =	sshll.u32 @!p1 s14, $0x4  }
0x25: {  	s17 =	simm.s32 @!p1 $0x1C00;
	s14 =	sadd.s32 @!p1 s14, s16;
	s16 =	simm.s32 @!p1 $0x20  }
0x26: {  	[tilespmem:s15], [sflag:$0x1] =	stream.strided.gather @!p1 [hbm4b:s14+s16], $0x1000, s17, s16, $0x38;
	[tilespmem:$0x4040] =	vst v63  }
0x27: {  	p1 =	sge.u32 s31, s5  }
.Ltmp2:
0x28: {  	_ = 	snop;
	(pc) =	sbr.rel @p1 .LBB1_5-.Ltmp2, $1  }
0x29: {  	_ =	sdelay $0x3  }
0x2a: {  	s14 =	simm.s32 $0x1  }
0x2b: {  	_ =	swait.ge [sflag:s4], $0x1000;
	s14 =	simm.s32 @!p0 $0x0  }
0x2c: {  	[sflag:s4] =	ssyncset.done $0x0;
	s15 =	sshll.u32 s14, $0xC  }
0x2d: {  	[sflag:s4] =	ssyncadd.s32 $0xFFFFF000;
	s18 =	sor.u32 $0x10, s15  }
0x2e: {  	s14 =	smul.u32 $0x4080, s14;
	v1 =	vld [tilespmem:s18+$0x0]  }
0x2f: {  	s30 =	sand.u32 $0x1, s11;
	v0 =	vld [tilespmem:s18+$0xFFFFFFF0]  }
0x30: {  	s15 =	smul.u32 $0x4080, s30;
	s14 =	sshrl.u32 s14, $0x2  }
0x31: {  	s16 =	sor.u32 $0x2000, s14  }
0x32: {  	s31 =	sshrl.u32 s15, $0x2;
	s15 =	sadd.s32 $0x0, s16  }
0x33: {  	s17 =	simm.s32 $0x4;
	s18 =	sadd.s32 $0x20, s18;
	s14 =	sor.u32 $0x2000, s31;
	[tilespmem:s15+$0x810 ss:$0x81] =	vst.msk $0xffff, v1  }
.LBB1_3:
0x34: {  	v1 =	vld [tilespmem:s18+$0x0];
	p1 =	sne.s32 s17, $0x1FC;
	[tilespmem:s15+$0x0 ss:$0x81] =	vst.msk $0xffff, v0;
	s15 =	smov.u32 s17;
	s17 =	sadd.s32 $0x4, s17  }
.Ltmp3:
0x35: {  	v0 =	vld [tilespmem:s18+$0xFFFFFFF0];
	(pc) =	sbr.rel @p1 .LBB1_3-.Ltmp3, $4  }
0x36: {  	_ = 	snop  }
0x37: {  	s15 =	sshra.s32 s15, $0x2  }
0x38: {  	s15 =	sadd.s32 s15, s16  }
0x39: {  	s18 =	sadd.s32 $0x20, s18;
	[tilespmem:s15+$0x810 ss:$0x81] =	vst.msk $0xffff, v1  }
.Ltmp4:
0x3a: {  	_ = 	snop;
	(pc) =	sbr.rel .LBB1_4-.Ltmp4, $1  }
0x3b: {  	_ =	sdelay $0x3  }
.LBB1_6:
0x3c: {  	_ =	sfence.sel $0x180000  }
0x3d: {  	s2 =	simm.s32 $0x1;
	[bflag:$0x0] =	sbarrier.arrive $0xFFFF  }
0x3e: {  	s31 =	simm.s32 $0x2;
	[sflag:s2] =	ssyncpa.u1 $0x1  }
0x3f: {  	[sflag:s31] =	ssyncpa.u1 $0x1  }
0x40: {  	p0 =	sne.s32 s0, $0x0;
	_ =	strace $0x9000004A  }
0x41: {  	s0 =	sadd.s32 @!p0 $0x100000, s1;
	[bflag:$0x2] =	sbarrier.arrive $0xFFFF  }
0x42: {  	[sflag:s0] =	ssyncadd.tile.s32 @!p0 $0x1;
	_ =	shalt  }
.Lfunc_end1:
_tile_overlayer_lowered:
.L_overlay_start_2:
0x43: {  	(tag) =	ssettag $0x2  }
0x44: {  	s0 =	rddreg [dreg:$0x0];
	s2 =	stileid.u32  }
0x45: {  	s1 =	rddreg [dreg:$0x1];
	p0 =	sne.s32 s2, $0x0  }
0x46: {  	s3 =	rddreg [dreg:$0x2];
	[bflag:$0x3] =	sbarrier.arrive $0xFFFF;
	s2 =	simm.s32 @!p0 $0x1C01  }
0x47: {  	[timem:s3], [sflag:s2] =	dma.local @!p0 [hbm:s0], s1  }
0x48: {  	s0 =	simm.s32 @!p0 $0x1  }
0x49: {  	_ =	swait.ge @!p0 [sflag:s0], s1  }
0x4a: {  	s1 =	ssub.s32 @!p0 $0x0, s1;
	[sflag:s0] =	ssyncset.done @!p0 $0x0  }
0x4b: {  	[sflag:s0] =	ssyncadd.s32 @!p0 s1  }
0x4c: {  	[bflag:$0x3] =	sbarrier.arrive $0xFFFF  }
0x4d: {  	_ =	shalt  }

</sc_bundles>
